<compile_context>
chip_gen: v7x
topology: tpu7x:2x2x1
jax: 0.10.2.dev20260603
libtpu: 0.0.44.dev20260713+nightly
codegen_flags: <defaults>
</compile_context>

<pallas_src>
import functools

import jax
import jax.numpy as jnp
import numpy as np
from jax import lax
from jax.experimental import pallas as pl
from jax.experimental.pallas import tpu as pltpu
from jax.experimental.pallas import tpu_sc as plsc

_BN_C = float(1.0 / np.sqrt(1.0 + 1e-5))

_N = 10000
_NPAD = 10240
_E = 160000
_EPAD = 163840
_ET = _EPAD // 32
_CH = 128
_NCH = _ET // _CH
_ROWS_T = _NPAD // 16
_HID = 16
_BE = 1280
_BN = 1024


def _stats_body(ei_ref, out_ref):
    i = pl.program_id(0)
    x = ei_ref[...]
    s1 = jnp.pad(jnp.sum(x, axis=0), (0, 124)).reshape(1, 128)
    s2 = jnp.pad(jnp.sum(x * x, axis=0), (0, 124)).reshape(1, 128)
    contrib = jnp.concatenate([s1, s2, jnp.zeros((6, 128), jnp.float32)], axis=0)

    @pl.when(i == 0)
    def _():
        out_ref[...] = contrib

    @pl.when(i > 0)
    def _():
        out_ref[...] = out_ref[...] + contrib


def _stats_call(ei):
    return pl.pallas_call(
        _stats_body,
        grid=(_E // 8000,),
        in_specs=[pl.BlockSpec((8000, 4), lambda i: (i, 0))],
        out_specs=pl.BlockSpec((8, 128), lambda i: (0, 0)),
        out_shape=jax.ShapeDtypeStruct((8, 128), jnp.float32),
    )(ei)


def _pedge_body(stats_ref, ei_ref, w1_ref, b1_ref, g_ref, bt_ref, w2_ref,
                b2_ref, out_ref):
    ef = float(_E)
    mean = stats_ref[0, :4] / ef
    var = (stats_ref[1, :4] - ef * mean * mean) / (ef - 1.0)
    inv = lax.rsqrt(var)
    x = (ei_ref[...] - mean[None, :]) * inv[None, :]
    w1 = w1_ref[...]

    def mlp(xh):
        a = xh[:, 0:1] * w1[0:1, :] + xh[:, 1:2] * w1[1:2, :] + b1_ref[...]
        a = jnp.maximum(a, 0.0)
        a = a * (g_ref[...] * _BN_C) + bt_ref[...]
        return jnp.dot(a, w2_ref[...], preferred_element_type=jnp.float32) + b2_ref[...]

    h1 = mlp(x[:, 0:2])
    h2 = mlp(x[:, 2:4])
    num = jnp.sum(h1 * h2, axis=1)
    den = jnp.maximum(jnp.sqrt(jnp.sum(h1 * h1, axis=1))
                      * jnp.sqrt(jnp.sum(h2 * h2, axis=1)), 1e-8)
    out_ref[...] = ((num / den + 1.0) * 0.5).reshape(_BE, 1)


def _pedge_call(stats, ei, p):
    whole = lambda i: (0, 0)
    return pl.pallas_call(
        _pedge_body,
        grid=(_E // _BE,),
        in_specs=[
            pl.BlockSpec((8, 128), whole),
            pl.BlockSpec((_BE, 4), lambda i: (i, 0)),
            pl.BlockSpec((2, 128), whole),
            pl.BlockSpec((1, 128), whole),
            pl.BlockSpec((1, 128), whole),
            pl.BlockSpec((1, 128), whole),
            pl.BlockSpec((128, 128), whole),
            pl.BlockSpec((1, 128), whole),
        ],
        out_specs=pl.BlockSpec((_BE, 1), lambda i: (i, 0)),
        out_shape=jax.ShapeDtypeStruct((_E, 1), jnp.float32),
    )(stats, ei, p['eW1'], p['eb1'].reshape(1, 128), p['eg'].reshape(1, 128),
      p['ebt'].reshape(1, 128), p['eW2'], p['eb2'].reshape(1, 128))


_MESH = plsc.VectorSubcoreMesh(core_axis_name="c", subcore_axis_name="s")


def _wid():
    c = lax.axis_index("c")
    s = lax.axis_index("s")
    return c, s, c * 16 + s


@functools.partial(
    pl.kernel,
    out_type=jax.ShapeDtypeStruct((2, _NPAD), jnp.float32),
    mesh=_MESH,
    scratch_types=[
        pltpu.VMEM((_CH,), jnp.int32),
        pltpu.VMEM((_CH,), jnp.float32),
        pltpu.VMEM_SHARED((_NPAD,), jnp.float32),
    ],
)
def _deg_sc(dst_hbm, pe_hbm, out_hbm, idx_v, val_v, acc_sh):
    c, s, wid = _wid()

    def zb(i, carry):
        val_v[pl.ds(i * 16, 16)] = jnp.zeros((16,), jnp.float32)
        return carry

    lax.fori_loop(0, _CH // 16, zb, 0)
    for j in range(_ROWS_T // _CH):
        pltpu.sync_copy(val_v, acc_sh.at[pl.ds(s * _ROWS_T + j * _CH, _CH)])
    plsc.subcore_barrier()

    base = wid * _ET

    def body(k, carry):
        off = base + k * _CH
        pltpu.sync_copy(dst_hbm.at[pl.ds(off, _CH)], idx_v)
        pltpu.sync_copy(pe_hbm.at[pl.ds(off, _CH)], val_v)
        pltpu.sync_copy(val_v, acc_sh.at[idx_v], add=True)
        return carry

    lax.fori_loop(0, _NCH, body, 0)
    plsc.subcore_barrier()
    pltpu.sync_copy(acc_sh.at[pl.ds(s * _ROWS_T, _ROWS_T)],
                    out_hbm.at[c, pl.ds(s * _ROWS_T, _ROWS_T)])


@functools.partial(
    pl.kernel,
    out_type=jax.ShapeDtypeStruct((_EPAD,), jnp.float32),
    mesh=_MESH,
    scratch_types=[
        pltpu.VMEM((_NPAD,), jnp.float32),
        pltpu.VMEM((_ET,), jnp.int32),
        pltpu.VMEM((_ET,), jnp.int32),
        pltpu.VMEM((_ET,), jnp.float32),
        pltpu.VMEM((_ET,), jnp.float32),
    ],
    compiler_params=pltpu.CompilerParams(needs_layout_passes=False),
)
def _norm_sc(dis_hbm, src_hbm, dst_hbm, pe_hbm, out_hbm,
             dis_v, sidx_v, didx_v, pe_v, nrm_v):
    c, s, wid = _wid()
    base = wid * _ET
    pltpu.sync_copy(dis_hbm, dis_v)
    pltpu.sync_copy(src_hbm.at[pl.ds(base, _ET)], sidx_v)
    pltpu.sync_copy(dst_hbm.at[pl.ds(base, _ET)], didx_v)
    pltpu.sync_copy(pe_hbm.at[pl.ds(base, _ET)], pe_v)

    def body(i, carry):
        sl = pl.ds(i * 16, 16)
        a = plsc.load_gather(dis_v, [sidx_v[sl]])
        b = plsc.load_gather(dis_v, [didx_v[sl]])
        nrm_v[sl] = a * pe_v[sl] * b
        return carry

    lax.fori_loop(0, _ET // 16, body, 0)
    pltpu.sync_copy(nrm_v, out_hbm.at[pl.ds(base, _ET)])


@functools.partial(
    pl.kernel,
    out_type=jax.ShapeDtypeStruct((2, _NPAD, _HID), jnp.float32),
    mesh=_MESH,
    scratch_types=[
        pltpu.VMEM((_CH,), jnp.int32),
        pltpu.VMEM((_CH,), jnp.int32),
        pltpu.VMEM((_CH,), jnp.float32),
        pltpu.VMEM((_CH, _HID), jnp.float32),
        pltpu.VMEM_SHARED((_NPAD, _HID), jnp.float32),
        pltpu.SemaphoreType.DMA,
    ],
    compiler_params=pltpu.CompilerParams(use_tc_tiling_on_sc=False),
)
def _msg_sc(xw_hbm, src_hbm, dst_hbm, nrm_hbm, out_hbm,
            sidx_v, didx_v, nrm_v, rows_v, acc_sh, sem):
    c, s, wid = _wid()

    def zb(i, carry):
        rows_v[i] = jnp.zeros((_HID,), jnp.float32)
        return carry

    lax.fori_loop(0, _CH, zb, 0)
    for j in range(_ROWS_T // _CH):
        pltpu.sync_copy(rows_v, acc_sh.at[pl.ds(s * _ROWS_T + j * _CH, _CH)])
    plsc.subcore_barrier()

    base = wid * _ET

    def body(k, carry):
        off = base + k * _CH
        pltpu.sync_copy(src_hbm.at[pl.ds(off, _CH)], sidx_v)
        pltpu.sync_copy(dst_hbm.at[pl.ds(off, _CH)], didx_v)
        pltpu.sync_copy(nrm_hbm.at[pl.ds(off, _CH)], nrm_v)
        pltpu.async_copy(xw_hbm.at[sidx_v], rows_v, sem).wait()

        def sc(g, cc):
            nrm16 = nrm_v[pl.ds(g * 16, 16)]
            for j in range(16):
                e = g * 16 + j
                rows_v[e] = rows_v[e] * nrm16[j]
            return cc

        lax.fori_loop(0, _CH // 16, sc, 0)
        pltpu.sync_copy(rows_v, acc_sh.at[didx_v], add=True)
        return carry

    lax.fori_loop(0, _NCH, body, 0)
    plsc.subcore_barrier()
    pltpu.sync_copy(acc_sh.at[pl.ds(s * _ROWS_T, _ROWS_T)],
                    out_hbm.at[c, pl.ds(s * _ROWS_T, _ROWS_T)])


def _xw0_body(emb_ref, w_ref, degp_ref, xw_ref, dis_ref, invd_ref):
    xw_ref[...] = jnp.dot(emb_ref[...], w_ref[...],
                          preferred_element_type=jnp.float32)
    d = degp_ref[0] + degp_ref[1] + 1.0
    dis_ref[...] = lax.rsqrt(d)
    invd_ref[...] = 1.0 / d


def _xw0_call(emb_pad, w0, degp3):
    return pl.pallas_call(
        _xw0_body,
        grid=(_NPAD // _BN,),
        in_specs=[
            pl.BlockSpec((_BN, 496), lambda i: (i, 0)),
            pl.BlockSpec((496, _HID), lambda i: (0, 0)),
            pl.BlockSpec((2, _BN, 1), lambda i: (0, i, 0)),
        ],
        out_specs=[
            pl.BlockSpec((_BN, _HID), lambda i: (i, 0)),
            pl.BlockSpec((_BN, 1), lambda i: (i, 0)),
            pl.BlockSpec((_BN, 1), lambda i: (i, 0)),
        ],
        out_shape=[
            jax.ShapeDtypeStruct((_NPAD, _HID), jnp.float32),
            jax.ShapeDtypeStruct((_NPAD, 1), jnp.float32),
            jax.ShapeDtypeStruct((_NPAD, 1), jnp.float32),
        ],
    )(emb_pad, w0, degp3)


def _post_body(has_prev, has_next, part_ref, xw_ref, invd_ref, prev_ref,
               gb_ref, bg_ref, bb_ref, wn_ref, layer_ref, xwn_ref):
    conv = part_ref[0] + part_ref[1] + xw_ref[...] * invd_ref[...] + gb_ref[...]
    x = conv * (bg_ref[...] * _BN_C) + bb_ref[...]
    x = jnp.maximum(x, 0.0)
    if has_prev:
        x = x + 0.7 * prev_ref[...]
    layer_ref[...] = x
    if has_next:
        xwn_ref[...] = jnp.dot(x, wn_ref[...], preferred_element_type=jnp.float32)


def _post_call(part, xw, invd, prev, gb, bg, bb, wn, has_prev):
    whole = lambda i: (0, 0)
    return pl.pallas_call(
        functools.partial(_post_body, has_prev, True),
        grid=(_NPAD // _BN,),
        in_specs=[
            pl.BlockSpec((2, _BN, _HID), lambda i: (0, i, 0)),
            pl.BlockSpec((_BN, _HID), lambda i: (i, 0)),
            pl.BlockSpec((_BN, 1), lambda i: (i, 0)),
            pl.BlockSpec((_BN, _HID), lambda i: (i, 0)),
            pl.BlockSpec((1, _HID), whole),
            pl.BlockSpec((1, _HID), whole),
            pl.BlockSpec((1, _HID), whole),
            pl.BlockSpec((_HID, _HID), whole),
        ],
        out_specs=[
            pl.BlockSpec((_BN, _HID), lambda i: (i, 0)),
            pl.BlockSpec((_BN, _HID), lambda i: (i, 0)),
        ],
        out_shape=[
            jax.ShapeDtypeStruct((_NPAD, _HID), jnp.float32),
            jax.ShapeDtypeStruct((_NPAD, _HID), jnp.float32),
        ],
    )(part, xw, invd, prev, gb, bg, bb, wn)


def _final_body(part_ref, xw_ref, invd_ref, l0_ref, l1_ref, l2_ref,
                gb_ref, bg_ref, bb_ref, lw_ref, pw_ref, pb_ref, out_ref):
    conv = part_ref[0] + part_ref[1] + xw_ref[...] * invd_ref[...] + gb_ref[...]
    x = conv * (bg_ref[...] * _BN_C) + bb_ref[...]
    x = jnp.maximum(x, 0.0)
    l2 = l2_ref[...]
    x3 = x + 0.7 * l2
    lw = lw_ref[...]
    m = jnp.max(lw, axis=1, keepdims=True)
    e = jnp.exp(lw - m)
    w = e / jnp.sum(e, axis=1, keepdims=True)
    emb = (l0_ref[...] * w[0:1, 0:1] + l1_ref[...] * w[0:1, 1:2]
           + l2 * w[0:1, 2:3] + x3 * w[0:1, 3:4])
    out_ref[...] = jnp.dot(emb, pw_ref[...],
                           preferred_element_type=jnp.float32) + pb_ref[...]


def _final_call(part, xw, invd, l0, l1, l2, gb, bg, bb, lw, pw, pb):
    whole = lambda i: (0, 0)
    blk = lambda i: (i, 0)
    return pl.pallas_call(
        _final_body,
        grid=(_NPAD // _BN,),
        in_specs=[
            pl.BlockSpec((2, _BN, _HID), lambda i: (0, i, 0)),
            pl.BlockSpec((_BN, _HID), blk),
            pl.BlockSpec((_BN, 1), blk),
            pl.BlockSpec((_BN, _HID), blk),
            pl.BlockSpec((_BN, _HID), blk),
            pl.BlockSpec((_BN, _HID), blk),
            pl.BlockSpec((1, _HID), whole),
            pl.BlockSpec((1, _HID), whole),
            pl.BlockSpec((1, _HID), whole),
            pl.BlockSpec((1, 4), whole),
            pl.BlockSpec((_HID, 2), whole),
            pl.BlockSpec((1, 2), whole),
        ],
        out_specs=pl.BlockSpec((_BN, 2), blk),
        out_shape=jax.ShapeDtypeStruct((_NPAD, 2), jnp.float32),
    )(part, xw, invd, l0, l1, l2, gb, bg, bb, lw, pw, pb)


def kernel(embeddings, edge_input, params, edge_index):
    p = params
    stats = _stats_call(edge_input)
    p_edge = _pedge_call(stats, edge_input, p).reshape(_E)

    src_pad = jnp.pad(edge_index[0], (0, _EPAD - _E))
    dst_pad = jnp.pad(edge_index[1], (0, _EPAD - _E))
    pe_pad = jnp.pad(p_edge, (0, _EPAD - _E))

    degp = _deg_sc(dst_pad, pe_pad)
    emb_pad = jnp.pad(embeddings, ((0, _NPAD - _N), (0, 0)))
    xw0, dis, invd = _xw0_call(emb_pad, p['gW0'], degp.reshape(2, _NPAD, 1))
    norm_pad = _norm_sc(dis.reshape(_NPAD), src_pad, dst_pad, pe_pad)

    part0 = _msg_sc(xw0, src_pad, dst_pad, norm_pad)
    l0, xw1 = _post_call(part0, xw0, invd, xw0, p['gb0'].reshape(1, _HID),
                         p['bg0'].reshape(1, _HID), p['bb0'].reshape(1, _HID),
                         p['gW1'], has_prev=False)
    part1 = _msg_sc(xw1, src_pad, dst_pad, norm_pad)
    l1, xw2 = _post_call(part1, xw1, invd, l0, p['gb1'].reshape(1, _HID),
                         p['bg1'].reshape(1, _HID), p['bb1'].reshape(1, _HID),
                         p['gW2'], has_prev=True)
    part2 = _msg_sc(xw2, src_pad, dst_pad, norm_pad)
    l2, xw3 = _post_call(part2, xw2, invd, l1, p['gb2'].reshape(1, _HID),
                         p['bg2'].reshape(1, _HID), p['bb2'].reshape(1, _HID),
                         p['gW3'], has_prev=True)
    part3 = _msg_sc(xw3, src_pad, dst_pad, norm_pad)
    out = _final_call(part3, xw3, invd, l0, l1, l2, p['gb3'].reshape(1, _HID),
                      p['bg3'].reshape(1, _HID), p['bb3'].reshape(1, _HID),
                      p['lw'].reshape(1, 4), p['pW'], p['pb'].reshape(1, 2))
    return out[:_N]

# --- scband reference (transcript-rebuilt; emitter-appended) ---
"""Pipeline reference for scband-ipgnn-31593779429379 (READ-ONLY COPY).

The authoritative reference and input builder live on the scoring server;
editing this copy changes nothing except your own understanding.
"""

import jax, jax.numpy as jnp
import numpy as np

N = 10000
E = 160000
GNN_IN = 496
HID = 16
NPF = 2
HID_E = 128
NC = 2
L = 4

def _init_params(key):
    ks = jax.random.split(key, 20)
    p = {}
    p['eW1'] = jax.random.normal(ks[0], (NPF, HID_E), dtype=jnp.float32) * np.sqrt(2.0 / NPF)
    p['eb1'] = jnp.zeros((HID_E,), dtype=jnp.float32)
    p['eg'] = jnp.ones((HID_E,), dtype=jnp.float32)
    p['ebt'] = jnp.zeros((HID_E,), dtype=jnp.float32)
    p['eW2'] = jax.random.normal(ks[1], (HID_E, HID_E), dtype=jnp.float32) * np.sqrt(2.0 / HID_E)
    p['eb2'] = jnp.zeros((HID_E,), dtype=jnp.float32)
    dims = [GNN_IN] + [HID] * L
    for i in range(L):
        p['gW' + str(i)] = jax.random.normal(ks[2 + i], (dims[i], HID), dtype=jnp.float32) * np.sqrt(1.0 / dims[i])
        p['gb' + str(i)] = jnp.zeros((HID,), dtype=jnp.float32)
        p['bg' + str(i)] = jnp.ones((HID,), dtype=jnp.float32)
        p['bb' + str(i)] = jnp.zeros((HID,), dtype=jnp.float32)
    p['lw'] = jax.random.normal(ks[10], (L,), dtype=jnp.float32)
    p['pW'] = jax.random.normal(ks[11], (HID, NC), dtype=jnp.float32) * np.sqrt(1.0 / HID)
    p['pb'] = jnp.zeros((NC,), dtype=jnp.float32)
    return p

def setup_inputs(seed: int = 0):
    key = jax.random.key(seed)
    k1, k2, k3, k4 = jax.random.split(key, 4)
    embeddings = jax.random.normal(k1, (N, GNN_IN), dtype=jnp.float32)
    edge_index = jax.random.randint(k2, (2, E), 0, N, dtype=jnp.int32)
    edge_input = jax.random.normal(k3, (E, 2 * NPF), dtype=jnp.float32)
    params = _init_params(k4)
    return {'embeddings': embeddings, 'edge_input': edge_input, 'params': params, 'edge_index': edge_index}

def _bn_eval(x, g, b):
    # BatchNorm1d in eval mode with running_mean=0, running_var=1, eps=1e-5
    return g * x / jnp.sqrt(1.0 + 1e-5) + b

def _edge_mlp(p, x):
    h = x @ p['eW1'] + p['eb1']
    h = jax.nn.relu(h)
    h = _bn_eval(h, p['eg'], p['ebt'])
    h = h @ p['eW2'] + p['eb2']
    return h

def _gcn_conv(x, src, dst, ew, W, b):
    n = x.shape[0]
    deg = jnp.zeros((n,), dtype=x.dtype).at[dst].add(ew)
    dis = jnp.where(deg > 0, jax.lax.rsqrt(jnp.maximum(deg, 1e-12)), 0.0)
    norm = dis[src] * ew * dis[dst]
    xw = x @ W
    msg = xw[src] * norm[:, None]
    out = jnp.zeros((n, W.shape[1]), dtype=x.dtype).at[dst].add(msg)
    return out + b

def _forward(embeddings, edge_input, params, edge_index):
    src0 = edge_index[0]
    dst0 = edge_index[1]
    # normalize edge inputs (torch .std() is unbiased)
    ei = (edge_input - edge_input.mean(axis=0)) / jnp.std(edge_input, axis=0, ddof=1)
    h1 = _edge_mlp(params, ei[:, :NPF])
    h2 = _edge_mlp(params, ei[:, NPF:])
    num = jnp.sum(h1 * h2, axis=1)
    den = jnp.maximum(jnp.linalg.norm(h1, axis=1) * jnp.linalg.norm(h2, axis=1), 1e-8)
    p_edge = (num / den + 1.0) * 0.5
    n = embeddings.shape[0]
    loop = jnp.arange(n, dtype=src0.dtype)
    src = jnp.concatenate([src0, loop])
    dst = jnp.concatenate([dst0, loop])
    ew = jnp.concatenate([p_edge, jnp.ones((n,), dtype=p_edge.dtype)])
    x = embeddings
    layer_out = []
    for i in range(L):
        x = _gcn_conv(x, src, dst, ew, params['gW' + str(i)], params['gb' + str(i)])
        x = _bn_eval(x, params['bg' + str(i)], params['bb' + str(i)])
        x = jax.nn.relu(x)
        if i > 0:
            x = x + 0.7 * layer_out[i - 1]
        layer_out.append(x)
    w = jax.nn.softmax(params['lw'])
    emb = layer_out[0] * w[0]
    for i in range(1, L):
        emb = emb + layer_out[i] * w[i]
    return emb @ params['pW'] + params['pb']

def reference(embeddings, edge_input, params, edge_index):
    return _forward(embeddings, edge_input, params, edge_index)

if __name__ == "__main__":
    import jax
    _d = setup_inputs()
    print(jax.jit(kernel)(*tuple(_d.values())))

</pallas_src>

<mosaic_0001>
#map = affine_map<(d0, d1) -> (0)>
#map1 = affine_map<(d0, d1) -> (0, 0)>
module attributes {stable_mosaic.version = 14 : i64} {
  func.func @_deg_sc(%arg0: i32, %arg1: i32, %arg2: memref<163840xi32, #tpu.memory_space<hbm>>, %arg3: memref<163840xf32, #tpu.memory_space<hbm>>, %arg4: memref<2x10240xf32, #tpu.memory_space<hbm>>, %arg5: memref<128xi32, #tpu.memory_space<vmem>>, %arg6: memref<128xf32, #tpu.memory_space<vmem>>, %arg7: memref<10240xf32, #tpu.memory_space<vmem_shared>>) attributes {dimension_semantics = [#tpu.dimension_semantics<core_parallel>, #tpu.dimension_semantics<subcore_parallel>], iteration_bounds = array<i64: 2, 16>, scalar_prefetch = 0 : i64, scratch_operands = 3 : i64, tpu.core_type = #tpu.core_type<sc_vector_subcore>, window_params = [{transform_indices = #map}, {transform_indices = #map}, {transform_indices = #map1}]} {
    %mul3A = arith.constant 16 : i32
    %mul3A_0 = arith.muli %arg0, %mul3A : i32
    %add3A = arith.addi %mul3A_0, %arg1 : i32
    %scan3A = arith.constant 0 : i32
    %scan3A_1 = arith.constant 0 : i32
    %scan3A_2 = arith.constant 8 : i32
    %scan3A_3 = arith.addi %scan3A_1, %scan3A_2 : i32
    %scan3A_4 = arith.constant 1 : i32
    scf.for %scan3A_39 = %scan3A_1 to %scan3A_3 step %scan3A_4  : i32 {
      %broadcast_in_dim3A = arith.constant 0.000000e+00 : f32
      %broadcast_in_dim3A_40 = vector.broadcast %broadcast_in_dim3A : f32 to vector<16xf32>
      %mul3A_41 = arith.constant 16 : i32
      %mul3A_42 = arith.muli %scan3A_39, %mul3A_41 : i32
      %swap3A = arith.index_cast %mul3A_42 : i32 to index
      %swap3A_43 = tpu.vector_load %arg6[%swap3A] {strides = array<i32>} : memref<128xf32, #tpu.memory_space<vmem>>, vector<16xf32>,
      %swap3A_44 = vector.shape_cast %swap3A_43 : vector<16xf32> to vector<16xf32>
      %swap3A_45 = vector.shape_cast %broadcast_in_dim3A_40 : vector<16xf32> to vector<16xf32>
      tpu.vector_store %arg6[%swap3A], %swap3A_45 {strides = array<i32>} : memref<128xf32, #tpu.memory_space<vmem>>, vector<16xf32>,
    }
    %scan3A_5 = arith.constant 8 : i32
    %mul3A_6 = arith.constant 640 : i32
    %mul3A_7 = arith.muli %arg1, %mul3A_6 : i32
    %add3A_8 = arith.constant 0 : i32
    %add3A_9 = arith.addi %mul3A_7, %add3A_8 : i32
    "tpu.region"() ({
      %run_scoped3A = tpu.sem_alloc : memref<!tpu.dma_semaphore, #tpu.memory_space<semaphore_mem>>
      %dma_start3A = tpu.memref_slice %arg7[%add3A_9] : memref<10240xf32, #tpu.memory_space<vmem_shared>> -> memref<128xf32, #tpu.memory_space<vmem_shared>>
      %dma_start3A_39 = tpu.memref_slice %arg7[%add3A_9] : memref<10240xf32, #tpu.memory_space<vmem_shared>> -> memref<128xf32, #tpu.memory_space<vmem_shared>>
      tpu.enqueue_dma source(%arg6 : memref<128xf32, #tpu.memory_space<vmem>>) target(%dma_start3A_39 : memref<128xf32, #tpu.memory_space<vmem_shared>>) target_semaphore(%run_scoped3A : memref<!tpu.dma_semaphore, #tpu.memory_space<semaphore_mem>>)
      %dma_wait3A = tpu.memref_slice %arg7[%add3A_9] : memref<10240xf32, #tpu.memory_space<vmem_shared>> -> memref<128xf32, #tpu.memory_space<vmem_shared>>
      %dma_wait3A_40 = tpu.memref_slice %arg7[%add3A_9] : memref<10240xf32, #tpu.memory_space<vmem_shared>> -> memref<128xf32, #tpu.memory_space<vmem_shared>>
      tpu.wait_dma2 semaphore(%run_scoped3A : memref<!tpu.dma_semaphore, #tpu.memory_space<semaphore_mem>>) src(%arg6 : memref<128xf32, #tpu.memory_space<vmem>>) dst(%dma_wait3A_40 : memref<128xf32, #tpu.memory_space<vmem_shared>>)
      tpu.yield
    }) : () -> ()
    %mul3A_10 = arith.constant 640 : i32
    %mul3A_11 = arith.muli %arg1, %mul3A_10 : i32
    %add3A_12 = arith.constant 128 : i32
    %add3A_13 = arith.addi %mul3A_11, %add3A_12 : i32
    "tpu.region"() ({
      %run_scoped3A = tpu.sem_alloc : memref<!tpu.dma_semaphore, #tpu.memory_space<semaphore_mem>>
      %dma_start3A = tpu.memref_slice %arg7[%add3A_13] : memref<10240xf32, #tpu.memory_space<vmem_shared>> -> memref<128xf32, #tpu.memory_space<vmem_shared>>
      %dma_start3A_39 = tpu.memref_slice %arg7[%add3A_13] : memref<10240xf32, #tpu.memory_space<vmem_shared>> -> memref<128xf32, #tpu.memory_space<vmem_shared>>
      tpu.enqueue_dma source(%arg6 : memref<128xf32, #tpu.memory_space<vmem>>) target(%dma_start3A_39 : memref<128xf32, #tpu.memory_space<vmem_shared>>) target_semaphore(%run_scoped3A : memref<!tpu.dma_semaphore, #tpu.memory_space<semaphore_mem>>)
      %dma_wait3A = tpu.memref_slice %arg7[%add3A_13] : memref<10240xf32, #tpu.memory_space<vmem_shared>> -> memref<128xf32, #tpu.memory_space<vmem_shared>>
      %dma_wait3A_40 = tpu.memref_slice %arg7[%add3A_13] : memref<10240xf32, #tpu.memory_space<vmem_shared>> -> memref<128xf32, #tpu.memory_space<vmem_shared>>
      tpu.wait_dma2 semaphore(%run_scoped3A : memref<!tpu.dma_semaphore, #tpu.memory_space<semaphore_mem>>) src(%arg6 : memref<128xf32, #tpu.memory_space<vmem>>) dst(%dma_wait3A_40 : memref<128xf32, #tpu.memory_space<vmem_shared>>)
      tpu.yield
    }) : () -> ()
    %mul3A_14 = arith.constant 640 : i32
    %mul3A_15 = arith.muli %arg1, %mul3A_14 : i32
    %add3A_16 = arith.constant 256 : i32
    %add3A_17 = arith.addi %mul3A_15, %add3A_16 : i32
    "tpu.region"() ({
      %run_scoped3A = tpu.sem_alloc : memref<!tpu.dma_semaphore, #tpu.memory_space<semaphore_mem>>
      %dma_start3A = tpu.memref_slice %arg7[%add3A_17] : memref<10240xf32, #tpu.memory_space<vmem_shared>> -> memref<128xf32, #tpu.memory_space<vmem_shared>>
      %dma_start3A_39 = tpu.memref_slice %arg7[%add3A_17] : memref<10240xf32, #tpu.memory_space<vmem_shared>> -> memref<128xf32, #tpu.memory_space<vmem_shared>>
      tpu.enqueue_dma source(%arg6 : memref<128xf32, #tpu.memory_space<vmem>>) target(%dma_start3A_39 : memref<128xf32, #tpu.memory_space<vmem_shared>>) target_semaphore(%run_scoped3A : memref<!tpu.dma_semaphore, #tpu.memory_space<semaphore_mem>>)
      %dma_wait3A = tpu.memref_slice %arg7[%add3A_17] : memref<10240xf32, #tpu.memory_space<vmem_shared>> -> memref<128xf32, #tpu.memory_space<vmem_shared>>
      %dma_wait3A_40 = tpu.memref_slice %arg7[%add3A_17] : memref<10240xf32, #tpu.memory_space<vmem_shared>> -> memref<128xf32, #tpu.memory_space<vmem_shared>>
      tpu.wait_dma2 semaphore(%run_scoped3A : memref<!tpu.dma_semaphore, #tpu.memory_space<semaphore_mem>>) src(%arg6 : memref<128xf32, #tpu.memory_space<vmem>>) dst(%dma_wait3A_40 : memref<128xf32, #tpu.memory_space<vmem_shared>>)
      tpu.yield
    }) : () -> ()
    %mul3A_18 = arith.constant 640 : i32
    %mul3A_19 = arith.muli %arg1, %mul3A_18 : i32
    %add3A_20 = arith.constant 384 : i32
    %add3A_21 = arith.addi %mul3A_19, %add3A_20 : i32
    "tpu.region"() ({
      %run_scoped3A = tpu.sem_alloc : memref<!tpu.dma_semaphore, #tpu.memory_space<semaphore_mem>>
      %dma_start3A = tpu.memref_slice %arg7[%add3A_21] : memref<10240xf32, #tpu.memory_space<vmem_shared>> -> memref<128xf32, #tpu.memory_space<vmem_shared>>
      %dma_start3A_39 = tpu.memref_slice %arg7[%add3A_21] : memref<10240xf32, #tpu.memory_space<vmem_shared>> -> memref<128xf32, #tpu.memory_space<vmem_shared>>
      tpu.enqueue_dma source(%arg6 : memref<128xf32, #tpu.memory_space<vmem>>) target(%dma_start3A_39 : memref<128xf32, #tpu.memory_space<vmem_shared>>) target_semaphore(%run_scoped3A : memref<!tpu.dma_semaphore, #tpu.memory_space<semaphore_mem>>)
      %dma_wait3A = tpu.memref_slice %arg7[%add3A_21] : memref<10240xf32, #tpu.memory_space<vmem_shared>> -> memref<128xf32, #tpu.memory_space<vmem_shared>>
      %dma_wait3A_40 = tpu.memref_slice %arg7[%add3A_21] : memref<10240xf32, #tpu.memory_space<vmem_shared>> -> memref<128xf32, #tpu.memory_space<vmem_shared>>
      tpu.wait_dma2 semaphore(%run_scoped3A : memref<!tpu.dma_semaphore, #tpu.memory_space<semaphore_mem>>) src(%arg6 : memref<128xf32, #tpu.memory_space<vmem>>) dst(%dma_wait3A_40 : memref<128xf32, #tpu.memory_space<vmem_shared>>)
      tpu.yield
    }) : () -> ()
    %mul3A_22 = arith.constant 640 : i32
    %mul3A_23 = arith.muli %arg1, %mul3A_22 : i32
    %add3A_24 = arith.constant 512 : i32
    %add3A_25 = arith.addi %mul3A_23, %add3A_24 : i32
    "tpu.region"() ({
      %run_scoped3A = tpu.sem_alloc : memref<!tpu.dma_semaphore, #tpu.memory_space<semaphore_mem>>
      %dma_start3A = tpu.memref_slice %arg7[%add3A_25] : memref<10240xf32, #tpu.memory_space<vmem_shared>> -> memref<128xf32, #tpu.memory_space<vmem_shared>>
      %dma_start3A_39 = tpu.memref_slice %arg7[%add3A_25] : memref<10240xf32, #tpu.memory_space<vmem_shared>> -> memref<128xf32, #tpu.memory_space<vmem_shared>>
      tpu.enqueue_dma source(%arg6 : memref<128xf32, #tpu.memory_space<vmem>>) target(%dma_start3A_39 : memref<128xf32, #tpu.memory_space<vmem_shared>>) target_semaphore(%run_scoped3A : memref<!tpu.dma_semaphore, #tpu.memory_space<semaphore_mem>>)
      %dma_wait3A = tpu.memref_slice %arg7[%add3A_25] : memref<10240xf32, #tpu.memory_space<vmem_shared>> -> memref<128xf32, #tpu.memory_space<vmem_shared>>
      %dma_wait3A_40 = tpu.memref_slice %arg7[%add3A_25] : memref<10240xf32, #tpu.memory_space<vmem_shared>> -> memref<128xf32, #tpu.memory_space<vmem_shared>>
      tpu.wait_dma2 semaphore(%run_scoped3A : memref<!tpu.dma_semaphore, #tpu.memory_space<semaphore_mem>>) src(%arg6 : memref<128xf32, #tpu.memory_space<vmem>>) dst(%dma_wait3A_40 : memref<128xf32, #tpu.memory_space<vmem_shared>>)
      tpu.yield
    }) : () -> ()
    %barrier3A = arith.constant 0 : index
    tpu.barrier barrier_id(%barrier3A)
    %mul3A_26 = arith.constant 5120 : i32
    %mul3A_27 = arith.muli %add3A, %mul3A_26 : i32
    %scan3A_28 = arith.constant 0 : i32
    %scan3A_29 = arith.constant 0 : i32
    %scan3A_30 = arith.constant 40 : i32
    %scan3A_31 = arith.addi %scan3A_29, %scan3A_30 : i32
    %scan3A_32 = arith.constant 1 : i32
    scf.for %scan3A_39 = %scan3A_29 to %scan3A_31 step %scan3A_32  : i32 {
      %mul3A_40 = arith.constant 128 : i32
      %mul3A_41 = arith.muli %scan3A_39, %mul3A_40 : i32
      %add3A_42 = arith.addi %mul3A_27, %mul3A_41 : i32
      "tpu.region"() ({
        %run_scoped3A = tpu.sem_alloc : memref<!tpu.dma_semaphore, #tpu.memory_space<semaphore_mem>>
        %dma_start3A = tpu.memref_slice %arg2[%add3A_42] : memref<163840xi32, #tpu.memory_space<hbm>> -> memref<128xi32, #tpu.memory_space<hbm>>
        %dma_start3A_43 = tpu.memref_slice %arg2[%add3A_42] : memref<163840xi32, #tpu.memory_space<hbm>> -> memref<128xi32, #tpu.memory_space<hbm>>
        tpu.enqueue_dma source(%dma_start3A_43 : memref<128xi32, #tpu.memory_space<hbm>>) target(%arg5 : memref<128xi32, #tpu.memory_space<vmem>>) target_semaphore(%run_scoped3A : memref<!tpu.dma_semaphore, #tpu.memory_space<semaphore_mem>>)
        %dma_wait3A = tpu.memref_slice %arg2[%add3A_42] : memref<163840xi32, #tpu.memory_space<hbm>> -> memref<128xi32, #tpu.memory_space<hbm>>
        %dma_wait3A_44 = tpu.memref_slice %arg2[%add3A_42] : memref<163840xi32, #tpu.memory_space<hbm>> -> memref<128xi32, #tpu.memory_space<hbm>>
        tpu.wait_dma2 semaphore(%run_scoped3A : memref<!tpu.dma_semaphore, #tpu.memory_space<semaphore_mem>>) src(%dma_wait3A_44 : memref<128xi32, #tpu.memory_space<hbm>>) dst(%arg5 : memref<128xi32, #tpu.memory_space<vmem>>)
        tpu.yield
      }) : () -> ()
      "tpu.region"() ({
        %run_scoped3A = tpu.sem_alloc : memref<!tpu.dma_semaphore, #tpu.memory_space<semaphore_mem>>
        %dma_start3A = tpu.memref_slice %arg3[%add3A_42] : memref<163840xf32, #tpu.memory_space<hbm>> -> memref<128xf32, #tpu.memory_space<hbm>>
        %dma_start3A_43 = tpu.memref_slice %arg3[%add3A_42] : memref<163840xf32, #tpu.memory_space<hbm>> -> memref<128xf32, #tpu.memory_space<hbm>>
        tpu.enqueue_dma source(%dma_start3A_43 : memref<128xf32, #tpu.memory_space<hbm>>) target(%arg6 : memref<128xf32, #tpu.memory_space<vmem>>) target_semaphore(%run_scoped3A : memref<!tpu.dma_semaphore, #tpu.memory_space<semaphore_mem>>)
        %dma_wait3A = tpu.memref_slice %arg3[%add3A_42] : memref<163840xf32, #tpu.memory_space<hbm>> -> memref<128xf32, #tpu.memory_space<hbm>>
        %dma_wait3A_44 = tpu.memref_slice %arg3[%add3A_42] : memref<163840xf32, #tpu.memory_space<hbm>> -> memref<128xf32, #tpu.memory_space<hbm>>
        tpu.wait_dma2 semaphore(%run_scoped3A : memref<!tpu.dma_semaphore, #tpu.memory_space<semaphore_mem>>) src(%dma_wait3A_44 : memref<128xf32, #tpu.memory_space<hbm>>) dst(%arg6 : memref<128xf32, #tpu.memory_space<vmem>>)
        tpu.yield
      }) : () -> ()
      "tpu.region"() ({
        %run_scoped3A = tpu.sem_alloc : memref<!tpu.dma_semaphore, #tpu.memory_space<semaphore_mem>>
        %dma_start3A = arith.constant 0 : i32
        %dma_start3A_43 = tpu.memref_slice %arg7[%dma_start3A] : memref<10240xf32, #tpu.memory_space<vmem_shared>> -> memref<10240xf32, #tpu.memory_space<vmem_shared>>
        tpu.enqueue_indirect_dma source(%arg6 : memref<128xf32, #tpu.memory_space<vmem>>) target(%dma_start3A_43 : memref<10240xf32, #tpu.memory_space<vmem_shared>>) offsets(%arg5 : memref<128xi32, #tpu.memory_space<vmem>>) semaphore(%run_scoped3A : memref<!tpu.dma_semaphore, #tpu.memory_space<semaphore_mem>>) {add = true}
        %dma_wait3A = arith.constant 0 : i32
        %dma_wait3A_44 = tpu.memref_slice %arg7[%dma_wait3A] : memref<10240xf32, #tpu.memory_space<vmem_shared>> -> memref<10240xf32, #tpu.memory_space<vmem_shared>>
        tpu.wait_indirect_dma semaphore(%run_scoped3A : memref<!tpu.dma_semaphore, #tpu.memory_space<semaphore_mem>>) src(%arg6 : memref<128xf32, #tpu.memory_space<vmem>>) dst(%dma_wait3A_44 : memref<10240xf32, #tpu.memory_space<vmem_shared>>)
        tpu.yield
      }) : () -> ()
    }
    %scan3A_33 = arith.constant 40 : i32
    %barrier3A_34 = arith.constant 0 : index
    tpu.barrier barrier_id(%barrier3A_34)
    %mul3A_35 = arith.constant 640 : i32
    %mul3A_36 = arith.muli %arg1, %mul3A_35 : i32
    %mul3A_37 = arith.constant 640 : i32
    %mul3A_38 = arith.muli %arg1, %mul3A_37 : i32
    "tpu.region"() ({
      %run_scoped3A = tpu.sem_alloc : memref<!tpu.dma_semaphore, #tpu.memory_space<semaphore_mem>>
      %dma_start3A = tpu.memref_slice %arg4[%arg0, %mul3A_38] : memref<2x10240xf32, #tpu.memory_space<hbm>> -> memref<1x640xf32, #tpu.memory_space<hbm>>
      %dma_start3A_39 = tpu.memref_squeeze %dma_start3A : memref<1x640xf32, #tpu.memory_space<hbm>> -> memref<640xf32, #tpu.memory_space<hbm>>
      %dma_start3A_40 = tpu.memref_slice %arg7[%mul3A_36] : memref<10240xf32, #tpu.memory_space<vmem_shared>> -> memref<640xf32, #tpu.memory_space<vmem_shared>>
      tpu.enqueue_dma source(%dma_start3A_40 : memref<640xf32, #tpu.memory_space<vmem_shared>>) target(%dma_start3A_39 : memref<640xf32, #tpu.memory_space<hbm>>) target_semaphore(%run_scoped3A : memref<!tpu.dma_semaphore, #tpu.memory_space<semaphore_mem>>)
      %dma_wait3A = tpu.memref_slice %arg4[%arg0, %mul3A_38] : memref<2x10240xf32, #tpu.memory_space<hbm>> -> memref<1x640xf32, #tpu.memory_space<hbm>>
      %dma_wait3A_41 = tpu.memref_squeeze %dma_wait3A : memref<1x640xf32, #tpu.memory_space<hbm>> -> memref<640xf32, #tpu.memory_space<hbm>>
      %dma_wait3A_42 = tpu.memref_slice %arg7[%mul3A_36] : memref<10240xf32, #tpu.memory_space<vmem_shared>> -> memref<640xf32, #tpu.memory_space<vmem_shared>>
      tpu.wait_dma2 semaphore(%run_scoped3A : memref<!tpu.dma_semaphore, #tpu.memory_space<semaphore_mem>>) src(%dma_wait3A_42 : memref<640xf32, #tpu.memory_space<vmem_shared>>) dst(%dma_wait3A_41 : memref<640xf32, #tpu.memory_space<hbm>>)
      tpu.yield
    }) : () -> ()
    return
  }
}

#map = affine_map<(d0, d1) -> (0, 0)>
#map1 = affine_map<(d0, d1) -> (0)>
#map2 = affine_map<(d0, d1) -> (0, 0, 0)>
module attributes {stable_mosaic.version = 14 : i64} {
  func.func @_msg_sc(%arg0: i32, %arg1: i32, %arg2: memref<10240x16xf32, #tpu.memory_space<hbm>>, %arg3: memref<163840xi32, #tpu.memory_space<hbm>>, %arg4: memref<163840xi32, #tpu.memory_space<hbm>>, %arg5: memref<163840xf32, #tpu.memory_space<hbm>>, %arg6: memref<2x10240x16xf32, #tpu.memory_space<hbm>>, %arg7: memref<128xi32, #tpu.memory_space<vmem>>, %arg8: memref<128xi32, #tpu.memory_space<vmem>>, %arg9: memref<128xf32, #tpu.memory_space<vmem>>, %arg10: memref<128x16xf32, #tpu.memory_space<vmem>>, %arg11: memref<10240x16xf32, #tpu.memory_space<vmem_shared>>, %arg12: memref<!tpu.dma_semaphore, #tpu.memory_space<semaphore_mem>>) attributes {dimension_semantics = [#tpu.dimension_semantics<core_parallel>, #tpu.dimension_semantics<subcore_parallel>], iteration_bounds = array<i64: 2, 16>, scalar_prefetch = 0 : i64, scratch_operands = 6 : i64, tpu.core_type = #tpu.core_type<sc_vector_subcore>, window_params = [{transform_indices = #map}, {transform_indices = #map1}, {transform_indices = #map1}, {transform_indices = #map1}, {transform_indices = #map2}]} {
    %mul3A = arith.constant 16 : i32
    %mul3A_0 = arith.muli %arg0, %mul3A : i32
    %add3A = arith.addi %mul3A_0, %arg1 : i32
    %scan3A = arith.constant 0 : i32
    %scan3A_1 = arith.constant 0 : i32
    %scan3A_2 = arith.constant 128 : i32
    %scan3A_3 = arith.addi %scan3A_1, %scan3A_2 : i32
    %scan3A_4 = arith.constant 1 : i32
    scf.for %scan3A_39 = %scan3A_1 to %scan3A_3 step %scan3A_4  : i32 {
      %broadcast_in_dim3A = arith.constant 0.000000e+00 : f32
      %broadcast_in_dim3A_40 = vector.broadcast %broadcast_in_dim3A : f32 to vector<16xf32>
      %swap3A = arith.index_cast %scan3A_39 : i32 to index
      %swap3A_41 = arith.constant 0 : index
      %swap3A_42 = tpu.vector_load %arg10[%swap3A, %swap3A_41] {strides = array<i32>} : memref<128x16xf32, #tpu.memory_space<vmem>>, vector<1x16xf32>,
      %swap3A_43 = vector.shape_cast %swap3A_42 : vector<1x16xf32> to vector<16xf32>
      %swap3A_44 = vector.shape_cast %broadcast_in_dim3A_40 : vector<16xf32> to vector<1x16xf32>
      tpu.vector_store %arg10[%swap3A, %swap3A_41], %swap3A_44 {strides = array<i32>} : memref<128x16xf32, #tpu.memory_space<vmem>>, vector<1x16xf32>,
    }
    %scan3A_5 = arith.constant 128 : i32
    %mul3A_6 = arith.constant 640 : i32
    %mul3A_7 = arith.muli %arg1, %mul3A_6 : i32
    %add3A_8 = arith.constant 0 : i32
    %add3A_9 = arith.addi %mul3A_7, %add3A_8 : i32
    "tpu.region"() ({
      %run_scoped3A = tpu.sem_alloc : memref<!tpu.dma_semaphore, #tpu.memory_space<semaphore_mem>>
      %dma_start3A = arith.constant 0 : i32
      %dma_start3A_39 = tpu.memref_slice %arg11[%add3A_9, %dma_start3A] : memref<10240x16xf32, #tpu.memory_space<vmem_shared>> -> memref<128x16xf32, #tpu.memory_space<vmem_shared>>
      %dma_start3A_40 = arith.constant 0 : i32
      %dma_start3A_41 = tpu.memref_slice %arg11[%add3A_9, %dma_start3A_40] : memref<10240x16xf32, #tpu.memory_space<vmem_shared>> -> memref<128x16xf32, #tpu.memory_space<vmem_shared>>
      tpu.enqueue_dma source(%arg10 : memref<128x16xf32, #tpu.memory_space<vmem>>) target(%dma_start3A_41 : memref<128x16xf32, #tpu.memory_space<vmem_shared>>) target_semaphore(%run_scoped3A : memref<!tpu.dma_semaphore, #tpu.memory_space<semaphore_mem>>)
      %dma_wait3A = arith.constant 0 : i32
      %dma_wait3A_42 = tpu.memref_slice %arg11[%add3A_9, %dma_wait3A] : memref<10240x16xf32, #tpu.memory_space<vmem_shared>> -> memref<128x16xf32, #tpu.memory_space<vmem_shared>>
      %dma_wait3A_43 = arith.constant 0 : i32
      %dma_wait3A_44 = tpu.memref_slice %arg11[%add3A_9, %dma_wait3A_43] : memref<10240x16xf32, #tpu.memory_space<vmem_shared>> -> memref<128x16xf32, #tpu.memory_space<vmem_shared>>
      tpu.wait_dma2 semaphore(%run_scoped3A : memref<!tpu.dma_semaphore, #tpu.memory_space<semaphore_mem>>) src(%arg10 : memref<128x16xf32, #tpu.memory_space<vmem>>) dst(%dma_wait3A_44 : memref<128x16xf32, #tpu.memory_space<vmem_shared>>)
      tpu.yield
    }) : () -> ()
    %mul3A_10 = arith.constant 640 : i32
    %mul3A_11 = arith.muli %arg1, %mul3A_10 : i32
    %add3A_12 = arith.constant 128 : i32
    %add3A_13 = arith.addi %mul3A_11, %add3A_12 : i32
    "tpu.region"() ({
      %run_scoped3A = tpu.sem_alloc : memref<!tpu.dma_semaphore, #tpu.memory_space<semaphore_mem>>
      %dma_start3A = arith.constant 0 : i32
      %dma_start3A_39 = tpu.memref_slice %arg11[%add3A_13, %dma_start3A] : memref<10240x16xf32, #tpu.memory_space<vmem_shared>> -> memref<128x16xf32, #tpu.memory_space<vmem_shared>>
      %dma_start3A_40 = arith.constant 0 : i32
      %dma_start3A_41 = tpu.memref_slice %arg11[%add3A_13, %dma_start3A_40] : memref<10240x16xf32, #tpu.memory_space<vmem_shared>> -> memref<128x16xf32, #tpu.memory_space<vmem_shared>>
      tpu.enqueue_dma source(%arg10 : memref<128x16xf32, #tpu.memory_space<vmem>>) target(%dma_start3A_41 : memref<128x16xf32, #tpu.memory_space<vmem_shared>>) target_semaphore(%run_scoped3A : memref<!tpu.dma_semaphore, #tpu.memory_space<semaphore_mem>>)
      %dma_wait3A = arith.constant 0 : i32
      %dma_wait3A_42 = tpu.memref_slice %arg11[%add3A_13, %dma_wait3A] : memref<10240x16xf32, #tpu.memory_space<vmem_shared>> -> memref<128x16xf32, #tpu.memory_space<vmem_shared>>
      %dma_wait3A_43 = arith.constant 0 : i32
      %dma_wait3A_44 = tpu.memref_slice %arg11[%add3A_13, %dma_wait3A_43] : memref<10240x16xf32, #tpu.memory_space<vmem_shared>> -> memref<128x16xf32, #tpu.memory_space<vmem_shared>>
      tpu.wait_dma2 semaphore(%run_scoped3A : memref<!tpu.dma_semaphore, #tpu.memory_space<semaphore_mem>>) src(%arg10 : memref<128x16xf32, #tpu.memory_space<vmem>>) dst(%dma_wait3A_44 : memref<128x16xf32, #tpu.memory_space<vmem_shared>>)
      tpu.yield
    }) : () -> ()
    %mul3A_14 = arith.constant 640 : i32
    %mul3A_15 = arith.muli %arg1, %mul3A_14 : i32
    %add3A_16 = arith.constant 256 : i32
    %add3A_17 = arith.addi %mul3A_15, %add3A_16 : i32
    "tpu.region"() ({
      %run_scoped3A = tpu.sem_alloc : memref<!tpu.dma_semaphore, #tpu.memory_space<semaphore_mem>>
      %dma_start3A = arith.constant 0 : i32
      %dma_start3A_39 = tpu.memref_slice %arg11[%add3A_17, %dma_start3A] : memref<10240x16xf32, #tpu.memory_space<vmem_shared>> -> memref<128x16xf32, #tpu.memory_space<vmem_shared>>
      %dma_start3A_40 = arith.constant 0 : i32
      %dma_start3A_41 = tpu.memref_slice %arg11[%add3A_17, %dma_start3A_40] : memref<10240x16xf32, #tpu.memory_space<vmem_shared>> -> memref<128x16xf32, #tpu.memory_space<vmem_shared>>
      tpu.enqueue_dma source(%arg10 : memref<128x16xf32, #tpu.memory_space<vmem>>) target(%dma_start3A_41 : memref<128x16xf32, #tpu.memory_space<vmem_shared>>) target_semaphore(%run_scoped3A : memref<!tpu.dma_semaphore, #tpu.memory_space<semaphore_mem>>)
      %dma_wait3A = arith.constant 0 : i32
      %dma_wait3A_42 = tpu.memref_slice %arg11[%add3A_17, %dma_wait3A] : memref<10240x16xf32, #tpu.memory_space<vmem_shared>> -> memref<128x16xf32, #tpu.memory_space<vmem_shared>>
      %dma_wait3A_43 = arith.constant 0 : i32
      %dma_wait3A_44 = tpu.memref_slice %arg11[%add3A_17, %dma_wait3A_43] : memref<10240x16xf32, #tpu.memory_space<vmem_shared>> -> memref<128x16xf32, #tpu.memory_space<vmem_shared>>
      tpu.wait_dma2 semaphore(%run_scoped3A : memref<!tpu.dma_semaphore, #tpu.memory_space<semaphore_mem>>) src(%arg10 : memref<128x16xf32, #tpu.memory_space<vmem>>) dst(%dma_wait3A_44 : memref<128x16xf32, #tpu.memory_space<vmem_shared>>)
      tpu.yield
    }) : () -> ()
    %mul3A_18 = arith.constant 640 : i32
    %mul3A_19 = arith.muli %arg1, %mul3A_18 : i32
    %add3A_20 = arith.constant 384 : i32
    %add3A_21 = arith.addi %mul3A_19, %add3A_20 : i32
    "tpu.region"() ({
      %run_scoped3A = tpu.sem_alloc : memref<!tpu.dma_semaphore, #tpu.memory_space<semaphore_mem>>
      %dma_start3A = arith.constant 0 : i32
      %dma_start3A_39 = tpu.memref_slice %arg11[%add3A_21, %dma_start3A] : memref<10240x16xf32, #tpu.memory_space<vmem_shared>> -> memref<128x16xf32, #tpu.memory_space<vmem_shared>>
      %dma_start3A_40 = arith.constant 0 : i32
      %dma_start3A_41 = tpu.memref_slice %arg11[%add3A_21, %dma_start3A_40] : memref<10240x16xf32, #tpu.memory_space<vmem_shared>> -> memref<128x16xf32, #tpu.memory_space<vmem_shared>>
      tpu.enqueue_dma source(%arg10 : memref<128x16xf32, #tpu.memory_space<vmem>>) target(%dma_start3A_41 : memref<128x16xf32, #tpu.memory_space<vmem_shared>>) target_semaphore(%run_scoped3A : memref<!tpu.dma_semaphore, #tpu.memory_space<semaphore_mem>>)
      %dma_wait3A = arith.constant 0 : i32
      %dma_wait3A_42 = tpu.memref_slice %arg11[%add3A_21, %dma_wait3A] : memref<10240x16xf32, #tpu.memory_space<vmem_shared>> -> memref<128x16xf32, #tpu.memory_space<vmem_shared>>
      %dma_wait3A_43 = arith.constant 0 : i32
      %dma_wait3A_44 = tpu.memref_slice %arg11[%add3A_21, %dma_wait3A_43] : memref<10240x16xf32, #tpu.memory_space<vmem_shared>> -> memref<128x16xf32, #tpu.memory_space<vmem_shared>>
      tpu.wait_dma2 semaphore(%run_scoped3A : memref<!tpu.dma_semaphore, #tpu.memory_space<semaphore_mem>>) src(%arg10 : memref<128x16xf32, #tpu.memory_space<vmem>>) dst(%dma_wait3A_44 : memref<128x16xf32, #tpu.memory_space<vmem_shared>>)
      tpu.yield
    }) : () -> ()
    %mul3A_22 = arith.constant 640 : i32
    %mul3A_23 = arith.muli %arg1, %mul3A_22 : i32
    %add3A_24 = arith.constant 512 : i32
    %add3A_25 = arith.addi %mul3A_23, %add3A_24 : i32
    "tpu.region"() ({
      %run_scoped3A = tpu.sem_alloc : memref<!tpu.dma_semaphore, #tpu.memory_space<semaphore_mem>>
      %dma_start3A = arith.constant 0 : i32
      %dma_start3A_39 = tpu.memref_slice %arg11[%add3A_25, %dma_start3A] : memref<10240x16xf32, #tpu.memory_space<vmem_shared>> -> memref<128x16xf32, #tpu.memory_space<vmem_shared>>
      %dma_start3A_40 = arith.constant 0 : i32
      %dma_start3A_41 = tpu.memref_slice %arg11[%add3A_25, %dma_start3A_40] : memref<10240x16xf32, #tpu.memory_space<vmem_shared>> -> memref<128x16xf32, #tpu.memory_space<vmem_shared>>
      tpu.enqueue_dma source(%arg10 : memref<128x16xf32, #tpu.memory_space<vmem>>) target(%dma_start3A_41 : memref<128x16xf32, #tpu.memory_space<vmem_shared>>) target_semaphore(%run_scoped3A : memref<!tpu.dma_semaphore, #tpu.memory_space<semaphore_mem>>)
      %dma_wait3A = arith.constant 0 : i32
      %dma_wait3A_42 = tpu.memref_slice %arg11[%add3A_25, %dma_wait3A] : memref<10240x16xf32, #tpu.memory_space<vmem_shared>> -> memref<128x16xf32, #tpu.memory_space<vmem_shared>>
      %dma_wait3A_43 = arith.constant 0 : i32
      %dma_wait3A_44 = tpu.memref_slice %arg11[%add3A_25, %dma_wait3A_43] : memref<10240x16xf32, #tpu.memory_space<vmem_shared>> -> memref<128x16xf32, #tpu.memory_space<vmem_shared>>
      tpu.wait_dma2 semaphore(%run_scoped3A : memref<!tpu.dma_semaphore, #tpu.memory_space<semaphore_mem>>) src(%arg10 : memref<128x16xf32, #tpu.memory_space<vmem>>) dst(%dma_wait3A_44 : memref<128x16xf32, #tpu.memory_space<vmem_shared>>)
      tpu.yield
    }) : () -> ()
    %barrier3A = arith.constant 0 : index
    tpu.barrier barrier_id(%barrier3A)
    %mul3A_26 = arith.constant 5120 : i32
    %mul3A_27 = arith.muli %add3A, %mul3A_26 : i32
    %scan3A_28 = arith.constant 0 : i32
    %scan3A_29 = arith.constant 0 : i32
    %scan3A_30 = arith.constant 40 : i32
    %scan3A_31 = arith.addi %scan3A_29, %scan3A_30 : i32
    %scan3A_32 = arith.constant 1 : i32
    scf.for %scan3A_39 = %scan3A_29 to %scan3A_31 step %scan3A_32  : i32 {
      %mul3A_40 = arith.constant 128 : i32
      %mul3A_41 = arith.muli %scan3A_39, %mul3A_40 : i32
      %add3A_42 = arith.addi %mul3A_27, %mul3A_41 : i32
      "tpu.region"() ({
        %run_scoped3A = tpu.sem_alloc : memref<!tpu.dma_semaphore, #tpu.memory_space<semaphore_mem>>
        %dma_start3A_53 = tpu.memref_slice %arg3[%add3A_42] : memref<163840xi32, #tpu.memory_space<hbm>> -> memref<128xi32, #tpu.memory_space<hbm>>
        %dma_start3A_54 = tpu.memref_slice %arg3[%add3A_42] : memref<163840xi32, #tpu.memory_space<hbm>> -> memref<128xi32, #tpu.memory_space<hbm>>
        tpu.enqueue_dma source(%dma_start3A_54 : memref<128xi32, #tpu.memory_space<hbm>>) target(%arg7 : memref<128xi32, #tpu.memory_space<vmem>>) target_semaphore(%run_scoped3A : memref<!tpu.dma_semaphore, #tpu.memory_space<semaphore_mem>>)
        %dma_wait3A_55 = tpu.memref_slice %arg3[%add3A_42] : memref<163840xi32, #tpu.memory_space<hbm>> -> memref<128xi32, #tpu.memory_space<hbm>>
        %dma_wait3A_56 = tpu.memref_slice %arg3[%add3A_42] : memref<163840xi32, #tpu.memory_space<hbm>> -> memref<128xi32, #tpu.memory_space<hbm>>
        tpu.wait_dma2 semaphore(%run_scoped3A : memref<!tpu.dma_semaphore, #tpu.memory_space<semaphore_mem>>) src(%dma_wait3A_56 : memref<128xi32, #tpu.memory_space<hbm>>) dst(%arg7 : memref<128xi32, #tpu.memory_space<vmem>>)
        tpu.yield
      }) : () -> ()
      "tpu.region"() ({
        %run_scoped3A = tpu.sem_alloc : memref<!tpu.dma_semaphore, #tpu.memory_space<semaphore_mem>>
        %dma_start3A_53 = tpu.memref_slice %arg4[%add3A_42] : memref<163840xi32, #tpu.memory_space<hbm>> -> memref<128xi32, #tpu.memory_space<hbm>>
        %dma_start3A_54 = tpu.memref_slice %arg4[%add3A_42] : memref<163840xi32, #tpu.memory_space<hbm>> -> memref<128xi32, #tpu.memory_space<hbm>>
        tpu.enqueue_dma source(%dma_start3A_54 : memref<128xi32, #tpu.memory_space<hbm>>) target(%arg8 : memref<128xi32, #tpu.memory_space<vmem>>) target_semaphore(%run_scoped3A : memref<!tpu.dma_semaphore, #tpu.memory_space<semaphore_mem>>)
        %dma_wait3A_55 = tpu.memref_slice %arg4[%add3A_42] : memref<163840xi32, #tpu.memory_space<hbm>> -> memref<128xi32, #tpu.memory_space<hbm>>
        %dma_wait3A_56 = tpu.memref_slice %arg4[%add3A_42] : memref<163840xi32, #tpu.memory_space<hbm>> -> memref<128xi32, #tpu.memory_space<hbm>>
        tpu.wait_dma2 semaphore(%run_scoped3A : memref<!tpu.dma_semaphore, #tpu.memory_space<semaphore_mem>>) src(%dma_wait3A_56 : memref<128xi32, #tpu.memory_space<hbm>>) dst(%arg8 : memref<128xi32, #tpu.memory_space<vmem>>)
        tpu.yield
      }) : () -> ()
      "tpu.region"() ({
        %run_scoped3A = tpu.sem_alloc : memref<!tpu.dma_semaphore, #tpu.memory_space<semaphore_mem>>
        %dma_start3A_53 = tpu.memref_slice %arg5[%add3A_42] : memref<163840xf32, #tpu.memory_space<hbm>> -> memref<128xf32, #tpu.memory_space<hbm>>
        %dma_start3A_54 = tpu.memref_slice %arg5[%add3A_42] : memref<163840xf32, #tpu.memory_space<hbm>> -> memref<128xf32, #tpu.memory_space<hbm>>
        tpu.enqueue_dma source(%dma_start3A_54 : memref<128xf32, #tpu.memory_space<hbm>>) target(%arg9 : memref<128xf32, #tpu.memory_space<vmem>>) target_semaphore(%run_scoped3A : memref<!tpu.dma_semaphore, #tpu.memory_space<semaphore_mem>>)
        %dma_wait3A_55 = tpu.memref_slice %arg5[%add3A_42] : memref<163840xf32, #tpu.memory_space<hbm>> -> memref<128xf32, #tpu.memory_space<hbm>>
        %dma_wait3A_56 = tpu.memref_slice %arg5[%add3A_42] : memref<163840xf32, #tpu.memory_space<hbm>> -> memref<128xf32, #tpu.memory_space<hbm>>
        tpu.wait_dma2 semaphore(%run_scoped3A : memref<!tpu.dma_semaphore, #tpu.memory_space<semaphore_mem>>) src(%dma_wait3A_56 : memref<128xf32, #tpu.memory_space<hbm>>) dst(%arg9 : memref<128xf32, #tpu.memory_space<vmem>>)
        tpu.yield
      }) : () -> ()
      %dma_start3A = arith.constant 0 : i32
      %dma_start3A_43 = arith.constant 0 : i32
      %dma_start3A_44 = tpu.memref_slice %arg2[%dma_start3A, %dma_start3A_43] : memref<10240x16xf32, #tpu.memory_space<hbm>> -> memref<10240x16xf32, #tpu.memory_space<hbm>>
      tpu.enqueue_indirect_dma source(%dma_start3A_44 : memref<10240x16xf32, #tpu.memory_space<hbm>>) target(%arg10 : memref<128x16xf32, #tpu.memory_space<vmem>>) offsets(%arg7 : memref<128xi32, #tpu.memory_space<vmem>>) semaphore(%arg12 : memref<!tpu.dma_semaphore, #tpu.memory_space<semaphore_mem>>)
      %dma_wait3A = arith.constant 0 : i32
      %dma_wait3A_45 = arith.constant 0 : i32
      %dma_wait3A_46 = tpu.memref_slice %arg2[%dma_wait3A, %dma_wait3A_45] : memref<10240x16xf32, #tpu.memory_space<hbm>> -> memref<10240x16xf32, #tpu.memory_space<hbm>>
      tpu.wait_indirect_dma semaphore(%arg12 : memref<!tpu.dma_semaphore, #tpu.memory_space<semaphore_mem>>) src(%dma_wait3A_46 : memref<10240x16xf32, #tpu.memory_space<hbm>>) dst(%arg10 : memref<128x16xf32, #tpu.memory_space<vmem>>)
      %scan3A_47 = arith.constant 0 : i32
      %scan3A_48 = arith.constant 0 : i32
      %scan3A_49 = arith.constant 8 : i32
      %scan3A_50 = arith.addi %scan3A_48, %scan3A_49 : i32
      %scan3A_51 = arith.constant 1 : i32
      scf.for %scan3A_53 = %scan3A_48 to %scan3A_50 step %scan3A_51  : i32 {
        %mul3A_54 = arith.constant 16 : i32
        %mul3A_55 = arith.muli %scan3A_53, %mul3A_54 : i32
        %get3A = arith.index_cast %mul3A_55 : i32 to index
        %get3A_56 = tpu.vector_load %arg9[%get3A] {strides = array<i32>} : memref<128xf32, #tpu.memory_space<vmem>>, vector<16xf32>,
        %get3A_57 = vector.shape_cast %get3A_56 : vector<16xf32> to vector<16xf32>
        %mul3A_58 = arith.constant 16 : i32
        %mul3A_59 = arith.muli %scan3A_53, %mul3A_58 : i32
        %add3A_60 = arith.constant 0 : i32
        %add3A_61 = arith.addi %mul3A_59, %add3A_60 : i32
        %get3A_62 = arith.index_cast %add3A_61 : i32 to index
        %get3A_63 = arith.constant 0 : index
        %get3A_64 = tpu.vector_load %arg10[%get3A_62, %get3A_63] {strides = array<i32>} : memref<128x16xf32, #tpu.memory_space<vmem>>, vector<1x16xf32>,
        %get3A_65 = vector.shape_cast %get3A_64 : vector<1x16xf32> to vector<16xf32>
        %slice3A = vector.extract_strided_slice %get3A_57 {offsets = [0], sizes = [1], strides = [1]} : vector<16xf32> to vector<1xf32>
        %squeeze3A = vector.extract %slice3A[0] : f32 from vector<1xf32>
        %mul3A_66 = vector.broadcast %squeeze3A : f32 to vector<16xf32>
        %mul3A_67 = arith.mulf %get3A_65, %mul3A_66 : vector<16xf32>
        %swap3A = arith.index_cast %add3A_61 : i32 to index
        %swap3A_68 = arith.constant 0 : index
        %swap3A_69 = tpu.vector_load %arg10[%swap3A, %swap3A_68] {strides = array<i32>} : memref<128x16xf32, #tpu.memory_space<vmem>>, vector<1x16xf32>,
        %swap3A_70 = vector.shape_cast %swap3A_69 : vector<1x16xf32> to vector<16xf32>
        %swap3A_71 = vector.shape_cast %mul3A_67 : vector<16xf32> to vector<1x16xf32>
        tpu.vector_store %arg10[%swap3A, %swap3A_68], %swap3A_71 {strides = array<i32>} : memref<128x16xf32, #tpu.memory_space<vmem>>, vector<1x16xf32>,
        %mul3A_72 = arith.constant 16 : i32
        %mul3A_73 = arith.muli %scan3A_53, %mul3A_72 : i32
        %add3A_74 = arith.constant 1 : i32
        %add3A_75 = arith.addi %mul3A_73, %add3A_74 : i32
        %get3A_76 = arith.index_cast %add3A_75 : i32 to index
        %get3A_77 = arith.constant 0 : index
        %get3A_78 = tpu.vector_load %arg10[%get3A_76, %get3A_77] {strides = array<i32>} : memref<128x16xf32, #tpu.memory_space<vmem>>, vector<1x16xf32>,
        %get3A_79 = vector.shape_cast %get3A_78 : vector<1x16xf32> to vector<16xf32>
        %slice3A_80 = vector.extract_strided_slice %get3A_57 {offsets = [1], sizes = [1], strides = [1]} : vector<16xf32> to vector<1xf32>
        %squeeze3A_81 = vector.extract %slice3A_80[0] : f32 from vector<1xf32>
        %mul3A_82 = vector.broadcast %squeeze3A_81 : f32 to vector<16xf32>
        %mul3A_83 = arith.mulf %get3A_79, %mul3A_82 : vector<16xf32>
        %swap3A_84 = arith.index_cast %add3A_75 : i32 to index
        %swap3A_85 = arith.constant 0 : index
        %swap3A_86 = tpu.vector_load %arg10[%swap3A_84, %swap3A_85] {strides = array<i32>} : memref<128x16xf32, #tpu.memory_space<vmem>>, vector<1x16xf32>,
        %swap3A_87 = vector.shape_cast %swap3A_86 : vector<1x16xf32> to vector<16xf32>
        %swap3A_88 = vector.shape_cast %mul3A_83 : vector<16xf32> to vector<1x16xf32>
        tpu.vector_store %arg10[%swap3A_84, %swap3A_85], %swap3A_88 {strides = array<i32>} : memref<128x16xf32, #tpu.memory_space<vmem>>, vector<1x16xf32>,
        %mul3A_89 = arith.constant 16 : i32
        %mul3A_90 = arith.muli %scan3A_53, %mul3A_89 : i32
        %add3A_91 = arith.constant 2 : i32
        %add3A_92 = arith.addi %mul3A_90, %add3A_91 : i32
        %get3A_93 = arith.index_cast %add3A_92 : i32 to index
        %get3A_94 = arith.constant 0 : index
        %get3A_95 = tpu.vector_load %arg10[%get3A_93, %get3A_94] {strides = array<i32>} : memref<128x16xf32, #tpu.memory_space<vmem>>, vector<1x16xf32>,
        %get3A_96 = vector.shape_cast %get3A_95 : vector<1x16xf32> to vector<16xf32>
        %slice3A_97 = vector.extract_strided_slice %get3A_57 {offsets = [2], sizes = [1], strides = [1]} : vector<16xf32> to vector<1xf32>
        %squeeze3A_98 = vector.extract %slice3A_97[0] : f32 from vector<1xf32>
        %mul3A_99 = vector.broadcast %squeeze3A_98 : f32 to vector<16xf32>
        %mul3A_100 = arith.mulf %get3A_96, %mul3A_99 : vector<16xf32>
        %swap3A_101 = arith.index_cast %add3A_92 : i32 to index
        %swap3A_102 = arith.constant 0 : index
        %swap3A_103 = tpu.vector_load %arg10[%swap3A_101, %swap3A_102] {strides = array<i32>} : memref<128x16xf32, #tpu.memory_space<vmem>>, vector<1x16xf32>,
        %swap3A_104 = vector.shape_cast %swap3A_103 : vector<1x16xf32> to vector<16xf32>
        %swap3A_105 = vector.shape_cast %mul3A_100 : vector<16xf32> to vector<1x16xf32>
        tpu.vector_store %arg10[%swap3A_101, %swap3A_102], %swap3A_105 {strides = array<i32>} : memref<128x16xf32, #tpu.memory_space<vmem>>, vector<1x16xf32>,
        %mul3A_106 = arith.constant 16 : i32
        %mul3A_107 = arith.muli %scan3A_53, %mul3A_106 : i32
        %add3A_108 = arith.constant 3 : i32
        %add3A_109 = arith.addi %mul3A_107, %add3A_108 : i32
        %get3A_110 = arith.index_cast %add3A_109 : i32 to index
        %get3A_111 = arith.constant 0 : index
        %get3A_112 = tpu.vector_load %arg10[%get3A_110, %get3A_111] {strides = array<i32>} : memref<128x16xf32, #tpu.memory_space<vmem>>, vector<1x16xf32>,
        %get3A_113 = vector.shape_cast %get3A_112 : vector<1x16xf32> to vector<16xf32>
        %slice3A_114 = vector.extract_strided_slice %get3A_57 {offsets = [3], sizes = [1], strides = [1]} : vector<16xf32> to vector<1xf32>
        %squeeze3A_115 = vector.extract %slice3A_114[0] : f32 from vector<1xf32>
        %mul3A_116 = vector.broadcast %squeeze3A_115 : f32 to vector<16xf32>
        %mul3A_117 = arith.mulf %get3A_113, %mul3A_116 : vector<16xf32>
        %swap3A_118 = arith.index_cast %add3A_109 : i32 to index
        %swap3A_119 = arith.constant 0 : index
        %swap3A_120 = tpu.vector_load %arg10[%swap3A_118, %swap3A_119] {strides = array<i32>} : memref<128x16xf32, #tpu.memory_space<vmem>>, vector<1x16xf32>,
        %swap3A_121 = vector.shape_cast %swap3A_120 : vector<1x16xf32> to vector<16xf32>
        %swap3A_122 = vector.shape_cast %mul3A_117 : vector<16xf32> to vector<1x16xf32>
        tpu.vector_store %arg10[%swap3A_118, %swap3A_119], %swap3A_122 {strides = array<i32>} : memref<128x16xf32, #tpu.memory_space<vmem>>, vector<1x16xf32>,
        %mul3A_123 = arith.constant 16 : i32
        %mul3A_124 = arith.muli %scan3A_53, %mul3A_123 : i32
        %add3A_125 = arith.constant 4 : i32
        %add3A_126 = arith.addi %mul3A_124, %add3A_125 : i32
        %get3A_127 = arith.index_cast %add3A_126 : i32 to index
        %get3A_128 = arith.constant 0 : index
        %get3A_129 = tpu.vector_load %arg10[%get3A_127, %get3A_128] {strides = array<i32>} : memref<128x16xf32, #tpu.memory_space<vmem>>, vector<1x16xf32>,
        %get3A_130 = vector.shape_cast %get3A_129 : vector<1x16xf32> to vector<16xf32>
        %slice3A_131 = vector.extract_strided_slice %get3A_57 {offsets = [4], sizes = [1], strides = [1]} : vector<16xf32> to vector<1xf32>
        %squeeze3A_132 = vector.extract %slice3A_131[0] : f32 from vector<1xf32>
        %mul3A_133 = vector.broadcast %squeeze3A_132 : f32 to vector<16xf32>
        %mul3A_134 = arith.mulf %get3A_130, %mul3A_133 : vector<16xf32>
        %swap3A_135 = arith.index_cast %add3A_126 : i32 to index
        %swap3A_136 = arith.constant 0 : index
        %swap3A_137 = tpu.vector_load %arg10[%swap3A_135, %swap3A_136] {strides = array<i32>} : memref<128x16xf32, #tpu.memory_space<vmem>>, vector<1x16xf32>,
        %swap3A_138 = vector.shape_cast %swap3A_137 : vector<1x16xf32> to vector<16xf32>
        %swap3A_139 = vector.shape_cast %mul3A_134 : vector<16xf32> to vector<1x16xf32>
        tpu.vector_store %arg10[%swap3A_135, %swap3A_136], %swap3A_139 {strides = array<i32>} : memref<128x16xf32, #tpu.memory_space<vmem>>, vector<1x16xf32>,
        %mul3A_140 = arith.constant 16 : i32
        %mul3A_141 = arith.muli %scan3A_53, %mul3A_140 : i32
        %add3A_142 = arith.constant 5 : i32
        %add3A_143 = arith.addi %mul3A_141, %add3A_142 : i32
        %get3A_144 = arith.index_cast %add3A_143 : i32 to index
        %get3A_145 = arith.constant 0 : index
        %get3A_146 = tpu.vector_load %arg10[%get3A_144, %get3A_145] {strides = array<i32>} : memref<128x16xf32, #tpu.memory_space<vmem>>, vector<1x16xf32>,
        %get3A_147 = vector.shape_cast %get3A_146 : vector<1x16xf32> to vector<16xf32>
        %slice3A_148 = vector.extract_strided_slice %get3A_57 {offsets = [5], sizes = [1], strides = [1]} : vector<16xf32> to vector<1xf32>
        %squeeze3A_149 = vector.extract %slice3A_148[0] : f32 from vector<1xf32>
        %mul3A_150 = vector.broadcast %squeeze3A_149 : f32 to vector<16xf32>
        %mul3A_151 = arith.mulf %get3A_147, %mul3A_150 : vector<16xf32>
        %swap3A_152 = arith.index_cast %add3A_143 : i32 to index
        %swap3A_153 = arith.constant 0 : index
        %swap3A_154 = tpu.vector_load %arg10[%swap3A_152, %swap3A_153] {strides = array<i32>} : memref<128x16xf32, #tpu.memory_space<vmem>>, vector<1x16xf32>,
        %swap3A_155 = vector.shape_cast %swap3A_154 : vector<1x16xf32> to vector<16xf32>
        %swap3A_156 = vector.shape_cast %mul3A_151 : vector<16xf32> to vector<1x16xf32>
        tpu.vector_store %arg10[%swap3A_152, %swap3A_153], %swap3A_156 {strides = array<i32>} : memref<128x16xf32, #tpu.memory_space<vmem>>, vector<1x16xf32>,
        %mul3A_157 = arith.constant 16 : i32
        %mul3A_158 = arith.muli %scan3A_53, %mul3A_157 : i32
        %add3A_159 = arith.constant 6 : i32
        %add3A_160 = arith.addi %mul3A_158, %add3A_159 : i32
        %get3A_161 = arith.index_cast %add3A_160 : i32 to index
        %get3A_162 = arith.constant 0 : index
        %get3A_163 = tpu.vector_load %arg10[%get3A_161, %get3A_162] {strides = array<i32>} : memref<128x16xf32, #tpu.memory_space<vmem>>, vector<1x16xf32>,
        %get3A_164 = vector.shape_cast %get3A_163 : vector<1x16xf32> to vector<16xf32>
        %slice3A_165 = vector.extract_strided_slice %get3A_57 {offsets = [6], sizes = [1], strides = [1]} : vector<16xf32> to vector<1xf32>
        %squeeze3A_166 = vector.extract %slice3A_165[0] : f32 from vector<1xf32>
        %mul3A_167 = vector.broadcast %squeeze3A_166 : f32 to vector<16xf32>
        %mul3A_168 = arith.mulf %get3A_164, %mul3A_167 : vector<16xf32>
        %swap3A_169 = arith.index_cast %add3A_160 : i32 to index
        %swap3A_170 = arith.constant 0 : index
        %swap3A_171 = tpu.vector_load %arg10[%swap3A_169, %swap3A_170] {strides = array<i32>} : memref<128x16xf32, #tpu.memory_space<vmem>>, vector<1x16xf32>,
        %swap3A_172 = vector.shape_cast %swap3A_171 : vector<1x16xf32> to vector<16xf32>
        %swap3A_173 = vector.shape_cast %mul3A_168 : vector<16xf32> to vector<1x16xf32>
        tpu.vector_store %arg10[%swap3A_169, %swap3A_170], %swap3A_173 {strides = array<i32>} : memref<128x16xf32, #tpu.memory_space<vmem>>, vector<1x16xf32>,
        %mul3A_174 = arith.constant 16 : i32
        %mul3A_175 = arith.muli %scan3A_53, %mul3A_174 : i32
        %add3A_176 = arith.constant 7 : i32
        %add3A_177 = arith.addi %mul3A_175, %add3A_176 : i32
        %get3A_178 = arith.index_cast %add3A_177 : i32 to index
        %get3A_179 = arith.constant 0 : index
        %get3A_180 = tpu.vector_load %arg10[%get3A_178, %get3A_179] {strides = array<i32>} : memref<128x16xf32, #tpu.memory_space<vmem>>, vector<1x16xf32>,
        %get3A_181 = vector.shape_cast %get3A_180 : vector<1x16xf32> to vector<16xf32>
        %slice3A_182 = vector.extract_strided_slice %get3A_57 {offsets = [7], sizes = [1], strides = [1]} : vector<16xf32> to vector<1xf32>
        %squeeze3A_183 = vector.extract %slice3A_182[0] : f32 from vector<1xf32>
        %mul3A_184 = vector.broadcast %squeeze3A_183 : f32 to vector<16xf32>
        %mul3A_185 = arith.mulf %get3A_181, %mul3A_184 : vector<16xf32>
        %swap3A_186 = arith.index_cast %add3A_177 : i32 to index
        %swap3A_187 = arith.constant 0 : index
        %swap3A_188 = tpu.vector_load %arg10[%swap3A_186, %swap3A_187] {strides = array<i32>} : memref<128x16xf32, #tpu.memory_space<vmem>>, vector<1x16xf32>,
        %swap3A_189 = vector.shape_cast %swap3A_188 : vector<1x16xf32> to vector<16xf32>
        %swap3A_190 = vector.shape_cast %mul3A_185 : vector<16xf32> to vector<1x16xf32>
        tpu.vector_store %arg10[%swap3A_186, %swap3A_187], %swap3A_190 {strides = array<i32>} : memref<128x16xf32, #tpu.memory_space<vmem>>, vector<1x16xf32>,
        %mul3A_191 = arith.constant 16 : i32
        %mul3A_192 = arith.muli %scan3A_53, %mul3A_191 : i32
        %add3A_193 = arith.constant 8 : i32
        %add3A_194 = arith.addi %mul3A_192, %add3A_193 : i32
        %get3A_195 = arith.index_cast %add3A_194 : i32 to index
        %get3A_196 = arith.constant 0 : index
        %get3A_197 = tpu.vector_load %arg10[%get3A_195, %get3A_196] {strides = array<i32>} : memref<128x16xf32, #tpu.memory_space<vmem>>, vector<1x16xf32>,
        %get3A_198 = vector.shape_cast %get3A_197 : vector<1x16xf32> to vector<16xf32>
        %slice3A_199 = vector.extract_strided_slice %get3A_57 {offsets = [8], sizes = [1], strides = [1]} : vector<16xf32> to vector<1xf32>
        %squeeze3A_200 = vector.extract %slice3A_199[0] : f32 from vector<1xf32>
        %mul3A_201 = vector.broadcast %squeeze3A_200 : f32 to vector<16xf32>
        %mul3A_202 = arith.mulf %get3A_198, %mul3A_201 : vector<16xf32>
        %swap3A_203 = arith.index_cast %add3A_194 : i32 to index
        %swap3A_204 = arith.constant 0 : index
        %swap3A_205 = tpu.vector_load %arg10[%swap3A_203, %swap3A_204] {strides = array<i32>} : memref<128x16xf32, #tpu.memory_space<vmem>>, vector<1x16xf32>,
        %swap3A_206 = vector.shape_cast %swap3A_205 : vector<1x16xf32> to vector<16xf32>
        %swap3A_207 = vector.shape_cast %mul3A_202 : vector<16xf32> to vector<1x16xf32>
        tpu.vector_store %arg10[%swap3A_203, %swap3A_204], %swap3A_207 {strides = array<i32>} : memref<128x16xf32, #tpu.memory_space<vmem>>, vector<1x16xf32>,
        %mul3A_208 = arith.constant 16 : i32
        %mul3A_209 = arith.muli %scan3A_53, %mul3A_208 : i32
        %add3A_210 = arith.constant 9 : i32
        %add3A_211 = arith.addi %mul3A_209, %add3A_210 : i32
        %get3A_212 = arith.index_cast %add3A_211 : i32 to index
        %get3A_213 = arith.constant 0 : index
        %get3A_214 = tpu.vector_load %arg10[%get3A_212, %get3A_213] {strides = array<i32>} : memref<128x16xf32, #tpu.memory_space<vmem>>, vector<1x16xf32>,
        %get3A_215 = vector.shape_cast %get3A_214 : vector<1x16xf32> to vector<16xf32>
        %slice3A_216 = vector.extract_strided_slice %get3A_57 {offsets = [9], sizes = [1], strides = [1]} : vector<16xf32> to vector<1xf32>
        %squeeze3A_217 = vector.extract %slice3A_216[0] : f32 from vector<1xf32>
        %mul3A_218 = vector.broadcast %squeeze3A_217 : f32 to vector<16xf32>
        %mul3A_219 = arith.mulf %get3A_215, %mul3A_218 : vector<16xf32>
        %swap3A_220 = arith.index_cast %add3A_211 : i32 to index
        %swap3A_221 = arith.constant 0 : index
        %swap3A_222 = tpu.vector_load %arg10[%swap3A_220, %swap3A_221] {strides = array<i32>} : memref<128x16xf32, #tpu.memory_space<vmem>>, vector<1x16xf32>,
        %swap3A_223 = vector.shape_cast %swap3A_222 : vector<1x16xf32> to vector<16xf32>
        %swap3A_224 = vector.shape_cast %mul3A_219 : vector<16xf32> to vector<1x16xf32>
        tpu.vector_store %arg10[%swap3A_220, %swap3A_221], %swap3A_224 {strides = array<i32>} : memref<128x16xf32, #tpu.memory_space<vmem>>, vector<1x16xf32>,
        %mul3A_225 = arith.constant 16 : i32
        %mul3A_226 = arith.muli %scan3A_53, %mul3A_225 : i32
        %add3A_227 = arith.constant 10 : i32
        %add3A_228 = arith.addi %mul3A_226, %add3A_227 : i32
        %get3A_229 = arith.index_cast %add3A_228 : i32 to index
        %get3A_230 = arith.constant 0 : index
        %get3A_231 = tpu.vector_load %arg10[%get3A_229, %get3A_230] {strides = array<i32>} : memref<128x16xf32, #tpu.memory_space<vmem>>, vector<1x16xf32>,
        %get3A_232 = vector.shape_cast %get3A_231 : vector<1x16xf32> to vector<16xf32>
        %slice3A_233 = vector.extract_strided_slice %get3A_57 {offsets = [10], sizes = [1], strides = [1]} : vector<16xf32> to vector<1xf32>
        %squeeze3A_234 = vector.extract %slice3A_233[0] : f32 from vector<1xf32>
        %mul3A_235 = vector.broadcast %squeeze3A_234 : f32 to vector<16xf32>
        %mul3A_236 = arith.mulf %get3A_232, %mul3A_235 : vector<16xf32>
        %swap3A_237 = arith.index_cast %add3A_228 : i32 to index
        %swap3A_238 = arith.constant 0 : index
        %swap3A_239 = tpu.vector_load %arg10[%swap3A_237, %swap3A_238] {strides = array<i32>} : memref<128x16xf32, #tpu.memory_space<vmem>>, vector<1x16xf32>,
        %swap3A_240 = vector.shape_cast %swap3A_239 : vector<1x16xf32> to vector<16xf32>
        %swap3A_241 = vector.shape_cast %mul3A_236 : vector<16xf32> to vector<1x16xf32>
        tpu.vector_store %arg10[%swap3A_237, %swap3A_238], %swap3A_241 {strides = array<i32>} : memref<128x16xf32, #tpu.memory_space<vmem>>, vector<1x16xf32>,
        %mul3A_242 = arith.constant 16 : i32
        %mul3A_243 = arith.muli %scan3A_53, %mul3A_242 : i32
        %add3A_244 = arith.constant 11 : i32
        %add3A_245 = arith.addi %mul3A_243, %add3A_244 : i32
        %get3A_246 = arith.index_cast %add3A_245 : i32 to index
        %get3A_247 = arith.constant 0 : index
        %get3A_248 = tpu.vector_load %arg10[%get3A_246, %get3A_247] {strides = array<i32>} : memref<128x16xf32, #tpu.memory_space<vmem>>, vector<1x16xf32>,
        %get3A_249 = vector.shape_cast %get3A_248 : vector<1x16xf32> to vector<16xf32>
        %slice3A_250 = vector.extract_strided_slice %get3A_57 {offsets = [11], sizes = [1], strides = [1]} : vector<16xf32> to vector<1xf32>
        %squeeze3A_251 = vector.extract %slice3A_250[0] : f32 from vector<1xf32>
        %mul3A_252 = vector.broadcast %squeeze3A_251 : f32 to vector<16xf32>
        %mul3A_253 = arith.mulf %get3A_249, %mul3A_252 : vector<16xf32>
        %swap3A_254 = arith.index_cast %add3A_245 : i32 to index
        %swap3A_255 = arith.constant 0 : index
        %swap3A_256 = tpu.vector_load %arg10[%swap3A_254, %swap3A_255] {strides = array<i32>} : memref<128x16xf32, #tpu.memory_space<vmem>>, vector<1x16xf32>,
        %swap3A_257 = vector.shape_cast %swap3A_256 : vector<1x16xf32> to vector<16xf32>
        %swap3A_258 = vector.shape_cast %mul3A_253 : vector<16xf32> to vector<1x16xf32>
        tpu.vector_store %arg10[%swap3A_254, %swap3A_255], %swap3A_258 {strides = array<i32>} : memref<128x16xf32, #tpu.memory_space<vmem>>, vector<1x16xf32>,
        %mul3A_259 = arith.constant 16 : i32
        %mul3A_260 = arith.muli %scan3A_53, %mul3A_259 : i32
        %add3A_261 = arith.constant 12 : i32
        %add3A_262 = arith.addi %mul3A_260, %add3A_261 : i32
        %get3A_263 = arith.index_cast %add3A_262 : i32 to index
        %get3A_264 = arith.constant 0 : index
        %get3A_265 = tpu.vector_load %arg10[%get3A_263, %get3A_264] {strides = array<i32>} : memref<128x16xf32, #tpu.memory_space<vmem>>, vector<1x16xf32>,
        %get3A_266 = vector.shape_cast %get3A_265 : vector<1x16xf32> to vector<16xf32>
        %slice3A_267 = vector.extract_strided_slice %get3A_57 {offsets = [12], sizes = [1], strides = [1]} : vector<16xf32> to vector<1xf32>
        %squeeze3A_268 = vector.extract %slice3A_267[0] : f32 from vector<1xf32>
        %mul3A_269 = vector.broadcast %squeeze3A_268 : f32 to vector<16xf32>
        %mul3A_270 = arith.mulf %get3A_266, %mul3A_269 : vector<16xf32>
        %swap3A_271 = arith.index_cast %add3A_262 : i32 to index
        %swap3A_272 = arith.constant 0 : index
        %swap3A_273 = tpu.vector_load %arg10[%swap3A_271, %swap3A_272] {strides = array<i32>} : memref<128x16xf32, #tpu.memory_space<vmem>>, vector<1x16xf32>,
        %swap3A_274 = vector.shape_cast %swap3A_273 : vector<1x16xf32> to vector<16xf32>
        %swap3A_275 = vector.shape_cast %mul3A_270 : vector<16xf32> to vector<1x16xf32>
        tpu.vector_store %arg10[%swap3A_271, %swap3A_272], %swap3A_275 {strides = array<i32>} : memref<128x16xf32, #tpu.memory_space<vmem>>, vector<1x16xf32>,
        %mul3A_276 = arith.constant 16 : i32
        %mul3A_277 = arith.muli %scan3A_53, %mul3A_276 : i32
        %add3A_278 = arith.constant 13 : i32
        %add3A_279 = arith.addi %mul3A_277, %add3A_278 : i32
        %get3A_280 = arith.index_cast %add3A_279 : i32 to index
        %get3A_281 = arith.constant 0 : index
        %get3A_282 = tpu.vector_load %arg10[%get3A_280, %get3A_281] {strides = array<i32>} : memref<128x16xf32, #tpu.memory_space<vmem>>, vector<1x16xf32>,
        %get3A_283 = vector.shape_cast %get3A_282 : vector<1x16xf32> to vector<16xf32>
        %slice3A_284 = vector.extract_strided_slice %get3A_57 {offsets = [13], sizes = [1], strides = [1]} : vector<16xf32> to vector<1xf32>
        %squeeze3A_285 = vector.extract %slice3A_284[0] : f32 from vector<1xf32>
        %mul3A_286 = vector.broadcast %squeeze3A_285 : f32 to vector<16xf32>
        %mul3A_287 = arith.mulf %get3A_283, %mul3A_286 : vector<16xf32>
        %swap3A_288 = arith.index_cast %add3A_279 : i32 to index
        %swap3A_289 = arith.constant 0 : index
        %swap3A_290 = tpu.vector_load %arg10[%swap3A_288, %swap3A_289] {strides = array<i32>} : memref<128x16xf32, #tpu.memory_space<vmem>>, vector<1x16xf32>,
        %swap3A_291 = vector.shape_cast %swap3A_290 : vector<1x16xf32> to vector<16xf32>
        %swap3A_292 = vector.shape_cast %mul3A_287 : vector<16xf32> to vector<1x16xf32>
        tpu.vector_store %arg10[%swap3A_288, %swap3A_289], %swap3A_292 {strides = array<i32>} : memref<128x16xf32, #tpu.memory_space<vmem>>, vector<1x16xf32>,
        %mul3A_293 = arith.constant 16 : i32
        %mul3A_294 = arith.muli %scan3A_53, %mul3A_293 : i32
        %add3A_295 = arith.constant 14 : i32
        %add3A_296 = arith.addi %mul3A_294, %add3A_295 : i32
        %get3A_297 = arith.index_cast %add3A_296 : i32 to index
        %get3A_298 = arith.constant 0 : index
        %get3A_299 = tpu.vector_load %arg10[%get3A_297, %get3A_298] {strides = array<i32>} : memref<128x16xf32, #tpu.memory_space<vmem>>, vector<1x16xf32>,
        %get3A_300 = vector.shape_cast %get3A_299 : vector<1x16xf32> to vector<16xf32>
        %slice3A_301 = vector.extract_strided_slice %get3A_57 {offsets = [14], sizes = [1], strides = [1]} : vector<16xf32> to vector<1xf32>
        %squeeze3A_302 = vector.extract %slice3A_301[0] : f32 from vector<1xf32>
        %mul3A_303 = vector.broadcast %squeeze3A_302 : f32 to vector<16xf32>
        %mul3A_304 = arith.mulf %get3A_300, %mul3A_303 : vector<16xf32>
        %swap3A_305 = arith.index_cast %add3A_296 : i32 to index
        %swap3A_306 = arith.constant 0 : index
        %swap3A_307 = tpu.vector_load %arg10[%swap3A_305, %swap3A_306] {strides = array<i32>} : memref<128x16xf32, #tpu.memory_space<vmem>>, vector<1x16xf32>,
        %swap3A_308 = vector.shape_cast %swap3A_307 : vector<1x16xf32> to vector<16xf32>
        %swap3A_309 = vector.shape_cast %mul3A_304 : vector<16xf32> to vector<1x16xf32>
        tpu.vector_store %arg10[%swap3A_305, %swap3A_306], %swap3A_309 {strides = array<i32>} : memref<128x16xf32, #tpu.memory_space<vmem>>, vector<1x16xf32>,
        %mul3A_310 = arith.constant 16 : i32
        %mul3A_311 = arith.muli %scan3A_53, %mul3A_310 : i32
        %add3A_312 = arith.constant 15 : i32
        %add3A_313 = arith.addi %mul3A_311, %add3A_312 : i32
        %get3A_314 = arith.index_cast %add3A_313 : i32 to index
        %get3A_315 = arith.constant 0 : index
        %get3A_316 = tpu.vector_load %arg10[%get3A_314, %get3A_315] {strides = array<i32>} : memref<128x16xf32, #tpu.memory_space<vmem>>, vector<1x16xf32>,
        %get3A_317 = vector.shape_cast %get3A_316 : vector<1x16xf32> to vector<16xf32>
        %slice3A_318 = vector.extract_strided_slice %get3A_57 {offsets = [15], sizes = [1], strides = [1]} : vector<16xf32> to vector<1xf32>
        %squeeze3A_319 = vector.extract %slice3A_318[0] : f32 from vector<1xf32>
        %mul3A_320 = vector.broadcast %squeeze3A_319 : f32 to vector<16xf32>
        %mul3A_321 = arith.mulf %get3A_317, %mul3A_320 : vector<16xf32>
        %swap3A_322 = arith.index_cast %add3A_313 : i32 to index
        %swap3A_323 = arith.constant 0 : index
        %swap3A_324 = tpu.vector_load %arg10[%swap3A_322, %swap3A_323] {strides = array<i32>} : memref<128x16xf32, #tpu.memory_space<vmem>>, vector<1x16xf32>,
        %swap3A_325 = vector.shape_cast %swap3A_324 : vector<1x16xf32> to vector<16xf32>
        %swap3A_326 = vector.shape_cast %mul3A_321 : vector<16xf32> to vector<1x16xf32>
        tpu.vector_store %arg10[%swap3A_322, %swap3A_323], %swap3A_326 {strides = array<i32>} : memref<128x16xf32, #tpu.memory_space<vmem>>, vector<1x16xf32>,
      }
      %scan3A_52 = arith.constant 8 : i32
      "tpu.region"() ({
        %run_scoped3A = tpu.sem_alloc : memref<!tpu.dma_semaphore, #tpu.memory_space<semaphore_mem>>
        %dma_start3A_53 = arith.constant 0 : i32
        %dma_start3A_54 = arith.constant 0 : i32
        %dma_start3A_55 = tpu.memref_slice %arg11[%dma_start3A_53, %dma_start3A_54] : memref<10240x16xf32, #tpu.memory_space<vmem_shared>> -> memref<10240x16xf32, #tpu.memory_space<vmem_shared>>
        tpu.enqueue_indirect_dma source(%arg10 : memref<128x16xf32, #tpu.memory_space<vmem>>) target(%dma_start3A_55 : memref<10240x16xf32, #tpu.memory_space<vmem_shared>>) offsets(%arg8 : memref<128xi32, #tpu.memory_space<vmem>>) semaphore(%run_scoped3A : memref<!tpu.dma_semaphore, #tpu.memory_space<semaphore_mem>>) {add = true}
        %dma_wait3A_56 = arith.constant 0 : i32
        %dma_wait3A_57 = arith.constant 0 : i32
        %dma_wait3A_58 = tpu.memref_slice %arg11[%dma_wait3A_56, %dma_wait3A_57] : memref<10240x16xf32, #tpu.memory_space<vmem_shared>> -> memref<10240x16xf32, #tpu.memory_space<vmem_shared>>
        tpu.wait_indirect_dma semaphore(%run_scoped3A : memref<!tpu.dma_semaphore, #tpu.memory_space<semaphore_mem>>) src(%arg10 : memref<128x16xf32, #tpu.memory_space<vmem>>) dst(%dma_wait3A_58 : memref<10240x16xf32, #tpu.memory_space<vmem_shared>>)
        tpu.yield
      }) : () -> ()
    }
    %scan3A_33 = arith.constant 40 : i32
    %barrier3A_34 = arith.constant 0 : index
    tpu.barrier barrier_id(%barrier3A_34)
    %mul3A_35 = arith.constant 640 : i32
    %mul3A_36 = arith.muli %arg1, %mul3A_35 : i32
    %mul3A_37 = arith.constant 640 : i32
    %mul3A_38 = arith.muli %arg1, %mul3A_37 : i32
    "tpu.region"() ({
      %run_scoped3A = tpu.sem_alloc : memref<!tpu.dma_semaphore, #tpu.memory_space<semaphore_mem>>
      %dma_start3A = arith.constant 0 : i32
      %dma_start3A_39 = tpu.memref_slice %arg6[%arg0, %mul3A_38, %dma_start3A] : memref<2x10240x16xf32, #tpu.memory_space<hbm>> -> memref<1x640x16xf32, #tpu.memory_space<hbm>>
      %dma_start3A_40 = tpu.memref_squeeze %dma_start3A_39 : memref<1x640x16xf32, #tpu.memory_space<hbm>> -> memref<640x16xf32, #tpu.memory_space<hbm>>
      %dma_start3A_41 = arith.constant 0 : i32
      %dma_start3A_42 = tpu.memref_slice %arg11[%mul3A_36, %dma_start3A_41] : memref<10240x16xf32, #tpu.memory_space<vmem_shared>> -> memref<640x16xf32, #tpu.memory_space<vmem_shared>>
      tpu.enqueue_dma source(%dma_start3A_42 : memref<640x16xf32, #tpu.memory_space<vmem_shared>>) target(%dma_start3A_40 : memref<640x16xf32, #tpu.memory_space<hbm>>) target_semaphore(%run_scoped3A : memref<!tpu.dma_semaphore, #tpu.memory_space<semaphore_mem>>)
      %dma_wait3A = arith.constant 0 : i32
      %dma_wait3A_43 = tpu.memref_slice %arg6[%arg0, %mul3A_38, %dma_wait3A] : memref<2x10240x16xf32, #tpu.memory_space<hbm>> -> memref<1x640x16xf32, #tpu.memory_space<hbm>>
      %dma_wait3A_44 = tpu.memref_squeeze %dma_wait3A_43 : memref<1x640x16xf32, #tpu.memory_space<hbm>> -> memref<640x16xf32, #tpu.memory_space<hbm>>
      %dma_wait3A_45 = arith.constant 0 : i32
      %dma_wait3A_46 = tpu.memref_slice %arg11[%mul3A_36, %dma_wait3A_45] : memref<10240x16xf32, #tpu.memory_space<vmem_shared>> -> memref<640x16xf32, #tpu.memory_space<vmem_shared>>
      tpu.wait_dma2 semaphore(%run_scoped3A : memref<!tpu.dma_semaphore, #tpu.memory_space<semaphore_mem>>) src(%dma_wait3A_46 : memref<640x16xf32, #tpu.memory_space<vmem_shared>>) dst(%dma_wait3A_44 : memref<640x16xf32, #tpu.memory_space<hbm>>)
      tpu.yield
    }) : () -> ()
    return
  }
}

#map = affine_map<(d0, d1) -> (0, 0)>
#map1 = affine_map<(d0, d1) -> (0)>
#map2 = affine_map<(d0, d1) -> (0, 0, 0)>
module attributes {stable_mosaic.version = 14 : i64} {
  func.func @_msg_sc(%arg0: i32, %arg1: i32, %arg2: memref<10240x16xf32, #tpu.memory_space<hbm>>, %arg3: memref<163840xi32, #tpu.memory_space<hbm>>, %arg4: memref<163840xi32, #tpu.memory_space<hbm>>, %arg5: memref<163840xf32, #tpu.memory_space<hbm>>, %arg6: memref<2x10240x16xf32, #tpu.memory_space<hbm>>, %arg7: memref<128xi32, #tpu.memory_space<vmem>>, %arg8: memref<128xi32, #tpu.memory_space<vmem>>, %arg9: memref<128xf32, #tpu.memory_space<vmem>>, %arg10: memref<128x16xf32, #tpu.memory_space<vmem>>, %arg11: memref<10240x16xf32, #tpu.memory_space<vmem_shared>>, %arg12: memref<!tpu.dma_semaphore, #tpu.memory_space<semaphore_mem>>) attributes {dimension_semantics = [#tpu.dimension_semantics<core_parallel>, #tpu.dimension_semantics<subcore_parallel>], iteration_bounds = array<i64: 2, 16>, scalar_prefetch = 0 : i64, scratch_operands = 6 : i64, tpu.core_type = #tpu.core_type<sc_vector_subcore>, window_params = [{transform_indices = #map}, {transform_indices = #map1}, {transform_indices = #map1}, {transform_indices = #map1}, {transform_indices = #map2}]} {
    %mul3A = arith.constant 16 : i32
    %mul3A_0 = arith.muli %arg0, %mul3A : i32
    %add3A = arith.addi %mul3A_0, %arg1 : i32
    %scan3A = arith.constant 0 : i32
    %scan3A_1 = arith.constant 0 : i32
    %scan3A_2 = arith.constant 128 : i32
    %scan3A_3 = arith.addi %scan3A_1, %scan3A_2 : i32
    %scan3A_4 = arith.constant 1 : i32
    scf.for %scan3A_39 = %scan3A_1 to %scan3A_3 step %scan3A_4  : i32 {
      %broadcast_in_dim3A = arith.constant 0.000000e+00 : f32
      %broadcast_in_dim3A_40 = vector.broadcast %broadcast_in_dim3A : f32 to vector<16xf32>
      %swap3A = arith.index_cast %scan3A_39 : i32 to index
      %swap3A_41 = arith.constant 0 : index
      %swap3A_42 = tpu.vector_load %arg10[%swap3A, %swap3A_41] {strides = array<i32>} : memref<128x16xf32, #tpu.memory_space<vmem>>, vector<1x16xf32>,
      %swap3A_43 = vector.shape_cast %swap3A_42 : vector<1x16xf32> to vector<16xf32>
      %swap3A_44 = vector.shape_cast %broadcast_in_dim3A_40 : vector<16xf32> to vector<1x16xf32>
      tpu.vector_store %arg10[%swap3A, %swap3A_41], %swap3A_44 {strides = array<i32>} : memref<128x16xf32, #tpu.memory_space<vmem>>, vector<1x16xf32>,
    }
    %scan3A_5 = arith.constant 128 : i32
    %mul3A_6 = arith.constant 640 : i32
    %mul3A_7 = arith.muli %arg1, %mul3A_6 : i32
    %add3A_8 = arith.constant 0 : i32
    %add3A_9 = arith.addi %mul3A_7, %add3A_8 : i32
    "tpu.region"() ({
      %run_scoped3A = tpu.sem_alloc : memref<!tpu.dma_semaphore, #tpu.memory_space<semaphore_mem>>
      %dma_start3A = arith.constant 0 : i32
      %dma_start3A_39 = tpu.memref_slice %arg11[%add3A_9, %dma_start3A] : memref<10240x16xf32, #tpu.memory_space<vmem_shared>> -> memref<128x16xf32, #tpu.memory_space<vmem_shared>>
      %dma_start3A_40 = arith.constant 0 : i32
      %dma_start3A_41 = tpu.memref_slice %arg11[%add3A_9, %dma_start3A_40] : memref<10240x16xf32, #tpu.memory_space<vmem_shared>> -> memref<128x16xf32, #tpu.memory_space<vmem_shared>>
      tpu.enqueue_dma source(%arg10 : memref<128x16xf32, #tpu.memory_space<vmem>>) target(%dma_start3A_41 : memref<128x16xf32, #tpu.memory_space<vmem_shared>>) target_semaphore(%run_scoped3A : memref<!tpu.dma_semaphore, #tpu.memory_space<semaphore_mem>>)
      %dma_wait3A = arith.constant 0 : i32
      %dma_wait3A_42 = tpu.memref_slice %arg11[%add3A_9, %dma_wait3A] : memref<10240x16xf32, #tpu.memory_space<vmem_shared>> -> memref<128x16xf32, #tpu.memory_space<vmem_shared>>
      %dma_wait3A_43 = arith.constant 0 : i32
      %dma_wait3A_44 = tpu.memref_slice %arg11[%add3A_9, %dma_wait3A_43] : memref<10240x16xf32, #tpu.memory_space<vmem_shared>> -> memref<128x16xf32, #tpu.memory_space<vmem_shared>>
      tpu.wait_dma2 semaphore(%run_scoped3A : memref<!tpu.dma_semaphore, #tpu.memory_space<semaphore_mem>>) src(%arg10 : memref<128x16xf32, #tpu.memory_space<vmem>>) dst(%dma_wait3A_44 : memref<128x16xf32, #tpu.memory_space<vmem_shared>>)
      tpu.yield
    }) : () -> ()
    %mul3A_10 = arith.constant 640 : i32
    %mul3A_11 = arith.muli %arg1, %mul3A_10 : i32
    %add3A_12 = arith.constant 128 : i32
    %add3A_13 = arith.addi %mul3A_11, %add3A_12 : i32
    "tpu.region"() ({
      %run_scoped3A = tpu.sem_alloc : memref<!tpu.dma_semaphore, #tpu.memory_space<semaphore_mem>>
      %dma_start3A = arith.constant 0 : i32
      %dma_start3A_39 = tpu.memref_slice %arg11[%add3A_13, %dma_start3A] : memref<10240x16xf32, #tpu.memory_space<vmem_shared>> -> memref<128x16xf32, #tpu.memory_space<vmem_shared>>
      %dma_start3A_40 = arith.constant 0 : i32
      %dma_start3A_41 = tpu.memref_slice %arg11[%add3A_13, %dma_start3A_40] : memref<10240x16xf32, #tpu.memory_space<vmem_shared>> -> memref<128x16xf32, #tpu.memory_space<vmem_shared>>
      tpu.enqueue_dma source(%arg10 : memref<128x16xf32, #tpu.memory_space<vmem>>) target(%dma_start3A_41 : memref<128x16xf32, #tpu.memory_space<vmem_shared>>) target_semaphore(%run_scoped3A : memref<!tpu.dma_semaphore, #tpu.memory_space<semaphore_mem>>)
      %dma_wait3A = arith.constant 0 : i32
      %dma_wait3A_42 = tpu.memref_slice %arg11[%add3A_13, %dma_wait3A] : memref<10240x16xf32, #tpu.memory_space<vmem_shared>> -> memref<128x16xf32, #tpu.memory_space<vmem_shared>>
      %dma_wait3A_43 = arith.constant 0 : i32
      %dma_wait3A_44 = tpu.memref_slice %arg11[%add3A_13, %dma_wait3A_43] : memref<10240x16xf32, #tpu.memory_space<vmem_shared>> -> memref<128x16xf32, #tpu.memory_space<vmem_shared>>
      tpu.wait_dma2 semaphore(%run_scoped3A : memref<!tpu.dma_semaphore, #tpu.memory_space<semaphore_mem>>) src(%arg10 : memref<128x16xf32, #tpu.memory_space<vmem>>) dst(%dma_wait3A_44 : memref<128x16xf32, #tpu.memory_space<vmem_shared>>)
      tpu.yield
    }) : () -> ()
    %mul3A_14 = arith.constant 640 : i32
    %mul3A_15 = arith.muli %arg1, %mul3A_14 : i32
    %add3A_16 = arith.constant 256 : i32
    %add3A_17 = arith.addi %mul3A_15, %add3A_16 : i32
    "tpu.region"() ({
      %run_scoped3A = tpu.sem_alloc : memref<!tpu.dma_semaphore, #tpu.memory_space<semaphore_mem>>
      %dma_start3A = arith.constant 0 : i32
      %dma_start3A_39 = tpu.memref_slice %arg11[%add3A_17, %dma_start3A] : memref<10240x16xf32, #tpu.memory_space<vmem_shared>> -> memref<128x16xf32, #tpu.memory_space<vmem_shared>>
      %dma_start3A_40 = arith.constant 0 : i32
      %dma_start3A_41 = tpu.memref_slice %arg11[%add3A_17, %dma_start3A_40] : memref<10240x16xf32, #tpu.memory_space<vmem_shared>> -> memref<128x16xf32, #tpu.memory_space<vmem_shared>>
      tpu.enqueue_dma source(%arg10 : memref<128x16xf32, #tpu.memory_space<vmem>>) target(%dma_start3A_41 : memref<128x16xf32, #tpu.memory_space<vmem_shared>>) target_semaphore(%run_scoped3A : memref<!tpu.dma_semaphore, #tpu.memory_space<semaphore_mem>>)
      %dma_wait3A = arith.constant 0 : i32
      %dma_wait3A_42 = tpu.memref_slice %arg11[%add3A_17, %dma_wait3A] : memref<10240x16xf32, #tpu.memory_space<vmem_shared>> -> memref<128x16xf32, #tpu.memory_space<vmem_shared>>
      %dma_wait3A_43 = arith.constant 0 : i32
      %dma_wait3A_44 = tpu.memref_slice %arg11[%add3A_17, %dma_wait3A_43] : memref<10240x16xf32, #tpu.memory_space<vmem_shared>> -> memref<128x16xf32, #tpu.memory_space<vmem_shared>>
      tpu.wait_dma2 semaphore(%run_scoped3A : memref<!tpu.dma_semaphore, #tpu.memory_space<semaphore_mem>>) src(%arg10 : memref<128x16xf32, #tpu.memory_space<vmem>>) dst(%dma_wait3A_44 : memref<128x16xf32, #tpu.memory_space<vmem_shared>>)
      tpu.yield
    }) : () -> ()
    %mul3A_18 = arith.constant 640 : i32
    %mul3A_19 = arith.muli %arg1, %mul3A_18 : i32
    %add3A_20 = arith.constant 384 : i32
    %add3A_21 = arith.addi %mul3A_19, %add3A_20 : i32
    "tpu.region"() ({
      %run_scoped3A = tpu.sem_alloc : memref<!tpu.dma_semaphore, #tpu.memory_space<semaphore_mem>>
      %dma_start3A = arith.constant 0 : i32
      %dma_start3A_39 = tpu.memref_slice %arg11[%add3A_21, %dma_start3A] : memref<10240x16xf32, #tpu.memory_space<vmem_shared>> -> memref<128x16xf32, #tpu.memory_space<vmem_shared>>
      %dma_start3A_40 = arith.constant 0 : i32
      %dma_start3A_41 = tpu.memref_slice %arg11[%add3A_21, %dma_start3A_40] : memref<10240x16xf32, #tpu.memory_space<vmem_shared>> -> memref<128x16xf32, #tpu.memory_space<vmem_shared>>
      tpu.enqueue_dma source(%arg10 : memref<128x16xf32, #tpu.memory_space<vmem>>) target(%dma_start3A_41 : memref<128x16xf32, #tpu.memory_space<vmem_shared>>) target_semaphore(%run_scoped3A : memref<!tpu.dma_semaphore, #tpu.memory_space<semaphore_mem>>)
      %dma_wait3A = arith.constant 0 : i32
      %dma_wait3A_42 = tpu.memref_slice %arg11[%add3A_21, %dma_wait3A] : memref<10240x16xf32, #tpu.memory_space<vmem_shared>> -> memref<128x16xf32, #tpu.memory_space<vmem_shared>>
      %dma_wait3A_43 = arith.constant 0 : i32
      %dma_wait3A_44 = tpu.memref_slice %arg11[%add3A_21, %dma_wait3A_43] : memref<10240x16xf32, #tpu.memory_space<vmem_shared>> -> memref<128x16xf32, #tpu.memory_space<vmem_shared>>
      tpu.wait_dma2 semaphore(%run_scoped3A : memref<!tpu.dma_semaphore, #tpu.memory_space<semaphore_mem>>) src(%arg10 : memref<128x16xf32, #tpu.memory_space<vmem>>) dst(%dma_wait3A_44 : memref<128x16xf32, #tpu.memory_space<vmem_shared>>)
      tpu.yield
    }) : () -> ()
    %mul3A_22 = arith.constant 640 : i32
    %mul3A_23 = arith.muli %arg1, %mul3A_22 : i32
    %add3A_24 = arith.constant 512 : i32
    %add3A_25 = arith.addi %mul3A_23, %add3A_24 : i32
    "tpu.region"() ({
      %run_scoped3A = tpu.sem_alloc : memref<!tpu.dma_semaphore, #tpu.memory_space<semaphore_mem>>
      %dma_start3A = arith.constant 0 : i32
      %dma_start3A_39 = tpu.memref_slice %arg11[%add3A_25, %dma_start3A] : memref<10240x16xf32, #tpu.memory_space<vmem_shared>> -> memref<128x16xf32, #tpu.memory_space<vmem_shared>>
      %dma_start3A_40 = arith.constant 0 : i32
      %dma_start3A_41 = tpu.memref_slice %arg11[%add3A_25, %dma_start3A_40] : memref<10240x16xf32, #tpu.memory_space<vmem_shared>> -> memref<128x16xf32, #tpu.memory_space<vmem_shared>>
      tpu.enqueue_dma source(%arg10 : memref<128x16xf32, #tpu.memory_space<vmem>>) target(%dma_start3A_41 : memref<128x16xf32, #tpu.memory_space<vmem_shared>>) target_semaphore(%run_scoped3A : memref<!tpu.dma_semaphore, #tpu.memory_space<semaphore_mem>>)
      %dma_wait3A = arith.constant 0 : i32
      %dma_wait3A_42 = tpu.memref_slice %arg11[%add3A_25, %dma_wait3A] : memref<10240x16xf32, #tpu.memory_space<vmem_shared>> -> memref<128x16xf32, #tpu.memory_space<vmem_shared>>
      %dma_wait3A_43 = arith.constant 0 : i32
      %dma_wait3A_44 = tpu.memref_slice %arg11[%add3A_25, %dma_wait3A_43] : memref<10240x16xf32, #tpu.memory_space<vmem_shared>> -> memref<128x16xf32, #tpu.memory_space<vmem_shared>>
      tpu.wait_dma2 semaphore(%run_scoped3A : memref<!tpu.dma_semaphore, #tpu.memory_space<semaphore_mem>>) src(%arg10 : memref<128x16xf32, #tpu.memory_space<vmem>>) dst(%dma_wait3A_44 : memref<128x16xf32, #tpu.memory_space<vmem_shared>>)
      tpu.yield
    }) : () -> ()
    %barrier3A = arith.constant 0 : index
    tpu.barrier barrier_id(%barrier3A)
    %mul3A_26 = arith.constant 5120 : i32
    %mul3A_27 = arith.muli %add3A, %mul3A_26 : i32
    %scan3A_28 = arith.constant 0 : i32
    %scan3A_29 = arith.constant 0 : i32
    %scan3A_30 = arith.constant 40 : i32
    %scan3A_31 = arith.addi %scan3A_29, %scan3A_30 : i32
    %scan3A_32 = arith.constant 1 : i32
    scf.for %scan3A_39 = %scan3A_29 to %scan3A_31 step %scan3A_32  : i32 {
      %mul3A_40 = arith.constant 128 : i32
      %mul3A_41 = arith.muli %scan3A_39, %mul3A_40 : i32
      %add3A_42 = arith.addi %mul3A_27, %mul3A_41 : i32
      "tpu.region"() ({
        %run_scoped3A = tpu.sem_alloc : memref<!tpu.dma_semaphore, #tpu.memory_space<semaphore_mem>>
        %dma_start3A_53 = tpu.memref_slice %arg3[%add3A_42] : memref<163840xi32, #tpu.memory_space<hbm>> -> memref<128xi32, #tpu.memory_space<hbm>>
        %dma_start3A_54 = tpu.memref_slice %arg3[%add3A_42] : memref<163840xi32, #tpu.memory_space<hbm>> -> memref<128xi32, #tpu.memory_space<hbm>>
        tpu.enqueue_dma source(%dma_start3A_54 : memref<128xi32, #tpu.memory_space<hbm>>) target(%arg7 : memref<128xi32, #tpu.memory_space<vmem>>) target_semaphore(%run_scoped3A : memref<!tpu.dma_semaphore, #tpu.memory_space<semaphore_mem>>)
        %dma_wait3A_55 = tpu.memref_slice %arg3[%add3A_42] : memref<163840xi32, #tpu.memory_space<hbm>> -> memref<128xi32, #tpu.memory_space<hbm>>
        %dma_wait3A_56 = tpu.memref_slice %arg3[%add3A_42] : memref<163840xi32, #tpu.memory_space<hbm>> -> memref<128xi32, #tpu.memory_space<hbm>>
        tpu.wait_dma2 semaphore(%run_scoped3A : memref<!tpu.dma_semaphore, #tpu.memory_space<semaphore_mem>>) src(%dma_wait3A_56 : memref<128xi32, #tpu.memory_space<hbm>>) dst(%arg7 : memref<128xi32, #tpu.memory_space<vmem>>)
        tpu.yield
      }) : () -> ()
      "tpu.region"() ({
        %run_scoped3A = tpu.sem_alloc : memref<!tpu.dma_semaphore, #tpu.memory_space<semaphore_mem>>
        %dma_start3A_53 = tpu.memref_slice %arg4[%add3A_42] : memref<163840xi32, #tpu.memory_space<hbm>> -> memref<128xi32, #tpu.memory_space<hbm>>
        %dma_start3A_54 = tpu.memref_slice %arg4[%add3A_42] : memref<163840xi32, #tpu.memory_space<hbm>> -> memref<128xi32, #tpu.memory_space<hbm>>
        tpu.enqueue_dma source(%dma_start3A_54 : memref<128xi32, #tpu.memory_space<hbm>>) target(%arg8 : memref<128xi32, #tpu.memory_space<vmem>>) target_semaphore(%run_scoped3A : memref<!tpu.dma_semaphore, #tpu.memory_space<semaphore_mem>>)
        %dma_wait3A_55 = tpu.memref_slice %arg4[%add3A_42] : memref<163840xi32, #tpu.memory_space<hbm>> -> memref<128xi32, #tpu.memory_space<hbm>>
        %dma_wait3A_56 = tpu.memref_slice %arg4[%add3A_42] : memref<163840xi32, #tpu.memory_space<hbm>> -> memref<128xi32, #tpu.memory_space<hbm>>
        tpu.wait_dma2 semaphore(%run_scoped3A : memref<!tpu.dma_semaphore, #tpu.memory_space<semaphore_mem>>) src(%dma_wait3A_56 : memref<128xi32, #tpu.memory_space<hbm>>) dst(%arg8 : memref<128xi32, #tpu.memory_space<vmem>>)
        tpu.yield
      }) : () -> ()
      "tpu.region"() ({
        %run_scoped3A = tpu.sem_alloc : memref<!tpu.dma_semaphore, #tpu.memory_space<semaphore_mem>>
        %dma_start3A_53 = tpu.memref_slice %arg5[%add3A_42] : memref<163840xf32, #tpu.memory_space<hbm>> -> memref<128xf32, #tpu.memory_space<hbm>>
        %dma_start3A_54 = tpu.memref_slice %arg5[%add3A_42] : memref<163840xf32, #tpu.memory_space<hbm>> -> memref<128xf32, #tpu.memory_space<hbm>>
        tpu.enqueue_dma source(%dma_start3A_54 : memref<128xf32, #tpu.memory_space<hbm>>) target(%arg9 : memref<128xf32, #tpu.memory_space<vmem>>) target_semaphore(%run_scoped3A : memref<!tpu.dma_semaphore, #tpu.memory_space<semaphore_mem>>)
        %dma_wait3A_55 = tpu.memref_slice %arg5[%add3A_42] : memref<163840xf32, #tpu.memory_space<hbm>> -> memref<128xf32, #tpu.memory_space<hbm>>
        %dma_wait3A_56 = tpu.memref_slice %arg5[%add3A_42] : memref<163840xf32, #tpu.memory_space<hbm>> -> memref<128xf32, #tpu.memory_space<hbm>>
        tpu.wait_dma2 semaphore(%run_scoped3A : memref<!tpu.dma_semaphore, #tpu.memory_space<semaphore_mem>>) src(%dma_wait3A_56 : memref<128xf32, #tpu.memory_space<hbm>>) dst(%arg9 : memref<128xf32, #tpu.memory_space<vmem>>)
        tpu.yield
      }) : () -> ()
      %dma_start3A = arith.constant 0 : i32
      %dma_start3A_43 = arith.constant 0 : i32
      %dma_start3A_44 = tpu.memref_slice %arg2[%dma_start3A, %dma_start3A_43] : memref<10240x16xf32, #tpu.memory_space<hbm>> -> memref<10240x16xf32, #tpu.memory_space<hbm>>
      tpu.enqueue_indirect_dma source(%dma_start3A_44 : memref<10240x16xf32, #tpu.memory_space<hbm>>) target(%arg10 : memref<128x16xf32, #tpu.memory_space<vmem>>) offsets(%arg7 : memref<128xi32, #tpu.memory_space<vmem>>) semaphore(%arg12 : memref<!tpu.dma_semaphore, #tpu.memory_space<semaphore_mem>>)
      %dma_wait3A = arith.constant 0 : i32
      %dma_wait3A_45 = arith.constant 0 : i32
      %dma_wait3A_46 = tpu.memref_slice %arg2[%dma_wait3A, %dma_wait3A_45] : memref<10240x16xf32, #tpu.memory_space<hbm>> -> memref<10240x16xf32, #tpu.memory_space<hbm>>
      tpu.wait_indirect_dma semaphore(%arg12 : memref<!tpu.dma_semaphore, #tpu.memory_space<semaphore_mem>>) src(%dma_wait3A_46 : memref<10240x16xf32, #tpu.memory_space<hbm>>) dst(%arg10 : memref<128x16xf32, #tpu.memory_space<vmem>>)
      %scan3A_47 = arith.constant 0 : i32
      %scan3A_48 = arith.constant 0 : i32
      %scan3A_49 = arith.constant 8 : i32
      %scan3A_50 = arith.addi %scan3A_48, %scan3A_49 : i32
      %scan3A_51 = arith.constant 1 : i32
      scf.for %scan3A_53 = %scan3A_48 to %scan3A_50 step %scan3A_51  : i32 {
        %mul3A_54 = arith.constant 16 : i32
        %mul3A_55 = arith.muli %scan3A_53, %mul3A_54 : i32
        %get3A = arith.index_cast %mul3A_55 : i32 to index
        %get3A_56 = tpu.vector_load %arg9[%get3A] {strides = array<i32>} : memref<128xf32, #tpu.memory_space<vmem>>, vector<16xf32>,
        %get3A_57 = vector.shape_cast %get3A_56 : vector<16xf32> to vector<16xf32>
        %mul3A_58 = arith.constant 16 : i32
        %mul3A_59 = arith.muli %scan3A_53, %mul3A_58 : i32
        %add3A_60 = arith.constant 0 : i32
        %add3A_61 = arith.addi %mul3A_59, %add3A_60 : i32
        %get3A_62 = arith.index_cast %add3A_61 : i32 to index
        %get3A_63 = arith.constant 0 : index
        %get3A_64 = tpu.vector_load %arg10[%get3A_62, %get3A_63] {strides = array<i32>} : memref<128x16xf32, #tpu.memory_space<vmem>>, vector<1x16xf32>,
        %get3A_65 = vector.shape_cast %get3A_64 : vector<1x16xf32> to vector<16xf32>
        %slice3A = vector.extract_strided_slice %get3A_57 {offsets = [0], sizes = [1], strides = [1]} : vector<16xf32> to vector<1xf32>
        %squeeze3A = vector.extract %slice3A[0] : f32 from vector<1xf32>
        %mul3A_66 = vector.broadcast %squeeze3A : f32 to vector<16xf32>
        %mul3A_67 = arith.mulf %get3A_65, %mul3A_66 : vector<16xf32>
        %swap3A = arith.index_cast %add3A_61 : i32 to index
        %swap3A_68 = arith.constant 0 : index
        %swap3A_69 = tpu.vector_load %arg10[%swap3A, %swap3A_68] {strides = array<i32>} : memref<128x16xf32, #tpu.memory_space<vmem>>, vector<1x16xf32>,
        %swap3A_70 = vector.shape_cast %swap3A_69 : vector<1x16xf32> to vector<16xf32>
        %swap3A_71 = vector.shape_cast %mul3A_67 : vector<16xf32> to vector<1x16xf32>
        tpu.vector_store %arg10[%swap3A, %swap3A_68], %swap3A_71 {strides = array<i32>} : memref<128x16xf32, #tpu.memory_space<vmem>>, vector<1x16xf32>,
        %mul3A_72 = arith.constant 16 : i32
        %mul3A_73 = arith.muli %scan3A_53, %mul3A_72 : i32
        %add3A_74 = arith.constant 1 : i32
        %add3A_75 = arith.addi %mul3A_73, %add3A_74 : i32
        %get3A_76 = arith.index_cast %add3A_75 : i32 to index
        %get3A_77 = arith.constant 0 : index
        %get3A_78 = tpu.vector_load %arg10[%get3A_76, %get3A_77] {strides = array<i32>} : memref<128x16xf32, #tpu.memory_space<vmem>>, vector<1x16xf32>,
        %get3A_79 = vector.shape_cast %get3A_78 : vector<1x16xf32> to vector<16xf32>
        %slice3A_80 = vector.extract_strided_slice %get3A_57 {offsets = [1], sizes = [1], strides = [1]} : vector<16xf32> to vector<1xf32>
        %squeeze3A_81 = vector.extract %slice3A_80[0] : f32 from vector<1xf32>
        %mul3A_82 = vector.broadcast %squeeze3A_81 : f32 to vector<16xf32>
        %mul3A_83 = arith.mulf %get3A_79, %mul3A_82 : vector<16xf32>
        %swap3A_84 = arith.index_cast %add3A_75 : i32 to index
        %swap3A_85 = arith.constant 0 : index
        %swap3A_86 = tpu.vector_load %arg10[%swap3A_84, %swap3A_85] {strides = array<i32>} : memref<128x16xf32, #tpu.memory_space<vmem>>, vector<1x16xf32>,
        %swap3A_87 = vector.shape_cast %swap3A_86 : vector<1x16xf32> to vector<16xf32>
        %swap3A_88 = vector.shape_cast %mul3A_83 : vector<16xf32> to vector<1x16xf32>
        tpu.vector_store %arg10[%swap3A_84, %swap3A_85], %swap3A_88 {strides = array<i32>} : memref<128x16xf32, #tpu.memory_space<vmem>>, vector<1x16xf32>,
        %mul3A_89 = arith.constant 16 : i32
        %mul3A_90 = arith.muli %scan3A_53, %mul3A_89 : i32
        %add3A_91 = arith.constant 2 : i32
        %add3A_92 = arith.addi %mul3A_90, %add3A_91 : i32
        %get3A_93 = arith.index_cast %add3A_92 : i32 to index
        %get3A_94 = arith.constant 0 : index
        %get3A_95 = tpu.vector_load %arg10[%get3A_93, %get3A_94] {strides = array<i32>} : memref<128x16xf32, #tpu.memory_space<vmem>>, vector<1x16xf32>,
        %get3A_96 = vector.shape_cast %get3A_95 : vector<1x16xf32> to vector<16xf32>
        %slice3A_97 = vector.extract_strided_slice %get3A_57 {offsets = [2], sizes = [1], strides = [1]} : vector<16xf32> to vector<1xf32>
        %squeeze3A_98 = vector.extract %slice3A_97[0] : f32 from vector<1xf32>
        %mul3A_99 = vector.broadcast %squeeze3A_98 : f32 to vector<16xf32>
        %mul3A_100 = arith.mulf %get3A_96, %mul3A_99 : vector<16xf32>
        %swap3A_101 = arith.index_cast %add3A_92 : i32 to index
        %swap3A_102 = arith.constant 0 : index
        %swap3A_103 = tpu.vector_load %arg10[%swap3A_101, %swap3A_102] {strides = array<i32>} : memref<128x16xf32, #tpu.memory_space<vmem>>, vector<1x16xf32>,
        %swap3A_104 = vector.shape_cast %swap3A_103 : vector<1x16xf32> to vector<16xf32>
        %swap3A_105 = vector.shape_cast %mul3A_100 : vector<16xf32> to vector<1x16xf32>
        tpu.vector_store %arg10[%swap3A_101, %swap3A_102], %swap3A_105 {strides = array<i32>} : memref<128x16xf32, #tpu.memory_space<vmem>>, vector<1x16xf32>,
        %mul3A_106 = arith.constant 16 : i32
        %mul3A_107 = arith.muli %scan3A_53, %mul3A_106 : i32
        %add3A_108 = arith.constant 3 : i32
        %add3A_109 = arith.addi %mul3A_107, %add3A_108 : i32
        %get3A_110 = arith.index_cast %add3A_109 : i32 to index
        %get3A_111 = arith.constant 0 : index
        %get3A_112 = tpu.vector_load %arg10[%get3A_110, %get3A_111] {strides = array<i32>} : memref<128x16xf32, #tpu.memory_space<vmem>>, vector<1x16xf32>,
        %get3A_113 = vector.shape_cast %get3A_112 : vector<1x16xf32> to vector<16xf32>
        %slice3A_114 = vector.extract_strided_slice %get3A_57 {offsets = [3], sizes = [1], strides = [1]} : vector<16xf32> to vector<1xf32>
        %squeeze3A_115 = vector.extract %slice3A_114[0] : f32 from vector<1xf32>
        %mul3A_116 = vector.broadcast %squeeze3A_115 : f32 to vector<16xf32>
        %mul3A_117 = arith.mulf %get3A_113, %mul3A_116 : vector<16xf32>
        %swap3A_118 = arith.index_cast %add3A_109 : i32 to index
        %swap3A_119 = arith.constant 0 : index
        %swap3A_120 = tpu.vector_load %arg10[%swap3A_118, %swap3A_119] {strides = array<i32>} : memref<128x16xf32, #tpu.memory_space<vmem>>, vector<1x16xf32>,
        %swap3A_121 = vector.shape_cast %swap3A_120 : vector<1x16xf32> to vector<16xf32>
        %swap3A_122 = vector.shape_cast %mul3A_117 : vector<16xf32> to vector<1x16xf32>
        tpu.vector_store %arg10[%swap3A_118, %swap3A_119], %swap3A_122 {strides = array<i32>} : memref<128x16xf32, #tpu.memory_space<vmem>>, vector<1x16xf32>,
        %mul3A_123 = arith.constant 16 : i32
        %mul3A_124 = arith.muli %scan3A_53, %mul3A_123 : i32
        %add3A_125 = arith.constant 4 : i32
        %add3A_126 = arith.addi %mul3A_124, %add3A_125 : i32
        %get3A_127 = arith.index_cast %add3A_126 : i32 to index
        %get3A_128 = arith.constant 0 : index
        %get3A_129 = tpu.vector_load %arg10[%get3A_127, %get3A_128] {strides = array<i32>} : memref<128x16xf32, #tpu.memory_space<vmem>>, vector<1x16xf32>,
        %get3A_130 = vector.shape_cast %get3A_129 : vector<1x16xf32> to vector<16xf32>
        %slice3A_131 = vector.extract_strided_slice %get3A_57 {offsets = [4], sizes = [1], strides = [1]} : vector<16xf32> to vector<1xf32>
        %squeeze3A_132 = vector.extract %slice3A_131[0] : f32 from vector<1xf32>
        %mul3A_133 = vector.broadcast %squeeze3A_132 : f32 to vector<16xf32>
        %mul3A_134 = arith.mulf %get3A_130, %mul3A_133 : vector<16xf32>
        %swap3A_135 = arith.index_cast %add3A_126 : i32 to index
        %swap3A_136 = arith.constant 0 : index
        %swap3A_137 = tpu.vector_load %arg10[%swap3A_135, %swap3A_136] {strides = array<i32>} : memref<128x16xf32, #tpu.memory_space<vmem>>, vector<1x16xf32>,
        %swap3A_138 = vector.shape_cast %swap3A_137 : vector<1x16xf32> to vector<16xf32>
        %swap3A_139 = vector.shape_cast %mul3A_134 : vector<16xf32> to vector<1x16xf32>
        tpu.vector_store %arg10[%swap3A_135, %swap3A_136], %swap3A_139 {strides = array<i32>} : memref<128x16xf32, #tpu.memory_space<vmem>>, vector<1x16xf32>,
        %mul3A_140 = arith.constant 16 : i32
        %mul3A_141 = arith.muli %scan3A_53, %mul3A_140 : i32
        %add3A_142 = arith.constant 5 : i32
        %add3A_143 = arith.addi %mul3A_141, %add3A_142 : i32
        %get3A_144 = arith.index_cast %add3A_143 : i32 to index
        %get3A_145 = arith.constant 0 : index
        %get3A_146 = tpu.vector_load %arg10[%get3A_144, %get3A_145] {strides = array<i32>} : memref<128x16xf32, #tpu.memory_space<vmem>>, vector<1x16xf32>,
        %get3A_147 = vector.shape_cast %get3A_146 : vector<1x16xf32> to vector<16xf32>
        %slice3A_148 = vector.extract_strided_slice %get3A_57 {offsets = [5], sizes = [1], strides = [1]} : vector<16xf32> to vector<1xf32>
        %squeeze3A_149 = vector.extract %slice3A_148[0] : f32 from vector<1xf32>
        %mul3A_150 = vector.broadcast %squeeze3A_149 : f32 to vector<16xf32>
        %mul3A_151 = arith.mulf %get3A_147, %mul3A_150 : vector<16xf32>
        %swap3A_152 = arith.index_cast %add3A_143 : i32 to index
        %swap3A_153 = arith.constant 0 : index
        %swap3A_154 = tpu.vector_load %arg10[%swap3A_152, %swap3A_153] {strides = array<i32>} : memref<128x16xf32, #tpu.memory_space<vmem>>, vector<1x16xf32>,
        %swap3A_155 = vector.shape_cast %swap3A_154 : vector<1x16xf32> to vector<16xf32>
        %swap3A_156 = vector.shape_cast %mul3A_151 : vector<16xf32> to vector<1x16xf32>
        tpu.vector_store %arg10[%swap3A_152, %swap3A_153], %swap3A_156 {strides = array<i32>} : memref<128x16xf32, #tpu.memory_space<vmem>>, vector<1x16xf32>,
        %mul3A_157 = arith.constant 16 : i32
        %mul3A_158 = arith.muli %scan3A_53, %mul3A_157 : i32
        %add3A_159 = arith.constant 6 : i32
        %add3A_160 = arith.addi %mul3A_158, %add3A_159 : i32
        %get3A_161 = arith.index_cast %add3A_160 : i32 to index
        %get3A_162 = arith.constant 0 : index
        %get3A_163 = tpu.vector_load %arg10[%get3A_161, %get3A_162] {strides = array<i32>} : memref<128x16xf32, #tpu.memory_space<vmem>>, vector<1x16xf32>,
        %get3A_164 = vector.shape_cast %get3A_163 : vector<1x16xf32> to vector<16xf32>
        %slice3A_165 = vector.extract_strided_slice %get3A_57 {offsets = [6], sizes = [1], strides = [1]} : vector<16xf32> to vector<1xf32>
        %squeeze3A_166 = vector.extract %slice3A_165[0] : f32 from vector<1xf32>
        %mul3A_167 = vector.broadcast %squeeze3A_166 : f32 to vector<16xf32>
        %mul3A_168 = arith.mulf %get3A_164, %mul3A_167 : vector<16xf32>
        %swap3A_169 = arith.index_cast %add3A_160 : i32 to index
        %swap3A_170 = arith.constant 0 : index
        %swap3A_171 = tpu.vector_load %arg10[%swap3A_169, %swap3A_170] {strides = array<i32>} : memref<128x16xf32, #tpu.memory_space<vmem>>, vector<1x16xf32>,
        %swap3A_172 = vector.shape_cast %swap3A_171 : vector<1x16xf32> to vector<16xf32>
        %swap3A_173 = vector.shape_cast %mul3A_168 : vector<16xf32> to vector<1x16xf32>
        tpu.vector_store %arg10[%swap3A_169, %swap3A_170], %swap3A_173 {strides = array<i32>} : memref<128x16xf32, #tpu.memory_space<vmem>>, vector<1x16xf32>,
        %mul3A_174 = arith.constant 16 : i32
        %mul3A_175 = arith.muli %scan3A_53, %mul3A_174 : i32
        %add3A_176 = arith.constant 7 : i32
        %add3A_177 = arith.addi %mul3A_175, %add3A_176 : i32
        %get3A_178 = arith.index_cast %add3A_177 : i32 to index
        %get3A_179 = arith.constant 0 : index
        %get3A_180 = tpu.vector_load %arg10[%get3A_178, %get3A_179] {strides = array<i32>} : memref<128x16xf32, #tpu.memory_space<vmem>>, vector<1x16xf32>,
        %get3A_181 = vector.shape_cast %get3A_180 : vector<1x16xf32> to vector<16xf32>
        %slice3A_182 = vector.extract_strided_slice %get3A_57 {offsets = [7], sizes = [1], strides = [1]} : vector<16xf32> to vector<1xf32>
        %squeeze3A_183 = vector.extract %slice3A_182[0] : f32 from vector<1xf32>
        %mul3A_184 = vector.broadcast %squeeze3A_183 : f32 to vector<16xf32>
        %mul3A_185 = arith.mulf %get3A_181, %mul3A_184 : vector<16xf32>
        %swap3A_186 = arith.index_cast %add3A_177 : i32 to index
        %swap3A_187 = arith.constant 0 : index
        %swap3A_188 = tpu.vector_load %arg10[%swap3A_186, %swap3A_187] {strides = array<i32>} : memref<128x16xf32, #tpu.memory_space<vmem>>, vector<1x16xf32>,
        %swap3A_189 = vector.shape_cast %swap3A_188 : vector<1x16xf32> to vector<16xf32>
        %swap3A_190 = vector.shape_cast %mul3A_185 : vector<16xf32> to vector<1x16xf32>
        tpu.vector_store %arg10[%swap3A_186, %swap3A_187], %swap3A_190 {strides = array<i32>} : memref<128x16xf32, #tpu.memory_space<vmem>>, vector<1x16xf32>,
        %mul3A_191 = arith.constant 16 : i32
        %mul3A_192 = arith.muli %scan3A_53, %mul3A_191 : i32
        %add3A_193 = arith.constant 8 : i32
        %add3A_194 = arith.addi %mul3A_192, %add3A_193 : i32
        %get3A_195 = arith.index_cast %add3A_194 : i32 to index
        %get3A_196 = arith.constant 0 : index
        %get3A_197 = tpu.vector_load %arg10[%get3A_195, %get3A_196] {strides = array<i32>} : memref<128x16xf32, #tpu.memory_space<vmem>>, vector<1x16xf32>,
        %get3A_198 = vector.shape_cast %get3A_197 : vector<1x16xf32> to vector<16xf32>
        %slice3A_199 = vector.extract_strided_slice %get3A_57 {offsets = [8], sizes = [1], strides = [1]} : vector<16xf32> to vector<1xf32>
        %squeeze3A_200 = vector.extract %slice3A_199[0] : f32 from vector<1xf32>
        %mul3A_201 = vector.broadcast %squeeze3A_200 : f32 to vector<16xf32>
        %mul3A_202 = arith.mulf %get3A_198, %mul3A_201 : vector<16xf32>
        %swap3A_203 = arith.index_cast %add3A_194 : i32 to index
        %swap3A_204 = arith.constant 0 : index
        %swap3A_205 = tpu.vector_load %arg10[%swap3A_203, %swap3A_204] {strides = array<i32>} : memref<128x16xf32, #tpu.memory_space<vmem>>, vector<1x16xf32>,
        %swap3A_206 = vector.shape_cast %swap3A_205 : vector<1x16xf32> to vector<16xf32>
        %swap3A_207 = vector.shape_cast %mul3A_202 : vector<16xf32> to vector<1x16xf32>
        tpu.vector_store %arg10[%swap3A_203, %swap3A_204], %swap3A_207 {strides = array<i32>} : memref<128x16xf32, #tpu.memory_space<vmem>>, vector<1x16xf32>,
        %mul3A_208 = arith.constant 16 : i32
        %mul3A_209 = arith.muli %scan3A_53, %mul3A_208 : i32
        %add3A_210 = arith.constant 9 : i32
        %add3A_211 = arith.addi %mul3A_209, %add3A_210 : i32
        %get3A_212 = arith.index_cast %add3A_211 : i32 to index
        %get3A_213 = arith.constant 0 : index
        %get3A_214 = tpu.vector_load %arg10[%get3A_212, %get3A_213] {strides = array<i32>} : memref<128x16xf32, #tpu.memory_space<vmem>>, vector<1x16xf32>,
        %get3A_215 = vector.shape_cast %get3A_214 : vector<1x16xf32> to vector<16xf32>
        %slice3A_216 = vector.extract_strided_slice %get3A_57 {offsets = [9], sizes = [1], strides = [1]} : vector<16xf32> to vector<1xf32>
        %squeeze3A_217 = vector.extract %slice3A_216[0] : f32 from vector<1xf32>
        %mul3A_218 = vector.broadcast %squeeze3A_217 : f32 to vector<16xf32>
        %mul3A_219 = arith.mulf %get3A_215, %mul3A_218 : vector<16xf32>
        %swap3A_220 = arith.index_cast %add3A_211 : i32 to index
        %swap3A_221 = arith.constant 0 : index
        %swap3A_222 = tpu.vector_load %arg10[%swap3A_220, %swap3A_221] {strides = array<i32>} : memref<128x16xf32, #tpu.memory_space<vmem>>, vector<1x16xf32>,
        %swap3A_223 = vector.shape_cast %swap3A_222 : vector<1x16xf32> to vector<16xf32>
        %swap3A_224 = vector.shape_cast %mul3A_219 : vector<16xf32> to vector<1x16xf32>
        tpu.vector_store %arg10[%swap3A_220, %swap3A_221], %swap3A_224 {strides = array<i32>} : memref<128x16xf32, #tpu.memory_space<vmem>>, vector<1x16xf32>,
        %mul3A_225 = arith.constant 16 : i32
        %mul3A_226 = arith.muli %scan3A_53, %mul3A_225 : i32
        %add3A_227 = arith.constant 10 : i32
        %add3A_228 = arith.addi %mul3A_226, %add3A_227 : i32
        %get3A_229 = arith.index_cast %add3A_228 : i32 to index
        %get3A_230 = arith.constant 0 : index
        %get3A_231 = tpu.vector_load %arg10[%get3A_229, %get3A_230] {strides = array<i32>} : memref<128x16xf32, #tpu.memory_space<vmem>>, vector<1x16xf32>,
        %get3A_232 = vector.shape_cast %get3A_231 : vector<1x16xf32> to vector<16xf32>
        %slice3A_233 = vector.extract_strided_slice %get3A_57 {offsets = [10], sizes = [1], strides = [1]} : vector<16xf32> to vector<1xf32>
        %squeeze3A_234 = vector.extract %slice3A_233[0] : f32 from vector<1xf32>
        %mul3A_235 = vector.broadcast %squeeze3A_234 : f32 to vector<16xf32>
        %mul3A_236 = arith.mulf %get3A_232, %mul3A_235 : vector<16xf32>
        %swap3A_237 = arith.index_cast %add3A_228 : i32 to index
        %swap3A_238 = arith.constant 0 : index
        %swap3A_239 = tpu.vector_load %arg10[%swap3A_237, %swap3A_238] {strides = array<i32>} : memref<128x16xf32, #tpu.memory_space<vmem>>, vector<1x16xf32>,
        %swap3A_240 = vector.shape_cast %swap3A_239 : vector<1x16xf32> to vector<16xf32>
        %swap3A_241 = vector.shape_cast %mul3A_236 : vector<16xf32> to vector<1x16xf32>
        tpu.vector_store %arg10[%swap3A_237, %swap3A_238], %swap3A_241 {strides = array<i32>} : memref<128x16xf32, #tpu.memory_space<vmem>>, vector<1x16xf32>,
        %mul3A_242 = arith.constant 16 : i32
        %mul3A_243 = arith.muli %scan3A_53, %mul3A_242 : i32
        %add3A_244 = arith.constant 11 : i32
        %add3A_245 = arith.addi %mul3A_243, %add3A_244 : i32
        %get3A_246 = arith.index_cast %add3A_245 : i32 to index
        %get3A_247 = arith.constant 0 : index
        %get3A_248 = tpu.vector_load %arg10[%get3A_246, %get3A_247] {strides = array<i32>} : memref<128x16xf32, #tpu.memory_space<vmem>>, vector<1x16xf32>,
        %get3A_249 = vector.shape_cast %get3A_248 : vector<1x16xf32> to vector<16xf32>
        %slice3A_250 = vector.extract_strided_slice %get3A_57 {offsets = [11], sizes = [1], strides = [1]} : vector<16xf32> to vector<1xf32>
        %squeeze3A_251 = vector.extract %slice3A_250[0] : f32 from vector<1xf32>
        %mul3A_252 = vector.broadcast %squeeze3A_251 : f32 to vector<16xf32>
        %mul3A_253 = arith.mulf %get3A_249, %mul3A_252 : vector<16xf32>
        %swap3A_254 = arith.index_cast %add3A_245 : i32 to index
        %swap3A_255 = arith.constant 0 : index
        %swap3A_256 = tpu.vector_load %arg10[%swap3A_254, %swap3A_255] {strides = array<i32>} : memref<128x16xf32, #tpu.memory_space<vmem>>, vector<1x16xf32>,
        %swap3A_257 = vector.shape_cast %swap3A_256 : vector<1x16xf32> to vector<16xf32>
        %swap3A_258 = vector.shape_cast %mul3A_253 : vector<16xf32> to vector<1x16xf32>
        tpu.vector_store %arg10[%swap3A_254, %swap3A_255], %swap3A_258 {strides = array<i32>} : memref<128x16xf32, #tpu.memory_space<vmem>>, vector<1x16xf32>,
        %mul3A_259 = arith.constant 16 : i32
        %mul3A_260 = arith.muli %scan3A_53, %mul3A_259 : i32
        %add3A_261 = arith.constant 12 : i32
        %add3A_262 = arith.addi %mul3A_260, %add3A_261 : i32
        %get3A_263 = arith.index_cast %add3A_262 : i32 to index
        %get3A_264 = arith.constant 0 : index
        %get3A_265 = tpu.vector_load %arg10[%get3A_263, %get3A_264] {strides = array<i32>} : memref<128x16xf32, #tpu.memory_space<vmem>>, vector<1x16xf32>,
        %get3A_266 = vector.shape_cast %get3A_265 : vector<1x16xf32> to vector<16xf32>
        %slice3A_267 = vector.extract_strided_slice %get3A_57 {offsets = [12], sizes = [1], strides = [1]} : vector<16xf32> to vector<1xf32>
        %squeeze3A_268 = vector.extract %slice3A_267[0] : f32 from vector<1xf32>
        %mul3A_269 = vector.broadcast %squeeze3A_268 : f32 to vector<16xf32>
        %mul3A_270 = arith.mulf %get3A_266, %mul3A_269 : vector<16xf32>
        %swap3A_271 = arith.index_cast %add3A_262 : i32 to index
        %swap3A_272 = arith.constant 0 : index
        %swap3A_273 = tpu.vector_load %arg10[%swap3A_271, %swap3A_272] {strides = array<i32>} : memref<128x16xf32, #tpu.memory_space<vmem>>, vector<1x16xf32>,
        %swap3A_274 = vector.shape_cast %swap3A_273 : vector<1x16xf32> to vector<16xf32>
        %swap3A_275 = vector.shape_cast %mul3A_270 : vector<16xf32> to vector<1x16xf32>
        tpu.vector_store %arg10[%swap3A_271, %swap3A_272], %swap3A_275 {strides = array<i32>} : memref<128x16xf32, #tpu.memory_space<vmem>>, vector<1x16xf32>,
        %mul3A_276 = arith.constant 16 : i32
        %mul3A_277 = arith.muli %scan3A_53, %mul3A_276 : i32
        %add3A_278 = arith.constant 13 : i32
        %add3A_279 = arith.addi %mul3A_277, %add3A_278 : i32
        %get3A_280 = arith.index_cast %add3A_279 : i32 to index
        %get3A_281 = arith.constant 0 : index
        %get3A_282 = tpu.vector_load %arg10[%get3A_280, %get3A_281] {strides = array<i32>} : memref<128x16xf32, #tpu.memory_space<vmem>>, vector<1x16xf32>,
        %get3A_283 = vector.shape_cast %get3A_282 : vector<1x16xf32> to vector<16xf32>
        %slice3A_284 = vector.extract_strided_slice %get3A_57 {offsets = [13], sizes = [1], strides = [1]} : vector<16xf32> to vector<1xf32>
        %squeeze3A_285 = vector.extract %slice3A_284[0] : f32 from vector<1xf32>
        %mul3A_286 = vector.broadcast %squeeze3A_285 : f32 to vector<16xf32>
        %mul3A_287 = arith.mulf %get3A_283, %mul3A_286 : vector<16xf32>
        %swap3A_288 = arith.index_cast %add3A_279 : i32 to index
        %swap3A_289 = arith.constant 0 : index
        %swap3A_290 = tpu.vector_load %arg10[%swap3A_288, %swap3A_289] {strides = array<i32>} : memref<128x16xf32, #tpu.memory_space<vmem>>, vector<1x16xf32>,
        %swap3A_291 = vector.shape_cast %swap3A_290 : vector<1x16xf32> to vector<16xf32>
        %swap3A_292 = vector.shape_cast %mul3A_287 : vector<16xf32> to vector<1x16xf32>
        tpu.vector_store %arg10[%swap3A_288, %swap3A_289], %swap3A_292 {strides = array<i32>} : memref<128x16xf32, #tpu.memory_space<vmem>>, vector<1x16xf32>,
        %mul3A_293 = arith.constant 16 : i32
        %mul3A_294 = arith.muli %scan3A_53, %mul3A_293 : i32
        %add3A_295 = arith.constant 14 : i32
        %add3A_296 = arith.addi %mul3A_294, %add3A_295 : i32
        %get3A_297 = arith.index_cast %add3A_296 : i32 to index
        %get3A_298 = arith.constant 0 : index
        %get3A_299 = tpu.vector_load %arg10[%get3A_297, %get3A_298] {strides = array<i32>} : memref<128x16xf32, #tpu.memory_space<vmem>>, vector<1x16xf32>,
        %get3A_300 = vector.shape_cast %get3A_299 : vector<1x16xf32> to vector<16xf32>
        %slice3A_301 = vector.extract_strided_slice %get3A_57 {offsets = [14], sizes = [1], strides = [1]} : vector<16xf32> to vector<1xf32>
        %squeeze3A_302 = vector.extract %slice3A_301[0] : f32 from vector<1xf32>
        %mul3A_303 = vector.broadcast %squeeze3A_302 : f32 to vector<16xf32>
        %mul3A_304 = arith.mulf %get3A_300, %mul3A_303 : vector<16xf32>
        %swap3A_305 = arith.index_cast %add3A_296 : i32 to index
        %swap3A_306 = arith.constant 0 : index
        %swap3A_307 = tpu.vector_load %arg10[%swap3A_305, %swap3A_306] {strides = array<i32>} : memref<128x16xf32, #tpu.memory_space<vmem>>, vector<1x16xf32>,
        %swap3A_308 = vector.shape_cast %swap3A_307 : vector<1x16xf32> to vector<16xf32>
        %swap3A_309 = vector.shape_cast %mul3A_304 : vector<16xf32> to vector<1x16xf32>
        tpu.vector_store %arg10[%swap3A_305, %swap3A_306], %swap3A_309 {strides = array<i32>} : memref<128x16xf32, #tpu.memory_space<vmem>>, vector<1x16xf32>,
        %mul3A_310 = arith.constant 16 : i32
        %mul3A_311 = arith.muli %scan3A_53, %mul3A_310 : i32
        %add3A_312 = arith.constant 15 : i32
        %add3A_313 = arith.addi %mul3A_311, %add3A_312 : i32
        %get3A_314 = arith.index_cast %add3A_313 : i32 to index
        %get3A_315 = arith.constant 0 : index
        %get3A_316 = tpu.vector_load %arg10[%get3A_314, %get3A_315] {strides = array<i32>} : memref<128x16xf32, #tpu.memory_space<vmem>>, vector<1x16xf32>,
        %get3A_317 = vector.shape_cast %get3A_316 : vector<1x16xf32> to vector<16xf32>
        %slice3A_318 = vector.extract_strided_slice %get3A_57 {offsets = [15], sizes = [1], strides = [1]} : vector<16xf32> to vector<1xf32>
        %squeeze3A_319 = vector.extract %slice3A_318[0] : f32 from vector<1xf32>
        %mul3A_320 = vector.broadcast %squeeze3A_319 : f32 to vector<16xf32>
        %mul3A_321 = arith.mulf %get3A_317, %mul3A_320 : vector<16xf32>
        %swap3A_322 = arith.index_cast %add3A_313 : i32 to index
        %swap3A_323 = arith.constant 0 : index
        %swap3A_324 = tpu.vector_load %arg10[%swap3A_322, %swap3A_323] {strides = array<i32>} : memref<128x16xf32, #tpu.memory_space<vmem>>, vector<1x16xf32>,
        %swap3A_325 = vector.shape_cast %swap3A_324 : vector<1x16xf32> to vector<16xf32>
        %swap3A_326 = vector.shape_cast %mul3A_321 : vector<16xf32> to vector<1x16xf32>
        tpu.vector_store %arg10[%swap3A_322, %swap3A_323], %swap3A_326 {strides = array<i32>} : memref<128x16xf32, #tpu.memory_space<vmem>>, vector<1x16xf32>,
      }
      %scan3A_52 = arith.constant 8 : i32
      "tpu.region"() ({
        %run_scoped3A = tpu.sem_alloc : memref<!tpu.dma_semaphore, #tpu.memory_space<semaphore_mem>>
        %dma_start3A_53 = arith.constant 0 : i32
        %dma_start3A_54 = arith.constant 0 : i32
        %dma_start3A_55 = tpu.memref_slice %arg11[%dma_start3A_53, %dma_start3A_54] : memref<10240x16xf32, #tpu.memory_space<vmem_shared>> -> memref<10240x16xf32, #tpu.memory_space<vmem_shared>>
        tpu.enqueue_indirect_dma source(%arg10 : memref<128x16xf32, #tpu.memory_space<vmem>>) target(%dma_start3A_55 : memref<10240x16xf32, #tpu.memory_space<vmem_shared>>) offsets(%arg8 : memref<128xi32, #tpu.memory_space<vmem>>) semaphore(%run_scoped3A : memref<!tpu.dma_semaphore, #tpu.memory_space<semaphore_mem>>) {add = true}
        %dma_wait3A_56 = arith.constant 0 : i32
        %dma_wait3A_57 = arith.constant 0 : i32
        %dma_wait3A_58 = tpu.memref_slice %arg11[%dma_wait3A_56, %dma_wait3A_57] : memref<10240x16xf32, #tpu.memory_space<vmem_shared>> -> memref<10240x16xf32, #tpu.memory_space<vmem_shared>>
        tpu.wait_indirect_dma semaphore(%run_scoped3A : memref<!tpu.dma_semaphore, #tpu.memory_space<semaphore_mem>>) src(%arg10 : memref<128x16xf32, #tpu.memory_space<vmem>>) dst(%dma_wait3A_58 : memref<10240x16xf32, #tpu.memory_space<vmem_shared>>)
        tpu.yield
      }) : () -> ()
    }
    %scan3A_33 = arith.constant 40 : i32
    %barrier3A_34 = arith.constant 0 : index
    tpu.barrier barrier_id(%barrier3A_34)
    %mul3A_35 = arith.constant 640 : i32
    %mul3A_36 = arith.muli %arg1, %mul3A_35 : i32
    %mul3A_37 = arith.constant 640 : i32
    %mul3A_38 = arith.muli %arg1, %mul3A_37 : i32
    "tpu.region"() ({
      %run_scoped3A = tpu.sem_alloc : memref<!tpu.dma_semaphore, #tpu.memory_space<semaphore_mem>>
      %dma_start3A = arith.constant 0 : i32
      %dma_start3A_39 = tpu.memref_slice %arg6[%arg0, %mul3A_38, %dma_start3A] : memref<2x10240x16xf32, #tpu.memory_space<hbm>> -> memref<1x640x16xf32, #tpu.memory_space<hbm>>
      %dma_start3A_40 = tpu.memref_squeeze %dma_start3A_39 : memref<1x640x16xf32, #tpu.memory_space<hbm>> -> memref<640x16xf32, #tpu.memory_space<hbm>>
      %dma_start3A_41 = arith.constant 0 : i32
      %dma_start3A_42 = tpu.memref_slice %arg11[%mul3A_36, %dma_start3A_41] : memref<10240x16xf32, #tpu.memory_space<vmem_shared>> -> memref<640x16xf32, #tpu.memory_space<vmem_shared>>
      tpu.enqueue_dma source(%dma_start3A_42 : memref<640x16xf32, #tpu.memory_space<vmem_shared>>) target(%dma_start3A_40 : memref<640x16xf32, #tpu.memory_space<hbm>>) target_semaphore(%run_scoped3A : memref<!tpu.dma_semaphore, #tpu.memory_space<semaphore_mem>>)
      %dma_wait3A = arith.constant 0 : i32
      %dma_wait3A_43 = tpu.memref_slice %arg6[%arg0, %mul3A_38, %dma_wait3A] : memref<2x10240x16xf32, #tpu.memory_space<hbm>> -> memref<1x640x16xf32, #tpu.memory_space<hbm>>
      %dma_wait3A_44 = tpu.memref_squeeze %dma_wait3A_43 : memref<1x640x16xf32, #tpu.memory_space<hbm>> -> memref<640x16xf32, #tpu.memory_space<hbm>>
      %dma_wait3A_45 = arith.constant 0 : i32
      %dma_wait3A_46 = tpu.memref_slice %arg11[%mul3A_36, %dma_wait3A_45] : memref<10240x16xf32, #tpu.memory_space<vmem_shared>> -> memref<640x16xf32, #tpu.memory_space<vmem_shared>>
      tpu.wait_dma2 semaphore(%run_scoped3A : memref<!tpu.dma_semaphore, #tpu.memory_space<semaphore_mem>>) src(%dma_wait3A_46 : memref<640x16xf32, #tpu.memory_space<vmem_shared>>) dst(%dma_wait3A_44 : memref<640x16xf32, #tpu.memory_space<hbm>>)
      tpu.yield
    }) : () -> ()
    return
  }
}

#map = affine_map<(d0, d1) -> (0)>
module attributes {stable_mosaic.version = 14 : i64} {
  func.func @_norm_sc(%arg0: i32, %arg1: i32, %arg2: memref<10240xf32, #tpu.memory_space<hbm>>, %arg3: memref<163840xi32, #tpu.memory_space<hbm>>, %arg4: memref<163840xi32, #tpu.memory_space<hbm>>, %arg5: memref<163840xf32, #tpu.memory_space<hbm>>, %arg6: memref<163840xf32, #tpu.memory_space<hbm>>, %arg7: memref<10240xf32, #tpu.memory_space<vmem>>, %arg8: memref<5120xi32, #tpu.memory_space<vmem>>, %arg9: memref<5120xi32, #tpu.memory_space<vmem>>, %arg10: memref<5120xf32, #tpu.memory_space<vmem>>, %arg11: memref<5120xf32, #tpu.memory_space<vmem>>) attributes {dimension_semantics = [#tpu.dimension_semantics<core_parallel>, #tpu.dimension_semantics<subcore_parallel>], iteration_bounds = array<i64: 2, 16>, scalar_prefetch = 0 : i64, scratch_operands = 5 : i64, tpu.core_type = #tpu.core_type<sc_vector_subcore>, window_params = [{transform_indices = #map}, {transform_indices = #map}, {transform_indices = #map}, {transform_indices = #map}, {transform_indices = #map}]} {
    %mul3A = arith.constant 16 : i32
    %mul3A_0 = arith.muli %arg0, %mul3A : i32
    %add3A = arith.addi %mul3A_0, %arg1 : i32
    %mul3A_1 = arith.constant 5120 : i32
    %mul3A_2 = arith.muli %add3A, %mul3A_1 : i32
    "tpu.region"() ({
      %run_scoped3A = tpu.sem_alloc : memref<!tpu.dma_semaphore, #tpu.memory_space<semaphore_mem>>
      tpu.enqueue_dma source(%arg2 : memref<10240xf32, #tpu.memory_space<hbm>>) target(%arg7 : memref<10240xf32, #tpu.memory_space<vmem>>) target_semaphore(%run_scoped3A : memref<!tpu.dma_semaphore, #tpu.memory_space<semaphore_mem>>)
      tpu.wait_dma2 semaphore(%run_scoped3A : memref<!tpu.dma_semaphore, #tpu.memory_space<semaphore_mem>>) src(%arg2 : memref<10240xf32, #tpu.memory_space<hbm>>) dst(%arg7 : memref<10240xf32, #tpu.memory_space<vmem>>)
      tpu.yield
    }) : () -> ()
    "tpu.region"() ({
      %run_scoped3A = tpu.sem_alloc : memref<!tpu.dma_semaphore, #tpu.memory_space<semaphore_mem>>
      %dma_start3A = tpu.memref_slice %arg3[%mul3A_2] : memref<163840xi32, #tpu.memory_space<hbm>> -> memref<5120xi32, #tpu.memory_space<hbm>>
      %dma_start3A_8 = tpu.memref_slice %arg3[%mul3A_2] : memref<163840xi32, #tpu.memory_space<hbm>> -> memref<5120xi32, #tpu.memory_space<hbm>>
      tpu.enqueue_dma source(%dma_start3A_8 : memref<5120xi32, #tpu.memory_space<hbm>>) target(%arg8 : memref<5120xi32, #tpu.memory_space<vmem>>) target_semaphore(%run_scoped3A : memref<!tpu.dma_semaphore, #tpu.memory_space<semaphore_mem>>)
      %dma_wait3A = tpu.memref_slice %arg3[%mul3A_2] : memref<163840xi32, #tpu.memory_space<hbm>> -> memref<5120xi32, #tpu.memory_space<hbm>>
      %dma_wait3A_9 = tpu.memref_slice %arg3[%mul3A_2] : memref<163840xi32, #tpu.memory_space<hbm>> -> memref<5120xi32, #tpu.memory_space<hbm>>
      tpu.wait_dma2 semaphore(%run_scoped3A : memref<!tpu.dma_semaphore, #tpu.memory_space<semaphore_mem>>) src(%dma_wait3A_9 : memref<5120xi32, #tpu.memory_space<hbm>>) dst(%arg8 : memref<5120xi32, #tpu.memory_space<vmem>>)
      tpu.yield
    }) : () -> ()
    "tpu.region"() ({
      %run_scoped3A = tpu.sem_alloc : memref<!tpu.dma_semaphore, #tpu.memory_space<semaphore_mem>>
      %dma_start3A = tpu.memref_slice %arg4[%mul3A_2] : memref<163840xi32, #tpu.memory_space<hbm>> -> memref<5120xi32, #tpu.memory_space<hbm>>
      %dma_start3A_8 = tpu.memref_slice %arg4[%mul3A_2] : memref<163840xi32, #tpu.memory_space<hbm>> -> memref<5120xi32, #tpu.memory_space<hbm>>
      tpu.enqueue_dma source(%dma_start3A_8 : memref<5120xi32, #tpu.memory_space<hbm>>) target(%arg9 : memref<5120xi32, #tpu.memory_space<vmem>>) target_semaphore(%run_scoped3A : memref<!tpu.dma_semaphore, #tpu.memory_space<semaphore_mem>>)
      %dma_wait3A = tpu.memref_slice %arg4[%mul3A_2] : memref<163840xi32, #tpu.memory_space<hbm>> -> memref<5120xi32, #tpu.memory_space<hbm>>
      %dma_wait3A_9 = tpu.memref_slice %arg4[%mul3A_2] : memref<163840xi32, #tpu.memory_space<hbm>> -> memref<5120xi32, #tpu.memory_space<hbm>>
      tpu.wait_dma2 semaphore(%run_scoped3A : memref<!tpu.dma_semaphore, #tpu.memory_space<semaphore_mem>>) src(%dma_wait3A_9 : memref<5120xi32, #tpu.memory_space<hbm>>) dst(%arg9 : memref<5120xi32, #tpu.memory_space<vmem>>)
      tpu.yield
    }) : () -> ()
    "tpu.region"() ({
      %run_scoped3A = tpu.sem_alloc : memref<!tpu.dma_semaphore, #tpu.memory_space<semaphore_mem>>
      %dma_start3A = tpu.memref_slice %arg5[%mul3A_2] : memref<163840xf32, #tpu.memory_space<hbm>> -> memref<5120xf32, #tpu.memory_space<hbm>>
      %dma_start3A_8 = tpu.memref_slice %arg5[%mul3A_2] : memref<163840xf32, #tpu.memory_space<hbm>> -> memref<5120xf32, #tpu.memory_space<hbm>>
      tpu.enqueue_dma source(%dma_start3A_8 : memref<5120xf32, #tpu.memory_space<hbm>>) target(%arg10 : memref<5120xf32, #tpu.memory_space<vmem>>) target_semaphore(%run_scoped3A : memref<!tpu.dma_semaphore, #tpu.memory_space<semaphore_mem>>)
      %dma_wait3A = tpu.memref_slice %arg5[%mul3A_2] : memref<163840xf32, #tpu.memory_space<hbm>> -> memref<5120xf32, #tpu.memory_space<hbm>>
      %dma_wait3A_9 = tpu.memref_slice %arg5[%mul3A_2] : memref<163840xf32, #tpu.memory_space<hbm>> -> memref<5120xf32, #tpu.memory_space<hbm>>
      tpu.wait_dma2 semaphore(%run_scoped3A : memref<!tpu.dma_semaphore, #tpu.memory_space<semaphore_mem>>) src(%dma_wait3A_9 : memref<5120xf32, #tpu.memory_space<hbm>>) dst(%arg10 : memref<5120xf32, #tpu.memory_space<vmem>>)
      tpu.yield
    }) : () -> ()
    %scan3A = arith.constant 0 : i32
    %scan3A_3 = arith.constant 0 : i32
    %scan3A_4 = arith.constant 320 : i32
    %scan3A_5 = arith.addi %scan3A_3, %scan3A_4 : i32
    %scan3A_6 = arith.constant 1 : i32
    scf.for %scan3A_8 = %scan3A_3 to %scan3A_5 step %scan3A_6  : i32 {
      %mul3A_9 = arith.constant 16 : i32
      %mul3A_10 = arith.muli %scan3A_8, %mul3A_9 : i32
      %get3A = arith.index_cast %mul3A_10 : i32 to index
      %get3A_11 = tpu.vector_load %arg8[%get3A] {strides = array<i32>} : memref<5120xi32, #tpu.memory_space<vmem>>, vector<16xi32>,
      %gather3A = tpu.vector_load_idx %arg7[%get3A_11] : memref<10240xf32, #tpu.memory_space<vmem>>[vector<16xi32>], vector<16xf32>,
      %get3A_12 = arith.index_cast %mul3A_10 : i32 to index
      %get3A_13 = tpu.vector_load %arg9[%get3A_12] {strides = array<i32>} : memref<5120xi32, #tpu.memory_space<vmem>>, vector<16xi32>,
      %gather3A_14 = tpu.vector_load_idx %arg7[%get3A_13] : memref<10240xf32, #tpu.memory_space<vmem>>[vector<16xi32>], vector<16xf32>,
      %get3A_15 = arith.index_cast %mul3A_10 : i32 to index
      %get3A_16 = tpu.vector_load %arg10[%get3A_15] {strides = array<i32>} : memref<5120xf32, #tpu.memory_space<vmem>>, vector<16xf32>,
      %mul3A_17 = arith.mulf %gather3A, %get3A_16 : vector<16xf32>
      %mul3A_18 = arith.mulf %mul3A_17, %gather3A_14 : vector<16xf32>
      %swap3A = arith.index_cast %mul3A_10 : i32 to index
      %swap3A_19 = tpu.vector_load %arg11[%swap3A] {strides = array<i32>} : memref<5120xf32, #tpu.memory_space<vmem>>, vector<16xf32>,
      tpu.vector_store %arg11[%swap3A], %mul3A_18 {strides = array<i32>} : memref<5120xf32, #tpu.memory_space<vmem>>, vector<16xf32>,
    }
    %scan3A_7 = arith.constant 320 : i32
    "tpu.region"() ({
      %run_scoped3A = tpu.sem_alloc : memref<!tpu.dma_semaphore, #tpu.memory_space<semaphore_mem>>
      %dma_start3A = tpu.memref_slice %arg6[%mul3A_2] : memref<163840xf32, #tpu.memory_space<hbm>> -> memref<5120xf32, #tpu.memory_space<hbm>>
      %dma_start3A_8 = tpu.memref_slice %arg6[%mul3A_2] : memref<163840xf32, #tpu.memory_space<hbm>> -> memref<5120xf32, #tpu.memory_space<hbm>>
      tpu.enqueue_dma source(%arg11 : memref<5120xf32, #tpu.memory_space<vmem>>) target(%dma_start3A_8 : memref<5120xf32, #tpu.memory_space<hbm>>) target_semaphore(%run_scoped3A : memref<!tpu.dma_semaphore, #tpu.memory_space<semaphore_mem>>)
      %dma_wait3A = tpu.memref_slice %arg6[%mul3A_2] : memref<163840xf32, #tpu.memory_space<hbm>> -> memref<5120xf32, #tpu.memory_space<hbm>>
      %dma_wait3A_9 = tpu.memref_slice %arg6[%mul3A_2] : memref<163840xf32, #tpu.memory_space<hbm>> -> memref<5120xf32, #tpu.memory_space<hbm>>
      tpu.wait_dma2 semaphore(%run_scoped3A : memref<!tpu.dma_semaphore, #tpu.memory_space<semaphore_mem>>) src(%arg11 : memref<5120xf32, #tpu.memory_space<vmem>>) dst(%dma_wait3A_9 : memref<5120xf32, #tpu.memory_space<hbm>>)
      tpu.yield
    }) : () -> ()
    return
  }
}

#map = affine_map<(d0, d1) -> (0, 0)>
#map1 = affine_map<(d0, d1) -> (0)>
#map2 = affine_map<(d0, d1) -> (0, 0, 0)>
module attributes {stable_mosaic.version = 14 : i64} {
  func.func @_msg_sc(%arg0: i32, %arg1: i32, %arg2: memref<10240x16xf32, #tpu.memory_space<hbm>>, %arg3: memref<163840xi32, #tpu.memory_space<hbm>>, %arg4: memref<163840xi32, #tpu.memory_space<hbm>>, %arg5: memref<163840xf32, #tpu.memory_space<hbm>>, %arg6: memref<2x10240x16xf32, #tpu.memory_space<hbm>>, %arg7: memref<128xi32, #tpu.memory_space<vmem>>, %arg8: memref<128xi32, #tpu.memory_space<vmem>>, %arg9: memref<128xf32, #tpu.memory_space<vmem>>, %arg10: memref<128x16xf32, #tpu.memory_space<vmem>>, %arg11: memref<10240x16xf32, #tpu.memory_space<vmem_shared>>, %arg12: memref<!tpu.dma_semaphore, #tpu.memory_space<semaphore_mem>>) attributes {dimension_semantics = [#tpu.dimension_semantics<core_parallel>, #tpu.dimension_semantics<subcore_parallel>], iteration_bounds = array<i64: 2, 16>, scalar_prefetch = 0 : i64, scratch_operands = 6 : i64, tpu.core_type = #tpu.core_type<sc_vector_subcore>, window_params = [{transform_indices = #map}, {transform_indices = #map1}, {transform_indices = #map1}, {transform_indices = #map1}, {transform_indices = #map2}]} {
    %mul3A = arith.constant 16 : i32
    %mul3A_0 = arith.muli %arg0, %mul3A : i32
    %add3A = arith.addi %mul3A_0, %arg1 : i32
    %scan3A = arith.constant 0 : i32
    %scan3A_1 = arith.constant 0 : i32
    %scan3A_2 = arith.constant 128 : i32
    %scan3A_3 = arith.addi %scan3A_1, %scan3A_2 : i32
    %scan3A_4 = arith.constant 1 : i32
    scf.for %scan3A_39 = %scan3A_1 to %scan3A_3 step %scan3A_4  : i32 {
      %broadcast_in_dim3A = arith.constant 0.000000e+00 : f32
      %broadcast_in_dim3A_40 = vector.broadcast %broadcast_in_dim3A : f32 to vector<16xf32>
      %swap3A = arith.index_cast %scan3A_39 : i32 to index
      %swap3A_41 = arith.constant 0 : index
      %swap3A_42 = tpu.vector_load %arg10[%swap3A, %swap3A_41] {strides = array<i32>} : memref<128x16xf32, #tpu.memory_space<vmem>>, vector<1x16xf32>,
      %swap3A_43 = vector.shape_cast %swap3A_42 : vector<1x16xf32> to vector<16xf32>
      %swap3A_44 = vector.shape_cast %broadcast_in_dim3A_40 : vector<16xf32> to vector<1x16xf32>
      tpu.vector_store %arg10[%swap3A, %swap3A_41], %swap3A_44 {strides = array<i32>} : memref<128x16xf32, #tpu.memory_space<vmem>>, vector<1x16xf32>,
    }
    %scan3A_5 = arith.constant 128 : i32
    %mul3A_6 = arith.constant 640 : i32
    %mul3A_7 = arith.muli %arg1, %mul3A_6 : i32
    %add3A_8 = arith.constant 0 : i32
    %add3A_9 = arith.addi %mul3A_7, %add3A_8 : i32
    "tpu.region"() ({
      %run_scoped3A = tpu.sem_alloc : memref<!tpu.dma_semaphore, #tpu.memory_space<semaphore_mem>>
      %dma_start3A = arith.constant 0 : i32
      %dma_start3A_39 = tpu.memref_slice %arg11[%add3A_9, %dma_start3A] : memref<10240x16xf32, #tpu.memory_space<vmem_shared>> -> memref<128x16xf32, #tpu.memory_space<vmem_shared>>
      %dma_start3A_40 = arith.constant 0 : i32
      %dma_start3A_41 = tpu.memref_slice %arg11[%add3A_9, %dma_start3A_40] : memref<10240x16xf32, #tpu.memory_space<vmem_shared>> -> memref<128x16xf32, #tpu.memory_space<vmem_shared>>
      tpu.enqueue_dma source(%arg10 : memref<128x16xf32, #tpu.memory_space<vmem>>) target(%dma_start3A_41 : memref<128x16xf32, #tpu.memory_space<vmem_shared>>) target_semaphore(%run_scoped3A : memref<!tpu.dma_semaphore, #tpu.memory_space<semaphore_mem>>)
      %dma_wait3A = arith.constant 0 : i32
      %dma_wait3A_42 = tpu.memref_slice %arg11[%add3A_9, %dma_wait3A] : memref<10240x16xf32, #tpu.memory_space<vmem_shared>> -> memref<128x16xf32, #tpu.memory_space<vmem_shared>>
      %dma_wait3A_43 = arith.constant 0 : i32
      %dma_wait3A_44 = tpu.memref_slice %arg11[%add3A_9, %dma_wait3A_43] : memref<10240x16xf32, #tpu.memory_space<vmem_shared>> -> memref<128x16xf32, #tpu.memory_space<vmem_shared>>
      tpu.wait_dma2 semaphore(%run_scoped3A : memref<!tpu.dma_semaphore, #tpu.memory_space<semaphore_mem>>) src(%arg10 : memref<128x16xf32, #tpu.memory_space<vmem>>) dst(%dma_wait3A_44 : memref<128x16xf32, #tpu.memory_space<vmem_shared>>)
      tpu.yield
    }) : () -> ()
    %mul3A_10 = arith.constant 640 : i32
    %mul3A_11 = arith.muli %arg1, %mul3A_10 : i32
    %add3A_12 = arith.constant 128 : i32
    %add3A_13 = arith.addi %mul3A_11, %add3A_12 : i32
    "tpu.region"() ({
      %run_scoped3A = tpu.sem_alloc : memref<!tpu.dma_semaphore, #tpu.memory_space<semaphore_mem>>
      %dma_start3A = arith.constant 0 : i32
      %dma_start3A_39 = tpu.memref_slice %arg11[%add3A_13, %dma_start3A] : memref<10240x16xf32, #tpu.memory_space<vmem_shared>> -> memref<128x16xf32, #tpu.memory_space<vmem_shared>>
      %dma_start3A_40 = arith.constant 0 : i32
      %dma_start3A_41 = tpu.memref_slice %arg11[%add3A_13, %dma_start3A_40] : memref<10240x16xf32, #tpu.memory_space<vmem_shared>> -> memref<128x16xf32, #tpu.memory_space<vmem_shared>>
      tpu.enqueue_dma source(%arg10 : memref<128x16xf32, #tpu.memory_space<vmem>>) target(%dma_start3A_41 : memref<128x16xf32, #tpu.memory_space<vmem_shared>>) target_semaphore(%run_scoped3A : memref<!tpu.dma_semaphore, #tpu.memory_space<semaphore_mem>>)
      %dma_wait3A = arith.constant 0 : i32
      %dma_wait3A_42 = tpu.memref_slice %arg11[%add3A_13, %dma_wait3A] : memref<10240x16xf32, #tpu.memory_space<vmem_shared>> -> memref<128x16xf32, #tpu.memory_space<vmem_shared>>
      %dma_wait3A_43 = arith.constant 0 : i32
      %dma_wait3A_44 = tpu.memref_slice %arg11[%add3A_13, %dma_wait3A_43] : memref<10240x16xf32, #tpu.memory_space<vmem_shared>> -> memref<128x16xf32, #tpu.memory_space<vmem_shared>>
      tpu.wait_dma2 semaphore(%run_scoped3A : memref<!tpu.dma_semaphore, #tpu.memory_space<semaphore_mem>>) src(%arg10 : memref<128x16xf32, #tpu.memory_space<vmem>>) dst(%dma_wait3A_44 : memref<128x16xf32, #tpu.memory_space<vmem_shared>>)
      tpu.yield
    }) : () -> ()
    %mul3A_14 = arith.constant 640 : i32
    %mul3A_15 = arith.muli %arg1, %mul3A_14 : i32
    %add3A_16 = arith.constant 256 : i32
    %add3A_17 = arith.addi %mul3A_15, %add3A_16 : i32
    "tpu.region"() ({
      %run_scoped3A = tpu.sem_alloc : memref<!tpu.dma_semaphore, #tpu.memory_space<semaphore_mem>>
      %dma_start3A = arith.constant 0 : i32
      %dma_start3A_39 = tpu.memref_slice %arg11[%add3A_17, %dma_start3A] : memref<10240x16xf32, #tpu.memory_space<vmem_shared>> -> memref<128x16xf32, #tpu.memory_space<vmem_shared>>
      %dma_start3A_40 = arith.constant 0 : i32
      %dma_start3A_41 = tpu.memref_slice %arg11[%add3A_17, %dma_start3A_40] : memref<10240x16xf32, #tpu.memory_space<vmem_shared>> -> memref<128x16xf32, #tpu.memory_space<vmem_shared>>
      tpu.enqueue_dma source(%arg10 : memref<128x16xf32, #tpu.memory_space<vmem>>) target(%dma_start3A_41 : memref<128x16xf32, #tpu.memory_space<vmem_shared>>) target_semaphore(%run_scoped3A : memref<!tpu.dma_semaphore, #tpu.memory_space<semaphore_mem>>)
      %dma_wait3A = arith.constant 0 : i32
      %dma_wait3A_42 = tpu.memref_slice %arg11[%add3A_17, %dma_wait3A] : memref<10240x16xf32, #tpu.memory_space<vmem_shared>> -> memref<128x16xf32, #tpu.memory_space<vmem_shared>>
      %dma_wait3A_43 = arith.constant 0 : i32
      %dma_wait3A_44 = tpu.memref_slice %arg11[%add3A_17, %dma_wait3A_43] : memref<10240x16xf32, #tpu.memory_space<vmem_shared>> -> memref<128x16xf32, #tpu.memory_space<vmem_shared>>
      tpu.wait_dma2 semaphore(%run_scoped3A : memref<!tpu.dma_semaphore, #tpu.memory_space<semaphore_mem>>) src(%arg10 : memref<128x16xf32, #tpu.memory_space<vmem>>) dst(%dma_wait3A_44 : memref<128x16xf32, #tpu.memory_space<vmem_shared>>)
      tpu.yield
    }) : () -> ()
    %mul3A_18 = arith.constant 640 : i32
    %mul3A_19 = arith.muli %arg1, %mul3A_18 : i32
    %add3A_20 = arith.constant 384 : i32
    %add3A_21 = arith.addi %mul3A_19, %add3A_20 : i32
    "tpu.region"() ({
      %run_scoped3A = tpu.sem_alloc : memref<!tpu.dma_semaphore, #tpu.memory_space<semaphore_mem>>
      %dma_start3A = arith.constant 0 : i32
      %dma_start3A_39 = tpu.memref_slice %arg11[%add3A_21, %dma_start3A] : memref<10240x16xf32, #tpu.memory_space<vmem_shared>> -> memref<128x16xf32, #tpu.memory_space<vmem_shared>>
      %dma_start3A_40 = arith.constant 0 : i32
      %dma_start3A_41 = tpu.memref_slice %arg11[%add3A_21, %dma_start3A_40] : memref<10240x16xf32, #tpu.memory_space<vmem_shared>> -> memref<128x16xf32, #tpu.memory_space<vmem_shared>>
      tpu.enqueue_dma source(%arg10 : memref<128x16xf32, #tpu.memory_space<vmem>>) target(%dma_start3A_41 : memref<128x16xf32, #tpu.memory_space<vmem_shared>>) target_semaphore(%run_scoped3A : memref<!tpu.dma_semaphore, #tpu.memory_space<semaphore_mem>>)
      %dma_wait3A = arith.constant 0 : i32
      %dma_wait3A_42 = tpu.memref_slice %arg11[%add3A_21, %dma_wait3A] : memref<10240x16xf32, #tpu.memory_space<vmem_shared>> -> memref<128x16xf32, #tpu.memory_space<vmem_shared>>
      %dma_wait3A_43 = arith.constant 0 : i32
      %dma_wait3A_44 = tpu.memref_slice %arg11[%add3A_21, %dma_wait3A_43] : memref<10240x16xf32, #tpu.memory_space<vmem_shared>> -> memref<128x16xf32, #tpu.memory_space<vmem_shared>>
      tpu.wait_dma2 semaphore(%run_scoped3A : memref<!tpu.dma_semaphore, #tpu.memory_space<semaphore_mem>>) src(%arg10 : memref<128x16xf32, #tpu.memory_space<vmem>>) dst(%dma_wait3A_44 : memref<128x16xf32, #tpu.memory_space<vmem_shared>>)
      tpu.yield
    }) : () -> ()
    %mul3A_22 = arith.constant 640 : i32
    %mul3A_23 = arith.muli %arg1, %mul3A_22 : i32
    %add3A_24 = arith.constant 512 : i32
    %add3A_25 = arith.addi %mul3A_23, %add3A_24 : i32
    "tpu.region"() ({
      %run_scoped3A = tpu.sem_alloc : memref<!tpu.dma_semaphore, #tpu.memory_space<semaphore_mem>>
      %dma_start3A = arith.constant 0 : i32
      %dma_start3A_39 = tpu.memref_slice %arg11[%add3A_25, %dma_start3A] : memref<10240x16xf32, #tpu.memory_space<vmem_shared>> -> memref<128x16xf32, #tpu.memory_space<vmem_shared>>
      %dma_start3A_40 = arith.constant 0 : i32
      %dma_start3A_41 = tpu.memref_slice %arg11[%add3A_25, %dma_start3A_40] : memref<10240x16xf32, #tpu.memory_space<vmem_shared>> -> memref<128x16xf32, #tpu.memory_space<vmem_shared>>
      tpu.enqueue_dma source(%arg10 : memref<128x16xf32, #tpu.memory_space<vmem>>) target(%dma_start3A_41 : memref<128x16xf32, #tpu.memory_space<vmem_shared>>) target_semaphore(%run_scoped3A : memref<!tpu.dma_semaphore, #tpu.memory_space<semaphore_mem>>)
      %dma_wait3A = arith.constant 0 : i32
      %dma_wait3A_42 = tpu.memref_slice %arg11[%add3A_25, %dma_wait3A] : memref<10240x16xf32, #tpu.memory_space<vmem_shared>> -> memref<128x16xf32, #tpu.memory_space<vmem_shared>>
      %dma_wait3A_43 = arith.constant 0 : i32
      %dma_wait3A_44 = tpu.memref_slice %arg11[%add3A_25, %dma_wait3A_43] : memref<10240x16xf32, #tpu.memory_space<vmem_shared>> -> memref<128x16xf32, #tpu.memory_space<vmem_shared>>
      tpu.wait_dma2 semaphore(%run_scoped3A : memref<!tpu.dma_semaphore, #tpu.memory_space<semaphore_mem>>) src(%arg10 : memref<128x16xf32, #tpu.memory_space<vmem>>) dst(%dma_wait3A_44 : memref<128x16xf32, #tpu.memory_space<vmem_shared>>)
      tpu.yield
    }) : () -> ()
    %barrier3A = arith.constant 0 : index
    tpu.barrier barrier_id(%barrier3A)
    %mul3A_26 = arith.constant 5120 : i32
    %mul3A_27 = arith.muli %add3A, %mul3A_26 : i32
    %scan3A_28 = arith.constant 0 : i32
    %scan3A_29 = arith.constant 0 : i32
    %scan3A_30 = arith.constant 40 : i32
    %scan3A_31 = arith.addi %scan3A_29, %scan3A_30 : i32
    %scan3A_32 = arith.constant 1 : i32
    scf.for %scan3A_39 = %scan3A_29 to %scan3A_31 step %scan3A_32  : i32 {
      %mul3A_40 = arith.constant 128 : i32
      %mul3A_41 = arith.muli %scan3A_39, %mul3A_40 : i32
      %add3A_42 = arith.addi %mul3A_27, %mul3A_41 : i32
      "tpu.region"() ({
        %run_scoped3A = tpu.sem_alloc : memref<!tpu.dma_semaphore, #tpu.memory_space<semaphore_mem>>
        %dma_start3A_53 = tpu.memref_slice %arg3[%add3A_42] : memref<163840xi32, #tpu.memory_space<hbm>> -> memref<128xi32, #tpu.memory_space<hbm>>
        %dma_start3A_54 = tpu.memref_slice %arg3[%add3A_42] : memref<163840xi32, #tpu.memory_space<hbm>> -> memref<128xi32, #tpu.memory_space<hbm>>
        tpu.enqueue_dma source(%dma_start3A_54 : memref<128xi32, #tpu.memory_space<hbm>>) target(%arg7 : memref<128xi32, #tpu.memory_space<vmem>>) target_semaphore(%run_scoped3A : memref<!tpu.dma_semaphore, #tpu.memory_space<semaphore_mem>>)
        %dma_wait3A_55 = tpu.memref_slice %arg3[%add3A_42] : memref<163840xi32, #tpu.memory_space<hbm>> -> memref<128xi32, #tpu.memory_space<hbm>>
        %dma_wait3A_56 = tpu.memref_slice %arg3[%add3A_42] : memref<163840xi32, #tpu.memory_space<hbm>> -> memref<128xi32, #tpu.memory_space<hbm>>
        tpu.wait_dma2 semaphore(%run_scoped3A : memref<!tpu.dma_semaphore, #tpu.memory_space<semaphore_mem>>) src(%dma_wait3A_56 : memref<128xi32, #tpu.memory_space<hbm>>) dst(%arg7 : memref<128xi32, #tpu.memory_space<vmem>>)
        tpu.yield
      }) : () -> ()
      "tpu.region"() ({
        %run_scoped3A = tpu.sem_alloc : memref<!tpu.dma_semaphore, #tpu.memory_space<semaphore_mem>>
        %dma_start3A_53 = tpu.memref_slice %arg4[%add3A_42] : memref<163840xi32, #tpu.memory_space<hbm>> -> memref<128xi32, #tpu.memory_space<hbm>>
        %dma_start3A_54 = tpu.memref_slice %arg4[%add3A_42] : memref<163840xi32, #tpu.memory_space<hbm>> -> memref<128xi32, #tpu.memory_space<hbm>>
        tpu.enqueue_dma source(%dma_start3A_54 : memref<128xi32, #tpu.memory_space<hbm>>) target(%arg8 : memref<128xi32, #tpu.memory_space<vmem>>) target_semaphore(%run_scoped3A : memref<!tpu.dma_semaphore, #tpu.memory_space<semaphore_mem>>)
        %dma_wait3A_55 = tpu.memref_slice %arg4[%add3A_42] : memref<163840xi32, #tpu.memory_space<hbm>> -> memref<128xi32, #tpu.memory_space<hbm>>
        %dma_wait3A_56 = tpu.memref_slice %arg4[%add3A_42] : memref<163840xi32, #tpu.memory_space<hbm>> -> memref<128xi32, #tpu.memory_space<hbm>>
        tpu.wait_dma2 semaphore(%run_scoped3A : memref<!tpu.dma_semaphore, #tpu.memory_space<semaphore_mem>>) src(%dma_wait3A_56 : memref<128xi32, #tpu.memory_space<hbm>>) dst(%arg8 : memref<128xi32, #tpu.memory_space<vmem>>)
        tpu.yield
      }) : () -> ()
      "tpu.region"() ({
        %run_scoped3A = tpu.sem_alloc : memref<!tpu.dma_semaphore, #tpu.memory_space<semaphore_mem>>
        %dma_start3A_53 = tpu.memref_slice %arg5[%add3A_42] : memref<163840xf32, #tpu.memory_space<hbm>> -> memref<128xf32, #tpu.memory_space<hbm>>
        %dma_start3A_54 = tpu.memref_slice %arg5[%add3A_42] : memref<163840xf32, #tpu.memory_space<hbm>> -> memref<128xf32, #tpu.memory_space<hbm>>
        tpu.enqueue_dma source(%dma_start3A_54 : memref<128xf32, #tpu.memory_space<hbm>>) target(%arg9 : memref<128xf32, #tpu.memory_space<vmem>>) target_semaphore(%run_scoped3A : memref<!tpu.dma_semaphore, #tpu.memory_space<semaphore_mem>>)
        %dma_wait3A_55 = tpu.memref_slice %arg5[%add3A_42] : memref<163840xf32, #tpu.memory_space<hbm>> -> memref<128xf32, #tpu.memory_space<hbm>>
        %dma_wait3A_56 = tpu.memref_slice %arg5[%add3A_42] : memref<163840xf32, #tpu.memory_space<hbm>> -> memref<128xf32, #tpu.memory_space<hbm>>
        tpu.wait_dma2 semaphore(%run_scoped3A : memref<!tpu.dma_semaphore, #tpu.memory_space<semaphore_mem>>) src(%dma_wait3A_56 : memref<128xf32, #tpu.memory_space<hbm>>) dst(%arg9 : memref<128xf32, #tpu.memory_space<vmem>>)
        tpu.yield
      }) : () -> ()
      %dma_start3A = arith.constant 0 : i32
      %dma_start3A_43 = arith.constant 0 : i32
      %dma_start3A_44 = tpu.memref_slice %arg2[%dma_start3A, %dma_start3A_43] : memref<10240x16xf32, #tpu.memory_space<hbm>> -> memref<10240x16xf32, #tpu.memory_space<hbm>>
      tpu.enqueue_indirect_dma source(%dma_start3A_44 : memref<10240x16xf32, #tpu.memory_space<hbm>>) target(%arg10 : memref<128x16xf32, #tpu.memory_space<vmem>>) offsets(%arg7 : memref<128xi32, #tpu.memory_space<vmem>>) semaphore(%arg12 : memref<!tpu.dma_semaphore, #tpu.memory_space<semaphore_mem>>)
      %dma_wait3A = arith.constant 0 : i32
      %dma_wait3A_45 = arith.constant 0 : i32
      %dma_wait3A_46 = tpu.memref_slice %arg2[%dma_wait3A, %dma_wait3A_45] : memref<10240x16xf32, #tpu.memory_space<hbm>> -> memref<10240x16xf32, #tpu.memory_space<hbm>>
      tpu.wait_indirect_dma semaphore(%arg12 : memref<!tpu.dma_semaphore, #tpu.memory_space<semaphore_mem>>) src(%dma_wait3A_46 : memref<10240x16xf32, #tpu.memory_space<hbm>>) dst(%arg10 : memref<128x16xf32, #tpu.memory_space<vmem>>)
      %scan3A_47 = arith.constant 0 : i32
      %scan3A_48 = arith.constant 0 : i32
      %scan3A_49 = arith.constant 8 : i32
      %scan3A_50 = arith.addi %scan3A_48, %scan3A_49 : i32
      %scan3A_51 = arith.constant 1 : i32
      scf.for %scan3A_53 = %scan3A_48 to %scan3A_50 step %scan3A_51  : i32 {
        %mul3A_54 = arith.constant 16 : i32
        %mul3A_55 = arith.muli %scan3A_53, %mul3A_54 : i32
        %get3A = arith.index_cast %mul3A_55 : i32 to index
        %get3A_56 = tpu.vector_load %arg9[%get3A] {strides = array<i32>} : memref<128xf32, #tpu.memory_space<vmem>>, vector<16xf32>,
        %get3A_57 = vector.shape_cast %get3A_56 : vector<16xf32> to vector<16xf32>
        %mul3A_58 = arith.constant 16 : i32
        %mul3A_59 = arith.muli %scan3A_53, %mul3A_58 : i32
        %add3A_60 = arith.constant 0 : i32
        %add3A_61 = arith.addi %mul3A_59, %add3A_60 : i32
        %get3A_62 = arith.index_cast %add3A_61 : i32 to index
        %get3A_63 = arith.constant 0 : index
        %get3A_64 = tpu.vector_load %arg10[%get3A_62, %get3A_63] {strides = array<i32>} : memref<128x16xf32, #tpu.memory_space<vmem>>, vector<1x16xf32>,
        %get3A_65 = vector.shape_cast %get3A_64 : vector<1x16xf32> to vector<16xf32>
        %slice3A = vector.extract_strided_slice %get3A_57 {offsets = [0], sizes = [1], strides = [1]} : vector<16xf32> to vector<1xf32>
        %squeeze3A = vector.extract %slice3A[0] : f32 from vector<1xf32>
        %mul3A_66 = vector.broadcast %squeeze3A : f32 to vector<16xf32>
        %mul3A_67 = arith.mulf %get3A_65, %mul3A_66 : vector<16xf32>
        %swap3A = arith.index_cast %add3A_61 : i32 to index
        %swap3A_68 = arith.constant 0 : index
        %swap3A_69 = tpu.vector_load %arg10[%swap3A, %swap3A_68] {strides = array<i32>} : memref<128x16xf32, #tpu.memory_space<vmem>>, vector<1x16xf32>,
        %swap3A_70 = vector.shape_cast %swap3A_69 : vector<1x16xf32> to vector<16xf32>
        %swap3A_71 = vector.shape_cast %mul3A_67 : vector<16xf32> to vector<1x16xf32>
        tpu.vector_store %arg10[%swap3A, %swap3A_68], %swap3A_71 {strides = array<i32>} : memref<128x16xf32, #tpu.memory_space<vmem>>, vector<1x16xf32>,
        %mul3A_72 = arith.constant 16 : i32
        %mul3A_73 = arith.muli %scan3A_53, %mul3A_72 : i32
        %add3A_74 = arith.constant 1 : i32
        %add3A_75 = arith.addi %mul3A_73, %add3A_74 : i32
        %get3A_76 = arith.index_cast %add3A_75 : i32 to index
        %get3A_77 = arith.constant 0 : index
        %get3A_78 = tpu.vector_load %arg10[%get3A_76, %get3A_77] {strides = array<i32>} : memref<128x16xf32, #tpu.memory_space<vmem>>, vector<1x16xf32>,
        %get3A_79 = vector.shape_cast %get3A_78 : vector<1x16xf32> to vector<16xf32>
        %slice3A_80 = vector.extract_strided_slice %get3A_57 {offsets = [1], sizes = [1], strides = [1]} : vector<16xf32> to vector<1xf32>
        %squeeze3A_81 = vector.extract %slice3A_80[0] : f32 from vector<1xf32>
        %mul3A_82 = vector.broadcast %squeeze3A_81 : f32 to vector<16xf32>
        %mul3A_83 = arith.mulf %get3A_79, %mul3A_82 : vector<16xf32>
        %swap3A_84 = arith.index_cast %add3A_75 : i32 to index
        %swap3A_85 = arith.constant 0 : index
        %swap3A_86 = tpu.vector_load %arg10[%swap3A_84, %swap3A_85] {strides = array<i32>} : memref<128x16xf32, #tpu.memory_space<vmem>>, vector<1x16xf32>,
        %swap3A_87 = vector.shape_cast %swap3A_86 : vector<1x16xf32> to vector<16xf32>
        %swap3A_88 = vector.shape_cast %mul3A_83 : vector<16xf32> to vector<1x16xf32>
        tpu.vector_store %arg10[%swap3A_84, %swap3A_85], %swap3A_88 {strides = array<i32>} : memref<128x16xf32, #tpu.memory_space<vmem>>, vector<1x16xf32>,
        %mul3A_89 = arith.constant 16 : i32
        %mul3A_90 = arith.muli %scan3A_53, %mul3A_89 : i32
        %add3A_91 = arith.constant 2 : i32
        %add3A_92 = arith.addi %mul3A_90, %add3A_91 : i32
        %get3A_93 = arith.index_cast %add3A_92 : i32 to index
        %get3A_94 = arith.constant 0 : index
        %get3A_95 = tpu.vector_load %arg10[%get3A_93, %get3A_94] {strides = array<i32>} : memref<128x16xf32, #tpu.memory_space<vmem>>, vector<1x16xf32>,
        %get3A_96 = vector.shape_cast %get3A_95 : vector<1x16xf32> to vector<16xf32>
        %slice3A_97 = vector.extract_strided_slice %get3A_57 {offsets = [2], sizes = [1], strides = [1]} : vector<16xf32> to vector<1xf32>
        %squeeze3A_98 = vector.extract %slice3A_97[0] : f32 from vector<1xf32>
        %mul3A_99 = vector.broadcast %squeeze3A_98 : f32 to vector<16xf32>
        %mul3A_100 = arith.mulf %get3A_96, %mul3A_99 : vector<16xf32>
        %swap3A_101 = arith.index_cast %add3A_92 : i32 to index
        %swap3A_102 = arith.constant 0 : index
        %swap3A_103 = tpu.vector_load %arg10[%swap3A_101, %swap3A_102] {strides = array<i32>} : memref<128x16xf32, #tpu.memory_space<vmem>>, vector<1x16xf32>,
        %swap3A_104 = vector.shape_cast %swap3A_103 : vector<1x16xf32> to vector<16xf32>
        %swap3A_105 = vector.shape_cast %mul3A_100 : vector<16xf32> to vector<1x16xf32>
        tpu.vector_store %arg10[%swap3A_101, %swap3A_102], %swap3A_105 {strides = array<i32>} : memref<128x16xf32, #tpu.memory_space<vmem>>, vector<1x16xf32>,
        %mul3A_106 = arith.constant 16 : i32
        %mul3A_107 = arith.muli %scan3A_53, %mul3A_106 : i32
        %add3A_108 = arith.constant 3 : i32
        %add3A_109 = arith.addi %mul3A_107, %add3A_108 : i32
        %get3A_110 = arith.index_cast %add3A_109 : i32 to index
        %get3A_111 = arith.constant 0 : index
        %get3A_112 = tpu.vector_load %arg10[%get3A_110, %get3A_111] {strides = array<i32>} : memref<128x16xf32, #tpu.memory_space<vmem>>, vector<1x16xf32>,
        %get3A_113 = vector.shape_cast %get3A_112 : vector<1x16xf32> to vector<16xf32>
        %slice3A_114 = vector.extract_strided_slice %get3A_57 {offsets = [3], sizes = [1], strides = [1]} : vector<16xf32> to vector<1xf32>
        %squeeze3A_115 = vector.extract %slice3A_114[0] : f32 from vector<1xf32>
        %mul3A_116 = vector.broadcast %squeeze3A_115 : f32 to vector<16xf32>
        %mul3A_117 = arith.mulf %get3A_113, %mul3A_116 : vector<16xf32>
        %swap3A_118 = arith.index_cast %add3A_109 : i32 to index
        %swap3A_119 = arith.constant 0 : index
        %swap3A_120 = tpu.vector_load %arg10[%swap3A_118, %swap3A_119] {strides = array<i32>} : memref<128x16xf32, #tpu.memory_space<vmem>>, vector<1x16xf32>,
        %swap3A_121 = vector.shape_cast %swap3A_120 : vector<1x16xf32> to vector<16xf32>
        %swap3A_122 = vector.shape_cast %mul3A_117 : vector<16xf32> to vector<1x16xf32>
        tpu.vector_store %arg10[%swap3A_118, %swap3A_119], %swap3A_122 {strides = array<i32>} : memref<128x16xf32, #tpu.memory_space<vmem>>, vector<1x16xf32>,
        %mul3A_123 = arith.constant 16 : i32
        %mul3A_124 = arith.muli %scan3A_53, %mul3A_123 : i32
        %add3A_125 = arith.constant 4 : i32
        %add3A_126 = arith.addi %mul3A_124, %add3A_125 : i32
        %get3A_127 = arith.index_cast %add3A_126 : i32 to index
        %get3A_128 = arith.constant 0 : index
        %get3A_129 = tpu.vector_load %arg10[%get3A_127, %get3A_128] {strides = array<i32>} : memref<128x16xf32, #tpu.memory_space<vmem>>, vector<1x16xf32>,
        %get3A_130 = vector.shape_cast %get3A_129 : vector<1x16xf32> to vector<16xf32>
        %slice3A_131 = vector.extract_strided_slice %get3A_57 {offsets = [4], sizes = [1], strides = [1]} : vector<16xf32> to vector<1xf32>
        %squeeze3A_132 = vector.extract %slice3A_131[0] : f32 from vector<1xf32>
        %mul3A_133 = vector.broadcast %squeeze3A_132 : f32 to vector<16xf32>
        %mul3A_134 = arith.mulf %get3A_130, %mul3A_133 : vector<16xf32>
        %swap3A_135 = arith.index_cast %add3A_126 : i32 to index
        %swap3A_136 = arith.constant 0 : index
        %swap3A_137 = tpu.vector_load %arg10[%swap3A_135, %swap3A_136] {strides = array<i32>} : memref<128x16xf32, #tpu.memory_space<vmem>>, vector<1x16xf32>,
        %swap3A_138 = vector.shape_cast %swap3A_137 : vector<1x16xf32> to vector<16xf32>
        %swap3A_139 = vector.shape_cast %mul3A_134 : vector<16xf32> to vector<1x16xf32>
        tpu.vector_store %arg10[%swap3A_135, %swap3A_136], %swap3A_139 {strides = array<i32>} : memref<128x16xf32, #tpu.memory_space<vmem>>, vector<1x16xf32>,
        %mul3A_140 = arith.constant 16 : i32
        %mul3A_141 = arith.muli %scan3A_53, %mul3A_140 : i32
        %add3A_142 = arith.constant 5 : i32
        %add3A_143 = arith.addi %mul3A_141, %add3A_142 : i32
        %get3A_144 = arith.index_cast %add3A_143 : i32 to index
        %get3A_145 = arith.constant 0 : index
        %get3A_146 = tpu.vector_load %arg10[%get3A_144, %get3A_145] {strides = array<i32>} : memref<128x16xf32, #tpu.memory_space<vmem>>, vector<1x16xf32>,
        %get3A_147 = vector.shape_cast %get3A_146 : vector<1x16xf32> to vector<16xf32>
        %slice3A_148 = vector.extract_strided_slice %get3A_57 {offsets = [5], sizes = [1], strides = [1]} : vector<16xf32> to vector<1xf32>
        %squeeze3A_149 = vector.extract %slice3A_148[0] : f32 from vector<1xf32>
        %mul3A_150 = vector.broadcast %squeeze3A_149 : f32 to vector<16xf32>
        %mul3A_151 = arith.mulf %get3A_147, %mul3A_150 : vector<16xf32>
        %swap3A_152 = arith.index_cast %add3A_143 : i32 to index
        %swap3A_153 = arith.constant 0 : index
        %swap3A_154 = tpu.vector_load %arg10[%swap3A_152, %swap3A_153] {strides = array<i32>} : memref<128x16xf32, #tpu.memory_space<vmem>>, vector<1x16xf32>,
        %swap3A_155 = vector.shape_cast %swap3A_154 : vector<1x16xf32> to vector<16xf32>
        %swap3A_156 = vector.shape_cast %mul3A_151 : vector<16xf32> to vector<1x16xf32>
        tpu.vector_store %arg10[%swap3A_152, %swap3A_153], %swap3A_156 {strides = array<i32>} : memref<128x16xf32, #tpu.memory_space<vmem>>, vector<1x16xf32>,
        %mul3A_157 = arith.constant 16 : i32
        %mul3A_158 = arith.muli %scan3A_53, %mul3A_157 : i32
        %add3A_159 = arith.constant 6 : i32
        %add3A_160 = arith.addi %mul3A_158, %add3A_159 : i32
        %get3A_161 = arith.index_cast %add3A_160 : i32 to index
        %get3A_162 = arith.constant 0 : index
        %get3A_163 = tpu.vector_load %arg10[%get3A_161, %get3A_162] {strides = array<i32>} : memref<128x16xf32, #tpu.memory_space<vmem>>, vector<1x16xf32>,
        %get3A_164 = vector.shape_cast %get3A_163 : vector<1x16xf32> to vector<16xf32>
        %slice3A_165 = vector.extract_strided_slice %get3A_57 {offsets = [6], sizes = [1], strides = [1]} : vector<16xf32> to vector<1xf32>
        %squeeze3A_166 = vector.extract %slice3A_165[0] : f32 from vector<1xf32>
        %mul3A_167 = vector.broadcast %squeeze3A_166 : f32 to vector<16xf32>
        %mul3A_168 = arith.mulf %get3A_164, %mul3A_167 : vector<16xf32>
        %swap3A_169 = arith.index_cast %add3A_160 : i32 to index
        %swap3A_170 = arith.constant 0 : index
        %swap3A_171 = tpu.vector_load %arg10[%swap3A_169, %swap3A_170] {strides = array<i32>} : memref<128x16xf32, #tpu.memory_space<vmem>>, vector<1x16xf32>,
        %swap3A_172 = vector.shape_cast %swap3A_171 : vector<1x16xf32> to vector<16xf32>
        %swap3A_173 = vector.shape_cast %mul3A_168 : vector<16xf32> to vector<1x16xf32>
        tpu.vector_store %arg10[%swap3A_169, %swap3A_170], %swap3A_173 {strides = array<i32>} : memref<128x16xf32, #tpu.memory_space<vmem>>, vector<1x16xf32>,
        %mul3A_174 = arith.constant 16 : i32
        %mul3A_175 = arith.muli %scan3A_53, %mul3A_174 : i32
        %add3A_176 = arith.constant 7 : i32
        %add3A_177 = arith.addi %mul3A_175, %add3A_176 : i32
        %get3A_178 = arith.index_cast %add3A_177 : i32 to index
        %get3A_179 = arith.constant 0 : index
        %get3A_180 = tpu.vector_load %arg10[%get3A_178, %get3A_179] {strides = array<i32>} : memref<128x16xf32, #tpu.memory_space<vmem>>, vector<1x16xf32>,
        %get3A_181 = vector.shape_cast %get3A_180 : vector<1x16xf32> to vector<16xf32>
        %slice3A_182 = vector.extract_strided_slice %get3A_57 {offsets = [7], sizes = [1], strides = [1]} : vector<16xf32> to vector<1xf32>
        %squeeze3A_183 = vector.extract %slice3A_182[0] : f32 from vector<1xf32>
        %mul3A_184 = vector.broadcast %squeeze3A_183 : f32 to vector<16xf32>
        %mul3A_185 = arith.mulf %get3A_181, %mul3A_184 : vector<16xf32>
        %swap3A_186 = arith.index_cast %add3A_177 : i32 to index
        %swap3A_187 = arith.constant 0 : index
        %swap3A_188 = tpu.vector_load %arg10[%swap3A_186, %swap3A_187] {strides = array<i32>} : memref<128x16xf32, #tpu.memory_space<vmem>>, vector<1x16xf32>,
        %swap3A_189 = vector.shape_cast %swap3A_188 : vector<1x16xf32> to vector<16xf32>
        %swap3A_190 = vector.shape_cast %mul3A_185 : vector<16xf32> to vector<1x16xf32>
        tpu.vector_store %arg10[%swap3A_186, %swap3A_187], %swap3A_190 {strides = array<i32>} : memref<128x16xf32, #tpu.memory_space<vmem>>, vector<1x16xf32>,
        %mul3A_191 = arith.constant 16 : i32
        %mul3A_192 = arith.muli %scan3A_53, %mul3A_191 : i32
        %add3A_193 = arith.constant 8 : i32
        %add3A_194 = arith.addi %mul3A_192, %add3A_193 : i32
        %get3A_195 = arith.index_cast %add3A_194 : i32 to index
        %get3A_196 = arith.constant 0 : index
        %get3A_197 = tpu.vector_load %arg10[%get3A_195, %get3A_196] {strides = array<i32>} : memref<128x16xf32, #tpu.memory_space<vmem>>, vector<1x16xf32>,
        %get3A_198 = vector.shape_cast %get3A_197 : vector<1x16xf32> to vector<16xf32>
        %slice3A_199 = vector.extract_strided_slice %get3A_57 {offsets = [8], sizes = [1], strides = [1]} : vector<16xf32> to vector<1xf32>
        %squeeze3A_200 = vector.extract %slice3A_199[0] : f32 from vector<1xf32>
        %mul3A_201 = vector.broadcast %squeeze3A_200 : f32 to vector<16xf32>
        %mul3A_202 = arith.mulf %get3A_198, %mul3A_201 : vector<16xf32>
        %swap3A_203 = arith.index_cast %add3A_194 : i32 to index
        %swap3A_204 = arith.constant 0 : index
        %swap3A_205 = tpu.vector_load %arg10[%swap3A_203, %swap3A_204] {strides = array<i32>} : memref<128x16xf32, #tpu.memory_space<vmem>>, vector<1x16xf32>,
        %swap3A_206 = vector.shape_cast %swap3A_205 : vector<1x16xf32> to vector<16xf32>
        %swap3A_207 = vector.shape_cast %mul3A_202 : vector<16xf32> to vector<1x16xf32>
        tpu.vector_store %arg10[%swap3A_203, %swap3A_204], %swap3A_207 {strides = array<i32>} : memref<128x16xf32, #tpu.memory_space<vmem>>, vector<1x16xf32>,
        %mul3A_208 = arith.constant 16 : i32
        %mul3A_209 = arith.muli %scan3A_53, %mul3A_208 : i32
        %add3A_210 = arith.constant 9 : i32
        %add3A_211 = arith.addi %mul3A_209, %add3A_210 : i32
        %get3A_212 = arith.index_cast %add3A_211 : i32 to index
        %get3A_213 = arith.constant 0 : index
        %get3A_214 = tpu.vector_load %arg10[%get3A_212, %get3A_213] {strides = array<i32>} : memref<128x16xf32, #tpu.memory_space<vmem>>, vector<1x16xf32>,
        %get3A_215 = vector.shape_cast %get3A_214 : vector<1x16xf32> to vector<16xf32>
        %slice3A_216 = vector.extract_strided_slice %get3A_57 {offsets = [9], sizes = [1], strides = [1]} : vector<16xf32> to vector<1xf32>
        %squeeze3A_217 = vector.extract %slice3A_216[0] : f32 from vector<1xf32>
        %mul3A_218 = vector.broadcast %squeeze3A_217 : f32 to vector<16xf32>
        %mul3A_219 = arith.mulf %get3A_215, %mul3A_218 : vector<16xf32>
        %swap3A_220 = arith.index_cast %add3A_211 : i32 to index
        %swap3A_221 = arith.constant 0 : index
        %swap3A_222 = tpu.vector_load %arg10[%swap3A_220, %swap3A_221] {strides = array<i32>} : memref<128x16xf32, #tpu.memory_space<vmem>>, vector<1x16xf32>,
        %swap3A_223 = vector.shape_cast %swap3A_222 : vector<1x16xf32> to vector<16xf32>
        %swap3A_224 = vector.shape_cast %mul3A_219 : vector<16xf32> to vector<1x16xf32>
        tpu.vector_store %arg10[%swap3A_220, %swap3A_221], %swap3A_224 {strides = array<i32>} : memref<128x16xf32, #tpu.memory_space<vmem>>, vector<1x16xf32>,
        %mul3A_225 = arith.constant 16 : i32
        %mul3A_226 = arith.muli %scan3A_53, %mul3A_225 : i32
        %add3A_227 = arith.constant 10 : i32
        %add3A_228 = arith.addi %mul3A_226, %add3A_227 : i32
        %get3A_229 = arith.index_cast %add3A_228 : i32 to index
        %get3A_230 = arith.constant 0 : index
        %get3A_231 = tpu.vector_load %arg10[%get3A_229, %get3A_230] {strides = array<i32>} : memref<128x16xf32, #tpu.memory_space<vmem>>, vector<1x16xf32>,
        %get3A_232 = vector.shape_cast %get3A_231 : vector<1x16xf32> to vector<16xf32>
        %slice3A_233 = vector.extract_strided_slice %get3A_57 {offsets = [10], sizes = [1], strides = [1]} : vector<16xf32> to vector<1xf32>
        %squeeze3A_234 = vector.extract %slice3A_233[0] : f32 from vector<1xf32>
        %mul3A_235 = vector.broadcast %squeeze3A_234 : f32 to vector<16xf32>
        %mul3A_236 = arith.mulf %get3A_232, %mul3A_235 : vector<16xf32>
        %swap3A_237 = arith.index_cast %add3A_228 : i32 to index
        %swap3A_238 = arith.constant 0 : index
        %swap3A_239 = tpu.vector_load %arg10[%swap3A_237, %swap3A_238] {strides = array<i32>} : memref<128x16xf32, #tpu.memory_space<vmem>>, vector<1x16xf32>,
        %swap3A_240 = vector.shape_cast %swap3A_239 : vector<1x16xf32> to vector<16xf32>
        %swap3A_241 = vector.shape_cast %mul3A_236 : vector<16xf32> to vector<1x16xf32>
        tpu.vector_store %arg10[%swap3A_237, %swap3A_238], %swap3A_241 {strides = array<i32>} : memref<128x16xf32, #tpu.memory_space<vmem>>, vector<1x16xf32>,
        %mul3A_242 = arith.constant 16 : i32
        %mul3A_243 = arith.muli %scan3A_53, %mul3A_242 : i32
        %add3A_244 = arith.constant 11 : i32
        %add3A_245 = arith.addi %mul3A_243, %add3A_244 : i32
        %get3A_246 = arith.index_cast %add3A_245 : i32 to index
        %get3A_247 = arith.constant 0 : index
        %get3A_248 = tpu.vector_load %arg10[%get3A_246, %get3A_247] {strides = array<i32>} : memref<128x16xf32, #tpu.memory_space<vmem>>, vector<1x16xf32>,
        %get3A_249 = vector.shape_cast %get3A_248 : vector<1x16xf32> to vector<16xf32>
        %slice3A_250 = vector.extract_strided_slice %get3A_57 {offsets = [11], sizes = [1], strides = [1]} : vector<16xf32> to vector<1xf32>
        %squeeze3A_251 = vector.extract %slice3A_250[0] : f32 from vector<1xf32>
        %mul3A_252 = vector.broadcast %squeeze3A_251 : f32 to vector<16xf32>
        %mul3A_253 = arith.mulf %get3A_249, %mul3A_252 : vector<16xf32>
        %swap3A_254 = arith.index_cast %add3A_245 : i32 to index
        %swap3A_255 = arith.constant 0 : index
        %swap3A_256 = tpu.vector_load %arg10[%swap3A_254, %swap3A_255] {strides = array<i32>} : memref<128x16xf32, #tpu.memory_space<vmem>>, vector<1x16xf32>,
        %swap3A_257 = vector.shape_cast %swap3A_256 : vector<1x16xf32> to vector<16xf32>
        %swap3A_258 = vector.shape_cast %mul3A_253 : vector<16xf32> to vector<1x16xf32>
        tpu.vector_store %arg10[%swap3A_254, %swap3A_255], %swap3A_258 {strides = array<i32>} : memref<128x16xf32, #tpu.memory_space<vmem>>, vector<1x16xf32>,
        %mul3A_259 = arith.constant 16 : i32
        %mul3A_260 = arith.muli %scan3A_53, %mul3A_259 : i32
        %add3A_261 = arith.constant 12 : i32
        %add3A_262 = arith.addi %mul3A_260, %add3A_261 : i32
        %get3A_263 = arith.index_cast %add3A_262 : i32 to index
        %get3A_264 = arith.constant 0 : index
        %get3A_265 = tpu.vector_load %arg10[%get3A_263, %get3A_264] {strides = array<i32>} : memref<128x16xf32, #tpu.memory_space<vmem>>, vector<1x16xf32>,
        %get3A_266 = vector.shape_cast %get3A_265 : vector<1x16xf32> to vector<16xf32>
        %slice3A_267 = vector.extract_strided_slice %get3A_57 {offsets = [12], sizes = [1], strides = [1]} : vector<16xf32> to vector<1xf32>
        %squeeze3A_268 = vector.extract %slice3A_267[0] : f32 from vector<1xf32>
        %mul3A_269 = vector.broadcast %squeeze3A_268 : f32 to vector<16xf32>
        %mul3A_270 = arith.mulf %get3A_266, %mul3A_269 : vector<16xf32>
        %swap3A_271 = arith.index_cast %add3A_262 : i32 to index
        %swap3A_272 = arith.constant 0 : index
        %swap3A_273 = tpu.vector_load %arg10[%swap3A_271, %swap3A_272] {strides = array<i32>} : memref<128x16xf32, #tpu.memory_space<vmem>>, vector<1x16xf32>,
        %swap3A_274 = vector.shape_cast %swap3A_273 : vector<1x16xf32> to vector<16xf32>
        %swap3A_275 = vector.shape_cast %mul3A_270 : vector<16xf32> to vector<1x16xf32>
        tpu.vector_store %arg10[%swap3A_271, %swap3A_272], %swap3A_275 {strides = array<i32>} : memref<128x16xf32, #tpu.memory_space<vmem>>, vector<1x16xf32>,
        %mul3A_276 = arith.constant 16 : i32
        %mul3A_277 = arith.muli %scan3A_53, %mul3A_276 : i32
        %add3A_278 = arith.constant 13 : i32
        %add3A_279 = arith.addi %mul3A_277, %add3A_278 : i32
        %get3A_280 = arith.index_cast %add3A_279 : i32 to index
        %get3A_281 = arith.constant 0 : index
        %get3A_282 = tpu.vector_load %arg10[%get3A_280, %get3A_281] {strides = array<i32>} : memref<128x16xf32, #tpu.memory_space<vmem>>, vector<1x16xf32>,
        %get3A_283 = vector.shape_cast %get3A_282 : vector<1x16xf32> to vector<16xf32>
        %slice3A_284 = vector.extract_strided_slice %get3A_57 {offsets = [13], sizes = [1], strides = [1]} : vector<16xf32> to vector<1xf32>
        %squeeze3A_285 = vector.extract %slice3A_284[0] : f32 from vector<1xf32>
        %mul3A_286 = vector.broadcast %squeeze3A_285 : f32 to vector<16xf32>
        %mul3A_287 = arith.mulf %get3A_283, %mul3A_286 : vector<16xf32>
        %swap3A_288 = arith.index_cast %add3A_279 : i32 to index
        %swap3A_289 = arith.constant 0 : index
        %swap3A_290 = tpu.vector_load %arg10[%swap3A_288, %swap3A_289] {strides = array<i32>} : memref<128x16xf32, #tpu.memory_space<vmem>>, vector<1x16xf32>,
        %swap3A_291 = vector.shape_cast %swap3A_290 : vector<1x16xf32> to vector<16xf32>
        %swap3A_292 = vector.shape_cast %mul3A_287 : vector<16xf32> to vector<1x16xf32>
        tpu.vector_store %arg10[%swap3A_288, %swap3A_289], %swap3A_292 {strides = array<i32>} : memref<128x16xf32, #tpu.memory_space<vmem>>, vector<1x16xf32>,
        %mul3A_293 = arith.constant 16 : i32
        %mul3A_294 = arith.muli %scan3A_53, %mul3A_293 : i32
        %add3A_295 = arith.constant 14 : i32
        %add3A_296 = arith.addi %mul3A_294, %add3A_295 : i32
        %get3A_297 = arith.index_cast %add3A_296 : i32 to index
        %get3A_298 = arith.constant 0 : index
        %get3A_299 = tpu.vector_load %arg10[%get3A_297, %get3A_298] {strides = array<i32>} : memref<128x16xf32, #tpu.memory_space<vmem>>, vector<1x16xf32>,
        %get3A_300 = vector.shape_cast %get3A_299 : vector<1x16xf32> to vector<16xf32>
        %slice3A_301 = vector.extract_strided_slice %get3A_57 {offsets = [14], sizes = [1], strides = [1]} : vector<16xf32> to vector<1xf32>
        %squeeze3A_302 = vector.extract %slice3A_301[0] : f32 from vector<1xf32>
        %mul3A_303 = vector.broadcast %squeeze3A_302 : f32 to vector<16xf32>
        %mul3A_304 = arith.mulf %get3A_300, %mul3A_303 : vector<16xf32>
        %swap3A_305 = arith.index_cast %add3A_296 : i32 to index
        %swap3A_306 = arith.constant 0 : index
        %swap3A_307 = tpu.vector_load %arg10[%swap3A_305, %swap3A_306] {strides = array<i32>} : memref<128x16xf32, #tpu.memory_space<vmem>>, vector<1x16xf32>,
        %swap3A_308 = vector.shape_cast %swap3A_307 : vector<1x16xf32> to vector<16xf32>
        %swap3A_309 = vector.shape_cast %mul3A_304 : vector<16xf32> to vector<1x16xf32>
        tpu.vector_store %arg10[%swap3A_305, %swap3A_306], %swap3A_309 {strides = array<i32>} : memref<128x16xf32, #tpu.memory_space<vmem>>, vector<1x16xf32>,
        %mul3A_310 = arith.constant 16 : i32
        %mul3A_311 = arith.muli %scan3A_53, %mul3A_310 : i32
        %add3A_312 = arith.constant 15 : i32
        %add3A_313 = arith.addi %mul3A_311, %add3A_312 : i32
        %get3A_314 = arith.index_cast %add3A_313 : i32 to index
        %get3A_315 = arith.constant 0 : index
        %get3A_316 = tpu.vector_load %arg10[%get3A_314, %get3A_315] {strides = array<i32>} : memref<128x16xf32, #tpu.memory_space<vmem>>, vector<1x16xf32>,
        %get3A_317 = vector.shape_cast %get3A_316 : vector<1x16xf32> to vector<16xf32>
        %slice3A_318 = vector.extract_strided_slice %get3A_57 {offsets = [15], sizes = [1], strides = [1]} : vector<16xf32> to vector<1xf32>
        %squeeze3A_319 = vector.extract %slice3A_318[0] : f32 from vector<1xf32>
        %mul3A_320 = vector.broadcast %squeeze3A_319 : f32 to vector<16xf32>
        %mul3A_321 = arith.mulf %get3A_317, %mul3A_320 : vector<16xf32>
        %swap3A_322 = arith.index_cast %add3A_313 : i32 to index
        %swap3A_323 = arith.constant 0 : index
        %swap3A_324 = tpu.vector_load %arg10[%swap3A_322, %swap3A_323] {strides = array<i32>} : memref<128x16xf32, #tpu.memory_space<vmem>>, vector<1x16xf32>,
        %swap3A_325 = vector.shape_cast %swap3A_324 : vector<1x16xf32> to vector<16xf32>
        %swap3A_326 = vector.shape_cast %mul3A_321 : vector<16xf32> to vector<1x16xf32>
        tpu.vector_store %arg10[%swap3A_322, %swap3A_323], %swap3A_326 {strides = array<i32>} : memref<128x16xf32, #tpu.memory_space<vmem>>, vector<1x16xf32>,
      }
      %scan3A_52 = arith.constant 8 : i32
      "tpu.region"() ({
        %run_scoped3A = tpu.sem_alloc : memref<!tpu.dma_semaphore, #tpu.memory_space<semaphore_mem>>
        %dma_start3A_53 = arith.constant 0 : i32
        %dma_start3A_54 = arith.constant 0 : i32
        %dma_start3A_55 = tpu.memref_slice %arg11[%dma_start3A_53, %dma_start3A_54] : memref<10240x16xf32, #tpu.memory_space<vmem_shared>> -> memref<10240x16xf32, #tpu.memory_space<vmem_shared>>
        tpu.enqueue_indirect_dma source(%arg10 : memref<128x16xf32, #tpu.memory_space<vmem>>) target(%dma_start3A_55 : memref<10240x16xf32, #tpu.memory_space<vmem_shared>>) offsets(%arg8 : memref<128xi32, #tpu.memory_space<vmem>>) semaphore(%run_scoped3A : memref<!tpu.dma_semaphore, #tpu.memory_space<semaphore_mem>>) {add = true}
        %dma_wait3A_56 = arith.constant 0 : i32
        %dma_wait3A_57 = arith.constant 0 : i32
        %dma_wait3A_58 = tpu.memref_slice %arg11[%dma_wait3A_56, %dma_wait3A_57] : memref<10240x16xf32, #tpu.memory_space<vmem_shared>> -> memref<10240x16xf32, #tpu.memory_space<vmem_shared>>
        tpu.wait_indirect_dma semaphore(%run_scoped3A : memref<!tpu.dma_semaphore, #tpu.memory_space<semaphore_mem>>) src(%arg10 : memref<128x16xf32, #tpu.memory_space<vmem>>) dst(%dma_wait3A_58 : memref<10240x16xf32, #tpu.memory_space<vmem_shared>>)
        tpu.yield
      }) : () -> ()
    }
    %scan3A_33 = arith.constant 40 : i32
    %barrier3A_34 = arith.constant 0 : index
    tpu.barrier barrier_id(%barrier3A_34)
    %mul3A_35 = arith.constant 640 : i32
    %mul3A_36 = arith.muli %arg1, %mul3A_35 : i32
    %mul3A_37 = arith.constant 640 : i32
    %mul3A_38 = arith.muli %arg1, %mul3A_37 : i32
    "tpu.region"() ({
      %run_scoped3A = tpu.sem_alloc : memref<!tpu.dma_semaphore, #tpu.memory_space<semaphore_mem>>
      %dma_start3A = arith.constant 0 : i32
      %dma_start3A_39 = tpu.memref_slice %arg6[%arg0, %mul3A_38, %dma_start3A] : memref<2x10240x16xf32, #tpu.memory_space<hbm>> -> memref<1x640x16xf32, #tpu.memory_space<hbm>>
      %dma_start3A_40 = tpu.memref_squeeze %dma_start3A_39 : memref<1x640x16xf32, #tpu.memory_space<hbm>> -> memref<640x16xf32, #tpu.memory_space<hbm>>
      %dma_start3A_41 = arith.constant 0 : i32
      %dma_start3A_42 = tpu.memref_slice %arg11[%mul3A_36, %dma_start3A_41] : memref<10240x16xf32, #tpu.memory_space<vmem_shared>> -> memref<640x16xf32, #tpu.memory_space<vmem_shared>>
      tpu.enqueue_dma source(%dma_start3A_42 : memref<640x16xf32, #tpu.memory_space<vmem_shared>>) target(%dma_start3A_40 : memref<640x16xf32, #tpu.memory_space<hbm>>) target_semaphore(%run_scoped3A : memref<!tpu.dma_semaphore, #tpu.memory_space<semaphore_mem>>)
      %dma_wait3A = arith.constant 0 : i32
      %dma_wait3A_43 = tpu.memref_slice %arg6[%arg0, %mul3A_38, %dma_wait3A] : memref<2x10240x16xf32, #tpu.memory_space<hbm>> -> memref<1x640x16xf32, #tpu.memory_space<hbm>>
      %dma_wait3A_44 = tpu.memref_squeeze %dma_wait3A_43 : memref<1x640x16xf32, #tpu.memory_space<hbm>> -> memref<640x16xf32, #tpu.memory_space<hbm>>
      %dma_wait3A_45 = arith.constant 0 : i32
      %dma_wait3A_46 = tpu.memref_slice %arg11[%mul3A_36, %dma_wait3A_45] : memref<10240x16xf32, #tpu.memory_space<vmem_shared>> -> memref<640x16xf32, #tpu.memory_space<vmem_shared>>
      tpu.wait_dma2 semaphore(%run_scoped3A : memref<!tpu.dma_semaphore, #tpu.memory_space<semaphore_mem>>) src(%dma_wait3A_46 : memref<640x16xf32, #tpu.memory_space<vmem_shared>>) dst(%dma_wait3A_44 : memref<640x16xf32, #tpu.memory_space<hbm>>)
      tpu.yield
    }) : () -> ()
    return
  }
}

#map = affine_map<(d0, d1) -> (0, 0)>
#map1 = affine_map<(d0, d1) -> (0)>
#map2 = affine_map<(d0, d1) -> (0, 0, 0)>
module attributes {stable_mosaic.version = 14 : i64} {
  func.func @_msg_sc(%arg0: i32, %arg1: i32, %arg2: memref<10240x16xf32, #tpu.memory_space<hbm>>, %arg3: memref<163840xi32, #tpu.memory_space<hbm>>, %arg4: memref<163840xi32, #tpu.memory_space<hbm>>, %arg5: memref<163840xf32, #tpu.memory_space<hbm>>, %arg6: memref<2x10240x16xf32, #tpu.memory_space<hbm>>, %arg7: memref<128xi32, #tpu.memory_space<vmem>>, %arg8: memref<128xi32, #tpu.memory_space<vmem>>, %arg9: memref<128xf32, #tpu.memory_space<vmem>>, %arg10: memref<128x16xf32, #tpu.memory_space<vmem>>, %arg11: memref<10240x16xf32, #tpu.memory_space<vmem_shared>>, %arg12: memref<!tpu.dma_semaphore, #tpu.memory_space<semaphore_mem>>) attributes {dimension_semantics = [#tpu.dimension_semantics<core_parallel>, #tpu.dimension_semantics<subcore_parallel>], iteration_bounds = array<i64: 2, 16>, scalar_prefetch = 0 : i64, scratch_operands = 6 : i64, tpu.core_type = #tpu.core_type<sc_vector_subcore>, window_params = [{transform_indices = #map}, {transform_indices = #map1}, {transform_indices = #map1}, {transform_indices = #map1}, {transform_indices = #map2}]} {
    %mul3A = arith.constant 16 : i32
    %mul3A_0 = arith.muli %arg0, %mul3A : i32
    %add3A = arith.addi %mul3A_0, %arg1 : i32
    %scan3A = arith.constant 0 : i32
    %scan3A_1 = arith.constant 0 : i32
    %scan3A_2 = arith.constant 128 : i32
    %scan3A_3 = arith.addi %scan3A_1, %scan3A_2 : i32
    %scan3A_4 = arith.constant 1 : i32
    scf.for %scan3A_39 = %scan3A_1 to %scan3A_3 step %scan3A_4  : i32 {
      %broadcast_in_dim3A = arith.constant 0.000000e+00 : f32
      %broadcast_in_dim3A_40 = vector.broadcast %broadcast_in_dim3A : f32 to vector<16xf32>
      %swap3A = arith.index_cast %scan3A_39 : i32 to index
      %swap3A_41 = arith.constant 0 : index
      %swap3A_42 = tpu.vector_load %arg10[%swap3A, %swap3A_41] {strides = array<i32>} : memref<128x16xf32, #tpu.memory_space<vmem>>, vector<1x16xf32>,
      %swap3A_43 = vector.shape_cast %swap3A_42 : vector<1x16xf32> to vector<16xf32>
      %swap3A_44 = vector.shape_cast %broadcast_in_dim3A_40 : vector<16xf32> to vector<1x16xf32>
      tpu.vector_store %arg10[%swap3A, %swap3A_41], %swap3A_44 {strides = array<i32>} : memref<128x16xf32, #tpu.memory_space<vmem>>, vector<1x16xf32>,
    }
    %scan3A_5 = arith.constant 128 : i32
    %mul3A_6 = arith.constant 640 : i32
    %mul3A_7 = arith.muli %arg1, %mul3A_6 : i32
    %add3A_8 = arith.constant 0 : i32
    %add3A_9 = arith.addi %mul3A_7, %add3A_8 : i32
    "tpu.region"() ({
      %run_scoped3A = tpu.sem_alloc : memref<!tpu.dma_semaphore, #tpu.memory_space<semaphore_mem>>
      %dma_start3A = arith.constant 0 : i32
      %dma_start3A_39 = tpu.memref_slice %arg11[%add3A_9, %dma_start3A] : memref<10240x16xf32, #tpu.memory_space<vmem_shared>> -> memref<128x16xf32, #tpu.memory_space<vmem_shared>>
      %dma_start3A_40 = arith.constant 0 : i32
      %dma_start3A_41 = tpu.memref_slice %arg11[%add3A_9, %dma_start3A_40] : memref<10240x16xf32, #tpu.memory_space<vmem_shared>> -> memref<128x16xf32, #tpu.memory_space<vmem_shared>>
      tpu.enqueue_dma source(%arg10 : memref<128x16xf32, #tpu.memory_space<vmem>>) target(%dma_start3A_41 : memref<128x16xf32, #tpu.memory_space<vmem_shared>>) target_semaphore(%run_scoped3A : memref<!tpu.dma_semaphore, #tpu.memory_space<semaphore_mem>>)
      %dma_wait3A = arith.constant 0 : i32
      %dma_wait3A_42 = tpu.memref_slice %arg11[%add3A_9, %dma_wait3A] : memref<10240x16xf32, #tpu.memory_space<vmem_shared>> -> memref<128x16xf32, #tpu.memory_space<vmem_shared>>
      %dma_wait3A_43 = arith.constant 0 : i32
      %dma_wait3A_44 = tpu.memref_slice %arg11[%add3A_9, %dma_wait3A_43] : memref<10240x16xf32, #tpu.memory_space<vmem_shared>> -> memref<128x16xf32, #tpu.memory_space<vmem_shared>>
      tpu.wait_dma2 semaphore(%run_scoped3A : memref<!tpu.dma_semaphore, #tpu.memory_space<semaphore_mem>>) src(%arg10 : memref<128x16xf32, #tpu.memory_space<vmem>>) dst(%dma_wait3A_44 : memref<128x16xf32, #tpu.memory_space<vmem_shared>>)
      tpu.yield
    }) : () -> ()
    %mul3A_10 = arith.constant 640 : i32
    %mul3A_11 = arith.muli %arg1, %mul3A_10 : i32
    %add3A_12 = arith.constant 128 : i32
    %add3A_13 = arith.addi %mul3A_11, %add3A_12 : i32
    "tpu.region"() ({
      %run_scoped3A = tpu.sem_alloc : memref<!tpu.dma_semaphore, #tpu.memory_space<semaphore_mem>>
      %dma_start3A = arith.constant 0 : i32
      %dma_start3A_39 = tpu.memref_slice %arg11[%add3A_13, %dma_start3A] : memref<10240x16xf32, #tpu.memory_space<vmem_shared>> -> memref<128x16xf32, #tpu.memory_space<vmem_shared>>
      %dma_start3A_40 = arith.constant 0 : i32
      %dma_start3A_41 = tpu.memref_slice %arg11[%add3A_13, %dma_start3A_40] : memref<10240x16xf32, #tpu.memory_space<vmem_shared>> -> memref<128x16xf32, #tpu.memory_space<vmem_shared>>
      tpu.enqueue_dma source(%arg10 : memref<128x16xf32, #tpu.memory_space<vmem>>) target(%dma_start3A_41 : memref<128x16xf32, #tpu.memory_space<vmem_shared>>) target_semaphore(%run_scoped3A : memref<!tpu.dma_semaphore, #tpu.memory_space<semaphore_mem>>)
      %dma_wait3A = arith.constant 0 : i32
      %dma_wait3A_42 = tpu.memref_slice %arg11[%add3A_13, %dma_wait3A] : memref<10240x16xf32, #tpu.memory_space<vmem_shared>> -> memref<128x16xf32, #tpu.memory_space<vmem_shared>>
      %dma_wait3A_43 = arith.constant 0 : i32
      %dma_wait3A_44 = tpu.memref_slice %arg11[%add3A_13, %dma_wait3A_43] : memref<10240x16xf32, #tpu.memory_space<vmem_shared>> -> memref<128x16xf32, #tpu.memory_space<vmem_shared>>
      tpu.wait_dma2 semaphore(%run_scoped3A : memref<!tpu.dma_semaphore, #tpu.memory_space<semaphore_mem>>) src(%arg10 : memref<128x16xf32, #tpu.memory_space<vmem>>) dst(%dma_wait3A_44 : memref<128x16xf32, #tpu.memory_space<vmem_shared>>)
      tpu.yield
    }) : () -> ()
    %mul3A_14 = arith.constant 640 : i32
    %mul3A_15 = arith.muli %arg1, %mul3A_14 : i32
    %add3A_16 = arith.constant 256 : i32
    %add3A_17 = arith.addi %mul3A_15, %add3A_16 : i32
    "tpu.region"() ({
      %run_scoped3A = tpu.sem_alloc : memref<!tpu.dma_semaphore, #tpu.memory_space<semaphore_mem>>
      %dma_start3A = arith.constant 0 : i32
      %dma_start3A_39 = tpu.memref_slice %arg11[%add3A_17, %dma_start3A] : memref<10240x16xf32, #tpu.memory_space<vmem_shared>> -> memref<128x16xf32, #tpu.memory_space<vmem_shared>>
      %dma_start3A_40 = arith.constant 0 : i32
      %dma_start3A_41 = tpu.memref_slice %arg11[%add3A_17, %dma_start3A_40] : memref<10240x16xf32, #tpu.memory_space<vmem_shared>> -> memref<128x16xf32, #tpu.memory_space<vmem_shared>>
      tpu.enqueue_dma source(%arg10 : memref<128x16xf32, #tpu.memory_space<vmem>>) target(%dma_start3A_41 : memref<128x16xf32, #tpu.memory_space<vmem_shared>>) target_semaphore(%run_scoped3A : memref<!tpu.dma_semaphore, #tpu.memory_space<semaphore_mem>>)
      %dma_wait3A = arith.constant 0 : i32
      %dma_wait3A_42 = tpu.memref_slice %arg11[%add3A_17, %dma_wait3A] : memref<10240x16xf32, #tpu.memory_space<vmem_shared>> -> memref<128x16xf32, #tpu.memory_space<vmem_shared>>
      %dma_wait3A_43 = arith.constant 0 : i32
      %dma_wait3A_44 = tpu.memref_slice %arg11[%add3A_17, %dma_wait3A_43] : memref<10240x16xf32, #tpu.memory_space<vmem_shared>> -> memref<128x16xf32, #tpu.memory_space<vmem_shared>>
      tpu.wait_dma2 semaphore(%run_scoped3A : memref<!tpu.dma_semaphore, #tpu.memory_space<semaphore_mem>>) src(%arg10 : memref<128x16xf32, #tpu.memory_space<vmem>>) dst(%dma_wait3A_44 : memref<128x16xf32, #tpu.memory_space<vmem_shared>>)
      tpu.yield
    }) : () -> ()
    %mul3A_18 = arith.constant 640 : i32
    %mul3A_19 = arith.muli %arg1, %mul3A_18 : i32
    %add3A_20 = arith.constant 384 : i32
    %add3A_21 = arith.addi %mul3A_19, %add3A_20 : i32
    "tpu.region"() ({
      %run_scoped3A = tpu.sem_alloc : memref<!tpu.dma_semaphore, #tpu.memory_space<semaphore_mem>>
      %dma_start3A = arith.constant 0 : i32
      %dma_start3A_39 = tpu.memref_slice %arg11[%add3A_21, %dma_start3A] : memref<10240x16xf32, #tpu.memory_space<vmem_shared>> -> memref<128x16xf32, #tpu.memory_space<vmem_shared>>
      %dma_start3A_40 = arith.constant 0 : i32
      %dma_start3A_41 = tpu.memref_slice %arg11[%add3A_21, %dma_start3A_40] : memref<10240x16xf32, #tpu.memory_space<vmem_shared>> -> memref<128x16xf32, #tpu.memory_space<vmem_shared>>
      tpu.enqueue_dma source(%arg10 : memref<128x16xf32, #tpu.memory_space<vmem>>) target(%dma_start3A_41 : memref<128x16xf32, #tpu.memory_space<vmem_shared>>) target_semaphore(%run_scoped3A : memref<!tpu.dma_semaphore, #tpu.memory_space<semaphore_mem>>)
      %dma_wait3A = arith.constant 0 : i32
      %dma_wait3A_42 = tpu.memref_slice %arg11[%add3A_21, %dma_wait3A] : memref<10240x16xf32, #tpu.memory_space<vmem_shared>> -> memref<128x16xf32, #tpu.memory_space<vmem_shared>>
      %dma_wait3A_43 = arith.constant 0 : i32
      %dma_wait3A_44 = tpu.memref_slice %arg11[%add3A_21, %dma_wait3A_43] : memref<10240x16xf32, #tpu.memory_space<vmem_shared>> -> memref<128x16xf32, #tpu.memory_space<vmem_shared>>
      tpu.wait_dma2 semaphore(%run_scoped3A : memref<!tpu.dma_semaphore, #tpu.memory_space<semaphore_mem>>) src(%arg10 : memref<128x16xf32, #tpu.memory_space<vmem>>) dst(%dma_wait3A_44 : memref<128x16xf32, #tpu.memory_space<vmem_shared>>)
      tpu.yield
    }) : () -> ()
    %mul3A_22 = arith.constant 640 : i32
    %mul3A_23 = arith.muli %arg1, %mul3A_22 : i32
    %add3A_24 = arith.constant 512 : i32
    %add3A_25 = arith.addi %mul3A_23, %add3A_24 : i32
    "tpu.region"() ({
      %run_scoped3A = tpu.sem_alloc : memref<!tpu.dma_semaphore, #tpu.memory_space<semaphore_mem>>
      %dma_start3A = arith.constant 0 : i32
      %dma_start3A_39 = tpu.memref_slice %arg11[%add3A_25, %dma_start3A] : memref<10240x16xf32, #tpu.memory_space<vmem_shared>> -> memref<128x16xf32, #tpu.memory_space<vmem_shared>>
      %dma_start3A_40 = arith.constant 0 : i32
      %dma_start3A_41 = tpu.memref_slice %arg11[%add3A_25, %dma_start3A_40] : memref<10240x16xf32, #tpu.memory_space<vmem_shared>> -> memref<128x16xf32, #tpu.memory_space<vmem_shared>>
      tpu.enqueue_dma source(%arg10 : memref<128x16xf32, #tpu.memory_space<vmem>>) target(%dma_start3A_41 : memref<128x16xf32, #tpu.memory_space<vmem_shared>>) target_semaphore(%run_scoped3A : memref<!tpu.dma_semaphore, #tpu.memory_space<semaphore_mem>>)
      %dma_wait3A = arith.constant 0 : i32
      %dma_wait3A_42 = tpu.memref_slice %arg11[%add3A_25, %dma_wait3A] : memref<10240x16xf32, #tpu.memory_space<vmem_shared>> -> memref<128x16xf32, #tpu.memory_space<vmem_shared>>
      %dma_wait3A_43 = arith.constant 0 : i32
      %dma_wait3A_44 = tpu.memref_slice %arg11[%add3A_25, %dma_wait3A_43] : memref<10240x16xf32, #tpu.memory_space<vmem_shared>> -> memref<128x16xf32, #tpu.memory_space<vmem_shared>>
      tpu.wait_dma2 semaphore(%run_scoped3A : memref<!tpu.dma_semaphore, #tpu.memory_space<semaphore_mem>>) src(%arg10 : memref<128x16xf32, #tpu.memory_space<vmem>>) dst(%dma_wait3A_44 : memref<128x16xf32, #tpu.memory_space<vmem_shared>>)
      tpu.yield
    }) : () -> ()
    %barrier3A = arith.constant 0 : index
    tpu.barrier barrier_id(%barrier3A)
    %mul3A_26 = arith.constant 5120 : i32
    %mul3A_27 = arith.muli %add3A, %mul3A_26 : i32
    %scan3A_28 = arith.constant 0 : i32
    %scan3A_29 = arith.constant 0 : i32
    %scan3A_30 = arith.constant 40 : i32
    %scan3A_31 = arith.addi %scan3A_29, %scan3A_30 : i32
    %scan3A_32 = arith.constant 1 : i32
    scf.for %scan3A_39 = %scan3A_29 to %scan3A_31 step %scan3A_32  : i32 {
      %mul3A_40 = arith.constant 128 : i32
      %mul3A_41 = arith.muli %scan3A_39, %mul3A_40 : i32
      %add3A_42 = arith.addi %mul3A_27, %mul3A_41 : i32
      "tpu.region"() ({
        %run_scoped3A = tpu.sem_alloc : memref<!tpu.dma_semaphore, #tpu.memory_space<semaphore_mem>>
        %dma_start3A_53 = tpu.memref_slice %arg3[%add3A_42] : memref<163840xi32, #tpu.memory_space<hbm>> -> memref<128xi32, #tpu.memory_space<hbm>>
        %dma_start3A_54 = tpu.memref_slice %arg3[%add3A_42] : memref<163840xi32, #tpu.memory_space<hbm>> -> memref<128xi32, #tpu.memory_space<hbm>>
        tpu.enqueue_dma source(%dma_start3A_54 : memref<128xi32, #tpu.memory_space<hbm>>) target(%arg7 : memref<128xi32, #tpu.memory_space<vmem>>) target_semaphore(%run_scoped3A : memref<!tpu.dma_semaphore, #tpu.memory_space<semaphore_mem>>)
        %dma_wait3A_55 = tpu.memref_slice %arg3[%add3A_42] : memref<163840xi32, #tpu.memory_space<hbm>> -> memref<128xi32, #tpu.memory_space<hbm>>
        %dma_wait3A_56 = tpu.memref_slice %arg3[%add3A_42] : memref<163840xi32, #tpu.memory_space<hbm>> -> memref<128xi32, #tpu.memory_space<hbm>>
        tpu.wait_dma2 semaphore(%run_scoped3A : memref<!tpu.dma_semaphore, #tpu.memory_space<semaphore_mem>>) src(%dma_wait3A_56 : memref<128xi32, #tpu.memory_space<hbm>>) dst(%arg7 : memref<128xi32, #tpu.memory_space<vmem>>)
        tpu.yield
      }) : () -> ()
      "tpu.region"() ({
        %run_scoped3A = tpu.sem_alloc : memref<!tpu.dma_semaphore, #tpu.memory_space<semaphore_mem>>
        %dma_start3A_53 = tpu.memref_slice %arg4[%add3A_42] : memref<163840xi32, #tpu.memory_space<hbm>> -> memref<128xi32, #tpu.memory_space<hbm>>
        %dma_start3A_54 = tpu.memref_slice %arg4[%add3A_42] : memref<163840xi32, #tpu.memory_space<hbm>> -> memref<128xi32, #tpu.memory_space<hbm>>
        tpu.enqueue_dma source(%dma_start3A_54 : memref<128xi32, #tpu.memory_space<hbm>>) target(%arg8 : memref<128xi32, #tpu.memory_space<vmem>>) target_semaphore(%run_scoped3A : memref<!tpu.dma_semaphore, #tpu.memory_space<semaphore_mem>>)
        %dma_wait3A_55 = tpu.memref_slice %arg4[%add3A_42] : memref<163840xi32, #tpu.memory_space<hbm>> -> memref<128xi32, #tpu.memory_space<hbm>>
        %dma_wait3A_56 = tpu.memref_slice %arg4[%add3A_42] : memref<163840xi32, #tpu.memory_space<hbm>> -> memref<128xi32, #tpu.memory_space<hbm>>
        tpu.wait_dma2 semaphore(%run_scoped3A : memref<!tpu.dma_semaphore, #tpu.memory_space<semaphore_mem>>) src(%dma_wait3A_56 : memref<128xi32, #tpu.memory_space<hbm>>) dst(%arg8 : memref<128xi32, #tpu.memory_space<vmem>>)
        tpu.yield
      }) : () -> ()
      "tpu.region"() ({
        %run_scoped3A = tpu.sem_alloc : memref<!tpu.dma_semaphore, #tpu.memory_space<semaphore_mem>>
        %dma_start3A_53 = tpu.memref_slice %arg5[%add3A_42] : memref<163840xf32, #tpu.memory_space<hbm>> -> memref<128xf32, #tpu.memory_space<hbm>>
        %dma_start3A_54 = tpu.memref_slice %arg5[%add3A_42] : memref<163840xf32, #tpu.memory_space<hbm>> -> memref<128xf32, #tpu.memory_space<hbm>>
        tpu.enqueue_dma source(%dma_start3A_54 : memref<128xf32, #tpu.memory_space<hbm>>) target(%arg9 : memref<128xf32, #tpu.memory_space<vmem>>) target_semaphore(%run_scoped3A : memref<!tpu.dma_semaphore, #tpu.memory_space<semaphore_mem>>)
        %dma_wait3A_55 = tpu.memref_slice %arg5[%add3A_42] : memref<163840xf32, #tpu.memory_space<hbm>> -> memref<128xf32, #tpu.memory_space<hbm>>
        %dma_wait3A_56 = tpu.memref_slice %arg5[%add3A_42] : memref<163840xf32, #tpu.memory_space<hbm>> -> memref<128xf32, #tpu.memory_space<hbm>>
        tpu.wait_dma2 semaphore(%run_scoped3A : memref<!tpu.dma_semaphore, #tpu.memory_space<semaphore_mem>>) src(%dma_wait3A_56 : memref<128xf32, #tpu.memory_space<hbm>>) dst(%arg9 : memref<128xf32, #tpu.memory_space<vmem>>)
        tpu.yield
      }) : () -> ()
      %dma_start3A = arith.constant 0 : i32
      %dma_start3A_43 = arith.constant 0 : i32
      %dma_start3A_44 = tpu.memref_slice %arg2[%dma_start3A, %dma_start3A_43] : memref<10240x16xf32, #tpu.memory_space<hbm>> -> memref<10240x16xf32, #tpu.memory_space<hbm>>
      tpu.enqueue_indirect_dma source(%dma_start3A_44 : memref<10240x16xf32, #tpu.memory_space<hbm>>) target(%arg10 : memref<128x16xf32, #tpu.memory_space<vmem>>) offsets(%arg7 : memref<128xi32, #tpu.memory_space<vmem>>) semaphore(%arg12 : memref<!tpu.dma_semaphore, #tpu.memory_space<semaphore_mem>>)
      %dma_wait3A = arith.constant 0 : i32
      %dma_wait3A_45 = arith.constant 0 : i32
      %dma_wait3A_46 = tpu.memref_slice %arg2[%dma_wait3A, %dma_wait3A_45] : memref<10240x16xf32, #tpu.memory_space<hbm>> -> memref<10240x16xf32, #tpu.memory_space<hbm>>
      tpu.wait_indirect_dma semaphore(%arg12 : memref<!tpu.dma_semaphore, #tpu.memory_space<semaphore_mem>>) src(%dma_wait3A_46 : memref<10240x16xf32, #tpu.memory_space<hbm>>) dst(%arg10 : memref<128x16xf32, #tpu.memory_space<vmem>>)
      %scan3A_47 = arith.constant 0 : i32
      %scan3A_48 = arith.constant 0 : i32
      %scan3A_49 = arith.constant 8 : i32
      %scan3A_50 = arith.addi %scan3A_48, %scan3A_49 : i32
      %scan3A_51 = arith.constant 1 : i32
      scf.for %scan3A_53 = %scan3A_48 to %scan3A_50 step %scan3A_51  : i32 {
        %mul3A_54 = arith.constant 16 : i32
        %mul3A_55 = arith.muli %scan3A_53, %mul3A_54 : i32
        %get3A = arith.index_cast %mul3A_55 : i32 to index
        %get3A_56 = tpu.vector_load %arg9[%get3A] {strides = array<i32>} : memref<128xf32, #tpu.memory_space<vmem>>, vector<16xf32>,
        %get3A_57 = vector.shape_cast %get3A_56 : vector<16xf32> to vector<16xf32>
        %mul3A_58 = arith.constant 16 : i32
        %mul3A_59 = arith.muli %scan3A_53, %mul3A_58 : i32
        %add3A_60 = arith.constant 0 : i32
        %add3A_61 = arith.addi %mul3A_59, %add3A_60 : i32
        %get3A_62 = arith.index_cast %add3A_61 : i32 to index
        %get3A_63 = arith.constant 0 : index
        %get3A_64 = tpu.vector_load %arg10[%get3A_62, %get3A_63] {strides = array<i32>} : memref<128x16xf32, #tpu.memory_space<vmem>>, vector<1x16xf32>,
        %get3A_65 = vector.shape_cast %get3A_64 : vector<1x16xf32> to vector<16xf32>
        %slice3A = vector.extract_strided_slice %get3A_57 {offsets = [0], sizes = [1], strides = [1]} : vector<16xf32> to vector<1xf32>
        %squeeze3A = vector.extract %slice3A[0] : f32 from vector<1xf32>
        %mul3A_66 = vector.broadcast %squeeze3A : f32 to vector<16xf32>
        %mul3A_67 = arith.mulf %get3A_65, %mul3A_66 : vector<16xf32>
        %swap3A = arith.index_cast %add3A_61 : i32 to index
        %swap3A_68 = arith.constant 0 : index
        %swap3A_69 = tpu.vector_load %arg10[%swap3A, %swap3A_68] {strides = array<i32>} : memref<128x16xf32, #tpu.memory_space<vmem>>, vector<1x16xf32>,
        %swap3A_70 = vector.shape_cast %swap3A_69 : vector<1x16xf32> to vector<16xf32>
        %swap3A_71 = vector.shape_cast %mul3A_67 : vector<16xf32> to vector<1x16xf32>
        tpu.vector_store %arg10[%swap3A, %swap3A_68], %swap3A_71 {strides = array<i32>} : memref<128x16xf32, #tpu.memory_space<vmem>>, vector<1x16xf32>,
        %mul3A_72 = arith.constant 16 : i32
        %mul3A_73 = arith.muli %scan3A_53, %mul3A_72 : i32
        %add3A_74 = arith.constant 1 : i32
        %add3A_75 = arith.addi %mul3A_73, %add3A_74 : i32
        %get3A_76 = arith.index_cast %add3A_75 : i32 to index
        %get3A_77 = arith.constant 0 : index
        %get3A_78 = tpu.vector_load %arg10[%get3A_76, %get3A_77] {strides = array<i32>} : memref<128x16xf32, #tpu.memory_space<vmem>>, vector<1x16xf32>,
        %get3A_79 = vector.shape_cast %get3A_78 : vector<1x16xf32> to vector<16xf32>
        %slice3A_80 = vector.extract_strided_slice %get3A_57 {offsets = [1], sizes = [1], strides = [1]} : vector<16xf32> to vector<1xf32>
        %squeeze3A_81 = vector.extract %slice3A_80[0] : f32 from vector<1xf32>
        %mul3A_82 = vector.broadcast %squeeze3A_81 : f32 to vector<16xf32>
        %mul3A_83 = arith.mulf %get3A_79, %mul3A_82 : vector<16xf32>
        %swap3A_84 = arith.index_cast %add3A_75 : i32 to index
        %swap3A_85 = arith.constant 0 : index
        %swap3A_86 = tpu.vector_load %arg10[%swap3A_84, %swap3A_85] {strides = array<i32>} : memref<128x16xf32, #tpu.memory_space<vmem>>, vector<1x16xf32>,
        %swap3A_87 = vector.shape_cast %swap3A_86 : vector<1x16xf32> to vector<16xf32>
        %swap3A_88 = vector.shape_cast %mul3A_83 : vector<16xf32> to vector<1x16xf32>
        tpu.vector_store %arg10[%swap3A_84, %swap3A_85], %swap3A_88 {strides = array<i32>} : memref<128x16xf32, #tpu.memory_space<vmem>>, vector<1x16xf32>,
        %mul3A_89 = arith.constant 16 : i32
        %mul3A_90 = arith.muli %scan3A_53, %mul3A_89 : i32
        %add3A_91 = arith.constant 2 : i32
        %add3A_92 = arith.addi %mul3A_90, %add3A_91 : i32
        %get3A_93 = arith.index_cast %add3A_92 : i32 to index
        %get3A_94 = arith.constant 0 : index
        %get3A_95 = tpu.vector_load %arg10[%get3A_93, %get3A_94] {strides = array<i32>} : memref<128x16xf32, #tpu.memory_space<vmem>>, vector<1x16xf32>,
        %get3A_96 = vector.shape_cast %get3A_95 : vector<1x16xf32> to vector<16xf32>
        %slice3A_97 = vector.extract_strided_slice %get3A_57 {offsets = [2], sizes = [1], strides = [1]} : vector<16xf32> to vector<1xf32>
        %squeeze3A_98 = vector.extract %slice3A_97[0] : f32 from vector<1xf32>
        %mul3A_99 = vector.broadcast %squeeze3A_98 : f32 to vector<16xf32>
        %mul3A_100 = arith.mulf %get3A_96, %mul3A_99 : vector<16xf32>
        %swap3A_101 = arith.index_cast %add3A_92 : i32 to index
        %swap3A_102 = arith.constant 0 : index
        %swap3A_103 = tpu.vector_load %arg10[%swap3A_101, %swap3A_102] {strides = array<i32>} : memref<128x16xf32, #tpu.memory_space<vmem>>, vector<1x16xf32>,
        %swap3A_104 = vector.shape_cast %swap3A_103 : vector<1x16xf32> to vector<16xf32>
        %swap3A_105 = vector.shape_cast %mul3A_100 : vector<16xf32> to vector<1x16xf32>
        tpu.vector_store %arg10[%swap3A_101, %swap3A_102], %swap3A_105 {strides = array<i32>} : memref<128x16xf32, #tpu.memory_space<vmem>>, vector<1x16xf32>,
        %mul3A_106 = arith.constant 16 : i32
        %mul3A_107 = arith.muli %scan3A_53, %mul3A_106 : i32
        %add3A_108 = arith.constant 3 : i32
        %add3A_109 = arith.addi %mul3A_107, %add3A_108 : i32
        %get3A_110 = arith.index_cast %add3A_109 : i32 to index
        %get3A_111 = arith.constant 0 : index
        %get3A_112 = tpu.vector_load %arg10[%get3A_110, %get3A_111] {strides = array<i32>} : memref<128x16xf32, #tpu.memory_space<vmem>>, vector<1x16xf32>,
        %get3A_113 = vector.shape_cast %get3A_112 : vector<1x16xf32> to vector<16xf32>
        %slice3A_114 = vector.extract_strided_slice %get3A_57 {offsets = [3], sizes = [1], strides = [1]} : vector<16xf32> to vector<1xf32>
        %squeeze3A_115 = vector.extract %slice3A_114[0] : f32 from vector<1xf32>
        %mul3A_116 = vector.broadcast %squeeze3A_115 : f32 to vector<16xf32>
        %mul3A_117 = arith.mulf %get3A_113, %mul3A_116 : vector<16xf32>
        %swap3A_118 = arith.index_cast %add3A_109 : i32 to index
        %swap3A_119 = arith.constant 0 : index
        %swap3A_120 = tpu.vector_load %arg10[%swap3A_118, %swap3A_119] {strides = array<i32>} : memref<128x16xf32, #tpu.memory_space<vmem>>, vector<1x16xf32>,
        %swap3A_121 = vector.shape_cast %swap3A_120 : vector<1x16xf32> to vector<16xf32>
        %swap3A_122 = vector.shape_cast %mul3A_117 : vector<16xf32> to vector<1x16xf32>
        tpu.vector_store %arg10[%swap3A_118, %swap3A_119], %swap3A_122 {strides = array<i32>} : memref<128x16xf32, #tpu.memory_space<vmem>>, vector<1x16xf32>,
        %mul3A_123 = arith.constant 16 : i32
        %mul3A_124 = arith.muli %scan3A_53, %mul3A_123 : i32
        %add3A_125 = arith.constant 4 : i32
        %add3A_126 = arith.addi %mul3A_124, %add3A_125 : i32
        %get3A_127 = arith.index_cast %add3A_126 : i32 to index
        %get3A_128 = arith.constant 0 : index
        %get3A_129 = tpu.vector_load %arg10[%get3A_127, %get3A_128] {strides = array<i32>} : memref<128x16xf32, #tpu.memory_space<vmem>>, vector<1x16xf32>,
        %get3A_130 = vector.shape_cast %get3A_129 : vector<1x16xf32> to vector<16xf32>
        %slice3A_131 = vector.extract_strided_slice %get3A_57 {offsets = [4], sizes = [1], strides = [1]} : vector<16xf32> to vector<1xf32>
        %squeeze3A_132 = vector.extract %slice3A_131[0] : f32 from vector<1xf32>
        %mul3A_133 = vector.broadcast %squeeze3A_132 : f32 to vector<16xf32>
        %mul3A_134 = arith.mulf %get3A_130, %mul3A_133 : vector<16xf32>
        %swap3A_135 = arith.index_cast %add3A_126 : i32 to index
        %swap3A_136 = arith.constant 0 : index
        %swap3A_137 = tpu.vector_load %arg10[%swap3A_135, %swap3A_136] {strides = array<i32>} : memref<128x16xf32, #tpu.memory_space<vmem>>, vector<1x16xf32>,
        %swap3A_138 = vector.shape_cast %swap3A_137 : vector<1x16xf32> to vector<16xf32>
        %swap3A_139 = vector.shape_cast %mul3A_134 : vector<16xf32> to vector<1x16xf32>
        tpu.vector_store %arg10[%swap3A_135, %swap3A_136], %swap3A_139 {strides = array<i32>} : memref<128x16xf32, #tpu.memory_space<vmem>>, vector<1x16xf32>,
        %mul3A_140 = arith.constant 16 : i32
        %mul3A_141 = arith.muli %scan3A_53, %mul3A_140 : i32
        %add3A_142 = arith.constant 5 : i32
        %add3A_143 = arith.addi %mul3A_141, %add3A_142 : i32
        %get3A_144 = arith.index_cast %add3A_143 : i32 to index
        %get3A_145 = arith.constant 0 : index
        %get3A_146 = tpu.vector_load %arg10[%get3A_144, %get3A_145] {strides = array<i32>} : memref<128x16xf32, #tpu.memory_space<vmem>>, vector<1x16xf32>,
        %get3A_147 = vector.shape_cast %get3A_146 : vector<1x16xf32> to vector<16xf32>
        %slice3A_148 = vector.extract_strided_slice %get3A_57 {offsets = [5], sizes = [1], strides = [1]} : vector<16xf32> to vector<1xf32>
        %squeeze3A_149 = vector.extract %slice3A_148[0] : f32 from vector<1xf32>
        %mul3A_150 = vector.broadcast %squeeze3A_149 : f32 to vector<16xf32>
        %mul3A_151 = arith.mulf %get3A_147, %mul3A_150 : vector<16xf32>
        %swap3A_152 = arith.index_cast %add3A_143 : i32 to index
        %swap3A_153 = arith.constant 0 : index
        %swap3A_154 = tpu.vector_load %arg10[%swap3A_152, %swap3A_153] {strides = array<i32>} : memref<128x16xf32, #tpu.memory_space<vmem>>, vector<1x16xf32>,
        %swap3A_155 = vector.shape_cast %swap3A_154 : vector<1x16xf32> to vector<16xf32>
        %swap3A_156 = vector.shape_cast %mul3A_151 : vector<16xf32> to vector<1x16xf32>
        tpu.vector_store %arg10[%swap3A_152, %swap3A_153], %swap3A_156 {strides = array<i32>} : memref<128x16xf32, #tpu.memory_space<vmem>>, vector<1x16xf32>,
        %mul3A_157 = arith.constant 16 : i32
        %mul3A_158 = arith.muli %scan3A_53, %mul3A_157 : i32
        %add3A_159 = arith.constant 6 : i32
        %add3A_160 = arith.addi %mul3A_158, %add3A_159 : i32
        %get3A_161 = arith.index_cast %add3A_160 : i32 to index
        %get3A_162 = arith.constant 0 : index
        %get3A_163 = tpu.vector_load %arg10[%get3A_161, %get3A_162] {strides = array<i32>} : memref<128x16xf32, #tpu.memory_space<vmem>>, vector<1x16xf32>,
        %get3A_164 = vector.shape_cast %get3A_163 : vector<1x16xf32> to vector<16xf32>
        %slice3A_165 = vector.extract_strided_slice %get3A_57 {offsets = [6], sizes = [1], strides = [1]} : vector<16xf32> to vector<1xf32>
        %squeeze3A_166 = vector.extract %slice3A_165[0] : f32 from vector<1xf32>
        %mul3A_167 = vector.broadcast %squeeze3A_166 : f32 to vector<16xf32>
        %mul3A_168 = arith.mulf %get3A_164, %mul3A_167 : vector<16xf32>
        %swap3A_169 = arith.index_cast %add3A_160 : i32 to index
        %swap3A_170 = arith.constant 0 : index
        %swap3A_171 = tpu.vector_load %arg10[%swap3A_169, %swap3A_170] {strides = array<i32>} : memref<128x16xf32, #tpu.memory_space<vmem>>, vector<1x16xf32>,
        %swap3A_172 = vector.shape_cast %swap3A_171 : vector<1x16xf32> to vector<16xf32>
        %swap3A_173 = vector.shape_cast %mul3A_168 : vector<16xf32> to vector<1x16xf32>
        tpu.vector_store %arg10[%swap3A_169, %swap3A_170], %swap3A_173 {strides = array<i32>} : memref<128x16xf32, #tpu.memory_space<vmem>>, vector<1x16xf32>,
        %mul3A_174 = arith.constant 16 : i32
        %mul3A_175 = arith.muli %scan3A_53, %mul3A_174 : i32
        %add3A_176 = arith.constant 7 : i32
        %add3A_177 = arith.addi %mul3A_175, %add3A_176 : i32
        %get3A_178 = arith.index_cast %add3A_177 : i32 to index
        %get3A_179 = arith.constant 0 : index
        %get3A_180 = tpu.vector_load %arg10[%get3A_178, %get3A_179] {strides = array<i32>} : memref<128x16xf32, #tpu.memory_space<vmem>>, vector<1x16xf32>,
        %get3A_181 = vector.shape_cast %get3A_180 : vector<1x16xf32> to vector<16xf32>
        %slice3A_182 = vector.extract_strided_slice %get3A_57 {offsets = [7], sizes = [1], strides = [1]} : vector<16xf32> to vector<1xf32>
        %squeeze3A_183 = vector.extract %slice3A_182[0] : f32 from vector<1xf32>
        %mul3A_184 = vector.broadcast %squeeze3A_183 : f32 to vector<16xf32>
        %mul3A_185 = arith.mulf %get3A_181, %mul3A_184 : vector<16xf32>
        %swap3A_186 = arith.index_cast %add3A_177 : i32 to index
        %swap3A_187 = arith.constant 0 : index
        %swap3A_188 = tpu.vector_load %arg10[%swap3A_186, %swap3A_187] {strides = array<i32>} : memref<128x16xf32, #tpu.memory_space<vmem>>, vector<1x16xf32>,
        %swap3A_189 = vector.shape_cast %swap3A_188 : vector<1x16xf32> to vector<16xf32>
        %swap3A_190 = vector.shape_cast %mul3A_185 : vector<16xf32> to vector<1x16xf32>
        tpu.vector_store %arg10[%swap3A_186, %swap3A_187], %swap3A_190 {strides = array<i32>} : memref<128x16xf32, #tpu.memory_space<vmem>>, vector<1x16xf32>,
        %mul3A_191 = arith.constant 16 : i32
        %mul3A_192 = arith.muli %scan3A_53, %mul3A_191 : i32
        %add3A_193 = arith.constant 8 : i32
        %add3A_194 = arith.addi %mul3A_192, %add3A_193 : i32
        %get3A_195 = arith.index_cast %add3A_194 : i32 to index
        %get3A_196 = arith.constant 0 : index
        %get3A_197 = tpu.vector_load %arg10[%get3A_195, %get3A_196] {strides = array<i32>} : memref<128x16xf32, #tpu.memory_space<vmem>>, vector<1x16xf32>,
        %get3A_198 = vector.shape_cast %get3A_197 : vector<1x16xf32> to vector<16xf32>
        %slice3A_199 = vector.extract_strided_slice %get3A_57 {offsets = [8], sizes = [1], strides = [1]} : vector<16xf32> to vector<1xf32>
        %squeeze3A_200 = vector.extract %slice3A_199[0] : f32 from vector<1xf32>
        %mul3A_201 = vector.broadcast %squeeze3A_200 : f32 to vector<16xf32>
        %mul3A_202 = arith.mulf %get3A_198, %mul3A_201 : vector<16xf32>
        %swap3A_203 = arith.index_cast %add3A_194 : i32 to index
        %swap3A_204 = arith.constant 0 : index
        %swap3A_205 = tpu.vector_load %arg10[%swap3A_203, %swap3A_204] {strides = array<i32>} : memref<128x16xf32, #tpu.memory_space<vmem>>, vector<1x16xf32>,
        %swap3A_206 = vector.shape_cast %swap3A_205 : vector<1x16xf32> to vector<16xf32>
        %swap3A_207 = vector.shape_cast %mul3A_202 : vector<16xf32> to vector<1x16xf32>
        tpu.vector_store %arg10[%swap3A_203, %swap3A_204], %swap3A_207 {strides = array<i32>} : memref<128x16xf32, #tpu.memory_space<vmem>>, vector<1x16xf32>,
        %mul3A_208 = arith.constant 16 : i32
        %mul3A_209 = arith.muli %scan3A_53, %mul3A_208 : i32
        %add3A_210 = arith.constant 9 : i32
        %add3A_211 = arith.addi %mul3A_209, %add3A_210 : i32
        %get3A_212 = arith.index_cast %add3A_211 : i32 to index
        %get3A_213 = arith.constant 0 : index
        %get3A_214 = tpu.vector_load %arg10[%get3A_212, %get3A_213] {strides = array<i32>} : memref<128x16xf32, #tpu.memory_space<vmem>>, vector<1x16xf32>,
        %get3A_215 = vector.shape_cast %get3A_214 : vector<1x16xf32> to vector<16xf32>
        %slice3A_216 = vector.extract_strided_slice %get3A_57 {offsets = [9], sizes = [1], strides = [1]} : vector<16xf32> to vector<1xf32>
        %squeeze3A_217 = vector.extract %slice3A_216[0] : f32 from vector<1xf32>
        %mul3A_218 = vector.broadcast %squeeze3A_217 : f32 to vector<16xf32>
        %mul3A_219 = arith.mulf %get3A_215, %mul3A_218 : vector<16xf32>
        %swap3A_220 = arith.index_cast %add3A_211 : i32 to index
        %swap3A_221 = arith.constant 0 : index
        %swap3A_222 = tpu.vector_load %arg10[%swap3A_220, %swap3A_221] {strides = array<i32>} : memref<128x16xf32, #tpu.memory_space<vmem>>, vector<1x16xf32>,
        %swap3A_223 = vector.shape_cast %swap3A_222 : vector<1x16xf32> to vector<16xf32>
        %swap3A_224 = vector.shape_cast %mul3A_219 : vector<16xf32> to vector<1x16xf32>
        tpu.vector_store %arg10[%swap3A_220, %swap3A_221], %swap3A_224 {strides = array<i32>} : memref<128x16xf32, #tpu.memory_space<vmem>>, vector<1x16xf32>,
        %mul3A_225 = arith.constant 16 : i32
        %mul3A_226 = arith.muli %scan3A_53, %mul3A_225 : i32
        %add3A_227 = arith.constant 10 : i32
        %add3A_228 = arith.addi %mul3A_226, %add3A_227 : i32
        %get3A_229 = arith.index_cast %add3A_228 : i32 to index
        %get3A_230 = arith.constant 0 : index
        %get3A_231 = tpu.vector_load %arg10[%get3A_229, %get3A_230] {strides = array<i32>} : memref<128x16xf32, #tpu.memory_space<vmem>>, vector<1x16xf32>,
        %get3A_232 = vector.shape_cast %get3A_231 : vector<1x16xf32> to vector<16xf32>
        %slice3A_233 = vector.extract_strided_slice %get3A_57 {offsets = [10], sizes = [1], strides = [1]} : vector<16xf32> to vector<1xf32>
        %squeeze3A_234 = vector.extract %slice3A_233[0] : f32 from vector<1xf32>
        %mul3A_235 = vector.broadcast %squeeze3A_234 : f32 to vector<16xf32>
        %mul3A_236 = arith.mulf %get3A_232, %mul3A_235 : vector<16xf32>
        %swap3A_237 = arith.index_cast %add3A_228 : i32 to index
        %swap3A_238 = arith.constant 0 : index
        %swap3A_239 = tpu.vector_load %arg10[%swap3A_237, %swap3A_238] {strides = array<i32>} : memref<128x16xf32, #tpu.memory_space<vmem>>, vector<1x16xf32>,
        %swap3A_240 = vector.shape_cast %swap3A_239 : vector<1x16xf32> to vector<16xf32>
        %swap3A_241 = vector.shape_cast %mul3A_236 : vector<16xf32> to vector<1x16xf32>
        tpu.vector_store %arg10[%swap3A_237, %swap3A_238], %swap3A_241 {strides = array<i32>} : memref<128x16xf32, #tpu.memory_space<vmem>>, vector<1x16xf32>,
        %mul3A_242 = arith.constant 16 : i32
        %mul3A_243 = arith.muli %scan3A_53, %mul3A_242 : i32
        %add3A_244 = arith.constant 11 : i32
        %add3A_245 = arith.addi %mul3A_243, %add3A_244 : i32
        %get3A_246 = arith.index_cast %add3A_245 : i32 to index
        %get3A_247 = arith.constant 0 : index
        %get3A_248 = tpu.vector_load %arg10[%get3A_246, %get3A_247] {strides = array<i32>} : memref<128x16xf32, #tpu.memory_space<vmem>>, vector<1x16xf32>,
        %get3A_249 = vector.shape_cast %get3A_248 : vector<1x16xf32> to vector<16xf32>
        %slice3A_250 = vector.extract_strided_slice %get3A_57 {offsets = [11], sizes = [1], strides = [1]} : vector<16xf32> to vector<1xf32>
        %squeeze3A_251 = vector.extract %slice3A_250[0] : f32 from vector<1xf32>
        %mul3A_252 = vector.broadcast %squeeze3A_251 : f32 to vector<16xf32>
        %mul3A_253 = arith.mulf %get3A_249, %mul3A_252 : vector<16xf32>
        %swap3A_254 = arith.index_cast %add3A_245 : i32 to index
        %swap3A_255 = arith.constant 0 : index
        %swap3A_256 = tpu.vector_load %arg10[%swap3A_254, %swap3A_255] {strides = array<i32>} : memref<128x16xf32, #tpu.memory_space<vmem>>, vector<1x16xf32>,
        %swap3A_257 = vector.shape_cast %swap3A_256 : vector<1x16xf32> to vector<16xf32>
        %swap3A_258 = vector.shape_cast %mul3A_253 : vector<16xf32> to vector<1x16xf32>
        tpu.vector_store %arg10[%swap3A_254, %swap3A_255], %swap3A_258 {strides = array<i32>} : memref<128x16xf32, #tpu.memory_space<vmem>>, vector<1x16xf32>,
        %mul3A_259 = arith.constant 16 : i32
        %mul3A_260 = arith.muli %scan3A_53, %mul3A_259 : i32
        %add3A_261 = arith.constant 12 : i32
        %add3A_262 = arith.addi %mul3A_260, %add3A_261 : i32
        %get3A_263 = arith.index_cast %add3A_262 : i32 to index
        %get3A_264 = arith.constant 0 : index
        %get3A_265 = tpu.vector_load %arg10[%get3A_263, %get3A_264] {strides = array<i32>} : memref<128x16xf32, #tpu.memory_space<vmem>>, vector<1x16xf32>,
        %get3A_266 = vector.shape_cast %get3A_265 : vector<1x16xf32> to vector<16xf32>
        %slice3A_267 = vector.extract_strided_slice %get3A_57 {offsets = [12], sizes = [1], strides = [1]} : vector<16xf32> to vector<1xf32>
        %squeeze3A_268 = vector.extract %slice3A_267[0] : f32 from vector<1xf32>
        %mul3A_269 = vector.broadcast %squeeze3A_268 : f32 to vector<16xf32>
        %mul3A_270 = arith.mulf %get3A_266, %mul3A_269 : vector<16xf32>
        %swap3A_271 = arith.index_cast %add3A_262 : i32 to index
        %swap3A_272 = arith.constant 0 : index
        %swap3A_273 = tpu.vector_load %arg10[%swap3A_271, %swap3A_272] {strides = array<i32>} : memref<128x16xf32, #tpu.memory_space<vmem>>, vector<1x16xf32>,
        %swap3A_274 = vector.shape_cast %swap3A_273 : vector<1x16xf32> to vector<16xf32>
        %swap3A_275 = vector.shape_cast %mul3A_270 : vector<16xf32> to vector<1x16xf32>
        tpu.vector_store %arg10[%swap3A_271, %swap3A_272], %swap3A_275 {strides = array<i32>} : memref<128x16xf32, #tpu.memory_space<vmem>>, vector<1x16xf32>,
        %mul3A_276 = arith.constant 16 : i32
        %mul3A_277 = arith.muli %scan3A_53, %mul3A_276 : i32
        %add3A_278 = arith.constant 13 : i32
        %add3A_279 = arith.addi %mul3A_277, %add3A_278 : i32
        %get3A_280 = arith.index_cast %add3A_279 : i32 to index
        %get3A_281 = arith.constant 0 : index
        %get3A_282 = tpu.vector_load %arg10[%get3A_280, %get3A_281] {strides = array<i32>} : memref<128x16xf32, #tpu.memory_space<vmem>>, vector<1x16xf32>,
        %get3A_283 = vector.shape_cast %get3A_282 : vector<1x16xf32> to vector<16xf32>
        %slice3A_284 = vector.extract_strided_slice %get3A_57 {offsets = [13], sizes = [1], strides = [1]} : vector<16xf32> to vector<1xf32>
        %squeeze3A_285 = vector.extract %slice3A_284[0] : f32 from vector<1xf32>
        %mul3A_286 = vector.broadcast %squeeze3A_285 : f32 to vector<16xf32>
        %mul3A_287 = arith.mulf %get3A_283, %mul3A_286 : vector<16xf32>
        %swap3A_288 = arith.index_cast %add3A_279 : i32 to index
        %swap3A_289 = arith.constant 0 : index
        %swap3A_290 = tpu.vector_load %arg10[%swap3A_288, %swap3A_289] {strides = array<i32>} : memref<128x16xf32, #tpu.memory_space<vmem>>, vector<1x16xf32>,
        %swap3A_291 = vector.shape_cast %swap3A_290 : vector<1x16xf32> to vector<16xf32>
        %swap3A_292 = vector.shape_cast %mul3A_287 : vector<16xf32> to vector<1x16xf32>
        tpu.vector_store %arg10[%swap3A_288, %swap3A_289], %swap3A_292 {strides = array<i32>} : memref<128x16xf32, #tpu.memory_space<vmem>>, vector<1x16xf32>,
        %mul3A_293 = arith.constant 16 : i32
        %mul3A_294 = arith.muli %scan3A_53, %mul3A_293 : i32
        %add3A_295 = arith.constant 14 : i32
        %add3A_296 = arith.addi %mul3A_294, %add3A_295 : i32
        %get3A_297 = arith.index_cast %add3A_296 : i32 to index
        %get3A_298 = arith.constant 0 : index
        %get3A_299 = tpu.vector_load %arg10[%get3A_297, %get3A_298] {strides = array<i32>} : memref<128x16xf32, #tpu.memory_space<vmem>>, vector<1x16xf32>,
        %get3A_300 = vector.shape_cast %get3A_299 : vector<1x16xf32> to vector<16xf32>
        %slice3A_301 = vector.extract_strided_slice %get3A_57 {offsets = [14], sizes = [1], strides = [1]} : vector<16xf32> to vector<1xf32>
        %squeeze3A_302 = vector.extract %slice3A_301[0] : f32 from vector<1xf32>
        %mul3A_303 = vector.broadcast %squeeze3A_302 : f32 to vector<16xf32>
        %mul3A_304 = arith.mulf %get3A_300, %mul3A_303 : vector<16xf32>
        %swap3A_305 = arith.index_cast %add3A_296 : i32 to index
        %swap3A_306 = arith.constant 0 : index
        %swap3A_307 = tpu.vector_load %arg10[%swap3A_305, %swap3A_306] {strides = array<i32>} : memref<128x16xf32, #tpu.memory_space<vmem>>, vector<1x16xf32>,
        %swap3A_308 = vector.shape_cast %swap3A_307 : vector<1x16xf32> to vector<16xf32>
        %swap3A_309 = vector.shape_cast %mul3A_304 : vector<16xf32> to vector<1x16xf32>
        tpu.vector_store %arg10[%swap3A_305, %swap3A_306], %swap3A_309 {strides = array<i32>} : memref<128x16xf32, #tpu.memory_space<vmem>>, vector<1x16xf32>,
        %mul3A_310 = arith.constant 16 : i32
        %mul3A_311 = arith.muli %scan3A_53, %mul3A_310 : i32
        %add3A_312 = arith.constant 15 : i32
        %add3A_313 = arith.addi %mul3A_311, %add3A_312 : i32
        %get3A_314 = arith.index_cast %add3A_313 : i32 to index
        %get3A_315 = arith.constant 0 : index
        %get3A_316 = tpu.vector_load %arg10[%get3A_314, %get3A_315] {strides = array<i32>} : memref<128x16xf32, #tpu.memory_space<vmem>>, vector<1x16xf32>,
        %get3A_317 = vector.shape_cast %get3A_316 : vector<1x16xf32> to vector<16xf32>
        %slice3A_318 = vector.extract_strided_slice %get3A_57 {offsets = [15], sizes = [1], strides = [1]} : vector<16xf32> to vector<1xf32>
        %squeeze3A_319 = vector.extract %slice3A_318[0] : f32 from vector<1xf32>
        %mul3A_320 = vector.broadcast %squeeze3A_319 : f32 to vector<16xf32>
        %mul3A_321 = arith.mulf %get3A_317, %mul3A_320 : vector<16xf32>
        %swap3A_322 = arith.index_cast %add3A_313 : i32 to index
        %swap3A_323 = arith.constant 0 : index
        %swap3A_324 = tpu.vector_load %arg10[%swap3A_322, %swap3A_323] {strides = array<i32>} : memref<128x16xf32, #tpu.memory_space<vmem>>, vector<1x16xf32>,
        %swap3A_325 = vector.shape_cast %swap3A_324 : vector<1x16xf32> to vector<16xf32>
        %swap3A_326 = vector.shape_cast %mul3A_321 : vector<16xf32> to vector<1x16xf32>
        tpu.vector_store %arg10[%swap3A_322, %swap3A_323], %swap3A_326 {strides = array<i32>} : memref<128x16xf32, #tpu.memory_space<vmem>>, vector<1x16xf32>,
      }
      %scan3A_52 = arith.constant 8 : i32
      "tpu.region"() ({
        %run_scoped3A = tpu.sem_alloc : memref<!tpu.dma_semaphore, #tpu.memory_space<semaphore_mem>>
        %dma_start3A_53 = arith.constant 0 : i32
        %dma_start3A_54 = arith.constant 0 : i32
        %dma_start3A_55 = tpu.memref_slice %arg11[%dma_start3A_53, %dma_start3A_54] : memref<10240x16xf32, #tpu.memory_space<vmem_shared>> -> memref<10240x16xf32, #tpu.memory_space<vmem_shared>>
        tpu.enqueue_indirect_dma source(%arg10 : memref<128x16xf32, #tpu.memory_space<vmem>>) target(%dma_start3A_55 : memref<10240x16xf32, #tpu.memory_space<vmem_shared>>) offsets(%arg8 : memref<128xi32, #tpu.memory_space<vmem>>) semaphore(%run_scoped3A : memref<!tpu.dma_semaphore, #tpu.memory_space<semaphore_mem>>) {add = true}
        %dma_wait3A_56 = arith.constant 0 : i32
        %dma_wait3A_57 = arith.constant 0 : i32
        %dma_wait3A_58 = tpu.memref_slice %arg11[%dma_wait3A_56, %dma_wait3A_57] : memref<10240x16xf32, #tpu.memory_space<vmem_shared>> -> memref<10240x16xf32, #tpu.memory_space<vmem_shared>>
        tpu.wait_indirect_dma semaphore(%run_scoped3A : memref<!tpu.dma_semaphore, #tpu.memory_space<semaphore_mem>>) src(%arg10 : memref<128x16xf32, #tpu.memory_space<vmem>>) dst(%dma_wait3A_58 : memref<10240x16xf32, #tpu.memory_space<vmem_shared>>)
        tpu.yield
      }) : () -> ()
    }
    %scan3A_33 = arith.constant 40 : i32
    %barrier3A_34 = arith.constant 0 : index
    tpu.barrier barrier_id(%barrier3A_34)
    %mul3A_35 = arith.constant 640 : i32
    %mul3A_36 = arith.muli %arg1, %mul3A_35 : i32
    %mul3A_37 = arith.constant 640 : i32
    %mul3A_38 = arith.muli %arg1, %mul3A_37 : i32
    "tpu.region"() ({
      %run_scoped3A = tpu.sem_alloc : memref<!tpu.dma_semaphore, #tpu.memory_space<semaphore_mem>>
      %dma_start3A = arith.constant 0 : i32
      %dma_start3A_39 = tpu.memref_slice %arg6[%arg0, %mul3A_38, %dma_start3A] : memref<2x10240x16xf32, #tpu.memory_space<hbm>> -> memref<1x640x16xf32, #tpu.memory_space<hbm>>
      %dma_start3A_40 = tpu.memref_squeeze %dma_start3A_39 : memref<1x640x16xf32, #tpu.memory_space<hbm>> -> memref<640x16xf32, #tpu.memory_space<hbm>>
      %dma_start3A_41 = arith.constant 0 : i32
      %dma_start3A_42 = tpu.memref_slice %arg11[%mul3A_36, %dma_start3A_41] : memref<10240x16xf32, #tpu.memory_space<vmem_shared>> -> memref<640x16xf32, #tpu.memory_space<vmem_shared>>
      tpu.enqueue_dma source(%dma_start3A_42 : memref<640x16xf32, #tpu.memory_space<vmem_shared>>) target(%dma_start3A_40 : memref<640x16xf32, #tpu.memory_space<hbm>>) target_semaphore(%run_scoped3A : memref<!tpu.dma_semaphore, #tpu.memory_space<semaphore_mem>>)
      %dma_wait3A = arith.constant 0 : i32
      %dma_wait3A_43 = tpu.memref_slice %arg6[%arg0, %mul3A_38, %dma_wait3A] : memref<2x10240x16xf32, #tpu.memory_space<hbm>> -> memref<1x640x16xf32, #tpu.memory_space<hbm>>
      %dma_wait3A_44 = tpu.memref_squeeze %dma_wait3A_43 : memref<1x640x16xf32, #tpu.memory_space<hbm>> -> memref<640x16xf32, #tpu.memory_space<hbm>>
      %dma_wait3A_45 = arith.constant 0 : i32
      %dma_wait3A_46 = tpu.memref_slice %arg11[%mul3A_36, %dma_wait3A_45] : memref<10240x16xf32, #tpu.memory_space<vmem_shared>> -> memref<640x16xf32, #tpu.memory_space<vmem_shared>>
      tpu.wait_dma2 semaphore(%run_scoped3A : memref<!tpu.dma_semaphore, #tpu.memory_space<semaphore_mem>>) src(%dma_wait3A_46 : memref<640x16xf32, #tpu.memory_space<vmem_shared>>) dst(%dma_wait3A_44 : memref<640x16xf32, #tpu.memory_space<hbm>>)
      tpu.yield
    }) : () -> ()
    return
  }
}

module attributes {stable_mosaic.version = 14 : i64} {
  func.func @_stats_body(%arg0: i32, %arg1: memref<8000x4xf32, #tpu.memory_space<vmem>>, %arg2: memref<8x128xf32, #tpu.memory_space<vmem>>) attributes {dimension_semantics = [#tpu.dimension_semantics<arbitrary>], iteration_bounds = array<i64: 20>, scalar_prefetch = 0 : i64, scratch_operands = 0 : i64, tpu.core_type = #tpu.core_type<tc>, window_params = [{transform_indices = @transform_0, window_bounds = array<i64: 8000, 4>}, {pipeline_mode = #tpu.pipeline_mode<synchronous>, transform_indices = @transform_1, window_bounds = array<i64: 8, 128>}]} {
    %get3A = arith.constant 0 : index
    %get3A_0 = arith.constant 0 : index
    %get3A_1 = vector.load %arg1[%get3A, %get3A_0] : memref<8000x4xf32, #tpu.memory_space<vmem>>, vector<8000x4xf32>
    %reduce_sum3A = arith.constant dense<0.000000e+00> : vector<4xf32>
    %reduce_sum3A_2 = vector.multi_reduction <add>, %get3A_1, %reduce_sum3A [0] : vector<8000x4xf32> to vector<4xf32>
    %jit3A = arith.constant 0 : i32
    %convert_element_type3A = arith.sitofp %jit3A : i32 to f32
    %pad3A = vector.broadcast %convert_element_type3A : f32 to vector<124xf32>
    %pad3A_3 = tpu.concatenate %reduce_sum3A_2, %pad3A in 0 : vector<4xf32>, vector<124xf32> -> vector<128xf32>
    %reshape3A = vector.shape_cast %pad3A_3 : vector<128xf32> to vector<1x128xf32>
    %mul3A = arith.mulf %get3A_1, %get3A_1 : vector<8000x4xf32>
    %reduce_sum3A_4 = arith.constant dense<0.000000e+00> : vector<4xf32>
    %reduce_sum3A_5 = vector.multi_reduction <add>, %mul3A, %reduce_sum3A_4 [0] : vector<8000x4xf32> to vector<4xf32>
    %jit3A_6 = arith.constant 0 : i32
    %convert_element_type3A_7 = arith.sitofp %jit3A_6 : i32 to f32
    %pad3A_8 = vector.broadcast %convert_element_type3A_7 : f32 to vector<124xf32>
    %pad3A_9 = tpu.concatenate %reduce_sum3A_5, %pad3A_8 in 0 : vector<4xf32>, vector<124xf32> -> vector<128xf32>
    %reshape3A_10 = vector.shape_cast %pad3A_9 : vector<128xf32> to vector<1x128xf32>
    %broadcast_in_dim3A = arith.constant 0.000000e+00 : f32
    %broadcast_in_dim3A_11 = vector.broadcast %broadcast_in_dim3A : f32 to vector<6x128xf32>
    %concatenate3A = tpu.concatenate %reshape3A, %reshape3A_10, %broadcast_in_dim3A_11 in 0 : vector<1x128xf32>, vector<1x128xf32>, vector<6x128xf32> -> vector<8x128xf32>
    %eq3A = arith.constant 0 : i32
    %eq3A_12 = arith.cmpi eq, %arg0, %eq3A : i32
    %convert_element_type3A_13 = arith.extui %eq3A_12 : i1 to i32
    %cond3A = arith.constant 0 : i32
    %cond3A_14 = arith.cmpi ne, %convert_element_type3A_13, %cond3A : i32
    scf.if %cond3A_14 {
      %swap3A = arith.constant 0 : index
      %swap3A_19 = arith.constant 0 : index
      %swap3A_20 = vector.load %arg2[%swap3A, %swap3A_19] : memref<8x128xf32, #tpu.memory_space<vmem>>, vector<8x128xf32>
      tpu.vector_store %arg2[%swap3A, %swap3A_19], %concatenate3A {strides = array<i32>} : memref<8x128xf32, #tpu.memory_space<vmem>>, vector<8x128xf32>,
    } else {
    }
    %gt3A = arith.constant 0 : i32
    %gt3A_15 = arith.cmpi sgt, %arg0, %gt3A : i32
    %convert_element_type3A_16 = arith.extui %gt3A_15 : i1 to i32
    %cond3A_17 = arith.constant 0 : i32
    %cond3A_18 = arith.cmpi ne, %convert_element_type3A_16, %cond3A_17 : i32
    scf.if %cond3A_18 {
      %get3A_19 = arith.constant 0 : index
      %get3A_20 = arith.constant 0 : index
      %get3A_21 = vector.load %arg2[%get3A_19, %get3A_20] : memref<8x128xf32, #tpu.memory_space<vmem>>, vector<8x128xf32>
      %add3A = arith.addf %get3A_21, %concatenate3A : vector<8x128xf32>
      %swap3A = arith.constant 0 : index
      %swap3A_22 = arith.constant 0 : index
      %swap3A_23 = vector.load %arg2[%swap3A, %swap3A_22] : memref<8x128xf32, #tpu.memory_space<vmem>>, vector<8x128xf32>
      tpu.vector_store %arg2[%swap3A, %swap3A_22], %add3A {strides = array<i32>} : memref<8x128xf32, #tpu.memory_space<vmem>>, vector<8x128xf32>,
    } else {
    }
    return
  }
  func.func @transform_0(%arg0: i32) -> (i32, i32) {
    %c0_i32 = arith.constant 0 : i32
    %c0_i32_0 = arith.constant 0 : i32
    return %arg0, %c0_i32 : i32, i32
  }
  func.func @transform_1(%arg0: i32) -> (i32, i32) {
    %c0_i32 = arith.constant 0 : i32
    %c0_i32_0 = arith.constant 0 : i32
    %c0_i32_1 = arith.constant 0 : i32
    return %c0_i32, %c0_i32_0 : i32, i32
  }
}

module attributes {stable_mosaic.version = 14 : i64} {
  func.func @_pedge_body(%arg0: i32, %arg1: memref<8x128xf32, #tpu.memory_space<vmem>>, %arg2: memref<1280x4xf32, #tpu.memory_space<vmem>>, %arg3: memref<2x128xf32, #tpu.memory_space<vmem>>, %arg4: memref<1x128xf32, #tpu.memory_space<vmem>>, %arg5: memref<1x128xf32, #tpu.memory_space<vmem>>, %arg6: memref<1x128xf32, #tpu.memory_space<vmem>>, %arg7: memref<128x128xf32, #tpu.memory_space<vmem>>, %arg8: memref<1x128xf32, #tpu.memory_space<vmem>>, %arg9: memref<1280x1xf32, #tpu.memory_space<vmem>>) attributes {dimension_semantics = [#tpu.dimension_semantics<arbitrary>], iteration_bounds = array<i64: 125>, scalar_prefetch = 0 : i64, scratch_operands = 0 : i64, tpu.core_type = #tpu.core_type<tc>, window_params = [{pipeline_mode = #tpu.pipeline_mode<synchronous>, transform_indices = @transform_0, window_bounds = array<i64: 8, 128>}, {transform_indices = @transform_1, window_bounds = array<i64: 1280, 4>}, {pipeline_mode = #tpu.pipeline_mode<synchronous>, transform_indices = @transform_2, window_bounds = array<i64: 2, 128>}, {pipeline_mode = #tpu.pipeline_mode<synchronous>, transform_indices = @transform_3, window_bounds = array<i64: 1, 128>}, {pipeline_mode = #tpu.pipeline_mode<synchronous>, transform_indices = @transform_4, window_bounds = array<i64: 1, 128>}, {pipeline_mode = #tpu.pipeline_mode<synchronous>, transform_indices = @transform_5, window_bounds = array<i64: 1, 128>}, {pipeline_mode = #tpu.pipeline_mode<synchronous>, transform_indices = @transform_6, window_bounds = array<i64: 128, 128>}, {pipeline_mode = #tpu.pipeline_mode<synchronous>, transform_indices = @transform_7, window_bounds = array<i64: 1, 128>}, {transform_indices = @transform_8, window_bounds = array<i64: 1280, 1>}]} {
    %get3A = arith.constant 0 : index
    %get3A_0 = arith.constant 0 : index
    %get3A_1 = vector.load %arg1[%get3A, %get3A_0] : memref<8x128xf32, #tpu.memory_space<vmem>>, vector<1x4xf32>
    %get3A_2 = vector.shape_cast %get3A_1 : vector<1x4xf32> to vector<4xf32>
    %div3A = arith.constant 1.600000e+05 : f32
    %div3A_3 = vector.broadcast %div3A : f32 to vector<4xf32>
    %div3A_4 = arith.divf %get3A_2, %div3A_3 : vector<4xf32>
    %get3A_5 = arith.constant 1 : index
    %get3A_6 = arith.constant 0 : index
    %get3A_7 = vector.load %arg1[%get3A_5, %get3A_6] : memref<8x128xf32, #tpu.memory_space<vmem>>, vector<1x4xf32>
    %get3A_8 = vector.shape_cast %get3A_7 : vector<1x4xf32> to vector<4xf32>
    %mul3A = arith.constant 1.600000e+05 : f32
    %mul3A_9 = vector.broadcast %mul3A : f32 to vector<4xf32>
    %mul3A_10 = arith.mulf %mul3A_9, %div3A_4 : vector<4xf32>
    %mul3A_11 = arith.mulf %mul3A_10, %div3A_4 : vector<4xf32>
    %sub3A = arith.subf %get3A_8, %mul3A_11 : vector<4xf32>
    %div3A_12 = arith.constant 1.599990e+05 : f32
    %div3A_13 = vector.broadcast %div3A_12 : f32 to vector<4xf32>
    %div3A_14 = arith.divf %sub3A, %div3A_13 : vector<4xf32>
    %rsqrt3A = math.rsqrt %div3A_14 : vector<4xf32>
    %get3A_15 = arith.constant 0 : index
    %get3A_16 = arith.constant 0 : index
    %get3A_17 = vector.load %arg2[%get3A_15, %get3A_16] : memref<1280x4xf32, #tpu.memory_space<vmem>>, vector<1280x4xf32>
    %broadcast_in_dim3A = vector.shape_cast %div3A_4 : vector<4xf32> to vector<1x4xf32>
    %sub3A_18 = vector.broadcast %broadcast_in_dim3A : vector<1x4xf32> to vector<1280x4xf32>
    %sub3A_19 = arith.subf %get3A_17, %sub3A_18 : vector<1280x4xf32>
    %broadcast_in_dim3A_20 = vector.shape_cast %rsqrt3A : vector<4xf32> to vector<1x4xf32>
    %mul3A_21 = vector.broadcast %broadcast_in_dim3A_20 : vector<1x4xf32> to vector<1280x4xf32>
    %mul3A_22 = arith.mulf %sub3A_19, %mul3A_21 : vector<1280x4xf32>
    %get3A_23 = arith.constant 0 : index
    %get3A_24 = arith.constant 0 : index
    %get3A_25 = vector.load %arg3[%get3A_23, %get3A_24] : memref<2x128xf32, #tpu.memory_space<vmem>>, vector<2x128xf32>
    %slice3A = vector.extract_strided_slice %mul3A_22 {offsets = [0, 0], sizes = [1280, 2], strides = [1, 1]} : vector<1280x4xf32> to vector<1280x2xf32>
    %slice3A_26 = vector.extract_strided_slice %slice3A {offsets = [0, 0], sizes = [1280, 1], strides = [1, 1]} : vector<1280x2xf32> to vector<1280x1xf32>
    %slice3A_27 = vector.extract_strided_slice %get3A_25 {offsets = [0, 0], sizes = [1, 128], strides = [1, 1]} : vector<2x128xf32> to vector<1x128xf32>
    %mul3A_28 = vector.broadcast %slice3A_26 : vector<1280x1xf32> to vector<1280x128xf32>
    %mul3A_29 = vector.broadcast %slice3A_27 : vector<1x128xf32> to vector<1280x128xf32>
    %mul3A_30 = arith.mulf %mul3A_28, %mul3A_29 : vector<1280x128xf32>
    %slice3A_31 = vector.extract_strided_slice %slice3A {offsets = [0, 1], sizes = [1280, 1], strides = [1, 1]} : vector<1280x2xf32> to vector<1280x1xf32>
    %slice3A_32 = vector.extract_strided_slice %get3A_25 {offsets = [1, 0], sizes = [1, 128], strides = [1, 1]} : vector<2x128xf32> to vector<1x128xf32>
    %mul3A_33 = vector.broadcast %slice3A_31 : vector<1280x1xf32> to vector<1280x128xf32>
    %mul3A_34 = vector.broadcast %slice3A_32 : vector<1x128xf32> to vector<1280x128xf32>
    %mul3A_35 = arith.mulf %mul3A_33, %mul3A_34 : vector<1280x128xf32>
    %add3A = arith.addf %mul3A_30, %mul3A_35 : vector<1280x128xf32>
    %get3A_36 = arith.constant 0 : index
    %get3A_37 = arith.constant 0 : index
    %get3A_38 = vector.load %arg4[%get3A_36, %get3A_37] : memref<1x128xf32, #tpu.memory_space<vmem>>, vector<1x128xf32>
    %add3A_39 = vector.broadcast %get3A_38 : vector<1x128xf32> to vector<1280x128xf32>
    %add3A_40 = arith.addf %add3A, %add3A_39 : vector<1280x128xf32>
    %max3A = arith.constant 0.000000e+00 : f32
    %max3A_41 = vector.broadcast %max3A : f32 to vector<1280x128xf32>
    %max3A_42 = arith.maximumf %add3A_40, %max3A_41 : vector<1280x128xf32>
    %get3A_43 = arith.constant 0 : index
    %get3A_44 = arith.constant 0 : index
    %get3A_45 = vector.load %arg5[%get3A_43, %get3A_44] : memref<1x128xf32, #tpu.memory_space<vmem>>, vector<1x128xf32>
    %mul3A_46 = arith.constant 0.999994993 : f32
    %mul3A_47 = vector.broadcast %mul3A_46 : f32 to vector<1x128xf32>
    %mul3A_48 = arith.mulf %get3A_45, %mul3A_47 : vector<1x128xf32>
    %mul3A_49 = vector.broadcast %mul3A_48 : vector<1x128xf32> to vector<1280x128xf32>
    %mul3A_50 = arith.mulf %max3A_42, %mul3A_49 : vector<1280x128xf32>
    %get3A_51 = arith.constant 0 : index
    %get3A_52 = arith.constant 0 : index
    %get3A_53 = vector.load %arg6[%get3A_51, %get3A_52] : memref<1x128xf32, #tpu.memory_space<vmem>>, vector<1x128xf32>
    %add3A_54 = vector.broadcast %get3A_53 : vector<1x128xf32> to vector<1280x128xf32>
    %add3A_55 = arith.addf %mul3A_50, %add3A_54 : vector<1280x128xf32>
    %get3A_56 = arith.constant 0 : index
    %get3A_57 = arith.constant 0 : index
    %get3A_58 = vector.load %arg7[%get3A_56, %get3A_57] : memref<128x128xf32, #tpu.memory_space<vmem>>, vector<128x128xf32>
    %dot_general3A = arith.constant dense<0.000000e+00> : vector<1280x128xf32>
    %dot_general3A_59 = tpu.matmul %add3A_55, %get3A_58, %dot_general3A {dimension_numbers = #tpu.dot_dimension_numbers<[1], [0], [0], [1], [0, 0, 1, 1], [], []>, transpose_lhs_hint = false} : vector<1280x128xf32>, vector<128x128xf32>, vector<1280x128xf32> -> vector<1280x128xf32>
    %get3A_60 = arith.constant 0 : index
    %get3A_61 = arith.constant 0 : index
    %get3A_62 = vector.load %arg8[%get3A_60, %get3A_61] : memref<1x128xf32, #tpu.memory_space<vmem>>, vector<1x128xf32>
    %add3A_63 = vector.broadcast %get3A_62 : vector<1x128xf32> to vector<1280x128xf32>
    %add3A_64 = arith.addf %dot_general3A_59, %add3A_63 : vector<1280x128xf32>
    %slice3A_65 = vector.extract_strided_slice %mul3A_22 {offsets = [0, 2], sizes = [1280, 2], strides = [1, 1]} : vector<1280x4xf32> to vector<1280x2xf32>
    %slice3A_66 = vector.extract_strided_slice %slice3A_65 {offsets = [0, 0], sizes = [1280, 1], strides = [1, 1]} : vector<1280x2xf32> to vector<1280x1xf32>
    %slice3A_67 = vector.extract_strided_slice %get3A_25 {offsets = [0, 0], sizes = [1, 128], strides = [1, 1]} : vector<2x128xf32> to vector<1x128xf32>
    %mul3A_68 = vector.broadcast %slice3A_66 : vector<1280x1xf32> to vector<1280x128xf32>
    %mul3A_69 = vector.broadcast %slice3A_67 : vector<1x128xf32> to vector<1280x128xf32>
    %mul3A_70 = arith.mulf %mul3A_68, %mul3A_69 : vector<1280x128xf32>
    %slice3A_71 = vector.extract_strided_slice %slice3A_65 {offsets = [0, 1], sizes = [1280, 1], strides = [1, 1]} : vector<1280x2xf32> to vector<1280x1xf32>
    %slice3A_72 = vector.extract_strided_slice %get3A_25 {offsets = [1, 0], sizes = [1, 128], strides = [1, 1]} : vector<2x128xf32> to vector<1x128xf32>
    %mul3A_73 = vector.broadcast %slice3A_71 : vector<1280x1xf32> to vector<1280x128xf32>
    %mul3A_74 = vector.broadcast %slice3A_72 : vector<1x128xf32> to vector<1280x128xf32>
    %mul3A_75 = arith.mulf %mul3A_73, %mul3A_74 : vector<1280x128xf32>
    %add3A_76 = arith.addf %mul3A_70, %mul3A_75 : vector<1280x128xf32>
    %get3A_77 = arith.constant 0 : index
    %get3A_78 = arith.constant 0 : index
    %get3A_79 = vector.load %arg4[%get3A_77, %get3A_78] : memref<1x128xf32, #tpu.memory_space<vmem>>, vector<1x128xf32>
    %add3A_80 = vector.broadcast %get3A_79 : vector<1x128xf32> to vector<1280x128xf32>
    %add3A_81 = arith.addf %add3A_76, %add3A_80 : vector<1280x128xf32>
    %max3A_82 = arith.constant 0.000000e+00 : f32
    %max3A_83 = vector.broadcast %max3A_82 : f32 to vector<1280x128xf32>
    %max3A_84 = arith.maximumf %add3A_81, %max3A_83 : vector<1280x128xf32>
    %get3A_85 = arith.constant 0 : index
    %get3A_86 = arith.constant 0 : index
    %get3A_87 = vector.load %arg5[%get3A_85, %get3A_86] : memref<1x128xf32, #tpu.memory_space<vmem>>, vector<1x128xf32>
    %mul3A_88 = arith.constant 0.999994993 : f32
    %mul3A_89 = vector.broadcast %mul3A_88 : f32 to vector<1x128xf32>
    %mul3A_90 = arith.mulf %get3A_87, %mul3A_89 : vector<1x128xf32>
    %mul3A_91 = vector.broadcast %mul3A_90 : vector<1x128xf32> to vector<1280x128xf32>
    %mul3A_92 = arith.mulf %max3A_84, %mul3A_91 : vector<1280x128xf32>
    %get3A_93 = arith.constant 0 : index
    %get3A_94 = arith.constant 0 : index
    %get3A_95 = vector.load %arg6[%get3A_93, %get3A_94] : memref<1x128xf32, #tpu.memory_space<vmem>>, vector<1x128xf32>
    %add3A_96 = vector.broadcast %get3A_95 : vector<1x128xf32> to vector<1280x128xf32>
    %add3A_97 = arith.addf %mul3A_92, %add3A_96 : vector<1280x128xf32>
    %get3A_98 = arith.constant 0 : index
    %get3A_99 = arith.constant 0 : index
    %get3A_100 = vector.load %arg7[%get3A_98, %get3A_99] : memref<128x128xf32, #tpu.memory_space<vmem>>, vector<128x128xf32>
    %dot_general3A_101 = arith.constant dense<0.000000e+00> : vector<1280x128xf32>
    %dot_general3A_102 = tpu.matmul %add3A_97, %get3A_100, %dot_general3A_101 {dimension_numbers = #tpu.dot_dimension_numbers<[1], [0], [0], [1], [0, 0, 1, 1], [], []>, transpose_lhs_hint = false} : vector<1280x128xf32>, vector<128x128xf32>, vector<1280x128xf32> -> vector<1280x128xf32>
    %get3A_103 = arith.constant 0 : index
    %get3A_104 = arith.constant 0 : index
    %get3A_105 = vector.load %arg8[%get3A_103, %get3A_104] : memref<1x128xf32, #tpu.memory_space<vmem>>, vector<1x128xf32>
    %add3A_106 = vector.broadcast %get3A_105 : vector<1x128xf32> to vector<1280x128xf32>
    %add3A_107 = arith.addf %dot_general3A_102, %add3A_106 : vector<1280x128xf32>
    %mul3A_108 = arith.mulf %add3A_64, %add3A_107 : vector<1280x128xf32>
    %reduce_sum3A = arith.constant dense<0.000000e+00> : vector<1280xf32>
    %reduce_sum3A_109 = vector.multi_reduction <add>, %mul3A_108, %reduce_sum3A [1] : vector<1280x128xf32> to vector<1280xf32>
    %mul3A_110 = arith.mulf %add3A_64, %add3A_64 : vector<1280x128xf32>
    %reduce_sum3A_111 = arith.constant dense<0.000000e+00> : vector<1280xf32>
    %reduce_sum3A_112 = vector.multi_reduction <add>, %mul3A_110, %reduce_sum3A_111 [1] : vector<1280x128xf32> to vector<1280xf32>
    %sqrt3A = math.sqrt %reduce_sum3A_112 : vector<1280xf32>
    %mul3A_113 = arith.mulf %add3A_107, %add3A_107 : vector<1280x128xf32>
    %reduce_sum3A_114 = arith.constant dense<0.000000e+00> : vector<1280xf32>
    %reduce_sum3A_115 = vector.multi_reduction <add>, %mul3A_113, %reduce_sum3A_114 [1] : vector<1280x128xf32> to vector<1280xf32>
    %sqrt3A_116 = math.sqrt %reduce_sum3A_115 : vector<1280xf32>
    %mul3A_117 = arith.mulf %sqrt3A, %sqrt3A_116 : vector<1280xf32>
    %max3A_118 = arith.constant 9.99999993E-9 : f32
    %max3A_119 = vector.broadcast %max3A_118 : f32 to vector<1280xf32>
    %max3A_120 = arith.maximumf %mul3A_117, %max3A_119 : vector<1280xf32>
    %div3A_121 = arith.divf %reduce_sum3A_109, %max3A_120 : vector<1280xf32>
    %add3A_122 = arith.constant 1.000000e+00 : f32
    %add3A_123 = vector.broadcast %add3A_122 : f32 to vector<1280xf32>
    %add3A_124 = arith.addf %div3A_121, %add3A_123 : vector<1280xf32>
    %mul3A_125 = arith.constant 5.000000e-01 : f32
    %mul3A_126 = vector.broadcast %mul3A_125 : f32 to vector<1280xf32>
    %mul3A_127 = arith.mulf %add3A_124, %mul3A_126 : vector<1280xf32>
    %reshape3A = vector.shape_cast %mul3A_127 : vector<1280xf32> to vector<1280x1xf32>
    %swap3A = arith.constant 0 : index
    %swap3A_128 = arith.constant 0 : index
    %swap3A_129 = vector.load %arg9[%swap3A, %swap3A_128] : memref<1280x1xf32, #tpu.memory_space<vmem>>, vector<1280x1xf32>
    tpu.vector_store %arg9[%swap3A, %swap3A_128], %reshape3A {strides = array<i32>} : memref<1280x1xf32, #tpu.memory_space<vmem>>, vector<1280x1xf32>,
    return
  }
  func.func @transform_0(%arg0: i32) -> (i32, i32) {
    %c0_i32 = arith.constant 0 : i32
    %c0_i32_0 = arith.constant 0 : i32
    %c0_i32_1 = arith.constant 0 : i32
    return %c0_i32, %c0_i32_0 : i32, i32
  }
  func.func @transform_1(%arg0: i32) -> (i32, i32) {
    %c0_i32 = arith.constant 0 : i32
    %c0_i32_0 = arith.constant 0 : i32
    return %arg0, %c0_i32 : i32, i32
  }
  func.func @transform_2(%arg0: i32) -> (i32, i32) {
    %c0_i32 = arith.constant 0 : i32
    %c0_i32_0 = arith.constant 0 : i32
    %c0_i32_1 = arith.constant 0 : i32
    return %c0_i32, %c0_i32_0 : i32, i32
  }
  func.func @transform_3(%arg0: i32) -> (i32, i32) {
    %c0_i32 = arith.constant 0 : i32
    %c0_i32_0 = arith.constant 0 : i32
    %c0_i32_1 = arith.constant 0 : i32
    return %c0_i32, %c0_i32_0 : i32, i32
  }
  func.func @transform_4(%arg0: i32) -> (i32, i32) {
    %c0_i32 = arith.constant 0 : i32
    %c0_i32_0 = arith.constant 0 : i32
    %c0_i32_1 = arith.constant 0 : i32
    return %c0_i32, %c0_i32_0 : i32, i32
  }
  func.func @transform_5(%arg0: i32) -> (i32, i32) {
    %c0_i32 = arith.constant 0 : i32
    %c0_i32_0 = arith.constant 0 : i32
    %c0_i32_1 = arith.constant 0 : i32
    return %c0_i32, %c0_i32_0 : i32, i32
  }
  func.func @transform_6(%arg0: i32) -> (i32, i32) {
    %c0_i32 = arith.constant 0 : i32
    %c0_i32_0 = arith.constant 0 : i32
    %c0_i32_1 = arith.constant 0 : i32
    return %c0_i32, %c0_i32_0 : i32, i32
  }
  func.func @transform_7(%arg0: i32) -> (i32, i32) {
    %c0_i32 = arith.constant 0 : i32
    %c0_i32_0 = arith.constant 0 : i32
    %c0_i32_1 = arith.constant 0 : i32
    return %c0_i32, %c0_i32_0 : i32, i32
  }
  func.func @transform_8(%arg0: i32) -> (i32, i32) {
    %c0_i32 = arith.constant 0 : i32
    %c0_i32_0 = arith.constant 0 : i32
    return %arg0, %c0_i32 : i32, i32
  }
}

module attributes {stable_mosaic.version = 14 : i64} {
  func.func @_xw0_body(%arg0: i32, %arg1: memref<1024x496xf32, #tpu.memory_space<vmem>>, %arg2: memref<496x16xf32, #tpu.memory_space<vmem>>, %arg3: memref<2x1024x1xf32, #tpu.memory_space<vmem>>, %arg4: memref<1024x16xf32, #tpu.memory_space<vmem>>, %arg5: memref<1024x1xf32, #tpu.memory_space<vmem>>, %arg6: memref<1024x1xf32, #tpu.memory_space<vmem>>) attributes {dimension_semantics = [#tpu.dimension_semantics<arbitrary>], iteration_bounds = array<i64: 10>, scalar_prefetch = 0 : i64, scratch_operands = 0 : i64, tpu.core_type = #tpu.core_type<tc>, window_params = [{transform_indices = @transform_0, window_bounds = array<i64: 1024, 496>}, {pipeline_mode = #tpu.pipeline_mode<synchronous>, transform_indices = @transform_1, window_bounds = array<i64: 496, 16>}, {transform_indices = @transform_2, window_bounds = array<i64: 2, 1024, 1>}, {transform_indices = @transform_3, window_bounds = array<i64: 1024, 16>}, {transform_indices = @transform_4, window_bounds = array<i64: 1024, 1>}, {transform_indices = @transform_5, window_bounds = array<i64: 1024, 1>}]} {
    %get3A = arith.constant 0 : index
    %get3A_0 = arith.constant 0 : index
    %get3A_1 = vector.load %arg1[%get3A, %get3A_0] : memref<1024x496xf32, #tpu.memory_space<vmem>>, vector<1024x496xf32>
    %get3A_2 = arith.constant 0 : index
    %get3A_3 = arith.constant 0 : index
    %get3A_4 = vector.load %arg2[%get3A_2, %get3A_3] : memref<496x16xf32, #tpu.memory_space<vmem>>, vector<496x16xf32>
    %dot_general3A = arith.constant dense<0.000000e+00> : vector<1024x16xf32>
    %dot_general3A_5 = tpu.matmul %get3A_1, %get3A_4, %dot_general3A {dimension_numbers = #tpu.dot_dimension_numbers<[1], [0], [0], [1], [0, 0, 1, 1], [], []>, transpose_lhs_hint = false} : vector<1024x496xf32>, vector<496x16xf32>, vector<1024x16xf32> -> vector<1024x16xf32>
    %swap3A = arith.constant 0 : index
    %swap3A_6 = arith.constant 0 : index
    %swap3A_7 = vector.load %arg4[%swap3A, %swap3A_6] : memref<1024x16xf32, #tpu.memory_space<vmem>>, vector<1024x16xf32>
    tpu.vector_store %arg4[%swap3A, %swap3A_6], %dot_general3A_5 {strides = array<i32>} : memref<1024x16xf32, #tpu.memory_space<vmem>>, vector<1024x16xf32>,
    %get3A_8 = arith.constant 0 : index
    %get3A_9 = arith.constant 0 : index
    %get3A_10 = arith.constant 0 : index
    %get3A_11 = vector.load %arg3[%get3A_8, %get3A_9, %get3A_10] : memref<2x1024x1xf32, #tpu.memory_space<vmem>>, vector<1x1024x1xf32>
    %get3A_12 = vector.shape_cast %get3A_11 : vector<1x1024x1xf32> to vector<1024x1xf32>
    %get3A_13 = arith.constant 1 : index
    %get3A_14 = arith.constant 0 : index
    %get3A_15 = arith.constant 0 : index
    %get3A_16 = vector.load %arg3[%get3A_13, %get3A_14, %get3A_15] : memref<2x1024x1xf32, #tpu.memory_space<vmem>>, vector<1x1024x1xf32>
    %get3A_17 = vector.shape_cast %get3A_16 : vector<1x1024x1xf32> to vector<1024x1xf32>
    %add3A = arith.addf %get3A_12, %get3A_17 : vector<1024x1xf32>
    %add3A_18 = arith.constant 1.000000e+00 : f32
    %add3A_19 = vector.broadcast %add3A_18 : f32 to vector<1024x1xf32>
    %add3A_20 = arith.addf %add3A, %add3A_19 : vector<1024x1xf32>
    %rsqrt3A = math.rsqrt %add3A_20 : vector<1024x1xf32>
    %swap3A_21 = arith.constant 0 : index
    %swap3A_22 = arith.constant 0 : index
    %swap3A_23 = vector.load %arg5[%swap3A_21, %swap3A_22] : memref<1024x1xf32, #tpu.memory_space<vmem>>, vector<1024x1xf32>
    tpu.vector_store %arg5[%swap3A_21, %swap3A_22], %rsqrt3A {strides = array<i32>} : memref<1024x1xf32, #tpu.memory_space<vmem>>, vector<1024x1xf32>,
    %div3A = arith.constant 1.000000e+00 : f32
    %div3A_24 = vector.broadcast %div3A : f32 to vector<1024x1xf32>
    %div3A_25 = arith.divf %div3A_24, %add3A_20 : vector<1024x1xf32>
    %swap3A_26 = arith.constant 0 : index
    %swap3A_27 = arith.constant 0 : index
    %swap3A_28 = vector.load %arg6[%swap3A_26, %swap3A_27] : memref<1024x1xf32, #tpu.memory_space<vmem>>, vector<1024x1xf32>
    tpu.vector_store %arg6[%swap3A_26, %swap3A_27], %div3A_25 {strides = array<i32>} : memref<1024x1xf32, #tpu.memory_space<vmem>>, vector<1024x1xf32>,
    return
  }
  func.func @transform_0(%arg0: i32) -> (i32, i32) {
    %c0_i32 = arith.constant 0 : i32
    %c0_i32_0 = arith.constant 0 : i32
    return %arg0, %c0_i32 : i32, i32
  }
  func.func @transform_1(%arg0: i32) -> (i32, i32) {
    %c0_i32 = arith.constant 0 : i32
    %c0_i32_0 = arith.constant 0 : i32
    %c0_i32_1 = arith.constant 0 : i32
    return %c0_i32, %c0_i32_0 : i32, i32
  }
  func.func @transform_2(%arg0: i32) -> (i32, i32, i32) {
    %c0_i32 = arith.constant 0 : i32
    %c0_i32_0 = arith.constant 0 : i32
    %c0_i32_1 = arith.constant 0 : i32
    return %c0_i32, %arg0, %c0_i32_0 : i32, i32, i32
  }
  func.func @transform_3(%arg0: i32) -> (i32, i32) {
    %c0_i32 = arith.constant 0 : i32
    %c0_i32_0 = arith.constant 0 : i32
    return %arg0, %c0_i32 : i32, i32
  }
  func.func @transform_4(%arg0: i32) -> (i32, i32) {
    %c0_i32 = arith.constant 0 : i32
    %c0_i32_0 = arith.constant 0 : i32
    return %arg0, %c0_i32 : i32, i32
  }
  func.func @transform_5(%arg0: i32) -> (i32, i32) {
    %c0_i32 = arith.constant 0 : i32
    %c0_i32_0 = arith.constant 0 : i32
    return %arg0, %c0_i32 : i32, i32
  }
}

module attributes {stable_mosaic.version = 14 : i64} {
  func.func @_post_body(%arg0: i32, %arg1: memref<2x1024x16xf32, #tpu.memory_space<vmem>>, %arg2: memref<1024x16xf32, #tpu.memory_space<vmem>>, %arg3: memref<1024x1xf32, #tpu.memory_space<vmem>>, %arg4: memref<1024x16xf32, #tpu.memory_space<vmem>>, %arg5: memref<1x16xf32, #tpu.memory_space<vmem>>, %arg6: memref<1x16xf32, #tpu.memory_space<vmem>>, %arg7: memref<1x16xf32, #tpu.memory_space<vmem>>, %arg8: memref<16x16xf32, #tpu.memory_space<vmem>>, %arg9: memref<1024x16xf32, #tpu.memory_space<vmem>>, %arg10: memref<1024x16xf32, #tpu.memory_space<vmem>>) attributes {dimension_semantics = [#tpu.dimension_semantics<arbitrary>], iteration_bounds = array<i64: 10>, scalar_prefetch = 0 : i64, scratch_operands = 0 : i64, tpu.core_type = #tpu.core_type<tc>, window_params = [{transform_indices = @transform_0, window_bounds = array<i64: 2, 1024, 16>}, {transform_indices = @transform_1, window_bounds = array<i64: 1024, 16>}, {transform_indices = @transform_2, window_bounds = array<i64: 1024, 1>}, {transform_indices = @transform_3, window_bounds = array<i64: 1024, 16>}, {pipeline_mode = #tpu.pipeline_mode<synchronous>, transform_indices = @transform_4, window_bounds = array<i64: 1, 16>}, {pipeline_mode = #tpu.pipeline_mode<synchronous>, transform_indices = @transform_5, window_bounds = array<i64: 1, 16>}, {pipeline_mode = #tpu.pipeline_mode<synchronous>, transform_indices = @transform_6, window_bounds = array<i64: 1, 16>}, {pipeline_mode = #tpu.pipeline_mode<synchronous>, transform_indices = @transform_7, window_bounds = array<i64: 16, 16>}, {transform_indices = @transform_8, window_bounds = array<i64: 1024, 16>}, {transform_indices = @transform_9, window_bounds = array<i64: 1024, 16>}]} {
    %get3A = arith.constant 0 : index
    %get3A_0 = arith.constant 0 : index
    %get3A_1 = arith.constant 0 : index
    %get3A_2 = vector.load %arg1[%get3A, %get3A_0, %get3A_1] : memref<2x1024x16xf32, #tpu.memory_space<vmem>>, vector<1x1024x16xf32>
    %get3A_3 = vector.shape_cast %get3A_2 : vector<1x1024x16xf32> to vector<1024x16xf32>
    %get3A_4 = arith.constant 1 : index
    %get3A_5 = arith.constant 0 : index
    %get3A_6 = arith.constant 0 : index
    %get3A_7 = vector.load %arg1[%get3A_4, %get3A_5, %get3A_6] : memref<2x1024x16xf32, #tpu.memory_space<vmem>>, vector<1x1024x16xf32>
    %get3A_8 = vector.shape_cast %get3A_7 : vector<1x1024x16xf32> to vector<1024x16xf32>
    %add3A = arith.addf %get3A_3, %get3A_8 : vector<1024x16xf32>
    %get3A_9 = arith.constant 0 : index
    %get3A_10 = arith.constant 0 : index
    %get3A_11 = vector.load %arg2[%get3A_9, %get3A_10] : memref<1024x16xf32, #tpu.memory_space<vmem>>, vector<1024x16xf32>
    %get3A_12 = arith.constant 0 : index
    %get3A_13 = arith.constant 0 : index
    %get3A_14 = vector.load %arg3[%get3A_12, %get3A_13] : memref<1024x1xf32, #tpu.memory_space<vmem>>, vector<1024x1xf32>
    %mul3A = vector.broadcast %get3A_14 : vector<1024x1xf32> to vector<1024x16xf32>
    %mul3A_15 = arith.mulf %get3A_11, %mul3A : vector<1024x16xf32>
    %add3A_16 = arith.addf %add3A, %mul3A_15 : vector<1024x16xf32>
    %get3A_17 = arith.constant 0 : index
    %get3A_18 = arith.constant 0 : index
    %get3A_19 = vector.load %arg5[%get3A_17, %get3A_18] : memref<1x16xf32, #tpu.memory_space<vmem>>, vector<1x16xf32>
    %add3A_20 = vector.broadcast %get3A_19 : vector<1x16xf32> to vector<1024x16xf32>
    %add3A_21 = arith.addf %add3A_16, %add3A_20 : vector<1024x16xf32>
    %get3A_22 = arith.constant 0 : index
    %get3A_23 = arith.constant 0 : index
    %get3A_24 = vector.load %arg6[%get3A_22, %get3A_23] : memref<1x16xf32, #tpu.memory_space<vmem>>, vector<1x16xf32>
    %mul3A_25 = arith.constant 0.999994993 : f32
    %mul3A_26 = vector.broadcast %mul3A_25 : f32 to vector<1x16xf32>
    %mul3A_27 = arith.mulf %get3A_24, %mul3A_26 : vector<1x16xf32>
    %mul3A_28 = vector.broadcast %mul3A_27 : vector<1x16xf32> to vector<1024x16xf32>
    %mul3A_29 = arith.mulf %add3A_21, %mul3A_28 : vector<1024x16xf32>
    %get3A_30 = arith.constant 0 : index
    %get3A_31 = arith.constant 0 : index
    %get3A_32 = vector.load %arg7[%get3A_30, %get3A_31] : memref<1x16xf32, #tpu.memory_space<vmem>>, vector<1x16xf32>
    %add3A_33 = vector.broadcast %get3A_32 : vector<1x16xf32> to vector<1024x16xf32>
    %add3A_34 = arith.addf %mul3A_29, %add3A_33 : vector<1024x16xf32>
    %max3A = arith.constant 0.000000e+00 : f32
    %max3A_35 = vector.broadcast %max3A : f32 to vector<1024x16xf32>
    %max3A_36 = arith.maximumf %add3A_34, %max3A_35 : vector<1024x16xf32>
    %swap3A = arith.constant 0 : index
    %swap3A_37 = arith.constant 0 : index
    %swap3A_38 = vector.load %arg9[%swap3A, %swap3A_37] : memref<1024x16xf32, #tpu.memory_space<vmem>>, vector<1024x16xf32>
    tpu.vector_store %arg9[%swap3A, %swap3A_37], %max3A_36 {strides = array<i32>} : memref<1024x16xf32, #tpu.memory_space<vmem>>, vector<1024x16xf32>,
    %get3A_39 = arith.constant 0 : index
    %get3A_40 = arith.constant 0 : index
    %get3A_41 = vector.load %arg8[%get3A_39, %get3A_40] : memref<16x16xf32, #tpu.memory_space<vmem>>, vector<16x16xf32>
    %dot_general3A = arith.constant dense<0.000000e+00> : vector<1024x16xf32>
    %dot_general3A_42 = tpu.matmul %max3A_36, %get3A_41, %dot_general3A {dimension_numbers = #tpu.dot_dimension_numbers<[1], [0], [0], [1], [0, 0, 1, 1], [], []>, transpose_lhs_hint = false} : vector<1024x16xf32>, vector<16x16xf32>, vector<1024x16xf32> -> vector<1024x16xf32>
    %swap3A_43 = arith.constant 0 : index
    %swap3A_44 = arith.constant 0 : index
    %swap3A_45 = vector.load %arg10[%swap3A_43, %swap3A_44] : memref<1024x16xf32, #tpu.memory_space<vmem>>, vector<1024x16xf32>
    tpu.vector_store %arg10[%swap3A_43, %swap3A_44], %dot_general3A_42 {strides = array<i32>} : memref<1024x16xf32, #tpu.memory_space<vmem>>, vector<1024x16xf32>,
    return
  }
  func.func @transform_0(%arg0: i32) -> (i32, i32, i32) {
    %c0_i32 = arith.constant 0 : i32
    %c0_i32_0 = arith.constant 0 : i32
    %c0_i32_1 = arith.constant 0 : i32
    return %c0_i32, %arg0, %c0_i32_0 : i32, i32, i32
  }
  func.func @transform_1(%arg0: i32) -> (i32, i32) {
    %c0_i32 = arith.constant 0 : i32
    %c0_i32_0 = arith.constant 0 : i32
    return %arg0, %c0_i32 : i32, i32
  }
  func.func @transform_2(%arg0: i32) -> (i32, i32) {
    %c0_i32 = arith.constant 0 : i32
    %c0_i32_0 = arith.constant 0 : i32
    return %arg0, %c0_i32 : i32, i32
  }
  func.func @transform_3(%arg0: i32) -> (i32, i32) {
    %c0_i32 = arith.constant 0 : i32
    %c0_i32_0 = arith.constant 0 : i32
    return %arg0, %c0_i32 : i32, i32
  }
  func.func @transform_4(%arg0: i32) -> (i32, i32) {
    %c0_i32 = arith.constant 0 : i32
    %c0_i32_0 = arith.constant 0 : i32
    %c0_i32_1 = arith.constant 0 : i32
    return %c0_i32, %c0_i32_0 : i32, i32
  }
  func.func @transform_5(%arg0: i32) -> (i32, i32) {
    %c0_i32 = arith.constant 0 : i32
    %c0_i32_0 = arith.constant 0 : i32
    %c0_i32_1 = arith.constant 0 : i32
    return %c0_i32, %c0_i32_0 : i32, i32
  }
  func.func @transform_6(%arg0: i32) -> (i32, i32) {
    %c0_i32 = arith.constant 0 : i32
    %c0_i32_0 = arith.constant 0 : i32
    %c0_i32_1 = arith.constant 0 : i32
    return %c0_i32, %c0_i32_0 : i32, i32
  }
  func.func @transform_7(%arg0: i32) -> (i32, i32) {
    %c0_i32 = arith.constant 0 : i32
    %c0_i32_0 = arith.constant 0 : i32
    %c0_i32_1 = arith.constant 0 : i32
    return %c0_i32, %c0_i32_0 : i32, i32
  }
  func.func @transform_8(%arg0: i32) -> (i32, i32) {
    %c0_i32 = arith.constant 0 : i32
    %c0_i32_0 = arith.constant 0 : i32
    return %arg0, %c0_i32 : i32, i32
  }
  func.func @transform_9(%arg0: i32) -> (i32, i32) {
    %c0_i32 = arith.constant 0 : i32
    %c0_i32_0 = arith.constant 0 : i32
    return %arg0, %c0_i32 : i32, i32
  }
}

module attributes {stable_mosaic.version = 14 : i64} {
  func.func @_post_body(%arg0: i32, %arg1: memref<2x1024x16xf32, #tpu.memory_space<vmem>>, %arg2: memref<1024x16xf32, #tpu.memory_space<vmem>>, %arg3: memref<1024x1xf32, #tpu.memory_space<vmem>>, %arg4: memref<1024x16xf32, #tpu.memory_space<vmem>>, %arg5: memref<1x16xf32, #tpu.memory_space<vmem>>, %arg6: memref<1x16xf32, #tpu.memory_space<vmem>>, %arg7: memref<1x16xf32, #tpu.memory_space<vmem>>, %arg8: memref<16x16xf32, #tpu.memory_space<vmem>>, %arg9: memref<1024x16xf32, #tpu.memory_space<vmem>>, %arg10: memref<1024x16xf32, #tpu.memory_space<vmem>>) attributes {dimension_semantics = [#tpu.dimension_semantics<arbitrary>], iteration_bounds = array<i64: 10>, scalar_prefetch = 0 : i64, scratch_operands = 0 : i64, tpu.core_type = #tpu.core_type<tc>, window_params = [{transform_indices = @transform_0, window_bounds = array<i64: 2, 1024, 16>}, {transform_indices = @transform_1, window_bounds = array<i64: 1024, 16>}, {transform_indices = @transform_2, window_bounds = array<i64: 1024, 1>}, {transform_indices = @transform_3, window_bounds = array<i64: 1024, 16>}, {pipeline_mode = #tpu.pipeline_mode<synchronous>, transform_indices = @transform_4, window_bounds = array<i64: 1, 16>}, {pipeline_mode = #tpu.pipeline_mode<synchronous>, transform_indices = @transform_5, window_bounds = array<i64: 1, 16>}, {pipeline_mode = #tpu.pipeline_mode<synchronous>, transform_indices = @transform_6, window_bounds = array<i64: 1, 16>}, {pipeline_mode = #tpu.pipeline_mode<synchronous>, transform_indices = @transform_7, window_bounds = array<i64: 16, 16>}, {transform_indices = @transform_8, window_bounds = array<i64: 1024, 16>}, {transform_indices = @transform_9, window_bounds = array<i64: 1024, 16>}]} {
    %get3A = arith.constant 0 : index
    %get3A_0 = arith.constant 0 : index
    %get3A_1 = arith.constant 0 : index
    %get3A_2 = vector.load %arg1[%get3A, %get3A_0, %get3A_1] : memref<2x1024x16xf32, #tpu.memory_space<vmem>>, vector<1x1024x16xf32>
    %get3A_3 = vector.shape_cast %get3A_2 : vector<1x1024x16xf32> to vector<1024x16xf32>
    %get3A_4 = arith.constant 1 : index
    %get3A_5 = arith.constant 0 : index
    %get3A_6 = arith.constant 0 : index
    %get3A_7 = vector.load %arg1[%get3A_4, %get3A_5, %get3A_6] : memref<2x1024x16xf32, #tpu.memory_space<vmem>>, vector<1x1024x16xf32>
    %get3A_8 = vector.shape_cast %get3A_7 : vector<1x1024x16xf32> to vector<1024x16xf32>
    %add3A = arith.addf %get3A_3, %get3A_8 : vector<1024x16xf32>
    %get3A_9 = arith.constant 0 : index
    %get3A_10 = arith.constant 0 : index
    %get3A_11 = vector.load %arg2[%get3A_9, %get3A_10] : memref<1024x16xf32, #tpu.memory_space<vmem>>, vector<1024x16xf32>
    %get3A_12 = arith.constant 0 : index
    %get3A_13 = arith.constant 0 : index
    %get3A_14 = vector.load %arg3[%get3A_12, %get3A_13] : memref<1024x1xf32, #tpu.memory_space<vmem>>, vector<1024x1xf32>
    %mul3A = vector.broadcast %get3A_14 : vector<1024x1xf32> to vector<1024x16xf32>
    %mul3A_15 = arith.mulf %get3A_11, %mul3A : vector<1024x16xf32>
    %add3A_16 = arith.addf %add3A, %mul3A_15 : vector<1024x16xf32>
    %get3A_17 = arith.constant 0 : index
    %get3A_18 = arith.constant 0 : index
    %get3A_19 = vector.load %arg5[%get3A_17, %get3A_18] : memref<1x16xf32, #tpu.memory_space<vmem>>, vector<1x16xf32>
    %add3A_20 = vector.broadcast %get3A_19 : vector<1x16xf32> to vector<1024x16xf32>
    %add3A_21 = arith.addf %add3A_16, %add3A_20 : vector<1024x16xf32>
    %get3A_22 = arith.constant 0 : index
    %get3A_23 = arith.constant 0 : index
    %get3A_24 = vector.load %arg6[%get3A_22, %get3A_23] : memref<1x16xf32, #tpu.memory_space<vmem>>, vector<1x16xf32>
    %mul3A_25 = arith.constant 0.999994993 : f32
    %mul3A_26 = vector.broadcast %mul3A_25 : f32 to vector<1x16xf32>
    %mul3A_27 = arith.mulf %get3A_24, %mul3A_26 : vector<1x16xf32>
    %mul3A_28 = vector.broadcast %mul3A_27 : vector<1x16xf32> to vector<1024x16xf32>
    %mul3A_29 = arith.mulf %add3A_21, %mul3A_28 : vector<1024x16xf32>
    %get3A_30 = arith.constant 0 : index
    %get3A_31 = arith.constant 0 : index
    %get3A_32 = vector.load %arg7[%get3A_30, %get3A_31] : memref<1x16xf32, #tpu.memory_space<vmem>>, vector<1x16xf32>
    %add3A_33 = vector.broadcast %get3A_32 : vector<1x16xf32> to vector<1024x16xf32>
    %add3A_34 = arith.addf %mul3A_29, %add3A_33 : vector<1024x16xf32>
    %max3A = arith.constant 0.000000e+00 : f32
    %max3A_35 = vector.broadcast %max3A : f32 to vector<1024x16xf32>
    %max3A_36 = arith.maximumf %add3A_34, %max3A_35 : vector<1024x16xf32>
    %get3A_37 = arith.constant 0 : index
    %get3A_38 = arith.constant 0 : index
    %get3A_39 = vector.load %arg4[%get3A_37, %get3A_38] : memref<1024x16xf32, #tpu.memory_space<vmem>>, vector<1024x16xf32>
    %mul3A_40 = arith.constant 0.699999988 : f32
    %mul3A_41 = vector.broadcast %mul3A_40 : f32 to vector<1024x16xf32>
    %mul3A_42 = arith.mulf %mul3A_41, %get3A_39 : vector<1024x16xf32>
    %add3A_43 = arith.addf %max3A_36, %mul3A_42 : vector<1024x16xf32>
    %swap3A = arith.constant 0 : index
    %swap3A_44 = arith.constant 0 : index
    %swap3A_45 = vector.load %arg9[%swap3A, %swap3A_44] : memref<1024x16xf32, #tpu.memory_space<vmem>>, vector<1024x16xf32>
    tpu.vector_store %arg9[%swap3A, %swap3A_44], %add3A_43 {strides = array<i32>} : memref<1024x16xf32, #tpu.memory_space<vmem>>, vector<1024x16xf32>,
    %get3A_46 = arith.constant 0 : index
    %get3A_47 = arith.constant 0 : index
    %get3A_48 = vector.load %arg8[%get3A_46, %get3A_47] : memref<16x16xf32, #tpu.memory_space<vmem>>, vector<16x16xf32>
    %dot_general3A = arith.constant dense<0.000000e+00> : vector<1024x16xf32>
    %dot_general3A_49 = tpu.matmul %add3A_43, %get3A_48, %dot_general3A {dimension_numbers = #tpu.dot_dimension_numbers<[1], [0], [0], [1], [0, 0, 1, 1], [], []>, transpose_lhs_hint = false} : vector<1024x16xf32>, vector<16x16xf32>, vector<1024x16xf32> -> vector<1024x16xf32>
    %swap3A_50 = arith.constant 0 : index
    %swap3A_51 = arith.constant 0 : index
    %swap3A_52 = vector.load %arg10[%swap3A_50, %swap3A_51] : memref<1024x16xf32, #tpu.memory_space<vmem>>, vector<1024x16xf32>
    tpu.vector_store %arg10[%swap3A_50, %swap3A_51], %dot_general3A_49 {strides = array<i32>} : memref<1024x16xf32, #tpu.memory_space<vmem>>, vector<1024x16xf32>,
    return
  }
  func.func @transform_0(%arg0: i32) -> (i32, i32, i32) {
    %c0_i32 = arith.constant 0 : i32
    %c0_i32_0 = arith.constant 0 : i32
    %c0_i32_1 = arith.constant 0 : i32
    return %c0_i32, %arg0, %c0_i32_0 : i32, i32, i32
  }
  func.func @transform_1(%arg0: i32) -> (i32, i32) {
    %c0_i32 = arith.constant 0 : i32
    %c0_i32_0 = arith.constant 0 : i32
    return %arg0, %c0_i32 : i32, i32
  }
  func.func @transform_2(%arg0: i32) -> (i32, i32) {
    %c0_i32 = arith.constant 0 : i32
    %c0_i32_0 = arith.constant 0 : i32
    return %arg0, %c0_i32 : i32, i32
  }
  func.func @transform_3(%arg0: i32) -> (i32, i32) {
    %c0_i32 = arith.constant 0 : i32
    %c0_i32_0 = arith.constant 0 : i32
    return %arg0, %c0_i32 : i32, i32
  }
  func.func @transform_4(%arg0: i32) -> (i32, i32) {
    %c0_i32 = arith.constant 0 : i32
    %c0_i32_0 = arith.constant 0 : i32
    %c0_i32_1 = arith.constant 0 : i32
    return %c0_i32, %c0_i32_0 : i32, i32
  }
  func.func @transform_5(%arg0: i32) -> (i32, i32) {
    %c0_i32 = arith.constant 0 : i32
    %c0_i32_0 = arith.constant 0 : i32
    %c0_i32_1 = arith.constant 0 : i32
    return %c0_i32, %c0_i32_0 : i32, i32
  }
  func.func @transform_6(%arg0: i32) -> (i32, i32) {
    %c0_i32 = arith.constant 0 : i32
    %c0_i32_0 = arith.constant 0 : i32
    %c0_i32_1 = arith.constant 0 : i32
    return %c0_i32, %c0_i32_0 : i32, i32
  }
  func.func @transform_7(%arg0: i32) -> (i32, i32) {
    %c0_i32 = arith.constant 0 : i32
    %c0_i32_0 = arith.constant 0 : i32
    %c0_i32_1 = arith.constant 0 : i32
    return %c0_i32, %c0_i32_0 : i32, i32
  }
  func.func @transform_8(%arg0: i32) -> (i32, i32) {
    %c0_i32 = arith.constant 0 : i32
    %c0_i32_0 = arith.constant 0 : i32
    return %arg0, %c0_i32 : i32, i32
  }
  func.func @transform_9(%arg0: i32) -> (i32, i32) {
    %c0_i32 = arith.constant 0 : i32
    %c0_i32_0 = arith.constant 0 : i32
    return %arg0, %c0_i32 : i32, i32
  }
}

module attributes {stable_mosaic.version = 14 : i64} {
  func.func @_final_body(%arg0: i32, %arg1: memref<2x1024x16xf32, #tpu.memory_space<vmem>>, %arg2: memref<1024x16xf32, #tpu.memory_space<vmem>>, %arg3: memref<1024x1xf32, #tpu.memory_space<vmem>>, %arg4: memref<1024x16xf32, #tpu.memory_space<vmem>>, %arg5: memref<1024x16xf32, #tpu.memory_space<vmem>>, %arg6: memref<1024x16xf32, #tpu.memory_space<vmem>>, %arg7: memref<1x16xf32, #tpu.memory_space<vmem>>, %arg8: memref<1x16xf32, #tpu.memory_space<vmem>>, %arg9: memref<1x16xf32, #tpu.memory_space<vmem>>, %arg10: memref<1x4xf32, #tpu.memory_space<vmem>>, %arg11: memref<16x2xf32, #tpu.memory_space<vmem>>, %arg12: memref<1x2xf32, #tpu.memory_space<vmem>>, %arg13: memref<1024x2xf32, #tpu.memory_space<vmem>>) attributes {dimension_semantics = [#tpu.dimension_semantics<arbitrary>], iteration_bounds = array<i64: 10>, scalar_prefetch = 0 : i64, scratch_operands = 0 : i64, tpu.core_type = #tpu.core_type<tc>, window_params = [{transform_indices = @transform_0, window_bounds = array<i64: 2, 1024, 16>}, {transform_indices = @transform_1, window_bounds = array<i64: 1024, 16>}, {transform_indices = @transform_2, window_bounds = array<i64: 1024, 1>}, {transform_indices = @transform_3, window_bounds = array<i64: 1024, 16>}, {transform_indices = @transform_4, window_bounds = array<i64: 1024, 16>}, {transform_indices = @transform_5, window_bounds = array<i64: 1024, 16>}, {pipeline_mode = #tpu.pipeline_mode<synchronous>, transform_indices = @transform_6, window_bounds = array<i64: 1, 16>}, {pipeline_mode = #tpu.pipeline_mode<synchronous>, transform_indices = @transform_7, window_bounds = array<i64: 1, 16>}, {pipeline_mode = #tpu.pipeline_mode<synchronous>, transform_indices = @transform_8, window_bounds = array<i64: 1, 16>}, {pipeline_mode = #tpu.pipeline_mode<synchronous>, transform_indices = @transform_9, window_bounds = array<i64: 1, 4>}, {pipeline_mode = #tpu.pipeline_mode<synchronous>, transform_indices = @transform_10, window_bounds = array<i64: 16, 2>}, {pipeline_mode = #tpu.pipeline_mode<synchronous>, transform_indices = @transform_11, window_bounds = array<i64: 1, 2>}, {transform_indices = @transform_12, window_bounds = array<i64: 1024, 2>}]} {
    %get3A = arith.constant 0 : index
    %get3A_0 = arith.constant 0 : index
    %get3A_1 = arith.constant 0 : index
    %get3A_2 = vector.load %arg1[%get3A, %get3A_0, %get3A_1] : memref<2x1024x16xf32, #tpu.memory_space<vmem>>, vector<1x1024x16xf32>
    %get3A_3 = vector.shape_cast %get3A_2 : vector<1x1024x16xf32> to vector<1024x16xf32>
    %get3A_4 = arith.constant 1 : index
    %get3A_5 = arith.constant 0 : index
    %get3A_6 = arith.constant 0 : index
    %get3A_7 = vector.load %arg1[%get3A_4, %get3A_5, %get3A_6] : memref<2x1024x16xf32, #tpu.memory_space<vmem>>, vector<1x1024x16xf32>
    %get3A_8 = vector.shape_cast %get3A_7 : vector<1x1024x16xf32> to vector<1024x16xf32>
    %add3A = arith.addf %get3A_3, %get3A_8 : vector<1024x16xf32>
    %get3A_9 = arith.constant 0 : index
    %get3A_10 = arith.constant 0 : index
    %get3A_11 = vector.load %arg2[%get3A_9, %get3A_10] : memref<1024x16xf32, #tpu.memory_space<vmem>>, vector<1024x16xf32>
    %get3A_12 = arith.constant 0 : index
    %get3A_13 = arith.constant 0 : index
    %get3A_14 = vector.load %arg3[%get3A_12, %get3A_13] : memref<1024x1xf32, #tpu.memory_space<vmem>>, vector<1024x1xf32>
    %mul3A = vector.broadcast %get3A_14 : vector<1024x1xf32> to vector<1024x16xf32>
    %mul3A_15 = arith.mulf %get3A_11, %mul3A : vector<1024x16xf32>
    %add3A_16 = arith.addf %add3A, %mul3A_15 : vector<1024x16xf32>
    %get3A_17 = arith.constant 0 : index
    %get3A_18 = arith.constant 0 : index
    %get3A_19 = vector.load %arg7[%get3A_17, %get3A_18] : memref<1x16xf32, #tpu.memory_space<vmem>>, vector<1x16xf32>
    %add3A_20 = vector.broadcast %get3A_19 : vector<1x16xf32> to vector<1024x16xf32>
    %add3A_21 = arith.addf %add3A_16, %add3A_20 : vector<1024x16xf32>
    %get3A_22 = arith.constant 0 : index
    %get3A_23 = arith.constant 0 : index
    %get3A_24 = vector.load %arg8[%get3A_22, %get3A_23] : memref<1x16xf32, #tpu.memory_space<vmem>>, vector<1x16xf32>
    %mul3A_25 = arith.constant 0.999994993 : f32
    %mul3A_26 = vector.broadcast %mul3A_25 : f32 to vector<1x16xf32>
    %mul3A_27 = arith.mulf %get3A_24, %mul3A_26 : vector<1x16xf32>
    %mul3A_28 = vector.broadcast %mul3A_27 : vector<1x16xf32> to vector<1024x16xf32>
    %mul3A_29 = arith.mulf %add3A_21, %mul3A_28 : vector<1024x16xf32>
    %get3A_30 = arith.constant 0 : index
    %get3A_31 = arith.constant 0 : index
    %get3A_32 = vector.load %arg9[%get3A_30, %get3A_31] : memref<1x16xf32, #tpu.memory_space<vmem>>, vector<1x16xf32>
    %add3A_33 = vector.broadcast %get3A_32 : vector<1x16xf32> to vector<1024x16xf32>
    %add3A_34 = arith.addf %mul3A_29, %add3A_33 : vector<1024x16xf32>
    %max3A = arith.constant 0.000000e+00 : f32
    %max3A_35 = vector.broadcast %max3A : f32 to vector<1024x16xf32>
    %max3A_36 = arith.maximumf %add3A_34, %max3A_35 : vector<1024x16xf32>
    %get3A_37 = arith.constant 0 : index
    %get3A_38 = arith.constant 0 : index
    %get3A_39 = vector.load %arg6[%get3A_37, %get3A_38] : memref<1024x16xf32, #tpu.memory_space<vmem>>, vector<1024x16xf32>
    %mul3A_40 = arith.constant 0.699999988 : f32
    %mul3A_41 = vector.broadcast %mul3A_40 : f32 to vector<1024x16xf32>
    %mul3A_42 = arith.mulf %mul3A_41, %get3A_39 : vector<1024x16xf32>
    %add3A_43 = arith.addf %max3A_36, %mul3A_42 : vector<1024x16xf32>
    %get3A_44 = arith.constant 0 : index
    %get3A_45 = arith.constant 0 : index
    %get3A_46 = vector.load %arg10[%get3A_44, %get3A_45] : memref<1x4xf32, #tpu.memory_space<vmem>>, vector<1x4xf32>
    %reduce_max3A = arith.constant dense<0xFF800000> : vector<1xf32>
    %reduce_max3A_47 = vector.multi_reduction <maximumf>, %get3A_46, %reduce_max3A [1] : vector<1x4xf32> to vector<1xf32>
    %broadcast_in_dim3A = vector.shape_cast %reduce_max3A_47 : vector<1xf32> to vector<1x1xf32>
    %sub3A = vector.broadcast %broadcast_in_dim3A : vector<1x1xf32> to vector<1x4xf32>
    %sub3A_48 = arith.subf %get3A_46, %sub3A : vector<1x4xf32>
    %exp3A = math.exp %sub3A_48 : vector<1x4xf32>
    %reduce_sum3A = arith.constant dense<0.000000e+00> : vector<1xf32>
    %reduce_sum3A_49 = vector.multi_reduction <add>, %exp3A, %reduce_sum3A [1] : vector<1x4xf32> to vector<1xf32>
    %broadcast_in_dim3A_50 = vector.shape_cast %reduce_sum3A_49 : vector<1xf32> to vector<1x1xf32>
    %div3A = vector.broadcast %broadcast_in_dim3A_50 : vector<1x1xf32> to vector<1x4xf32>
    %div3A_51 = arith.divf %exp3A, %div3A : vector<1x4xf32>
    %get3A_52 = arith.constant 0 : index
    %get3A_53 = arith.constant 0 : index
    %get3A_54 = vector.load %arg4[%get3A_52, %get3A_53] : memref<1024x16xf32, #tpu.memory_space<vmem>>, vector<1024x16xf32>
    %slice3A = vector.extract_strided_slice %div3A_51 {offsets = [0, 0], sizes = [1, 1], strides = [1, 1]} : vector<1x4xf32> to vector<1x1xf32>
    %mul3A_55 = vector.broadcast %slice3A : vector<1x1xf32> to vector<1024x16xf32>
    %mul3A_56 = arith.mulf %get3A_54, %mul3A_55 : vector<1024x16xf32>
    %get3A_57 = arith.constant 0 : index
    %get3A_58 = arith.constant 0 : index
    %get3A_59 = vector.load %arg5[%get3A_57, %get3A_58] : memref<1024x16xf32, #tpu.memory_space<vmem>>, vector<1024x16xf32>
    %slice3A_60 = vector.extract_strided_slice %div3A_51 {offsets = [0, 1], sizes = [1, 1], strides = [1, 1]} : vector<1x4xf32> to vector<1x1xf32>
    %mul3A_61 = vector.broadcast %slice3A_60 : vector<1x1xf32> to vector<1024x16xf32>
    %mul3A_62 = arith.mulf %get3A_59, %mul3A_61 : vector<1024x16xf32>
    %add3A_63 = arith.addf %mul3A_56, %mul3A_62 : vector<1024x16xf32>
    %slice3A_64 = vector.extract_strided_slice %div3A_51 {offsets = [0, 2], sizes = [1, 1], strides = [1, 1]} : vector<1x4xf32> to vector<1x1xf32>
    %mul3A_65 = vector.broadcast %slice3A_64 : vector<1x1xf32> to vector<1024x16xf32>
    %mul3A_66 = arith.mulf %get3A_39, %mul3A_65 : vector<1024x16xf32>
    %add3A_67 = arith.addf %add3A_63, %mul3A_66 : vector<1024x16xf32>
    %slice3A_68 = vector.extract_strided_slice %div3A_51 {offsets = [0, 3], sizes = [1, 1], strides = [1, 1]} : vector<1x4xf32> to vector<1x1xf32>
    %mul3A_69 = vector.broadcast %slice3A_68 : vector<1x1xf32> to vector<1024x16xf32>
    %mul3A_70 = arith.mulf %add3A_43, %mul3A_69 : vector<1024x16xf32>
    %add3A_71 = arith.addf %add3A_67, %mul3A_70 : vector<1024x16xf32>
    %get3A_72 = arith.constant 0 : index
    %get3A_73 = arith.constant 0 : index
    %get3A_74 = vector.load %arg11[%get3A_72, %get3A_73] : memref<16x2xf32, #tpu.memory_space<vmem>>, vector<16x2xf32>
    %dot_general3A = arith.constant dense<0.000000e+00> : vector<1024x2xf32>
    %dot_general3A_75 = tpu.matmul %add3A_71, %get3A_74, %dot_general3A {dimension_numbers = #tpu.dot_dimension_numbers<[1], [0], [0], [1], [0, 0, 1, 1], [], []>, transpose_lhs_hint = false} : vector<1024x16xf32>, vector<16x2xf32>, vector<1024x2xf32> -> vector<1024x2xf32>
    %get3A_76 = arith.constant 0 : index
    %get3A_77 = arith.constant 0 : index
    %get3A_78 = vector.load %arg12[%get3A_76, %get3A_77] : memref<1x2xf32, #tpu.memory_space<vmem>>, vector<1x2xf32>
    %add3A_79 = vector.broadcast %get3A_78 : vector<1x2xf32> to vector<1024x2xf32>
    %add3A_80 = arith.addf %dot_general3A_75, %add3A_79 : vector<1024x2xf32>
    %swap3A = arith.constant 0 : index
    %swap3A_81 = arith.constant 0 : index
    %swap3A_82 = vector.load %arg13[%swap3A, %swap3A_81] : memref<1024x2xf32, #tpu.memory_space<vmem>>, vector<1024x2xf32>
    tpu.vector_store %arg13[%swap3A, %swap3A_81], %add3A_80 {strides = array<i32>} : memref<1024x2xf32, #tpu.memory_space<vmem>>, vector<1024x2xf32>,
    return
  }
  func.func @transform_0(%arg0: i32) -> (i32, i32, i32) {
    %c0_i32 = arith.constant 0 : i32
    %c0_i32_0 = arith.constant 0 : i32
    %c0_i32_1 = arith.constant 0 : i32
    return %c0_i32, %arg0, %c0_i32_0 : i32, i32, i32
  }
  func.func @transform_1(%arg0: i32) -> (i32, i32) {
    %c0_i32 = arith.constant 0 : i32
    %c0_i32_0 = arith.constant 0 : i32
    return %arg0, %c0_i32 : i32, i32
  }
  func.func @transform_2(%arg0: i32) -> (i32, i32) {
    %c0_i32 = arith.constant 0 : i32
    %c0_i32_0 = arith.constant 0 : i32
    return %arg0, %c0_i32 : i32, i32
  }
  func.func @transform_3(%arg0: i32) -> (i32, i32) {
    %c0_i32 = arith.constant 0 : i32
    %c0_i32_0 = arith.constant 0 : i32
    return %arg0, %c0_i32 : i32, i32
  }
  func.func @transform_4(%arg0: i32) -> (i32, i32) {
    %c0_i32 = arith.constant 0 : i32
    %c0_i32_0 = arith.constant 0 : i32
    return %arg0, %c0_i32 : i32, i32
  }
  func.func @transform_5(%arg0: i32) -> (i32, i32) {
    %c0_i32 = arith.constant 0 : i32
    %c0_i32_0 = arith.constant 0 : i32
    return %arg0, %c0_i32 : i32, i32
  }
  func.func @transform_6(%arg0: i32) -> (i32, i32) {
    %c0_i32 = arith.constant 0 : i32
    %c0_i32_0 = arith.constant 0 : i32
    %c0_i32_1 = arith.constant 0 : i32
    return %c0_i32, %c0_i32_0 : i32, i32
  }
  func.func @transform_7(%arg0: i32) -> (i32, i32) {
    %c0_i32 = arith.constant 0 : i32
    %c0_i32_0 = arith.constant 0 : i32
    %c0_i32_1 = arith.constant 0 : i32
    return %c0_i32, %c0_i32_0 : i32, i32
  }
  func.func @transform_8(%arg0: i32) -> (i32, i32) {
    %c0_i32 = arith.constant 0 : i32
    %c0_i32_0 = arith.constant 0 : i32
    %c0_i32_1 = arith.constant 0 : i32
    return %c0_i32, %c0_i32_0 : i32, i32
  }
  func.func @transform_9(%arg0: i32) -> (i32, i32) {
    %c0_i32 = arith.constant 0 : i32
    %c0_i32_0 = arith.constant 0 : i32
    %c0_i32_1 = arith.constant 0 : i32
    return %c0_i32, %c0_i32_0 : i32, i32
  }
  func.func @transform_10(%arg0: i32) -> (i32, i32) {
    %c0_i32 = arith.constant 0 : i32
    %c0_i32_0 = arith.constant 0 : i32
    %c0_i32_1 = arith.constant 0 : i32
    return %c0_i32, %c0_i32_0 : i32, i32
  }
  func.func @transform_11(%arg0: i32) -> (i32, i32) {
    %c0_i32 = arith.constant 0 : i32
    %c0_i32_0 = arith.constant 0 : i32
    %c0_i32_1 = arith.constant 0 : i32
    return %c0_i32, %c0_i32_0 : i32, i32
  }
  func.func @transform_12(%arg0: i32) -> (i32, i32) {
    %c0_i32 = arith.constant 0 : i32
    %c0_i32_0 = arith.constant 0 : i32
    return %arg0, %c0_i32 : i32, i32
  }
}

</mosaic_0001>

<sc_bundles>
// kernel: kernel.15.cloned.1.call-start
scs
__scs_entry_jumppad:
0x0: {  	(pc) =	sbr.rel $0x88, $3  }
0x1: {  	(tag) =	ssettag $0x0;
	lr =	simm.s32 $0x1  }
0x2: {  	[smem:$0x3F85] =	sst lr;
	_ =	strace $0xD0000000  }
0x3: {  	_ = 	snop  }
0x4: {  	_ = 	snop  }
0x5: {  	_ = 	snop  }
0x6: {  	_ = 	snop  }
0x7: {  	_ = 	snop  }
__scs_overlays_trampoline_lowered:
0x8: {  	[smem:$0x3F94] =	sst s0  }
0x9: {  	[smem:$0x3F95] =	sst s1  }
0xa: {  	[smem:$0x3F96] =	sst s2  }
0xb: {  	[smem:$0x3F97] =	sst s3  }
0xc: {  	[smem:$0x3F98] =	sst s4  }
0xd: {  	[smem:$0x3F99] =	sst s5  }
0xe: {  	[smem:$0x3F9A] =	sst s6  }
0xf: {  	[smem:$0x3F9B] =	sst s7  }
0x10: {  	[smem:$0x3F9C] =	sst s8  }
0x11: {  	[smem:$0x3F9D] =	sst s9;
	s0 =	simm.s32 @!p0 $0x0  }
0x12: {  	s1 =	sld [smem:$0x3F83];
	s0 =	simm.s32 @p0 $0x1  }
0x13: {  	[smem:$0x3F9E] =	sst s0;
	s0 =	simm.s32 @!p1 $0x0  }
0x14: {  	s2 =	sld [smem:$0x3F82];
	s0 =	simm.s32 @p1 $0x1  }
0x15: {  	[smem:$0x3F9F] =	sst s0;
	s0 =	simm.s32 @!p2 $0x0  }
0x16: {  	s3 =	sld [smem:$0x3FDB];
	s0 =	simm.s32 @p2 $0x1  }
0x17: {  	s4 =	simm.s32 $0x1BF5;
	[smem:$0x3FA1] =	sst s0  }
0x18: {  	s0 =	sld [smem:$0x3F84];
	_ =	swait.ge [sflag:s4], $0x0  }
0x19: {  	s7 =	sld [smem:$0x3F85]  }
0x1a: {  	s8 =	sadd.s32 $0xFFFFE003, lr  }
0x1b: {  	s9 =	sadd.s32 $0xFFFFFEF7, lr;
	s5 =	simm.s32 $0xFFFFFFFF;
	p2 =	slt.u32 s8, $0xFFFFF086  }
0x1c: {  	p1 =	slt.u32 s9, $0xF7A;
	s5 =	simm.s32 @!p2 $0x0  }
0x1d: {  	s5 =	simm.s32 @p1 $0x1;
	p0 =	seq.s32 s7, s2  }
0x1e: {  	s7 =	smul.u32 @!p0 $0xF7A, s2;
	p2 =	seq.s32 @!p0 s5, $0x0  }
0x1f: {  	s9 =	smul.u32 $0xF7A, s1;
	s8 =	simm.s32 @!p0 $0x1BF5;
	p2 =	por !p2, p0  }
0x20: {  	[sflag:s8] =	ssyncset.s32 @!p0 $0xFFFFF086;
	s6 =	sadd.s32 @!p0 s3, s7;
	s7 =	simm.s32 @!p0 $0x108  }
0x21: {  	s3 =	sadd.s32 s3, s9;
	s6 =	sadd.s32 @!p0 $0x88, s6;
	s7 =	simm.s32 @p2 $0x1082  }
0x22: {  	[simem:s7], [sflag:s8] =	dma.local @!p0 [hbm:s6], $0xF7A  }
0x23: {  	s9 =	sor.u32 $0xD0000000, s2;
	s6 =	simm.s32 $0x108;
	_ =	swait.ge @!p0 [sflag:s8], $0x0  }
0x24: {  	s3 =	sadd.s32 $0x88, s3;
	s6 =	simm.s32 @!p1 $0x1082;
	[sflag:s4] =	ssyncset.s32 $0xFFFFF086  }
0x25: {  	[simem:s6], [sflag:s4] =	dma.local [hbm:s3], $0xF7A  }
0x26: {  	[smem:$0x3F85] =	sst s1;
	(tag) =	ssettag s2;
	_ =	strace s9  }
0x27: {  	s1 =	sld [smem:$0x3F95]  }
0x28: {  	s2 =	sld [smem:$0x3F96]  }
0x29: {  	s4 =	sld [smem:$0x3F98]  }
0x2a: {  	p0 =	seq.s32 s5, $0x0;
	s5 =	sld [smem:$0x3F99]  }
0x2b: {  	s6 =	sld [smem:$0x3F9A]  }
0x2c: {  	s7 =	sld [smem:$0x3F9B]  }
0x2d: {  	s3 =	simm.s32 $0x108;
	s8 =	sld [smem:$0x3F9C]  }
0x2e: {  	s3 =	simm.s32 @!p0 $0x1082;
	s9 =	sld [smem:$0x3F9D]  }
0x2f: {  	lr =	sadd.s32 s0, s3;
	s0 =	sld [smem:$0x3F94]  }
0x30: {  	s3 =	sld [smem:$0x3F97]  }
0x31: {  	[smem:$0x3FA0] =	sst s10  }
0x32: {  	s10 =	sld [smem:$0x3F9E];
	_ =	sdelay $0x3  }
0x33: {  	p0 =	seq.s32 s10, $0x1;
	s10 =	sld [smem:$0x3FA0];
	_ =	sdelay $0x3  }
0x34: {  	[smem:$0x3FA0] =	sst s10  }
0x35: {  	s10 =	sld [smem:$0x3F9F];
	_ =	sdelay $0x3  }
0x36: {  	p1 =	seq.s32 s10, $0x1;
	s10 =	sld [smem:$0x3FA0];
	_ =	sdelay $0x3  }
0x37: {  	[smem:$0x3FA0] =	sst s10  }
0x38: {  	s10 =	sld [smem:$0x3FA1]  }
0x39: {  	_ = 	snop;
	(pc) =	sbr.ind lr, $3  }
0x3a: {  	_ = 	snop  }
0x3b: {  	_ = 	snop  }
0x3c: {  	p2 =	seq.s32 s10, $0x1;
	s10 =	sld [smem:$0x3FA0]  }
0x3d: {  	_ =	shalt  }
0x3e: {  	_ =	shalt  }
0x3f: {  	_ =	shalt  }
0x40: {  	_ =	shalt  }
0x41: {  	_ =	shalt  }
0x42: {  	_ =	shalt  }
0x43: {  	_ =	shalt  }
0x44: {  	_ =	shalt  }
0x45: {  	_ =	shalt  }
0x46: {  	_ =	shalt  }
0x47: {  	_ =	shalt  }
0x48: {  	_ =	shalt  }
0x49: {  	_ =	shalt  }
0x4a: {  	_ =	shalt  }
0x4b: {  	_ =	shalt  }
0x4c: {  	_ =	shalt  }
0x4d: {  	_ =	shalt  }
0x4e: {  	_ =	shalt  }
0x4f: {  	_ =	shalt  }
0x50: {  	_ =	shalt  }
0x51: {  	_ =	shalt  }
0x52: {  	_ =	shalt  }
0x53: {  	_ =	shalt  }
0x54: {  	_ =	shalt  }
0x55: {  	_ =	shalt  }
0x56: {  	_ =	shalt  }
0x57: {  	_ =	shalt  }
0x58: {  	_ =	shalt  }
0x59: {  	_ =	shalt  }
0x5a: {  	_ =	shalt  }
0x5b: {  	_ =	shalt  }
0x5c: {  	_ =	shalt  }
0x5d: {  	_ =	shalt  }
0x5e: {  	_ =	shalt  }
0x5f: {  	_ =	shalt  }
0x60: {  	_ =	shalt  }
0x61: {  	_ =	shalt  }
0x62: {  	_ =	shalt  }
0x63: {  	_ =	shalt  }
0x64: {  	_ =	shalt  }
0x65: {  	_ =	shalt  }
0x66: {  	_ =	shalt  }
0x67: {  	_ =	shalt  }
0x68: {  	_ =	shalt  }
0x69: {  	_ =	shalt  }
0x6a: {  	_ =	shalt  }
0x6b: {  	_ =	shalt  }
0x6c: {  	_ =	shalt  }
0x6d: {  	_ =	shalt  }
0x6e: {  	_ =	shalt  }
0x6f: {  	_ =	shalt  }
0x70: {  	_ =	shalt  }
0x71: {  	_ =	shalt  }
0x72: {  	_ =	shalt  }
0x73: {  	_ =	shalt  }
0x74: {  	_ =	shalt  }
0x75: {  	_ =	shalt  }
0x76: {  	_ =	shalt  }
0x77: {  	_ =	shalt  }
0x78: {  	_ =	shalt  }
0x79: {  	_ =	shalt  }
0x7a: {  	_ =	shalt  }
0x7b: {  	_ =	shalt  }
0x7c: {  	_ =	shalt  }
0x7d: {  	_ =	shalt  }
0x7e: {  	_ =	shalt  }
0x7f: {  	_ =	shalt  }
0x80: {  	_ =	shalt  }
0x81: {  	_ =	shalt  }
0x82: {  	_ =	shalt  }
0x83: {  	_ =	shalt  }
0x84: {  	_ =	shalt  }
0x85: {  	_ =	shalt  }
0x86: {  	_ =	shalt  }
0x87: {  	_ =	shalt  }
.Lfunc_end0:
.L_simem_size_0:
called_computation_lowered:
.L_overlay_start_0:
0x88: {  	s2 =	sld [smem:$0x3FD9]  }
0x89: {  	s3 =	sld [smem:$0x3FFE];
	_ =	sdelay $0x1  }
0x8a: {  	s1 =	srdreg.scid  }
0x8b: {  	s0 =	sand.u32 $0x1, s1  }
0x8c: {  	s16 =	sshll.u32 s0, $0xA;
	s2 =	sadd.s32 s3, s2  }
0x8d: {  	s2 =	sadd.s32 s2, s16  }
0x8e: {  	[smem:$0x3FAC] =	sst s2  }
0x8f: {  	_ = 	snop  }
0x90: {  	(tm) =	ssettm $0x1  }
0x91: {  	s17 =	sld [smem:$0x3FFB];
	_ =	sdelay $0x3  }
0x92: {  	_ =	strace s17  }
0x93: {  	s2 =	sld [smem:$0x3FFC];
	_ =	sdelay $0x3  }
0x94: {  	_ =	strace s2  }
0x95: {  	s2 =	sld [smem:$0x3FFD];
	_ =	sdelay $0x3  }
0x96: {  	_ =	strace s2  }
0x97: {  	_ =	strace $0x8FFFFFFF  }
0x98: {  	s18 =	sld [smem:$0x3FDB];
	_ =	sdelay $0x1  }
0x99: {  	s19 =	simm.s32 $_scs_section_size  }
0x9a: {  	s4 =	simm.s32 $_size__tile_overlayer_lowered;
	s5 =	simm.s32 $_tile_overlayer_lowered  }
0x9b: {  	s22 =	simm.s32 $0x1BFF;
	s21 =	sshll.u32 s5, $0x1;
	s2 =	sadd.s32 s19, s18  }
0x9c: {  	s6 =	simm.s32 $0x0;
	s20 =	sshll.u32 s4, $0x1;
	s4 =	sadd.s32 s21, s2  }
0x9d: {  	[timem:s6], [sflag:s22] =	dma.local [hbm:s4], s20  }
0x9e: {  	_ =	swait.ge [sflag:s22], s20  }
0x9f: {  	s3 =	ssub.s32 $0x0, s20;
	[sflag:s22] =	ssyncset.done $0x0  }
0xa0: {  	[sflag:s22] =	ssyncadd.s32 s3;
	_ =	sdelay $0x1  }
0xa1: {  	s23 =	simm.s32 $0x1B8B  }
0xa2: {  	_ =	swait.ge [sflag:s23], $0x1  }
0xa3: {  	[sflag:s23] =	ssyncset.done $0x0  }
0xa4: {  	s25 =	simm.s32 $0x1B8E;
	s24 =	sld [smem:$0x3FFE];
	[sflag:s23] =	ssyncadd.s32 $0xFFFFFFFF  }
0xa5: {  	s26 =	simm.s32 $execute0_lowered;
	[smem:$0x3FD2] =	sst s25  }
0xa6: {  	s4 =	sshll.u32 s26, $0x1;
	_ =	strace $0x80000046;
	[dreg:$0x1] =	wrdreg $0xFFFFFFFF  }
0xa7: {  	s28 =	simm.s32 $_size_execute0_lowered;
	s2 =	sadd.s32 s2, s4;
	[dreg:$0x0] =	wrdreg $0x0  }
0xa8: {  	s4 =	sshll.u32 s28, $0x1;
	[dreg:$0x2] =	wrdreg s2  }
0xa9: {  	[dreg:$0x3] =	wrdreg s4  }
0xaa: {  	[dreg:$0x4] =	wrdreg $0xC0  }
0xab: {  	_ =	task [dreg:s6], $0x5FFFF  }
0xac: {  	[dreg:$0x1] =	wrdreg $0xFFFFFFFF  }
0xad: {  	[dreg:$0x0] =	wrdreg $0x60  }
0xae: {  	[dreg:$0x2] =	wrdreg s24  }
0xaf: {  	[dreg:$0x3] =	wrdreg $0x1000  }
0xb0: {  	[dreg:$0x4] =	wrdreg $0x9  }
0xb1: {  	_ =	task.clear_ibuf [dreg:s6], $0x5FFFF;
	_ =	strace $0x90000046  }
0xb2: {  	s29 =	simm.s32 $0x9;
	_ =	strace $0x80000048  }
0xb3: {  	_ =	swait.ge [sflag:s29], $0x1  }
0xb4: {  	[sflag:s29] =	ssyncadd.s32 $0xFFFFFFFF  }
0xb5: {  	_ =	strace $0x90000048  }
0xb6: {  	_ =	sfence  }
0xb7: {  	s30 =	sld [smem:$0x0];
	_ =	sdelay $0x2  }
0xb8: {  	s31 =	sshll.u32 s1, $0xD;
	s1 =	sshrl.u32 s1, $0x2  }
0xb9: {  	s3 =	sand.u32 $0x4000, s31;
	s1 =	sadd.s32 s1, s30  }
0xba: {  	s0 =	sor.u32 s3, s0;
	s1 =	sshll.u32 s1, $0x11  }
0xbb: {  	s0 =	sor.u32 s1, s0  }
0xbc: {  	s0 =	sadd.s32 $0x8F2B, s0  }
0xbd: {  	[sflag:s0] =	ssyncadd.remote.s32 $0x1  }
0xbe: {  	_ =	sfence.sel $0xFFFF  }
0xbf: {  	[dreg:$0x0] =	wrdreg $0xFFFFFFFF;
	(pc) =	sbr.abs _section_cstart, $3  }
0xc0: {  	[dreg:$0x1] =	wrdreg $0xFFFFFFFF  }
0xc1: {  	_ =	task.clear_ibuf [dreg:s6], $0x2FFFF;
	_ =	strace $0x9FFFFFFF  }
0xc2: {  	(tm) =	ssettm $0x7FFFFFFF  }
0xc3: {  	_ =	shalt  }
tec
execute0_lowered:
.L_overlay_start_1:
0x0: {  	(tag) =	ssettag $0x1  }
0x1: {  	s4 =	rddreg [dreg:$0x0]  }
0x2: {  	s2 =	rddreg [dreg:$0x1]  }
0x3: {  	s3 =	srdreg.scid;
	s1 =	stileid.u32  }
0x4: {  	s0 =	rddreg [dreg:$0x2];
	s14 =	simm.s32 $0x1;
	s6 =	smul.u32 $0x500, s1  }
0x5: {  	s17 =	simm.s32 $0x20;
	s18 =	simm.s32 $0x10;
	s29 =	smul.u32 $0xA00, s1  }
0x6: {  	s19 =	simm.s32 $0x0;
	s5 =	sand.u32 $0x1, s3;
	s11 =	smul.u32 $0x280, s1  }
0x7: {  	s3 =	simm.s32 $0x0;
	s15 =	sshll.u32 s1, $0x6;
	s7 =	smul.u32 $0x2800, s5  }
0x8: {  	s8 =	sshll.u32 s5, $0x7;
	[smem:$0x7FF] =	sst s3;
	s5 =	ssub.s32 $0x2, s5  }
0x9: {  	s15 =	sor.u32 $0x1C01, s15;
	s6 =	sor.u32 s8, s6;
	_ =	strace $0x80000047  }
0xa: {  	s30 =	sshrl.u32 s29, $0x2;
	s31 =	sshrl.u32 s5, $0x1;
	s6 =	sshrl.u32 s6, $0x3  }
0xb: {  	s9 =	sadd.s32 s7, s4;
	s10 =	sadd.s32 s6, s4;
	s4 =	sadd.s32 s30, s2  }
0xc: {  	s12 =	ssub.s32 s5, s31;
	s13 =	sadd.s32 s11, s9;
	s5 =	sadd.s32 $0x80, s4  }
0xd: {  	s6 =	sadd.s32 $0x100, s4;
	s7 =	sadd.s32 $0x180, s4;
	s8 =	sadd.s32 $0x200, s4  }
0xe: {  	s9 =	sadd.s32 $0xF200, s10;
	s10 =	smax.u32 s12, $0x1;
	s11 =	sadd.s32 $0x5200, s13  }
0xf: {  	v0 =	vimm.f32 $0.0e+00;
	s12 =	sadd.s32 $0xA200, s13;
	s13 =	simm.s32 $0x80;
	s16 =	sshrl.u32 s4, $0x3  }
.LBB2_1:
0x10: {  	[tilespmem:$0x80] =	vst v0  }
0x11: {  	[tilespmem:$0x90] =	vst v0  }
0x12: {  	[tilespmem:$0xA0] =	vst v0  }
0x13: {  	[tilespmem:$0xB0] =	vst v0  }
0x14: {  	[tilespmem:$0xC0] =	vst v0  }
0x15: {  	[tilespmem:$0xD0] =	vst v0  }
0x16: {  	[tilespmem:$0xE0] =	vst v0  }
0x17: {  	[tilespmem:$0xF0] =	vst v0  }
0x18: {  	[spmem:s4] =	stream.linear.scatter [tilespmem:s13], [sflag:$0x1], $0x80, $0x38;
	[tilespmem:$0x380] =	vst v63  }
0x19: {  	_ =	swait.ge [sflag:s14], $0x80  }
0x1a: {  	[sflag:s14] =	ssyncset.done $0x0  }
0x1b: {  	[sflag:s14] =	ssyncadd.s32 $0xFFFFFF80  }
0x1c: {  	[spmem:s5] =	stream.linear.scatter [tilespmem:s13], [sflag:$0x1], $0x80, $0x38;
	[tilespmem:$0x380] =	vst v63  }
0x1d: {  	_ =	swait.ge [sflag:s14], $0x80  }
0x1e: {  	[sflag:s14] =	ssyncset.done $0x0  }
0x1f: {  	[sflag:s14] =	ssyncadd.s32 $0xFFFFFF80  }
0x20: {  	[spmem:s6] =	stream.linear.scatter [tilespmem:s13], [sflag:$0x1], $0x80, $0x38;
	[tilespmem:$0x380] =	vst v63  }
0x21: {  	_ =	swait.ge [sflag:s14], $0x80  }
0x22: {  	[sflag:s14] =	ssyncset.done $0x0  }
0x23: {  	[sflag:s14] =	ssyncadd.s32 $0xFFFFFF80  }
0x24: {  	[spmem:s7] =	stream.linear.scatter [tilespmem:s13], [sflag:$0x1], $0x80, $0x38;
	[tilespmem:$0x380] =	vst v63  }
0x25: {  	_ =	swait.ge [sflag:s14], $0x80  }
0x26: {  	[sflag:s14] =	ssyncset.done $0x0  }
0x27: {  	[sflag:s14] =	ssyncadd.s32 $0xFFFFFF80  }
0x28: {  	[spmem:s8] =	stream.linear.scatter [tilespmem:s13], [sflag:$0x1], $0x80, $0x38;
	[tilespmem:$0x380] =	vst v63  }
0x29: {  	_ =	swait.ge [sflag:s14], $0x80  }
0x2a: {  	[sflag:s14] =	ssyncset.done $0x0  }
0x2b: {  	[sflag:s14] =	ssyncadd.s32 $0xFFFFFF80  }
0x2c: {  	s20 =	sadd.s32 $0x0, s12;
	[bflag:$0x0] =	sbarrier.arrive $0xFFFF  }
0x2d: {  	[tilespmem:s3], [sflag:$0x1] =	stream.linear.gather [hbm4b:s20+s3], $0x80, $0x38;
	[tilespmem:$0x380] =	vst v63  }
0x2e: {  	_ =	swait.ge [sflag:s14], $0x80  }
0x2f: {  	[sflag:s14] =	ssyncset.done $0x0  }
0x30: {  	s31 =	sadd.s32 $0x0, s11;
	[sflag:s14] =	ssyncadd.s32 $0xFFFFFF80  }
0x31: {  	[tilespmem:s13], [sflag:$0x1] =	stream.linear.gather [hbm4b:s31+s3], $0x80, $0x38;
	[tilespmem:$0x380] =	vst v63  }
0x32: {  	_ =	swait.ge [sflag:s14], $0x80  }
0x33: {  	[sflag:s14] =	ssyncset.done $0x0  }
0x34: {  	[sflag:s14] =	ssyncadd.s32 $0xFFFFFF80  }
0x35: {  	[spmem:s2] =	stream.indirect.scatter.add.f32 [tilespmem:s13], [sflag:$0x1], $0x1, s3, s13, $0xb8;
	[tilespmem:$0x380] =	vst v63  }
0x36: {  	_ =	swait.ge [sflag:s14], $0x80  }
0x37: {  	s21 =	simm.s32 $0x20;
	s20 =	simm.s32 $0x10;
	[sflag:s14] =	ssyncset.done $0x0  }
.LBB2_2:
0x38: {  	s22 =	sadd.s32 s20, s12  }
0x39: {  	[sflag:s14] =	ssyncadd.s32 $0xFFFFFF80;
	s23 =	smov.u32 s21;
	s24 =	sadd.s32 $0x10, s21  }
0x3a: {  	[tilespmem:s3], [sflag:$0x1] =	stream.linear.gather [hbm4b:s22+s3], $0x80, $0x38;
	[tilespmem:$0x380] =	vst v63  }
0x3b: {  	p0 =	sne.s32 s21, $0x270;
	_ =	swait.ge [sflag:s14], $0x80  }
0x3c: {  	[sflag:s14] =	ssyncset.done $0x0  }
0x3d: {  	s21 =	sadd.s32 s20, s11;
	s20 =	smov.u32 s23;
	[sflag:s14] =	ssyncadd.s32 $0xFFFFFF80  }
0x3e: {  	[tilespmem:s13], [sflag:$0x1] =	stream.linear.gather [hbm4b:s21+s3], $0x80, $0x38;
	[tilespmem:$0x380] =	vst v63  }
0x3f: {  	_ =	swait.ge [sflag:s14], $0x80  }
.Ltmp0:
0x40: {  	[sflag:s14] =	ssyncset.done $0x0;
	(pc) =	sbr.rel @p0 .LBB2_2-.Ltmp0, $4  }
0x41: {  	[sflag:s14] =	ssyncadd.s32 $0xFFFFFF80  }
0x42: {  	[spmem:s2] =	stream.indirect.scatter.add.f32 [tilespmem:s13], [sflag:$0x1], $0x1, s3, s13, $0xb8;
	[tilespmem:$0x380] =	vst v63  }
0x43: {  	_ =	swait.ge [sflag:s14], $0x80  }
0x44: {  	s21 =	smov.u32 s24;
	[sflag:s14] =	ssyncset.done $0x0  }
0x45: {  	s21 =	sadd.s32 s20, s12;
	[sflag:s14] =	ssyncadd.s32 $0xFFFFFF80  }
0x46: {  	[tilespmem:s3], [sflag:$0x1] =	stream.linear.gather [hbm4b:s21+s3], $0x80, $0x38;
	[tilespmem:$0x380] =	vst v63  }
0x47: {  	_ =	swait.ge [sflag:s14], $0x80  }
0x48: {  	[sflag:s14] =	ssyncset.done $0x0  }
0x49: {  	s31 =	sadd.s32 s20, s11;
	[sflag:s14] =	ssyncadd.s32 $0xFFFFFF80  }
0x4a: {  	[tilespmem:s13], [sflag:$0x1] =	stream.linear.gather [hbm4b:s31+s3], $0x80, $0x38;
	[tilespmem:$0x380] =	vst v63  }
0x4b: {  	_ =	swait.ge [sflag:s14], $0x80  }
0x4c: {  	[sflag:s14] =	ssyncset.done $0x0  }
0x4d: {  	[sflag:s14] =	ssyncadd.s32 $0xFFFFFF80  }
0x4e: {  	[spmem:s2] =	stream.indirect.scatter.add.f32 [tilespmem:s13], [sflag:$0x1], $0x1, s3, s13, $0xb8;
	[tilespmem:$0x380] =	vst v63  }
0x4f: {  	_ =	swait.ge [sflag:s14], $0x80  }
0x50: {  	s19 =	sadd.s32 $0x1, s19;
	[sflag:s14] =	ssyncset.done $0x0  }
0x51: {  	p0 =	sne.s32 s19, s10;
	[sflag:s14] =	ssyncadd.s32 $0xFFFFFF80  }
.Ltmp1:
0x52: {  	[bflag:$0x0] =	sbarrier.arrive $0xFFFF;
	(pc) =	sbr.rel @p0 .LBB2_1-.Ltmp1, $4  }
0x53: {  	[hbm:s9@s17], [sflag:s15] =	dma.strided [spmem:s16@s18], $0x50, s14, $0x10   }
0x54: {  	_ =	swait.ge [sflag:s14], $0x50  }
0x55: {  	[sflag:s14] =	ssyncset.done $0x0  }
0x56: {  	[sflag:s14] =	ssyncadd.s32 $0xFFFFFFB0  }
0x57: {  	_ =	sfence.sel $0x180000  }
0x58: {  	[bflag:$0x0] =	sbarrier.arrive $0xFFFF  }
0x59: {  	p0 =	sne.s32 s1, $0x0;
	_ =	strace $0x90000047  }
0x5a: {  	s0 =	sadd.s32 @!p0 $0x100000, s0;
	[bflag:$0x2] =	sbarrier.arrive $0xFFFF  }
0x5b: {  	[sflag:s0] =	ssyncadd.tile.s32 @!p0 $0x1;
	_ =	shalt  }
.Lfunc_end2:
_tile_overlayer_lowered:
.L_overlay_start_2:
0x5c: {  	(tag) =	ssettag $0x2  }
0x5d: {  	s0 =	rddreg [dreg:$0x0];
	s2 =	stileid.u32  }
0x5e: {  	s1 =	rddreg [dreg:$0x1];
	p0 =	sne.s32 s2, $0x0  }
0x5f: {  	s3 =	rddreg [dreg:$0x2];
	[bflag:$0x3] =	sbarrier.arrive $0xFFFF;
	s2 =	simm.s32 @!p0 $0x1C01  }
0x60: {  	[timem:s3], [sflag:s2] =	dma.local @!p0 [hbm:s0], s1  }
0x61: {  	s0 =	simm.s32 @!p0 $0x1  }
0x62: {  	_ =	swait.ge @!p0 [sflag:s0], s1  }
0x63: {  	s1 =	ssub.s32 @!p0 $0x0, s1;
	[sflag:s0] =	ssyncset.done @!p0 $0x0  }
0x64: {  	[sflag:s0] =	ssyncadd.s32 @!p0 s1  }
0x65: {  	[bflag:$0x3] =	sbarrier.arrive $0xFFFF  }
0x66: {  	_ =	shalt  }

// kernel: kernel.18.cloned.1.call-start
scs
__scs_entry_jumppad:
0x0: {  	(pc) =	sbr.rel $0x88, $3  }
0x1: {  	(tag) =	ssettag $0x0;
	lr =	simm.s32 $0x1  }
0x2: {  	[smem:$0x3F85] =	sst lr;
	_ =	strace $0xD0000000  }
0x3: {  	_ = 	snop  }
0x4: {  	_ = 	snop  }
0x5: {  	_ = 	snop  }
0x6: {  	_ = 	snop  }
0x7: {  	_ = 	snop  }
__scs_overlays_trampoline_lowered:
0x8: {  	[smem:$0x3F94] =	sst s0  }
0x9: {  	[smem:$0x3F95] =	sst s1  }
0xa: {  	[smem:$0x3F96] =	sst s2  }
0xb: {  	[smem:$0x3F97] =	sst s3  }
0xc: {  	[smem:$0x3F98] =	sst s4  }
0xd: {  	[smem:$0x3F99] =	sst s5  }
0xe: {  	[smem:$0x3F9A] =	sst s6  }
0xf: {  	[smem:$0x3F9B] =	sst s7  }
0x10: {  	[smem:$0x3F9C] =	sst s8  }
0x11: {  	[smem:$0x3F9D] =	sst s9;
	s0 =	simm.s32 @!p0 $0x0  }
0x12: {  	s1 =	sld [smem:$0x3F83];
	s0 =	simm.s32 @p0 $0x1  }
0x13: {  	[smem:$0x3F9E] =	sst s0;
	s0 =	simm.s32 @!p1 $0x0  }
0x14: {  	s2 =	sld [smem:$0x3F82];
	s0 =	simm.s32 @p1 $0x1  }
0x15: {  	[smem:$0x3F9F] =	sst s0;
	s0 =	simm.s32 @!p2 $0x0  }
0x16: {  	s3 =	sld [smem:$0x3FDB];
	s0 =	simm.s32 @p2 $0x1  }
0x17: {  	s4 =	simm.s32 $0x1BF5;
	[smem:$0x3FA1] =	sst s0  }
0x18: {  	s0 =	sld [smem:$0x3F84];
	_ =	swait.ge [sflag:s4], $0x0  }
0x19: {  	s7 =	sld [smem:$0x3F85]  }
0x1a: {  	s8 =	sadd.s32 $0xFFFFE003, lr  }
0x1b: {  	s9 =	sadd.s32 $0xFFFFFEF7, lr;
	s5 =	simm.s32 $0xFFFFFFFF;
	p2 =	slt.u32 s8, $0xFFFFF086  }
0x1c: {  	p1 =	slt.u32 s9, $0xF7A;
	s5 =	simm.s32 @!p2 $0x0  }
0x1d: {  	s5 =	simm.s32 @p1 $0x1;
	p0 =	seq.s32 s7, s2  }
0x1e: {  	s7 =	smul.u32 @!p0 $0xF7A, s2;
	p2 =	seq.s32 @!p0 s5, $0x0  }
0x1f: {  	s9 =	smul.u32 $0xF7A, s1;
	s8 =	simm.s32 @!p0 $0x1BF5;
	p2 =	por !p2, p0  }
0x20: {  	[sflag:s8] =	ssyncset.s32 @!p0 $0xFFFFF086;
	s6 =	sadd.s32 @!p0 s3, s7;
	s7 =	simm.s32 @!p0 $0x108  }
0x21: {  	s3 =	sadd.s32 s3, s9;
	s6 =	sadd.s32 @!p0 $0x88, s6;
	s7 =	simm.s32 @p2 $0x1082  }
0x22: {  	[simem:s7], [sflag:s8] =	dma.local @!p0 [hbm:s6], $0xF7A  }
0x23: {  	s9 =	sor.u32 $0xD0000000, s2;
	s6 =	simm.s32 $0x108;
	_ =	swait.ge @!p0 [sflag:s8], $0x0  }
0x24: {  	s3 =	sadd.s32 $0x88, s3;
	s6 =	simm.s32 @!p1 $0x1082;
	[sflag:s4] =	ssyncset.s32 $0xFFFFF086  }
0x25: {  	[simem:s6], [sflag:s4] =	dma.local [hbm:s3], $0xF7A  }
0x26: {  	[smem:$0x3F85] =	sst s1;
	(tag) =	ssettag s2;
	_ =	strace s9  }
0x27: {  	s1 =	sld [smem:$0x3F95]  }
0x28: {  	s2 =	sld [smem:$0x3F96]  }
0x29: {  	s4 =	sld [smem:$0x3F98]  }
0x2a: {  	p0 =	seq.s32 s5, $0x0;
	s5 =	sld [smem:$0x3F99]  }
0x2b: {  	s6 =	sld [smem:$0x3F9A]  }
0x2c: {  	s7 =	sld [smem:$0x3F9B]  }
0x2d: {  	s3 =	simm.s32 $0x108;
	s8 =	sld [smem:$0x3F9C]  }
0x2e: {  	s3 =	simm.s32 @!p0 $0x1082;
	s9 =	sld [smem:$0x3F9D]  }
0x2f: {  	lr =	sadd.s32 s0, s3;
	s0 =	sld [smem:$0x3F94]  }
0x30: {  	s3 =	sld [smem:$0x3F97]  }
0x31: {  	[smem:$0x3FA0] =	sst s10  }
0x32: {  	s10 =	sld [smem:$0x3F9E];
	_ =	sdelay $0x3  }
0x33: {  	p0 =	seq.s32 s10, $0x1;
	s10 =	sld [smem:$0x3FA0];
	_ =	sdelay $0x3  }
0x34: {  	[smem:$0x3FA0] =	sst s10  }
0x35: {  	s10 =	sld [smem:$0x3F9F];
	_ =	sdelay $0x3  }
0x36: {  	p1 =	seq.s32 s10, $0x1;
	s10 =	sld [smem:$0x3FA0];
	_ =	sdelay $0x3  }
0x37: {  	[smem:$0x3FA0] =	sst s10  }
0x38: {  	s10 =	sld [smem:$0x3FA1]  }
0x39: {  	_ = 	snop;
	(pc) =	sbr.ind lr, $3  }
0x3a: {  	_ = 	snop  }
0x3b: {  	_ = 	snop  }
0x3c: {  	p2 =	seq.s32 s10, $0x1;
	s10 =	sld [smem:$0x3FA0]  }
0x3d: {  	_ =	shalt  }
0x3e: {  	_ =	shalt  }
0x3f: {  	_ =	shalt  }
0x40: {  	_ =	shalt  }
0x41: {  	_ =	shalt  }
0x42: {  	_ =	shalt  }
0x43: {  	_ =	shalt  }
0x44: {  	_ =	shalt  }
0x45: {  	_ =	shalt  }
0x46: {  	_ =	shalt  }
0x47: {  	_ =	shalt  }
0x48: {  	_ =	shalt  }
0x49: {  	_ =	shalt  }
0x4a: {  	_ =	shalt  }
0x4b: {  	_ =	shalt  }
0x4c: {  	_ =	shalt  }
0x4d: {  	_ =	shalt  }
0x4e: {  	_ =	shalt  }
0x4f: {  	_ =	shalt  }
0x50: {  	_ =	shalt  }
0x51: {  	_ =	shalt  }
0x52: {  	_ =	shalt  }
0x53: {  	_ =	shalt  }
0x54: {  	_ =	shalt  }
0x55: {  	_ =	shalt  }
0x56: {  	_ =	shalt  }
0x57: {  	_ =	shalt  }
0x58: {  	_ =	shalt  }
0x59: {  	_ =	shalt  }
0x5a: {  	_ =	shalt  }
0x5b: {  	_ =	shalt  }
0x5c: {  	_ =	shalt  }
0x5d: {  	_ =	shalt  }
0x5e: {  	_ =	shalt  }
0x5f: {  	_ =	shalt  }
0x60: {  	_ =	shalt  }
0x61: {  	_ =	shalt  }
0x62: {  	_ =	shalt  }
0x63: {  	_ =	shalt  }
0x64: {  	_ =	shalt  }
0x65: {  	_ =	shalt  }
0x66: {  	_ =	shalt  }
0x67: {  	_ =	shalt  }
0x68: {  	_ =	shalt  }
0x69: {  	_ =	shalt  }
0x6a: {  	_ =	shalt  }
0x6b: {  	_ =	shalt  }
0x6c: {  	_ =	shalt  }
0x6d: {  	_ =	shalt  }
0x6e: {  	_ =	shalt  }
0x6f: {  	_ =	shalt  }
0x70: {  	_ =	shalt  }
0x71: {  	_ =	shalt  }
0x72: {  	_ =	shalt  }
0x73: {  	_ =	shalt  }
0x74: {  	_ =	shalt  }
0x75: {  	_ =	shalt  }
0x76: {  	_ =	shalt  }
0x77: {  	_ =	shalt  }
0x78: {  	_ =	shalt  }
0x79: {  	_ =	shalt  }
0x7a: {  	_ =	shalt  }
0x7b: {  	_ =	shalt  }
0x7c: {  	_ =	shalt  }
0x7d: {  	_ =	shalt  }
0x7e: {  	_ =	shalt  }
0x7f: {  	_ =	shalt  }
0x80: {  	_ =	shalt  }
0x81: {  	_ =	shalt  }
0x82: {  	_ =	shalt  }
0x83: {  	_ =	shalt  }
0x84: {  	_ =	shalt  }
0x85: {  	_ =	shalt  }
0x86: {  	_ =	shalt  }
0x87: {  	_ =	shalt  }
.Lfunc_end0:
.L_simem_size_0:
called_computation.1_lowered:
.L_overlay_start_0:
0x88: {  	s2 =	sld [smem:$0x3FD9]  }
0x89: {  	s3 =	sld [smem:$0x3FFE];
	_ =	sdelay $0x1  }
0x8a: {  	s1 =	srdreg.scid  }
0x8b: {  	s0 =	sand.u32 $0x1, s1  }
0x8c: {  	s17 =	sshll.u32 s0, $0xA;
	s2 =	sadd.s32 s3, s2  }
0x8d: {  	s2 =	sadd.s32 s2, s17  }
0x8e: {  	[smem:$0x3FAC] =	sst s2  }
0x8f: {  	_ = 	snop  }
0x90: {  	s2 =	sld [smem:$0x3FD0];
	(tm) =	ssettm $0x1  }
0x91: {  	s18 =	sld [smem:$0x3FFB];
	_ =	sdelay $0x3  }
0x92: {  	_ =	strace s18  }
0x93: {  	s3 =	sld [smem:$0x3FFC];
	_ =	sdelay $0x3  }
0x94: {  	_ =	strace s3  }
0x95: {  	s3 =	sld [smem:$0x3FFD];
	_ =	sdelay $0x3  }
0x96: {  	_ =	strace s3  }
0x97: {  	_ =	strace $0x8FFFFFFF  }
0x98: {  	s19 =	sld [smem:$0x3FDB];
	_ =	sdelay $0x1  }
0x99: {  	s4 =	simm.s32 $_scs_section_size  }
0x9a: {  	s5 =	simm.s32 $_size__tile_overlayer_lowered;
	s6 =	simm.s32 $_tile_overlayer_lowered  }
0x9b: {  	s22 =	simm.s32 $0x1BFF;
	s21 =	sshll.u32 s6, $0x1;
	s3 =	sadd.s32 s4, s19  }
0x9c: {  	s7 =	simm.s32 $0x0;
	s20 =	sshll.u32 s5, $0x1;
	s5 =	sadd.s32 s21, s3  }
0x9d: {  	[timem:s7], [sflag:s22] =	dma.local [hbm:s5], s20  }
0x9e: {  	_ =	swait.ge [sflag:s22], s20  }
0x9f: {  	s4 =	ssub.s32 $0x0, s20;
	[sflag:s22] =	ssyncset.done $0x0  }
0xa0: {  	[sflag:s22] =	ssyncadd.s32 s4;
	_ =	sdelay $0x1  }
0xa1: {  	s23 =	simm.s32 $0x1B8B  }
0xa2: {  	_ =	swait.ge [sflag:s23], $0x1  }
0xa3: {  	[sflag:s23] =	ssyncset.done $0x0  }
0xa4: {  	s25 =	simm.s32 $0x1B8E;
	s24 =	sld [smem:$0x3FFE];
	[sflag:s23] =	ssyncadd.s32 $0xFFFFFFFF  }
0xa5: {  	s26 =	simm.s32 $execute0_lowered;
	[smem:$0x3FD2] =	sst s25  }
0xa6: {  	s5 =	sshll.u32 s26, $0x1;
	_ =	strace $0x80000049;
	[dreg:$0x1] =	wrdreg $0xFFFFFFFF  }
0xa7: {  	s28 =	simm.s32 $_size_execute0_lowered;
	s3 =	sadd.s32 s3, s5;
	[dreg:$0x0] =	wrdreg $0x0  }
0xa8: {  	s5 =	sshll.u32 s28, $0x1;
	[dreg:$0x2] =	wrdreg s3  }
0xa9: {  	[dreg:$0x3] =	wrdreg s5  }
0xaa: {  	[dreg:$0x4] =	wrdreg $0xC0  }
0xab: {  	_ =	task [dreg:s7], $0x5FFFF  }
0xac: {  	[dreg:$0x1] =	wrdreg $0xFFFFFFFF  }
0xad: {  	[dreg:$0x0] =	wrdreg $0x60  }
0xae: {  	[dreg:$0x2] =	wrdreg s2  }
0xaf: {  	[dreg:$0x3] =	wrdreg s24  }
0xb0: {  	[dreg:$0x4] =	wrdreg $0x9  }
0xb1: {  	_ =	task.clear_ibuf [dreg:s7], $0x5FFFF;
	_ =	strace $0x90000049  }
0xb2: {  	s29 =	simm.s32 $0x9;
	_ =	strace $0x8000004B  }
0xb3: {  	_ =	swait.ge [sflag:s29], $0x1  }
0xb4: {  	[sflag:s29] =	ssyncadd.s32 $0xFFFFFFFF  }
0xb5: {  	_ =	strace $0x9000004B  }
0xb6: {  	_ =	sfence  }
0xb7: {  	s30 =	sld [smem:$0x0];
	_ =	sdelay $0x2  }
0xb8: {  	s31 =	sshll.u32 s1, $0xD;
	s1 =	sshrl.u32 s1, $0x2  }
0xb9: {  	s3 =	sand.u32 $0x4000, s31;
	s1 =	sadd.s32 s1, s30  }
0xba: {  	s0 =	sor.u32 s3, s0;
	s1 =	sshll.u32 s1, $0x11  }
0xbb: {  	s0 =	sor.u32 s1, s0  }
0xbc: {  	s0 =	sadd.s32 $0x8F2B, s0  }
0xbd: {  	[sflag:s0] =	ssyncadd.remote.s32 $0x1  }
0xbe: {  	_ =	sfence.sel $0xFFFF  }
0xbf: {  	[dreg:$0x0] =	wrdreg $0xFFFFFFFF;
	(pc) =	sbr.abs _section_cstart, $3  }
0xc0: {  	[dreg:$0x1] =	wrdreg $0xFFFFFFFF  }
0xc1: {  	_ =	task.clear_ibuf [dreg:s7], $0x2FFFF;
	_ =	strace $0x9FFFFFFF  }
0xc2: {  	(tm) =	ssettm $0x7FFFFFFF  }
0xc3: {  	_ =	shalt  }
tec
execute0_lowered:
.L_overlay_start_1:
0x0: {  	(tag) =	ssettag $0x1  }
0x1: {  	s2 =	rddreg [dreg:$0x0]  }
0x2: {  	s0 =	srdreg.scid;
	s5 =	rddreg [dreg:$0x1]  }
0x3: {  	s3 =	simm.s32 $0x0;
	s9 =	simm.s32 $0x1;
	s4 =	sand.u32 $0x1, s0  }
0x4: {  	s10 =	simm.s32 $0x2800;
	s0 =	stileid.u32;
	s1 =	sshll.u32 s4, $0x4  }
0x5: {  	s11 =	simm.s32 $0x3C00;
	s12 =	simm.s32 $0x5000;
	s6 =	sor.u32 s0, s1  }
0x6: {  	s13 =	simm.s32 $0x6400;
	s4 =	ssub.s32 $0x2, s4;
	s6 =	smul.u32 $0x280, s6  }
0x7: {  	s14 =	simm.s32 $0x0;
	[smem:$0x7FF] =	sst s3;
	s31 =	sshrl.u32 s4, $0x1  }
0x8: {  	s1 =	rddreg [dreg:$0x2];
	s8 =	ssub.s32 s4, s31;
	s7 =	sadd.s32 s6, s5  }
0x9: {  	_ =	strace $0x8000004A;
	s8 =	smax.u32 s8, $0x1;
	s4 =	sadd.s32 $0xAFC00, s7  }
0xa: {  	s5 =	sadd.s32 $0xA200, s7;
	s6 =	sadd.s32 $0x5200, s7;
	s7 =	sadd.s32 $0xF200, s7  }
.LBB2_1:
0xb: {  	[tilespmem:s3], [sflag:$0x1] =	stream.linear.gather [hbm4b:s2+s3], $0x2800, $0x38;
	[tilespmem:$0x7800] =	vst v63  }
0xc: {  	_ =	swait.ge [sflag:s9], $0x2800  }
0xd: {  	[sflag:s9] =	ssyncset.done $0x0  }
0xe: {  	[sflag:s9] =	ssyncadd.s32 $0xFFFFD800  }
0xf: {  	[tilespmem:s10], [sflag:$0x1] =	stream.linear.gather [hbm4b:s4+s3], $0x1400, $0x38;
	[tilespmem:$0x7800] =	vst v63  }
0x10: {  	_ =	swait.ge [sflag:s9], $0x1400  }
0x11: {  	[sflag:s9] =	ssyncset.done $0x0  }
0x12: {  	[sflag:s9] =	ssyncadd.s32 $0xFFFFEC00  }
0x13: {  	[tilespmem:s11], [sflag:$0x1] =	stream.linear.gather [hbm4b:s5+s3], $0x1400, $0x38;
	[tilespmem:$0x7800] =	vst v63  }
0x14: {  	_ =	swait.ge [sflag:s9], $0x1400  }
0x15: {  	[sflag:s9] =	ssyncset.done $0x0  }
0x16: {  	[sflag:s9] =	ssyncadd.s32 $0xFFFFEC00  }
0x17: {  	[tilespmem:s12], [sflag:$0x1] =	stream.linear.gather [hbm4b:s6+s3], $0x1400, $0x38;
	[tilespmem:$0x7800] =	vst v63  }
0x18: {  	_ =	swait.ge [sflag:s9], $0x1400  }
0x19: {  	[sflag:s9] =	ssyncset.done $0x0  }
0x1a: {  	s15 =	simm.s32 $0x0;
	[sflag:s9] =	ssyncadd.s32 $0xFFFFEC00  }
0x1b: {  	v0 =	vld [tilespmem:s15+$0x2800]  }
0x1c: {  	v2 =	vld [tilespmem:s15+$0x3C00];
	_ =	sdelay $0x5  }
0x1d: {  	v1 =	vld [tilespmem:s15+$0x5000]  }
0x1e: {  	v0 =	vld.idx.msk [tilespmem:v0+s3+$0x0], $0xffff  }
0x1f: {  	s16 =	simm.s32 $0x10;
	s17 =	simm.s32 $0x80;
	v2 =	vld.idx.msk [tilespmem:v2+s3+$0x0], $0xffff  }
.LBB2_2:
0x20: {  	p0 =	sne.s32 s17, $0x4FC0;
	v3 =	vld [tilespmem:s16+$0x2800];
	_ =	sdelay $0x1  }
0x21: {  	v4 =	vld [tilespmem:s16+$0x3C00]  }
0x22: {  	v0 =	vmul.f32 v1, v0;
	_ =	sdelay $0x1  }
0x23: {  	v0 =	vmul.f32 v0, v2  }
.Ltmp0:
0x24: {  	(pc) =	sbr.rel @p0 .LBB2_2-.Ltmp0, $4  }
0x25: {  	[tilespmem:s15+$0x6400] =	vst v0;
	s15 =	smov.u32 s16  }
0x26: {  	v0 =	vld.idx.msk [tilespmem:v3+s3+$0x0], $0xffff  }
0x27: {  	v1 =	vld [tilespmem:s15+$0x5000]  }
0x28: {  	s16 =	sshra.s32 s17, $0x2;
	s17 =	sadd.s32 $0x40, s17;
	v2 =	vld.idx.msk [tilespmem:v4+s3+$0x0], $0xffff  }
0x29: {  	v3 =	vld [tilespmem:s16+$0x2800];
	_ =	sdelay $0x2  }
0x2a: {  	v4 =	vld [tilespmem:s16+$0x3C00];
	v0 =	vmul.f32 v1, v0;
	_ =	sdelay $0x1  }
0x2b: {  	v0 =	vmul.f32 v0, v2;
	_ =	sdelay $0x1  }
0x2c: {  	[tilespmem:s15+$0x6400] =	vst v0  }
0x2d: {  	v0 =	vld.idx.msk [tilespmem:v3+s3+$0x0], $0xffff  }
0x2e: {  	v62 =	vld [tilespmem:s16+$0x5000];
	_ =	sdelay $0x1  }
0x2f: {  	v63 =	vld.idx.msk [tilespmem:v4+s3+$0x0], $0xffff;
	_ =	sdelay $0x2  }
0x30: {  	v0 =	vmul.f32 v62, v0;
	_ =	sdelay $0x1  }
0x31: {  	s14 =	sadd.s32 $0x1, s14;
	v0 =	vmul.f32 v0, v63  }
0x32: {  	p0 =	sne.s32 s14, s8  }
.Ltmp1:
0x33: {  	[tilespmem:s16+$0x6400] =	vst v0;
	(pc) =	sbr.rel @p0 .LBB2_1-.Ltmp1, $4  }
0x34: {  	[hbm4b:s7+s3] =	stream.linear.scatter [tilespmem:s13], [sflag:$0x1], $0x1400, $0x38;
	[tilespmem:$0x7800] =	vst v63  }
0x35: {  	_ =	swait.ge [sflag:s9], $0x1400  }
0x36: {  	[sflag:s9] =	ssyncset.done $0x0  }
0x37: {  	[sflag:s9] =	ssyncadd.s32 $0xFFFFEC00  }
0x38: {  	_ =	sfence.sel $0x180000  }
0x39: {  	[bflag:$0x0] =	sbarrier.arrive $0xFFFF  }
0x3a: {  	p0 =	sne.s32 s0, $0x0;
	_ =	strace $0x9000004A  }
0x3b: {  	s0 =	sadd.s32 @!p0 $0x100000, s1;
	[bflag:$0x2] =	sbarrier.arrive $0xFFFF  }
0x3c: {  	[sflag:s0] =	ssyncadd.tile.s32 @!p0 $0x1;
	_ =	shalt  }
.Lfunc_end2:
_tile_overlayer_lowered:
.L_overlay_start_2:
0x3d: {  	(tag) =	ssettag $0x2  }
0x3e: {  	s0 =	rddreg [dreg:$0x0];
	s2 =	stileid.u32  }
0x3f: {  	s1 =	rddreg [dreg:$0x1];
	p0 =	sne.s32 s2, $0x0  }
0x40: {  	s3 =	rddreg [dreg:$0x2];
	[bflag:$0x3] =	sbarrier.arrive $0xFFFF;
	s2 =	simm.s32 @!p0 $0x1C01  }
0x41: {  	[timem:s3], [sflag:s2] =	dma.local @!p0 [hbm:s0], s1  }
0x42: {  	s0 =	simm.s32 @!p0 $0x1  }
0x43: {  	_ =	swait.ge @!p0 [sflag:s0], s1  }
0x44: {  	s1 =	ssub.s32 @!p0 $0x0, s1;
	[sflag:s0] =	ssyncset.done @!p0 $0x0  }
0x45: {  	[sflag:s0] =	ssyncadd.s32 @!p0 s1  }
0x46: {  	[bflag:$0x3] =	sbarrier.arrive $0xFFFF  }
0x47: {  	_ =	shalt  }

// kernel: kernel.21.cloned.1.call-start
scs
__scs_entry_jumppad:
0x0: {  	(pc) =	sbr.rel $0x88, $3  }
0x1: {  	(tag) =	ssettag $0x0;
	lr =	simm.s32 $0x1  }
0x2: {  	[smem:$0x3F85] =	sst lr;
	_ =	strace $0xD0000000  }
0x3: {  	_ = 	snop  }
0x4: {  	_ = 	snop  }
0x5: {  	_ = 	snop  }
0x6: {  	_ = 	snop  }
0x7: {  	_ = 	snop  }
__scs_overlays_trampoline_lowered:
0x8: {  	[smem:$0x3F94] =	sst s0  }
0x9: {  	[smem:$0x3F95] =	sst s1  }
0xa: {  	[smem:$0x3F96] =	sst s2  }
0xb: {  	[smem:$0x3F97] =	sst s3  }
0xc: {  	[smem:$0x3F98] =	sst s4  }
0xd: {  	[smem:$0x3F99] =	sst s5  }
0xe: {  	[smem:$0x3F9A] =	sst s6  }
0xf: {  	[smem:$0x3F9B] =	sst s7  }
0x10: {  	[smem:$0x3F9C] =	sst s8  }
0x11: {  	[smem:$0x3F9D] =	sst s9;
	s0 =	simm.s32 @!p0 $0x0  }
0x12: {  	s1 =	sld [smem:$0x3F83];
	s0 =	simm.s32 @p0 $0x1  }
0x13: {  	[smem:$0x3F9E] =	sst s0;
	s0 =	simm.s32 @!p1 $0x0  }
0x14: {  	s2 =	sld [smem:$0x3F82];
	s0 =	simm.s32 @p1 $0x1  }
0x15: {  	[smem:$0x3F9F] =	sst s0;
	s0 =	simm.s32 @!p2 $0x0  }
0x16: {  	s3 =	sld [smem:$0x3FDB];
	s0 =	simm.s32 @p2 $0x1  }
0x17: {  	s4 =	simm.s32 $0x1BF5;
	[smem:$0x3FA1] =	sst s0  }
0x18: {  	s0 =	sld [smem:$0x3F84];
	_ =	swait.ge [sflag:s4], $0x0  }
0x19: {  	s7 =	sld [smem:$0x3F85]  }
0x1a: {  	s8 =	sadd.s32 $0xFFFFE003, lr  }
0x1b: {  	s9 =	sadd.s32 $0xFFFFFEF7, lr;
	s5 =	simm.s32 $0xFFFFFFFF;
	p2 =	slt.u32 s8, $0xFFFFF086  }
0x1c: {  	p1 =	slt.u32 s9, $0xF7A;
	s5 =	simm.s32 @!p2 $0x0  }
0x1d: {  	s5 =	simm.s32 @p1 $0x1;
	p0 =	seq.s32 s7, s2  }
0x1e: {  	s7 =	smul.u32 @!p0 $0xF7A, s2;
	p2 =	seq.s32 @!p0 s5, $0x0  }
0x1f: {  	s9 =	smul.u32 $0xF7A, s1;
	s8 =	simm.s32 @!p0 $0x1BF5;
	p2 =	por !p2, p0  }
0x20: {  	[sflag:s8] =	ssyncset.s32 @!p0 $0xFFFFF086;
	s6 =	sadd.s32 @!p0 s3, s7;
	s7 =	simm.s32 @!p0 $0x108  }
0x21: {  	s3 =	sadd.s32 s3, s9;
	s6 =	sadd.s32 @!p0 $0x88, s6;
	s7 =	simm.s32 @p2 $0x1082  }
0x22: {  	[simem:s7], [sflag:s8] =	dma.local @!p0 [hbm:s6], $0xF7A  }
0x23: {  	s9 =	sor.u32 $0xD0000000, s2;
	s6 =	simm.s32 $0x108;
	_ =	swait.ge @!p0 [sflag:s8], $0x0  }
0x24: {  	s3 =	sadd.s32 $0x88, s3;
	s6 =	simm.s32 @!p1 $0x1082;
	[sflag:s4] =	ssyncset.s32 $0xFFFFF086  }
0x25: {  	[simem:s6], [sflag:s4] =	dma.local [hbm:s3], $0xF7A  }
0x26: {  	[smem:$0x3F85] =	sst s1;
	(tag) =	ssettag s2;
	_ =	strace s9  }
0x27: {  	s1 =	sld [smem:$0x3F95]  }
0x28: {  	s2 =	sld [smem:$0x3F96]  }
0x29: {  	s4 =	sld [smem:$0x3F98]  }
0x2a: {  	p0 =	seq.s32 s5, $0x0;
	s5 =	sld [smem:$0x3F99]  }
0x2b: {  	s6 =	sld [smem:$0x3F9A]  }
0x2c: {  	s7 =	sld [smem:$0x3F9B]  }
0x2d: {  	s3 =	simm.s32 $0x108;
	s8 =	sld [smem:$0x3F9C]  }
0x2e: {  	s3 =	simm.s32 @!p0 $0x1082;
	s9 =	sld [smem:$0x3F9D]  }
0x2f: {  	lr =	sadd.s32 s0, s3;
	s0 =	sld [smem:$0x3F94]  }
0x30: {  	s3 =	sld [smem:$0x3F97]  }
0x31: {  	[smem:$0x3FA0] =	sst s10  }
0x32: {  	s10 =	sld [smem:$0x3F9E];
	_ =	sdelay $0x3  }
0x33: {  	p0 =	seq.s32 s10, $0x1;
	s10 =	sld [smem:$0x3FA0];
	_ =	sdelay $0x3  }
0x34: {  	[smem:$0x3FA0] =	sst s10  }
0x35: {  	s10 =	sld [smem:$0x3F9F];
	_ =	sdelay $0x3  }
0x36: {  	p1 =	seq.s32 s10, $0x1;
	s10 =	sld [smem:$0x3FA0];
	_ =	sdelay $0x3  }
0x37: {  	[smem:$0x3FA0] =	sst s10  }
0x38: {  	s10 =	sld [smem:$0x3FA1]  }
0x39: {  	_ = 	snop;
	(pc) =	sbr.ind lr, $3  }
0x3a: {  	_ = 	snop  }
0x3b: {  	_ = 	snop  }
0x3c: {  	p2 =	seq.s32 s10, $0x1;
	s10 =	sld [smem:$0x3FA0]  }
0x3d: {  	_ =	shalt  }
0x3e: {  	_ =	shalt  }
0x3f: {  	_ =	shalt  }
0x40: {  	_ =	shalt  }
0x41: {  	_ =	shalt  }
0x42: {  	_ =	shalt  }
0x43: {  	_ =	shalt  }
0x44: {  	_ =	shalt  }
0x45: {  	_ =	shalt  }
0x46: {  	_ =	shalt  }
0x47: {  	_ =	shalt  }
0x48: {  	_ =	shalt  }
0x49: {  	_ =	shalt  }
0x4a: {  	_ =	shalt  }
0x4b: {  	_ =	shalt  }
0x4c: {  	_ =	shalt  }
0x4d: {  	_ =	shalt  }
0x4e: {  	_ =	shalt  }
0x4f: {  	_ =	shalt  }
0x50: {  	_ =	shalt  }
0x51: {  	_ =	shalt  }
0x52: {  	_ =	shalt  }
0x53: {  	_ =	shalt  }
0x54: {  	_ =	shalt  }
0x55: {  	_ =	shalt  }
0x56: {  	_ =	shalt  }
0x57: {  	_ =	shalt  }
0x58: {  	_ =	shalt  }
0x59: {  	_ =	shalt  }
0x5a: {  	_ =	shalt  }
0x5b: {  	_ =	shalt  }
0x5c: {  	_ =	shalt  }
0x5d: {  	_ =	shalt  }
0x5e: {  	_ =	shalt  }
0x5f: {  	_ =	shalt  }
0x60: {  	_ =	shalt  }
0x61: {  	_ =	shalt  }
0x62: {  	_ =	shalt  }
0x63: {  	_ =	shalt  }
0x64: {  	_ =	shalt  }
0x65: {  	_ =	shalt  }
0x66: {  	_ =	shalt  }
0x67: {  	_ =	shalt  }
0x68: {  	_ =	shalt  }
0x69: {  	_ =	shalt  }
0x6a: {  	_ =	shalt  }
0x6b: {  	_ =	shalt  }
0x6c: {  	_ =	shalt  }
0x6d: {  	_ =	shalt  }
0x6e: {  	_ =	shalt  }
0x6f: {  	_ =	shalt  }
0x70: {  	_ =	shalt  }
0x71: {  	_ =	shalt  }
0x72: {  	_ =	shalt  }
0x73: {  	_ =	shalt  }
0x74: {  	_ =	shalt  }
0x75: {  	_ =	shalt  }
0x76: {  	_ =	shalt  }
0x77: {  	_ =	shalt  }
0x78: {  	_ =	shalt  }
0x79: {  	_ =	shalt  }
0x7a: {  	_ =	shalt  }
0x7b: {  	_ =	shalt  }
0x7c: {  	_ =	shalt  }
0x7d: {  	_ =	shalt  }
0x7e: {  	_ =	shalt  }
0x7f: {  	_ =	shalt  }
0x80: {  	_ =	shalt  }
0x81: {  	_ =	shalt  }
0x82: {  	_ =	shalt  }
0x83: {  	_ =	shalt  }
0x84: {  	_ =	shalt  }
0x85: {  	_ =	shalt  }
0x86: {  	_ =	shalt  }
0x87: {  	_ =	shalt  }
.Lfunc_end0:
.L_simem_size_0:
called_computation.2_lowered:
.L_overlay_start_0:
0x88: {  	s2 =	sld [smem:$0x3FD9]  }
0x89: {  	s3 =	sld [smem:$0x3FFE];
	_ =	sdelay $0x1  }
0x8a: {  	s1 =	srdreg.scid  }
0x8b: {  	s0 =	sand.u32 $0x1, s1  }
0x8c: {  	s16 =	sshll.u32 s0, $0xA;
	s2 =	sadd.s32 s3, s2  }
0x8d: {  	s2 =	sadd.s32 s2, s16  }
0x8e: {  	[smem:$0x3FAC] =	sst s2  }
0x8f: {  	_ = 	snop  }
0x90: {  	(tm) =	ssettm $0x1  }
0x91: {  	s17 =	sld [smem:$0x3FFB];
	_ =	sdelay $0x3  }
0x92: {  	_ =	strace s17  }
0x93: {  	s2 =	sld [smem:$0x3FFC];
	_ =	sdelay $0x3  }
0x94: {  	_ =	strace s2  }
0x95: {  	s2 =	sld [smem:$0x3FFD];
	_ =	sdelay $0x3  }
0x96: {  	_ =	strace s2  }
0x97: {  	_ =	strace $0x8FFFFFFF  }
0x98: {  	s18 =	sld [smem:$0x3FDB];
	_ =	sdelay $0x1  }
0x99: {  	s19 =	simm.s32 $_scs_section_size  }
0x9a: {  	s4 =	simm.s32 $_size__tile_overlayer_lowered;
	s5 =	simm.s32 $_tile_overlayer_lowered  }
0x9b: {  	s22 =	simm.s32 $0x1BFF;
	s21 =	sshll.u32 s5, $0x1;
	s2 =	sadd.s32 s19, s18  }
0x9c: {  	s6 =	simm.s32 $0x0;
	s20 =	sshll.u32 s4, $0x1;
	s4 =	sadd.s32 s21, s2  }
0x9d: {  	[timem:s6], [sflag:s22] =	dma.local [hbm:s4], s20  }
0x9e: {  	_ =	swait.ge [sflag:s22], s20  }
0x9f: {  	s3 =	ssub.s32 $0x0, s20;
	[sflag:s22] =	ssyncset.done $0x0  }
0xa0: {  	[sflag:s22] =	ssyncadd.s32 s3;
	_ =	sdelay $0x1  }
0xa1: {  	s23 =	simm.s32 $0x1B8B  }
0xa2: {  	_ =	swait.ge [sflag:s23], $0x1  }
0xa3: {  	[sflag:s23] =	ssyncset.done $0x0  }
0xa4: {  	s25 =	simm.s32 $0x1B8E;
	s24 =	sld [smem:$0x3FFE];
	[sflag:s23] =	ssyncadd.s32 $0xFFFFFFFF  }
0xa5: {  	s26 =	simm.s32 $execute0_lowered;
	[smem:$0x3FD2] =	sst s25  }
0xa6: {  	s4 =	sshll.u32 s26, $0x1;
	_ =	strace $0x8000004C;
	[dreg:$0x1] =	wrdreg $0xFFFFFFFF  }
0xa7: {  	s28 =	simm.s32 $_size_execute0_lowered;
	s2 =	sadd.s32 s2, s4;
	[dreg:$0x0] =	wrdreg $0x0  }
0xa8: {  	s4 =	sshll.u32 s28, $0x1;
	[dreg:$0x2] =	wrdreg s2  }
0xa9: {  	[dreg:$0x3] =	wrdreg s4  }
0xaa: {  	[dreg:$0x4] =	wrdreg $0xC0  }
0xab: {  	_ =	task [dreg:s6], $0x5FFFF  }
0xac: {  	[dreg:$0x1] =	wrdreg $0xFFFFFFFF  }
0xad: {  	[dreg:$0x0] =	wrdreg $0x60  }
0xae: {  	[dreg:$0x2] =	wrdreg s24  }
0xaf: {  	[dreg:$0x3] =	wrdreg $0x9800  }
0xb0: {  	[dreg:$0x4] =	wrdreg $0x9  }
0xb1: {  	_ =	task.clear_ibuf [dreg:s6], $0x5FFFF;
	_ =	strace $0x9000004C  }
0xb2: {  	s29 =	simm.s32 $0x9;
	_ =	strace $0x8000004E  }
0xb3: {  	_ =	swait.ge [sflag:s29], $0x1  }
0xb4: {  	[sflag:s29] =	ssyncadd.s32 $0xFFFFFFFF  }
0xb5: {  	_ =	strace $0x9000004E  }
0xb6: {  	_ =	sfence  }
0xb7: {  	s30 =	sld [smem:$0x0];
	_ =	sdelay $0x2  }
0xb8: {  	s31 =	sshll.u32 s1, $0xD;
	s1 =	sshrl.u32 s1, $0x2  }
0xb9: {  	s3 =	sand.u32 $0x4000, s31;
	s1 =	sadd.s32 s1, s30  }
0xba: {  	s0 =	sor.u32 s3, s0;
	s1 =	sshll.u32 s1, $0x11  }
0xbb: {  	s0 =	sor.u32 s1, s0  }
0xbc: {  	s0 =	sadd.s32 $0x8F2B, s0  }
0xbd: {  	[sflag:s0] =	ssyncadd.remote.s32 $0x1  }
0xbe: {  	_ =	sfence.sel $0xFFFF  }
0xbf: {  	[dreg:$0x0] =	wrdreg $0xFFFFFFFF;
	(pc) =	sbr.abs _section_cstart, $3  }
0xc0: {  	[dreg:$0x1] =	wrdreg $0xFFFFFFFF  }
0xc1: {  	_ =	task.clear_ibuf [dreg:s6], $0x2FFFF;
	_ =	strace $0x9FFFFFFF  }
0xc2: {  	(tm) =	ssettm $0x7FFFFFFF  }
0xc3: {  	_ =	shalt  }
tec
execute0_lowered:
.L_overlay_start_1:
0x0: {  	(tag) =	ssettag $0x1  }
0x1: {  	s8 =	rddreg [dreg:$0x0]  }
0x2: {  	s2 =	rddreg [dreg:$0x1]  }
0x3: {  	s0 =	rddreg [dreg:$0x2]  }
0x4: {  	s4 =	srdreg.scid;
	s1 =	stileid.u32  }
0x5: {  	s3 =	simm.s32 $0x0;
	s16 =	simm.s32 $0x180;
	s17 =	simm.s32 $0x2  }
0x6: {  	s18 =	simm.s32 $0x80;
	s19 =	simm.s32 $0x100;
	s20 =	simm.s32 $0x1  }
0x7: {  	s9 =	sand.u32 $0x1, s4;
	s10 =	smul.u32 $0x2800, s1;
	[smem:$0x7FF] =	sst s3  }
0x8: {  	s4 =	sadd.s32 $0x14200, s8;
	s5 =	sadd.s32 $0xAFC00, s8;
	s12 =	smul.u32 $0xA000, s1  }
0x9: {  	s21 =	sshll.u32 s1, $0x6;
	s6 =	smul.u32 $0x28000, s9;
	_ =	strace $0x8000004D  }
0xa: {  	s30 =	ssub.s32 $0x2, s9;
	s9 =	sshll.u32 s9, $0x4;
	s21 =	sor.u32 $0x1C02, s21  }
0xb: {  	s31 =	sshrl.u32 s30, $0x1;
	s12 =	sshrl.u32 s12, $0x2;
	s13 =	sor.u32 s1, s9  }
0xc: {  	s7 =	sadd.s32 s10, s6;
	s6 =	sadd.s32 $0xA200, s8;
	s15 =	ssub.s32 s30, s31  }
0xd: {  	s12 =	sadd.s32 s12, s2;
	s13 =	smul.u32 $0x1400, s13;
	s11 =	sshrl.u32 s7, $0x3  }
0xe: {  	s7 =	sadd.s32 $0xF200, s8;
	s9 =	sadd.s32 $0x800, s12;
	s15 =	smax.u32 s15, $0x1  }
0xf: {  	s14 =	sadd.s32 s11, s8;
	s8 =	sadd.s32 s10, s2;
	s10 =	sadd.s32 $0x1000, s12  }
0x10: {  	v0 =	vimm.f32 $0.0e+00;
	s11 =	sadd.s32 $0x1800, s12;
	s12 =	sadd.s32 $0x2000, s12;
	s14 =	sadd.s32 $0x19200, s14  }
.LBB2_1:
0x11: {  	s22 =	simm.s32 $0x40;
	s23 =	simm.s32 $0x0  }
.LBB2_2:
0x12: {  	p0 =	sne.s32 s22, $0x1FC0;
	[tilespmem:s23+$0x180] =	vst v0;
	s23 =	smov.u32 s22;
	s22 =	sadd.s32 $0x40, s22  }
.Ltmp0:
0x13: {  	(pc) =	sbr.rel @p0 .LBB2_2-.Ltmp0, $2  }
0x14: {  	_ =	sdelay $0x2  }
0x15: {  	s23 =	sshra.s32 s23, $0x2  }
0x16: {  	[tilespmem:s23+$0x180] =	vst v0  }
0x17: {  	[spmem:s8] =	stream.linear.scatter [tilespmem:s16], [sflag:$0x2], $0x800, $0x38;
	[tilespmem:$0x3180] =	vst v63  }
0x18: {  	_ =	swait.ge [sflag:s17], $0x800  }
0x19: {  	[sflag:s17] =	ssyncset.done $0x0  }
0x1a: {  	[sflag:s17] =	ssyncadd.s32 $0xFFFFF800  }
0x1b: {  	[spmem:s9] =	stream.linear.scatter [tilespmem:s16], [sflag:$0x2], $0x800, $0x38;
	[tilespmem:$0x3180] =	vst v63  }
0x1c: {  	_ =	swait.ge [sflag:s17], $0x800  }
0x1d: {  	[sflag:s17] =	ssyncset.done $0x0  }
0x1e: {  	[sflag:s17] =	ssyncadd.s32 $0xFFFFF800  }
0x1f: {  	[spmem:s10] =	stream.linear.scatter [tilespmem:s16], [sflag:$0x2], $0x800, $0x38;
	[tilespmem:$0x3180] =	vst v63  }
0x20: {  	_ =	swait.ge [sflag:s17], $0x800  }
0x21: {  	[sflag:s17] =	ssyncset.done $0x0  }
0x22: {  	[sflag:s17] =	ssyncadd.s32 $0xFFFFF800  }
0x23: {  	[spmem:s11] =	stream.linear.scatter [tilespmem:s16], [sflag:$0x2], $0x800, $0x38;
	[tilespmem:$0x3180] =	vst v63  }
0x24: {  	_ =	swait.ge [sflag:s17], $0x800  }
0x25: {  	[sflag:s17] =	ssyncset.done $0x0  }
0x26: {  	[sflag:s17] =	ssyncadd.s32 $0xFFFFF800  }
0x27: {  	[spmem:s12] =	stream.linear.scatter [tilespmem:s16], [sflag:$0x2], $0x800, $0x38;
	[tilespmem:$0x3180] =	vst v63  }
0x28: {  	_ =	swait.ge [sflag:s17], $0x800  }
0x29: {  	[sflag:s17] =	ssyncset.done $0x0  }
0x2a: {  	[sflag:s17] =	ssyncadd.s32 $0xFFFFF800  }
0x2b: {  	s22 =	simm.s32 $0x0;
	s23 =	simm.s32 $0x0;
	[bflag:$0x0] =	sbarrier.arrive $0xFFFF  }
.LBB2_4:
0x2c: {  	s24 =	sshll.u32 s23, $0x7  }
0x2d: {  	s24 =	sadd.s32 s13, s24  }
0x2e: {  	s24 =	sshrl.u32 s24, $0x3  }
0x2f: {  	s25 =	sadd.s32 s5, s24  }
0x30: {  	[tilespmem:s22], [sflag:$0x2] =	stream.linear.gather [hbm4b:s25+s22], $0x80, $0x38;
	[tilespmem:$0x3180] =	vst v63  }
0x31: {  	_ =	swait.ge [sflag:s17], $0x80  }
0x32: {  	[sflag:s17] =	ssyncset.done $0x0  }
0x33: {  	s31 =	sadd.s32 s6, s24;
	[sflag:s17] =	ssyncadd.s32 $0xFFFFFF80  }
0x34: {  	[tilespmem:s18], [sflag:$0x2] =	stream.linear.gather [hbm4b:s31+s22], $0x80, $0x38;
	[tilespmem:$0x3180] =	vst v63  }
0x35: {  	_ =	swait.ge [sflag:s17], $0x80  }
0x36: {  	[sflag:s17] =	ssyncset.done $0x0  }
0x37: {  	s24 =	sadd.s32 s7, s24;
	[sflag:s17] =	ssyncadd.s32 $0xFFFFFF80  }
0x38: {  	[tilespmem:s19], [sflag:$0x2] =	stream.linear.gather [hbm4b:s24+s22], $0x80, $0x38;
	[tilespmem:$0x3180] =	vst v63  }
0x39: {  	_ =	swait.ge [sflag:s17], $0x80  }
0x3a: {  	[sflag:s17] =	ssyncset.done $0x0  }
0x3b: {  	[sflag:s17] =	ssyncadd.s32 $0xFFFFFF80  }
0x3c: {  	[tilespmem:s16], [sflag:$0x1] =	stream.indirect.gather [hbm4b:s4+s18], $0x10, s22, s18, $0xb8;
	[tilespmem:$0x3180] =	vst v63  }
0x3d: {  	_ =	swait.ge [sflag:s20], $0x800  }
0x3e: {  	[sflag:s20] =	ssyncset.done $0x0  }
0x3f: {  	s24 =	simm.s32 $0x200;
	[sflag:s20] =	ssyncadd.s32 $0xFFFFF800  }
0x40: {  	s28 =	simm.s32 $0x0;
	s26 =	simm.s32 $0x40;
	s25 =	simm.s32 $0x200;
	v1 =	vld [tilespmem:s24+$0xFFFFFFB0]  }
.LBB2_5:
0x41: {  	p0 =	sne.s32 s26, $0x1C0;
	v2 =	vld [tilespmem:s28+$0x100]  }
0x42: {  	v3 =	vld [tilespmem:s24+$0xFFFFFF90]  }
0x43: {  	v4 =	vld [tilespmem:s24+$0xFFFFFF80]  }
0x44: {  	v5 =	vld [tilespmem:s24+$0xFFFFFFA0]  }
0x45: {  	v6 =	vld [tilespmem:s24+$0xFFFFFFF0]  }
0x46: {  	v7 =	vbroadcast v2, $0x0;
	v8 =	vbroadcast v2, $0x1;
	v9 =	vld [tilespmem:s24+$0xFFFFFFD0]  }
0x47: {  	v10 =	vbroadcast v2, $0x2;
	v11 =	vbroadcast v2, $0x3;
	v12 =	vld [tilespmem:s24+$0xFFFFFFC0]  }
0x48: {  	v4 =	vmul.f32 v7, v4;
	v3 =	vmul.f32 v3, v8;
	v7 =	vld [tilespmem:s24+$0xFFFFFFE0]  }
0x49: {  	v1 =	vmul.f32 v1, v11;
	v5 =	vmul.f32 v5, v10;
	v8 =	vld [tilespmem:s24+$0x30]  }
0x4a: {  	v10 =	vbroadcast v2, $0x5;
	[tilespmem:s24+$0xFFFFFF80] =	vst v4;
	v4 =	vbroadcast v2, $0x4;
	v11 =	vld [tilespmem:s24+$0x10]  }
0x4b: {  	v13 =	vbroadcast v2, $0x7;
	[tilespmem:s24+$0xFFFFFF90] =	vst v3;
	v3 =	vbroadcast v2, $0x6;
	v14 =	vld [tilespmem:s24+$0x0]  }
0x4c: {  	[tilespmem:s24+$0xFFFFFFA0] =	vst v5;
	v4 =	vmul.f32 v12, v4;
	v5 =	vmul.f32 v9, v10;
	v9 =	vld [tilespmem:s24+$0x20]  }
0x4d: {  	[tilespmem:s24+$0xFFFFFFB0] =	vst v1;
	v1 =	vmul.f32 v7, v3;
	v3 =	vmul.f32 v6, v13;
	v6 =	vld [tilespmem:s24+$0x70]  }
0x4e: {  	v7 =	vbroadcast v2, $0x9;
	[tilespmem:s24+$0xFFFFFFC0] =	vst v4;
	v4 =	vbroadcast v2, $0x8;
	v10 =	vld [tilespmem:s24+$0x50]  }
0x4f: {  	v12 =	vbroadcast v2, $0xB;
	[tilespmem:s24+$0xFFFFFFD0] =	vst v5;
	v5 =	vbroadcast v2, $0xA;
	v13 =	vld [tilespmem:s24+$0x40]  }
0x50: {  	[tilespmem:s24+$0xFFFFFFE0] =	vst v1;
	v1 =	vmul.f32 v14, v4;
	v4 =	vmul.f32 v11, v7;
	v7 =	vld [tilespmem:s24+$0x60]  }
0x51: {  	[tilespmem:s24+$0xFFFFFFF0] =	vst v3;
	v3 =	vmul.f32 v9, v5;
	v5 =	vmul.f32 v8, v12  }
0x52: {  	v8 =	vbroadcast v2, $0xD;
	[tilespmem:s24+$0x0] =	vst v1;
	v1 =	vbroadcast v2, $0xC  }
0x53: {  	[tilespmem:s24+$0x10] =	vst v4;
	v4 =	vbroadcast v2, $0xE;
	v2 =	vbroadcast v2, $0xF  }
0x54: {  	[tilespmem:s24+$0x20] =	vst v3;
	v1 =	vmul.f32 v13, v1;
	v3 =	vmul.f32 v10, v8  }
.Ltmp1:
0x55: {  	[tilespmem:s24+$0x30] =	vst v5;
	v4 =	vmul.f32 v7, v4;
	v2 =	vmul.f32 v6, v2;
	(pc) =	sbr.rel @p0 .LBB2_5-.Ltmp1, $4  }
0x56: {  	[tilespmem:s24+$0x40] =	vst v1  }
0x57: {  	[tilespmem:s24+$0x50] =	vst v3  }
0x58: {  	s24 =	sadd.s32 $0x100, s24;
	[tilespmem:s25+$0x60] =	vst v4  }
0x59: {  	s28 =	sshra.s32 s26, $0x2;
	s26 =	sadd.s32 $0x40, s26;
	v1 =	vld [tilespmem:s24+$0xFFFFFFB0];
	[tilespmem:s25+$0x70] =	vst v2;
	s25 =	smov.u32 s24  }
0x5a: {  	v2 =	vld [tilespmem:s28+$0x100];
	_ =	sdelay $0x1  }
0x5b: {  	v3 =	vld [tilespmem:s24+$0xFFFFFF80]  }
0x5c: {  	v4 =	vld [tilespmem:s24+$0xFFFFFF90]  }
0x5d: {  	v5 =	vld [tilespmem:s24+$0xFFFFFFA0]  }
0x5e: {  	v6 =	vbroadcast v2, $0x0  }
0x5f: {  	v9 =	vld [tilespmem:s24+$0xFFFFFFD0];
	v7 =	vbroadcast v2, $0x1  }
0x60: {  	v8 =	vld [tilespmem:s24+$0xFFFFFFC0];
	v10 =	vbroadcast v2, $0x2;
	v3 =	vmul.f32 v6, v3  }
0x61: {  	v48 =	vld [tilespmem:s24+$0xFFFFFFE0];
	v47 =	vbroadcast v2, $0x3;
	v4 =	vmul.f32 v4, v7  }
0x62: {  	v51 =	vld [tilespmem:s24+$0x10];
	v49 =	vbroadcast v2, $0x5;
	v5 =	vmul.f32 v5, v10;
	[tilespmem:s24+$0xFFFFFF80] =	vst v3  }
0x63: {  	v11 =	vld [tilespmem:s24+$0xFFFFFFF0];
	v1 =	vmul.f32 v1, v47;
	v3 =	vbroadcast v2, $0x4;
	[tilespmem:s24+$0xFFFFFF90] =	vst v4  }
0x64: {  	v50 =	vld [tilespmem:s24+$0x0];
	v12 =	vbroadcast v2, $0x6;
	v6 =	vmul.f32 v9, v49;
	[tilespmem:s24+$0xFFFFFFA0] =	vst v5  }
0x65: {  	v56 =	vld [tilespmem:s24+$0x50];
	v54 =	vbroadcast v2, $0x9;
	[tilespmem:s24+$0xFFFFFFB0] =	vst v1;
	v3 =	vmul.f32 v8, v3  }
0x66: {  	v53 =	vld [tilespmem:s24+$0x20];
	v52 =	vbroadcast v2, $0x7;
	v7 =	vmul.f32 v48, v12;
	[tilespmem:s24+$0xFFFFFFD0] =	vst v6  }
0x67: {  	v59 =	vmul.f32 v51, v54;
	v1 =	vld [tilespmem:s24+$0x30];
	[tilespmem:s24+$0xFFFFFFC0] =	vst v3;
	v3 =	vbroadcast v2, $0x8  }
0x68: {  	v55 =	vld [tilespmem:s24+$0x40];
	v62 =	vbroadcast v2, $0xD;
	v5 =	vmul.f32 v11, v52;
	[tilespmem:s24+$0xFFFFFFE0] =	vst v7  }
0x69: {  	v60 =	vld [tilespmem:s24+$0x60];
	v57 =	vbroadcast v2, $0xA;
	[tilespmem:s24+$0x10] =	vst v59;
	v3 =	vmul.f32 v50, v3  }
0x6a: {  	v61 =	vld [tilespmem:s24+$0x70];
	v58 =	vbroadcast v2, $0xB;
	v4 =	vmul.f32 v56, v62;
	[tilespmem:s24+$0xFFFFFFF0] =	vst v5  }
0x6b: {  	v8 =	vmul.f32 v53, v57;
	[tilespmem:s24+$0x0] =	vst v3;
	v3 =	vbroadcast v2, $0xC  }
0x6c: {  	v63 =	vbroadcast v2, $0xE;
	[tilespmem:s24+$0x50] =	vst v4;
	v1 =	vmul.f32 v1, v58  }
0x6d: {  	[tilespmem:s24+$0x20] =	vst v8;
	v2 =	vbroadcast v2, $0xF;
	v3 =	vmul.f32 v55, v3  }
0x6e: {  	[tilespmem:s24+$0x30] =	vst v1;
	v1 =	vmul.f32 v60, v63  }
0x6f: {  	s23 =	sadd.s32 $0x1, s23;
	v2 =	vmul.f32 v61, v2;
	[tilespmem:s24+$0x40] =	vst v3  }
0x70: {  	p0 =	sne.s32 s23, $0x28;
	[tilespmem:s25+$0x60] =	vst v1  }
.Ltmp2:
0x71: {  	[tilespmem:s25+$0x70] =	vst v2;
	(pc) =	sbr.rel @p0 .LBB2_4-.Ltmp2, $4  }
0x72: {  	[spmem:s2] =	stream.indirect.scatter.add.f32 [tilespmem:s16], [sflag:$0x2], $0x10, s18, s18, $0xb8;
	[tilespmem:$0x3180] =	vst v63  }
0x73: {  	_ =	swait.ge [sflag:s17], $0x800  }
0x74: {  	[sflag:s17] =	ssyncset.done $0x0  }
0x75: {  	[sflag:s17] =	ssyncadd.s32 $0xFFFFF800  }
0x76: {  	s3 =	sadd.s32 $0x1, s3  }
0x77: {  	p0 =	sne.s32 s3, s15  }
.Ltmp3:
0x78: {  	[bflag:$0x0] =	sbarrier.arrive $0xFFFF;
	s22 =	sshrl.u32 s8, $0x3;
	(pc) =	sbr.rel @p0 .LBB2_1-.Ltmp3, $4  }
0x79: {  	[hbm:s14], [sflag:s21] =	dma.local [spmem:s22], $0x500  }
0x7a: {  	_ =	swait.ge [sflag:s17], $0x500  }
0x7b: {  	[sflag:s17] =	ssyncset.done $0x0  }
0x7c: {  	[sflag:s17] =	ssyncadd.s32 $0xFFFFFB00  }
0x7d: {  	_ =	sfence.sel $0x180000  }
0x7e: {  	[bflag:$0x0] =	sbarrier.arrive $0xFFFF  }
0x7f: {  	p0 =	sne.s32 s1, $0x0;
	_ =	strace $0x9000004D  }
0x80: {  	s0 =	sadd.s32 @!p0 $0x100000, s0;
	[bflag:$0x2] =	sbarrier.arrive $0xFFFF  }
0x81: {  	[sflag:s0] =	ssyncadd.tile.s32 @!p0 $0x1;
	_ =	shalt  }
.Lfunc_end2:
_tile_overlayer_lowered:
.L_overlay_start_2:
0x82: {  	(tag) =	ssettag $0x2  }
0x83: {  	s0 =	rddreg [dreg:$0x0];
	s2 =	stileid.u32  }
0x84: {  	s1 =	rddreg [dreg:$0x1];
	p0 =	sne.s32 s2, $0x0  }
0x85: {  	s3 =	rddreg [dreg:$0x2];
	[bflag:$0x3] =	sbarrier.arrive $0xFFFF;
	s2 =	simm.s32 @!p0 $0x1C02  }
0x86: {  	[timem:s3], [sflag:s2] =	dma.local @!p0 [hbm:s0], s1  }
0x87: {  	s0 =	simm.s32 @!p0 $0x2  }
0x88: {  	_ =	swait.ge @!p0 [sflag:s0], s1  }
0x89: {  	s1 =	ssub.s32 @!p0 $0x0, s1;
	[sflag:s0] =	ssyncset.done @!p0 $0x0  }
0x8a: {  	[sflag:s0] =	ssyncadd.s32 @!p0 s1  }
0x8b: {  	[bflag:$0x3] =	sbarrier.arrive $0xFFFF  }
0x8c: {  	_ =	shalt  }

// kernel: kernel.24.cloned.1.call-start
scs
__scs_entry_jumppad:
0x0: {  	(pc) =	sbr.rel $0x88, $3  }
0x1: {  	(tag) =	ssettag $0x0;
	lr =	simm.s32 $0x1  }
0x2: {  	[smem:$0x3F85] =	sst lr;
	_ =	strace $0xD0000000  }
0x3: {  	_ = 	snop  }
0x4: {  	_ = 	snop  }
0x5: {  	_ = 	snop  }
0x6: {  	_ = 	snop  }
0x7: {  	_ = 	snop  }
__scs_overlays_trampoline_lowered:
0x8: {  	[smem:$0x3F94] =	sst s0  }
0x9: {  	[smem:$0x3F95] =	sst s1  }
0xa: {  	[smem:$0x3F96] =	sst s2  }
0xb: {  	[smem:$0x3F97] =	sst s3  }
0xc: {  	[smem:$0x3F98] =	sst s4  }
0xd: {  	[smem:$0x3F99] =	sst s5  }
0xe: {  	[smem:$0x3F9A] =	sst s6  }
0xf: {  	[smem:$0x3F9B] =	sst s7  }
0x10: {  	[smem:$0x3F9C] =	sst s8  }
0x11: {  	[smem:$0x3F9D] =	sst s9;
	s0 =	simm.s32 @!p0 $0x0  }
0x12: {  	s1 =	sld [smem:$0x3F83];
	s0 =	simm.s32 @p0 $0x1  }
0x13: {  	[smem:$0x3F9E] =	sst s0;
	s0 =	simm.s32 @!p1 $0x0  }
0x14: {  	s2 =	sld [smem:$0x3F82];
	s0 =	simm.s32 @p1 $0x1  }
0x15: {  	[smem:$0x3F9F] =	sst s0;
	s0 =	simm.s32 @!p2 $0x0  }
0x16: {  	s3 =	sld [smem:$0x3FDB];
	s0 =	simm.s32 @p2 $0x1  }
0x17: {  	s4 =	simm.s32 $0x1BF5;
	[smem:$0x3FA1] =	sst s0  }
0x18: {  	s0 =	sld [smem:$0x3F84];
	_ =	swait.ge [sflag:s4], $0x0  }
0x19: {  	s7 =	sld [smem:$0x3F85]  }
0x1a: {  	s8 =	sadd.s32 $0xFFFFE003, lr  }
0x1b: {  	s9 =	sadd.s32 $0xFFFFFEF7, lr;
	s5 =	simm.s32 $0xFFFFFFFF;
	p2 =	slt.u32 s8, $0xFFFFF086  }
0x1c: {  	p1 =	slt.u32 s9, $0xF7A;
	s5 =	simm.s32 @!p2 $0x0  }
0x1d: {  	s5 =	simm.s32 @p1 $0x1;
	p0 =	seq.s32 s7, s2  }
0x1e: {  	s7 =	smul.u32 @!p0 $0xF7A, s2;
	p2 =	seq.s32 @!p0 s5, $0x0  }
0x1f: {  	s9 =	smul.u32 $0xF7A, s1;
	s8 =	simm.s32 @!p0 $0x1BF5;
	p2 =	por !p2, p0  }
0x20: {  	[sflag:s8] =	ssyncset.s32 @!p0 $0xFFFFF086;
	s6 =	sadd.s32 @!p0 s3, s7;
	s7 =	simm.s32 @!p0 $0x108  }
0x21: {  	s3 =	sadd.s32 s3, s9;
	s6 =	sadd.s32 @!p0 $0x88, s6;
	s7 =	simm.s32 @p2 $0x1082  }
0x22: {  	[simem:s7], [sflag:s8] =	dma.local @!p0 [hbm:s6], $0xF7A  }
0x23: {  	s9 =	sor.u32 $0xD0000000, s2;
	s6 =	simm.s32 $0x108;
	_ =	swait.ge @!p0 [sflag:s8], $0x0  }
0x24: {  	s3 =	sadd.s32 $0x88, s3;
	s6 =	simm.s32 @!p1 $0x1082;
	[sflag:s4] =	ssyncset.s32 $0xFFFFF086  }
0x25: {  	[simem:s6], [sflag:s4] =	dma.local [hbm:s3], $0xF7A  }
0x26: {  	[smem:$0x3F85] =	sst s1;
	(tag) =	ssettag s2;
	_ =	strace s9  }
0x27: {  	s1 =	sld [smem:$0x3F95]  }
0x28: {  	s2 =	sld [smem:$0x3F96]  }
0x29: {  	s4 =	sld [smem:$0x3F98]  }
0x2a: {  	p0 =	seq.s32 s5, $0x0;
	s5 =	sld [smem:$0x3F99]  }
0x2b: {  	s6 =	sld [smem:$0x3F9A]  }
0x2c: {  	s7 =	sld [smem:$0x3F9B]  }
0x2d: {  	s3 =	simm.s32 $0x108;
	s8 =	sld [smem:$0x3F9C]  }
0x2e: {  	s3 =	simm.s32 @!p0 $0x1082;
	s9 =	sld [smem:$0x3F9D]  }
0x2f: {  	lr =	sadd.s32 s0, s3;
	s0 =	sld [smem:$0x3F94]  }
0x30: {  	s3 =	sld [smem:$0x3F97]  }
0x31: {  	[smem:$0x3FA0] =	sst s10  }
0x32: {  	s10 =	sld [smem:$0x3F9E];
	_ =	sdelay $0x3  }
0x33: {  	p0 =	seq.s32 s10, $0x1;
	s10 =	sld [smem:$0x3FA0];
	_ =	sdelay $0x3  }
0x34: {  	[smem:$0x3FA0] =	sst s10  }
0x35: {  	s10 =	sld [smem:$0x3F9F];
	_ =	sdelay $0x3  }
0x36: {  	p1 =	seq.s32 s10, $0x1;
	s10 =	sld [smem:$0x3FA0];
	_ =	sdelay $0x3  }
0x37: {  	[smem:$0x3FA0] =	sst s10  }
0x38: {  	s10 =	sld [smem:$0x3FA1]  }
0x39: {  	_ = 	snop;
	(pc) =	sbr.ind lr, $3  }
0x3a: {  	_ = 	snop  }
0x3b: {  	_ = 	snop  }
0x3c: {  	p2 =	seq.s32 s10, $0x1;
	s10 =	sld [smem:$0x3FA0]  }
0x3d: {  	_ =	shalt  }
0x3e: {  	_ =	shalt  }
0x3f: {  	_ =	shalt  }
0x40: {  	_ =	shalt  }
0x41: {  	_ =	shalt  }
0x42: {  	_ =	shalt  }
0x43: {  	_ =	shalt  }
0x44: {  	_ =	shalt  }
0x45: {  	_ =	shalt  }
0x46: {  	_ =	shalt  }
0x47: {  	_ =	shalt  }
0x48: {  	_ =	shalt  }
0x49: {  	_ =	shalt  }
0x4a: {  	_ =	shalt  }
0x4b: {  	_ =	shalt  }
0x4c: {  	_ =	shalt  }
0x4d: {  	_ =	shalt  }
0x4e: {  	_ =	shalt  }
0x4f: {  	_ =	shalt  }
0x50: {  	_ =	shalt  }
0x51: {  	_ =	shalt  }
0x52: {  	_ =	shalt  }
0x53: {  	_ =	shalt  }
0x54: {  	_ =	shalt  }
0x55: {  	_ =	shalt  }
0x56: {  	_ =	shalt  }
0x57: {  	_ =	shalt  }
0x58: {  	_ =	shalt  }
0x59: {  	_ =	shalt  }
0x5a: {  	_ =	shalt  }
0x5b: {  	_ =	shalt  }
0x5c: {  	_ =	shalt  }
0x5d: {  	_ =	shalt  }
0x5e: {  	_ =	shalt  }
0x5f: {  	_ =	shalt  }
0x60: {  	_ =	shalt  }
0x61: {  	_ =	shalt  }
0x62: {  	_ =	shalt  }
0x63: {  	_ =	shalt  }
0x64: {  	_ =	shalt  }
0x65: {  	_ =	shalt  }
0x66: {  	_ =	shalt  }
0x67: {  	_ =	shalt  }
0x68: {  	_ =	shalt  }
0x69: {  	_ =	shalt  }
0x6a: {  	_ =	shalt  }
0x6b: {  	_ =	shalt  }
0x6c: {  	_ =	shalt  }
0x6d: {  	_ =	shalt  }
0x6e: {  	_ =	shalt  }
0x6f: {  	_ =	shalt  }
0x70: {  	_ =	shalt  }
0x71: {  	_ =	shalt  }
0x72: {  	_ =	shalt  }
0x73: {  	_ =	shalt  }
0x74: {  	_ =	shalt  }
0x75: {  	_ =	shalt  }
0x76: {  	_ =	shalt  }
0x77: {  	_ =	shalt  }
0x78: {  	_ =	shalt  }
0x79: {  	_ =	shalt  }
0x7a: {  	_ =	shalt  }
0x7b: {  	_ =	shalt  }
0x7c: {  	_ =	shalt  }
0x7d: {  	_ =	shalt  }
0x7e: {  	_ =	shalt  }
0x7f: {  	_ =	shalt  }
0x80: {  	_ =	shalt  }
0x81: {  	_ =	shalt  }
0x82: {  	_ =	shalt  }
0x83: {  	_ =	shalt  }
0x84: {  	_ =	shalt  }
0x85: {  	_ =	shalt  }
0x86: {  	_ =	shalt  }
0x87: {  	_ =	shalt  }
.Lfunc_end0:
.L_simem_size_0:
called_computation.3_lowered:
.L_overlay_start_0:
0x88: {  	s2 =	sld [smem:$0x3FD9]  }
0x89: {  	s3 =	sld [smem:$0x3FFE];
	_ =	sdelay $0x1  }
0x8a: {  	s1 =	srdreg.scid  }
0x8b: {  	s0 =	sand.u32 $0x1, s1  }
0x8c: {  	s16 =	sshll.u32 s0, $0xA;
	s2 =	sadd.s32 s3, s2  }
0x8d: {  	s2 =	sadd.s32 s2, s16  }
0x8e: {  	[smem:$0x3FAC] =	sst s2  }
0x8f: {  	_ = 	snop  }
0x90: {  	(tm) =	ssettm $0x1  }
0x91: {  	s17 =	sld [smem:$0x3FFB];
	_ =	sdelay $0x3  }
0x92: {  	_ =	strace s17  }
0x93: {  	s2 =	sld [smem:$0x3FFC];
	_ =	sdelay $0x3  }
0x94: {  	_ =	strace s2  }
0x95: {  	s2 =	sld [smem:$0x3FFD];
	_ =	sdelay $0x3  }
0x96: {  	_ =	strace s2  }
0x97: {  	_ =	strace $0x8FFFFFFF  }
0x98: {  	s18 =	sld [smem:$0x3FDB];
	_ =	sdelay $0x1  }
0x99: {  	s19 =	simm.s32 $_scs_section_size  }
0x9a: {  	s4 =	simm.s32 $_size__tile_overlayer_lowered;
	s5 =	simm.s32 $_tile_overlayer_lowered  }
0x9b: {  	s22 =	simm.s32 $0x1BFF;
	s21 =	sshll.u32 s5, $0x1;
	s2 =	sadd.s32 s19, s18  }
0x9c: {  	s6 =	simm.s32 $0x0;
	s20 =	sshll.u32 s4, $0x1;
	s4 =	sadd.s32 s21, s2  }
0x9d: {  	[timem:s6], [sflag:s22] =	dma.local [hbm:s4], s20  }
0x9e: {  	_ =	swait.ge [sflag:s22], s20  }
0x9f: {  	s3 =	ssub.s32 $0x0, s20;
	[sflag:s22] =	ssyncset.done $0x0  }
0xa0: {  	[sflag:s22] =	ssyncadd.s32 s3;
	_ =	sdelay $0x1  }
0xa1: {  	s23 =	simm.s32 $0x1B8B  }
0xa2: {  	_ =	swait.ge [sflag:s23], $0x1  }
0xa3: {  	[sflag:s23] =	ssyncset.done $0x0  }
0xa4: {  	s25 =	simm.s32 $0x1B8E;
	s24 =	sld [smem:$0x3FFE];
	[sflag:s23] =	ssyncadd.s32 $0xFFFFFFFF  }
0xa5: {  	s26 =	simm.s32 $execute0_lowered;
	[smem:$0x3FD2] =	sst s25  }
0xa6: {  	s4 =	sshll.u32 s26, $0x1;
	_ =	strace $0x8000004F;
	[dreg:$0x1] =	wrdreg $0xFFFFFFFF  }
0xa7: {  	s28 =	simm.s32 $_size_execute0_lowered;
	s2 =	sadd.s32 s2, s4;
	[dreg:$0x0] =	wrdreg $0x0  }
0xa8: {  	s4 =	sshll.u32 s28, $0x1;
	[dreg:$0x2] =	wrdreg s2  }
0xa9: {  	[dreg:$0x3] =	wrdreg s4  }
0xaa: {  	[dreg:$0x4] =	wrdreg $0xC0  }
0xab: {  	_ =	task [dreg:s6], $0x5FFFF  }
0xac: {  	[dreg:$0x1] =	wrdreg $0xFFFFFFFF  }
0xad: {  	[dreg:$0x0] =	wrdreg $0x60  }
0xae: {  	[dreg:$0x2] =	wrdreg s24  }
0xaf: {  	[dreg:$0x3] =	wrdreg $0x9800  }
0xb0: {  	[dreg:$0x4] =	wrdreg $0x9  }
0xb1: {  	_ =	task.clear_ibuf [dreg:s6], $0x5FFFF;
	_ =	strace $0x9000004F  }
0xb2: {  	s29 =	simm.s32 $0x9;
	_ =	strace $0x80000051  }
0xb3: {  	_ =	swait.ge [sflag:s29], $0x1  }
0xb4: {  	[sflag:s29] =	ssyncadd.s32 $0xFFFFFFFF  }
0xb5: {  	_ =	strace $0x90000051  }
0xb6: {  	_ =	sfence  }
0xb7: {  	s30 =	sld [smem:$0x0];
	_ =	sdelay $0x2  }
0xb8: {  	s31 =	sshll.u32 s1, $0xD;
	s1 =	sshrl.u32 s1, $0x2  }
0xb9: {  	s3 =	sand.u32 $0x4000, s31;
	s1 =	sadd.s32 s1, s30  }
0xba: {  	s0 =	sor.u32 s3, s0;
	s1 =	sshll.u32 s1, $0x11  }
0xbb: {  	s0 =	sor.u32 s1, s0  }
0xbc: {  	s0 =	sadd.s32 $0x8F2B, s0  }
0xbd: {  	[sflag:s0] =	ssyncadd.remote.s32 $0x1  }
0xbe: {  	_ =	sfence.sel $0xFFFF  }
0xbf: {  	[dreg:$0x0] =	wrdreg $0xFFFFFFFF;
	(pc) =	sbr.abs _section_cstart, $3  }
0xc0: {  	[dreg:$0x1] =	wrdreg $0xFFFFFFFF  }
0xc1: {  	_ =	task.clear_ibuf [dreg:s6], $0x2FFFF;
	_ =	strace $0x9FFFFFFF  }
0xc2: {  	(tm) =	ssettm $0x7FFFFFFF  }
0xc3: {  	_ =	shalt  }
tec
execute0_lowered:
.L_overlay_start_1:
0x0: {  	(tag) =	ssettag $0x1  }
0x1: {  	s8 =	rddreg [dreg:$0x0]  }
0x2: {  	s2 =	rddreg [dreg:$0x1]  }
0x3: {  	s0 =	rddreg [dreg:$0x2]  }
0x4: {  	s4 =	srdreg.scid;
	s1 =	stileid.u32  }
0x5: {  	s3 =	simm.s32 $0x0;
	s16 =	simm.s32 $0x180;
	s17 =	simm.s32 $0x2  }
0x6: {  	s18 =	simm.s32 $0x80;
	s19 =	simm.s32 $0x100;
	s20 =	simm.s32 $0x1  }
0x7: {  	s9 =	sand.u32 $0x1, s4;
	s10 =	smul.u32 $0x2800, s1;
	[smem:$0x7FF] =	sst s3  }
0x8: {  	s4 =	sadd.s32 $0x5200, s8;
	s5 =	sadd.s32 $0xAFC00, s8;
	s12 =	smul.u32 $0xA000, s1  }
0x9: {  	s21 =	sshll.u32 s1, $0x6;
	s6 =	smul.u32 $0x28000, s9;
	_ =	strace $0x80000050  }
0xa: {  	s30 =	ssub.s32 $0x2, s9;
	s9 =	sshll.u32 s9, $0x4;
	s21 =	sor.u32 $0x1C02, s21  }
0xb: {  	s31 =	sshrl.u32 s30, $0x1;
	s12 =	sshrl.u32 s12, $0x2;
	s13 =	sor.u32 s1, s9  }
0xc: {  	s7 =	sadd.s32 s10, s6;
	s6 =	sadd.s32 $0xA200, s8;
	s15 =	ssub.s32 s30, s31  }
0xd: {  	s12 =	sadd.s32 s12, s2;
	s13 =	smul.u32 $0x1400, s13;
	s11 =	sshrl.u32 s7, $0x3  }
0xe: {  	s7 =	sadd.s32 $0xF200, s8;
	s9 =	sadd.s32 $0x800, s12;
	s15 =	smax.u32 s15, $0x1  }
0xf: {  	s14 =	sadd.s32 s11, s8;
	s8 =	sadd.s32 s10, s2;
	s10 =	sadd.s32 $0x1000, s12  }
0x10: {  	v0 =	vimm.f32 $0.0e+00;
	s11 =	sadd.s32 $0x1800, s12;
	s12 =	sadd.s32 $0x2000, s12;
	s14 =	sadd.s32 $0x64200, s14  }
.LBB2_1:
0x11: {  	s22 =	simm.s32 $0x40;
	s23 =	simm.s32 $0x0  }
.LBB2_2:
0x12: {  	p0 =	sne.s32 s22, $0x1FC0;
	[tilespmem:s23+$0x180] =	vst v0;
	s23 =	smov.u32 s22;
	s22 =	sadd.s32 $0x40, s22  }
.Ltmp0:
0x13: {  	(pc) =	sbr.rel @p0 .LBB2_2-.Ltmp0, $2  }
0x14: {  	_ =	sdelay $0x2  }
0x15: {  	s23 =	sshra.s32 s23, $0x2  }
0x16: {  	[tilespmem:s23+$0x180] =	vst v0  }
0x17: {  	[spmem:s8] =	stream.linear.scatter [tilespmem:s16], [sflag:$0x2], $0x800, $0x38;
	[tilespmem:$0x3180] =	vst v63  }
0x18: {  	_ =	swait.ge [sflag:s17], $0x800  }
0x19: {  	[sflag:s17] =	ssyncset.done $0x0  }
0x1a: {  	[sflag:s17] =	ssyncadd.s32 $0xFFFFF800  }
0x1b: {  	[spmem:s9] =	stream.linear.scatter [tilespmem:s16], [sflag:$0x2], $0x800, $0x38;
	[tilespmem:$0x3180] =	vst v63  }
0x1c: {  	_ =	swait.ge [sflag:s17], $0x800  }
0x1d: {  	[sflag:s17] =	ssyncset.done $0x0  }
0x1e: {  	[sflag:s17] =	ssyncadd.s32 $0xFFFFF800  }
0x1f: {  	[spmem:s10] =	stream.linear.scatter [tilespmem:s16], [sflag:$0x2], $0x800, $0x38;
	[tilespmem:$0x3180] =	vst v63  }
0x20: {  	_ =	swait.ge [sflag:s17], $0x800  }
0x21: {  	[sflag:s17] =	ssyncset.done $0x0  }
0x22: {  	[sflag:s17] =	ssyncadd.s32 $0xFFFFF800  }
0x23: {  	[spmem:s11] =	stream.linear.scatter [tilespmem:s16], [sflag:$0x2], $0x800, $0x38;
	[tilespmem:$0x3180] =	vst v63  }
0x24: {  	_ =	swait.ge [sflag:s17], $0x800  }
0x25: {  	[sflag:s17] =	ssyncset.done $0x0  }
0x26: {  	[sflag:s17] =	ssyncadd.s32 $0xFFFFF800  }
0x27: {  	[spmem:s12] =	stream.linear.scatter [tilespmem:s16], [sflag:$0x2], $0x800, $0x38;
	[tilespmem:$0x3180] =	vst v63  }
0x28: {  	_ =	swait.ge [sflag:s17], $0x800  }
0x29: {  	[sflag:s17] =	ssyncset.done $0x0  }
0x2a: {  	[sflag:s17] =	ssyncadd.s32 $0xFFFFF800  }
0x2b: {  	s22 =	simm.s32 $0x0;
	s23 =	simm.s32 $0x0;
	[bflag:$0x0] =	sbarrier.arrive $0xFFFF  }
.LBB2_4:
0x2c: {  	s24 =	sshll.u32 s23, $0x7  }
0x2d: {  	s24 =	sadd.s32 s13, s24  }
0x2e: {  	s24 =	sshrl.u32 s24, $0x3  }
0x2f: {  	s25 =	sadd.s32 s5, s24  }
0x30: {  	[tilespmem:s22], [sflag:$0x2] =	stream.linear.gather [hbm4b:s25+s22], $0x80, $0x38;
	[tilespmem:$0x3180] =	vst v63  }
0x31: {  	_ =	swait.ge [sflag:s17], $0x80  }
0x32: {  	[sflag:s17] =	ssyncset.done $0x0  }
0x33: {  	s31 =	sadd.s32 s6, s24;
	[sflag:s17] =	ssyncadd.s32 $0xFFFFFF80  }
0x34: {  	[tilespmem:s18], [sflag:$0x2] =	stream.linear.gather [hbm4b:s31+s22], $0x80, $0x38;
	[tilespmem:$0x3180] =	vst v63  }
0x35: {  	_ =	swait.ge [sflag:s17], $0x80  }
0x36: {  	[sflag:s17] =	ssyncset.done $0x0  }
0x37: {  	s24 =	sadd.s32 s7, s24;
	[sflag:s17] =	ssyncadd.s32 $0xFFFFFF80  }
0x38: {  	[tilespmem:s19], [sflag:$0x2] =	stream.linear.gather [hbm4b:s24+s22], $0x80, $0x38;
	[tilespmem:$0x3180] =	vst v63  }
0x39: {  	_ =	swait.ge [sflag:s17], $0x80  }
0x3a: {  	[sflag:s17] =	ssyncset.done $0x0  }
0x3b: {  	[sflag:s17] =	ssyncadd.s32 $0xFFFFFF80  }
0x3c: {  	[tilespmem:s16], [sflag:$0x1] =	stream.indirect.gather [hbm4b:s4+s18], $0x10, s22, s18, $0xb8;
	[tilespmem:$0x3180] =	vst v63  }
0x3d: {  	_ =	swait.ge [sflag:s20], $0x800  }
0x3e: {  	[sflag:s20] =	ssyncset.done $0x0  }
0x3f: {  	s24 =	simm.s32 $0x200;
	[sflag:s20] =	ssyncadd.s32 $0xFFFFF800  }
0x40: {  	s28 =	simm.s32 $0x0;
	s26 =	simm.s32 $0x40;
	s25 =	simm.s32 $0x200;
	v1 =	vld [tilespmem:s24+$0xFFFFFFB0]  }
.LBB2_5:
0x41: {  	p0 =	sne.s32 s26, $0x1C0;
	v2 =	vld [tilespmem:s28+$0x100]  }
0x42: {  	v3 =	vld [tilespmem:s24+$0xFFFFFF90]  }
0x43: {  	v4 =	vld [tilespmem:s24+$0xFFFFFF80]  }
0x44: {  	v5 =	vld [tilespmem:s24+$0xFFFFFFA0]  }
0x45: {  	v6 =	vld [tilespmem:s24+$0xFFFFFFF0]  }
0x46: {  	v7 =	vbroadcast v2, $0x0;
	v8 =	vbroadcast v2, $0x1;
	v9 =	vld [tilespmem:s24+$0xFFFFFFD0]  }
0x47: {  	v10 =	vbroadcast v2, $0x2;
	v11 =	vbroadcast v2, $0x3;
	v12 =	vld [tilespmem:s24+$0xFFFFFFC0]  }
0x48: {  	v4 =	vmul.f32 v7, v4;
	v3 =	vmul.f32 v3, v8;
	v7 =	vld [tilespmem:s24+$0xFFFFFFE0]  }
0x49: {  	v1 =	vmul.f32 v1, v11;
	v5 =	vmul.f32 v5, v10;
	v8 =	vld [tilespmem:s24+$0x30]  }
0x4a: {  	v10 =	vbroadcast v2, $0x5;
	[tilespmem:s24+$0xFFFFFF80] =	vst v4;
	v4 =	vbroadcast v2, $0x4;
	v11 =	vld [tilespmem:s24+$0x10]  }
0x4b: {  	v13 =	vbroadcast v2, $0x7;
	[tilespmem:s24+$0xFFFFFF90] =	vst v3;
	v3 =	vbroadcast v2, $0x6;
	v14 =	vld [tilespmem:s24+$0x0]  }
0x4c: {  	[tilespmem:s24+$0xFFFFFFA0] =	vst v5;
	v4 =	vmul.f32 v12, v4;
	v5 =	vmul.f32 v9, v10;
	v9 =	vld [tilespmem:s24+$0x20]  }
0x4d: {  	[tilespmem:s24+$0xFFFFFFB0] =	vst v1;
	v1 =	vmul.f32 v7, v3;
	v3 =	vmul.f32 v6, v13;
	v6 =	vld [tilespmem:s24+$0x70]  }
0x4e: {  	v7 =	vbroadcast v2, $0x9;
	[tilespmem:s24+$0xFFFFFFC0] =	vst v4;
	v4 =	vbroadcast v2, $0x8;
	v10 =	vld [tilespmem:s24+$0x50]  }
0x4f: {  	v12 =	vbroadcast v2, $0xB;
	[tilespmem:s24+$0xFFFFFFD0] =	vst v5;
	v5 =	vbroadcast v2, $0xA;
	v13 =	vld [tilespmem:s24+$0x40]  }
0x50: {  	[tilespmem:s24+$0xFFFFFFE0] =	vst v1;
	v1 =	vmul.f32 v14, v4;
	v4 =	vmul.f32 v11, v7;
	v7 =	vld [tilespmem:s24+$0x60]  }
0x51: {  	[tilespmem:s24+$0xFFFFFFF0] =	vst v3;
	v3 =	vmul.f32 v9, v5;
	v5 =	vmul.f32 v8, v12  }
0x52: {  	v8 =	vbroadcast v2, $0xD;
	[tilespmem:s24+$0x0] =	vst v1;
	v1 =	vbroadcast v2, $0xC  }
0x53: {  	[tilespmem:s24+$0x10] =	vst v4;
	v4 =	vbroadcast v2, $0xE;
	v2 =	vbroadcast v2, $0xF  }
0x54: {  	[tilespmem:s24+$0x20] =	vst v3;
	v1 =	vmul.f32 v13, v1;
	v3 =	vmul.f32 v10, v8  }
.Ltmp1:
0x55: {  	[tilespmem:s24+$0x30] =	vst v5;
	v4 =	vmul.f32 v7, v4;
	v2 =	vmul.f32 v6, v2;
	(pc) =	sbr.rel @p0 .LBB2_5-.Ltmp1, $4  }
0x56: {  	[tilespmem:s24+$0x40] =	vst v1  }
0x57: {  	[tilespmem:s24+$0x50] =	vst v3  }
0x58: {  	s24 =	sadd.s32 $0x100, s24;
	[tilespmem:s25+$0x60] =	vst v4  }
0x59: {  	s28 =	sshra.s32 s26, $0x2;
	s26 =	sadd.s32 $0x40, s26;
	v1 =	vld [tilespmem:s24+$0xFFFFFFB0];
	[tilespmem:s25+$0x70] =	vst v2;
	s25 =	smov.u32 s24  }
0x5a: {  	v2 =	vld [tilespmem:s28+$0x100];
	_ =	sdelay $0x1  }
0x5b: {  	v3 =	vld [tilespmem:s24+$0xFFFFFF80]  }
0x5c: {  	v4 =	vld [tilespmem:s24+$0xFFFFFF90]  }
0x5d: {  	v5 =	vld [tilespmem:s24+$0xFFFFFFA0]  }
0x5e: {  	v6 =	vbroadcast v2, $0x0  }
0x5f: {  	v9 =	vld [tilespmem:s24+$0xFFFFFFD0];
	v7 =	vbroadcast v2, $0x1  }
0x60: {  	v8 =	vld [tilespmem:s24+$0xFFFFFFC0];
	v10 =	vbroadcast v2, $0x2;
	v3 =	vmul.f32 v6, v3  }
0x61: {  	v48 =	vld [tilespmem:s24+$0xFFFFFFE0];
	v47 =	vbroadcast v2, $0x3;
	v4 =	vmul.f32 v4, v7  }
0x62: {  	v51 =	vld [tilespmem:s24+$0x10];
	v49 =	vbroadcast v2, $0x5;
	v5 =	vmul.f32 v5, v10;
	[tilespmem:s24+$0xFFFFFF80] =	vst v3  }
0x63: {  	v11 =	vld [tilespmem:s24+$0xFFFFFFF0];
	v1 =	vmul.f32 v1, v47;
	v3 =	vbroadcast v2, $0x4;
	[tilespmem:s24+$0xFFFFFF90] =	vst v4  }
0x64: {  	v50 =	vld [tilespmem:s24+$0x0];
	v12 =	vbroadcast v2, $0x6;
	v6 =	vmul.f32 v9, v49;
	[tilespmem:s24+$0xFFFFFFA0] =	vst v5  }
0x65: {  	v56 =	vld [tilespmem:s24+$0x50];
	v54 =	vbroadcast v2, $0x9;
	[tilespmem:s24+$0xFFFFFFB0] =	vst v1;
	v3 =	vmul.f32 v8, v3  }
0x66: {  	v53 =	vld [tilespmem:s24+$0x20];
	v52 =	vbroadcast v2, $0x7;
	v7 =	vmul.f32 v48, v12;
	[tilespmem:s24+$0xFFFFFFD0] =	vst v6  }
0x67: {  	v59 =	vmul.f32 v51, v54;
	v1 =	vld [tilespmem:s24+$0x30];
	[tilespmem:s24+$0xFFFFFFC0] =	vst v3;
	v3 =	vbroadcast v2, $0x8  }
0x68: {  	v55 =	vld [tilespmem:s24+$0x40];
	v62 =	vbroadcast v2, $0xD;
	v5 =	vmul.f32 v11, v52;
	[tilespmem:s24+$0xFFFFFFE0] =	vst v7  }
0x69: {  	v60 =	vld [tilespmem:s24+$0x60];
	v57 =	vbroadcast v2, $0xA;
	[tilespmem:s24+$0x10] =	vst v59;
	v3 =	vmul.f32 v50, v3  }
0x6a: {  	v61 =	vld [tilespmem:s24+$0x70];
	v58 =	vbroadcast v2, $0xB;
	v4 =	vmul.f32 v56, v62;
	[tilespmem:s24+$0xFFFFFFF0] =	vst v5  }
0x6b: {  	v8 =	vmul.f32 v53, v57;
	[tilespmem:s24+$0x0] =	vst v3;
	v3 =	vbroadcast v2, $0xC  }
0x6c: {  	v63 =	vbroadcast v2, $0xE;
	[tilespmem:s24+$0x50] =	vst v4;
	v1 =	vmul.f32 v1, v58  }
0x6d: {  	[tilespmem:s24+$0x20] =	vst v8;
	v2 =	vbroadcast v2, $0xF;
	v3 =	vmul.f32 v55, v3  }
0x6e: {  	[tilespmem:s24+$0x30] =	vst v1;
	v1 =	vmul.f32 v60, v63  }
0x6f: {  	s23 =	sadd.s32 $0x1, s23;
	v2 =	vmul.f32 v61, v2;
	[tilespmem:s24+$0x40] =	vst v3  }
0x70: {  	p0 =	sne.s32 s23, $0x28;
	[tilespmem:s25+$0x60] =	vst v1  }
.Ltmp2:
0x71: {  	[tilespmem:s25+$0x70] =	vst v2;
	(pc) =	sbr.rel @p0 .LBB2_4-.Ltmp2, $4  }
0x72: {  	[spmem:s2] =	stream.indirect.scatter.add.f32 [tilespmem:s16], [sflag:$0x2], $0x10, s18, s18, $0xb8;
	[tilespmem:$0x3180] =	vst v63  }
0x73: {  	_ =	swait.ge [sflag:s17], $0x800  }
0x74: {  	[sflag:s17] =	ssyncset.done $0x0  }
0x75: {  	[sflag:s17] =	ssyncadd.s32 $0xFFFFF800  }
0x76: {  	s3 =	sadd.s32 $0x1, s3  }
0x77: {  	p0 =	sne.s32 s3, s15  }
.Ltmp3:
0x78: {  	[bflag:$0x0] =	sbarrier.arrive $0xFFFF;
	s22 =	sshrl.u32 s8, $0x3;
	(pc) =	sbr.rel @p0 .LBB2_1-.Ltmp3, $4  }
0x79: {  	[hbm:s14], [sflag:s21] =	dma.local [spmem:s22], $0x500  }
0x7a: {  	_ =	swait.ge [sflag:s17], $0x500  }
0x7b: {  	[sflag:s17] =	ssyncset.done $0x0  }
0x7c: {  	[sflag:s17] =	ssyncadd.s32 $0xFFFFFB00  }
0x7d: {  	_ =	sfence.sel $0x180000  }
0x7e: {  	[bflag:$0x0] =	sbarrier.arrive $0xFFFF  }
0x7f: {  	p0 =	sne.s32 s1, $0x0;
	_ =	strace $0x90000050  }
0x80: {  	s0 =	sadd.s32 @!p0 $0x100000, s0;
	[bflag:$0x2] =	sbarrier.arrive $0xFFFF  }
0x81: {  	[sflag:s0] =	ssyncadd.tile.s32 @!p0 $0x1;
	_ =	shalt  }
.Lfunc_end2:
_tile_overlayer_lowered:
.L_overlay_start_2:
0x82: {  	(tag) =	ssettag $0x2  }
0x83: {  	s0 =	rddreg [dreg:$0x0];
	s2 =	stileid.u32  }
0x84: {  	s1 =	rddreg [dreg:$0x1];
	p0 =	sne.s32 s2, $0x0  }
0x85: {  	s3 =	rddreg [dreg:$0x2];
	[bflag:$0x3] =	sbarrier.arrive $0xFFFF;
	s2 =	simm.s32 @!p0 $0x1C02  }
0x86: {  	[timem:s3], [sflag:s2] =	dma.local @!p0 [hbm:s0], s1  }
0x87: {  	s0 =	simm.s32 @!p0 $0x2  }
0x88: {  	_ =	swait.ge @!p0 [sflag:s0], s1  }
0x89: {  	s1 =	ssub.s32 @!p0 $0x0, s1;
	[sflag:s0] =	ssyncset.done @!p0 $0x0  }
0x8a: {  	[sflag:s0] =	ssyncadd.s32 @!p0 s1  }
0x8b: {  	[bflag:$0x3] =	sbarrier.arrive $0xFFFF  }
0x8c: {  	_ =	shalt  }

// kernel: kernel.27.cloned.1.call-start
scs
__scs_entry_jumppad:
0x0: {  	(pc) =	sbr.rel $0x88, $3  }
0x1: {  	(tag) =	ssettag $0x0;
	lr =	simm.s32 $0x1  }
0x2: {  	[smem:$0x3F85] =	sst lr;
	_ =	strace $0xD0000000  }
0x3: {  	_ = 	snop  }
0x4: {  	_ = 	snop  }
0x5: {  	_ = 	snop  }
0x6: {  	_ = 	snop  }
0x7: {  	_ = 	snop  }
__scs_overlays_trampoline_lowered:
0x8: {  	[smem:$0x3F94] =	sst s0  }
0x9: {  	[smem:$0x3F95] =	sst s1  }
0xa: {  	[smem:$0x3F96] =	sst s2  }
0xb: {  	[smem:$0x3F97] =	sst s3  }
0xc: {  	[smem:$0x3F98] =	sst s4  }
0xd: {  	[smem:$0x3F99] =	sst s5  }
0xe: {  	[smem:$0x3F9A] =	sst s6  }
0xf: {  	[smem:$0x3F9B] =	sst s7  }
0x10: {  	[smem:$0x3F9C] =	sst s8  }
0x11: {  	[smem:$0x3F9D] =	sst s9;
	s0 =	simm.s32 @!p0 $0x0  }
0x12: {  	s1 =	sld [smem:$0x3F83];
	s0 =	simm.s32 @p0 $0x1  }
0x13: {  	[smem:$0x3F9E] =	sst s0;
	s0 =	simm.s32 @!p1 $0x0  }
0x14: {  	s2 =	sld [smem:$0x3F82];
	s0 =	simm.s32 @p1 $0x1  }
0x15: {  	[smem:$0x3F9F] =	sst s0;
	s0 =	simm.s32 @!p2 $0x0  }
0x16: {  	s3 =	sld [smem:$0x3FDB];
	s0 =	simm.s32 @p2 $0x1  }
0x17: {  	s4 =	simm.s32 $0x1BF5;
	[smem:$0x3FA1] =	sst s0  }
0x18: {  	s0 =	sld [smem:$0x3F84];
	_ =	swait.ge [sflag:s4], $0x0  }
0x19: {  	s7 =	sld [smem:$0x3F85]  }
0x1a: {  	s8 =	sadd.s32 $0xFFFFE003, lr  }
0x1b: {  	s9 =	sadd.s32 $0xFFFFFEF7, lr;
	s5 =	simm.s32 $0xFFFFFFFF;
	p2 =	slt.u32 s8, $0xFFFFF086  }
0x1c: {  	p1 =	slt.u32 s9, $0xF7A;
	s5 =	simm.s32 @!p2 $0x0  }
0x1d: {  	s5 =	simm.s32 @p1 $0x1;
	p0 =	seq.s32 s7, s2  }
0x1e: {  	s7 =	smul.u32 @!p0 $0xF7A, s2;
	p2 =	seq.s32 @!p0 s5, $0x0  }
0x1f: {  	s9 =	smul.u32 $0xF7A, s1;
	s8 =	simm.s32 @!p0 $0x1BF5;
	p2 =	por !p2, p0  }
0x20: {  	[sflag:s8] =	ssyncset.s32 @!p0 $0xFFFFF086;
	s6 =	sadd.s32 @!p0 s3, s7;
	s7 =	simm.s32 @!p0 $0x108  }
0x21: {  	s3 =	sadd.s32 s3, s9;
	s6 =	sadd.s32 @!p0 $0x88, s6;
	s7 =	simm.s32 @p2 $0x1082  }
0x22: {  	[simem:s7], [sflag:s8] =	dma.local @!p0 [hbm:s6], $0xF7A  }
0x23: {  	s9 =	sor.u32 $0xD0000000, s2;
	s6 =	simm.s32 $0x108;
	_ =	swait.ge @!p0 [sflag:s8], $0x0  }
0x24: {  	s3 =	sadd.s32 $0x88, s3;
	s6 =	simm.s32 @!p1 $0x1082;
	[sflag:s4] =	ssyncset.s32 $0xFFFFF086  }
0x25: {  	[simem:s6], [sflag:s4] =	dma.local [hbm:s3], $0xF7A  }
0x26: {  	[smem:$0x3F85] =	sst s1;
	(tag) =	ssettag s2;
	_ =	strace s9  }
0x27: {  	s1 =	sld [smem:$0x3F95]  }
0x28: {  	s2 =	sld [smem:$0x3F96]  }
0x29: {  	s4 =	sld [smem:$0x3F98]  }
0x2a: {  	p0 =	seq.s32 s5, $0x0;
	s5 =	sld [smem:$0x3F99]  }
0x2b: {  	s6 =	sld [smem:$0x3F9A]  }
0x2c: {  	s7 =	sld [smem:$0x3F9B]  }
0x2d: {  	s3 =	simm.s32 $0x108;
	s8 =	sld [smem:$0x3F9C]  }
0x2e: {  	s3 =	simm.s32 @!p0 $0x1082;
	s9 =	sld [smem:$0x3F9D]  }
0x2f: {  	lr =	sadd.s32 s0, s3;
	s0 =	sld [smem:$0x3F94]  }
0x30: {  	s3 =	sld [smem:$0x3F97]  }
0x31: {  	[smem:$0x3FA0] =	sst s10  }
0x32: {  	s10 =	sld [smem:$0x3F9E];
	_ =	sdelay $0x3  }
0x33: {  	p0 =	seq.s32 s10, $0x1;
	s10 =	sld [smem:$0x3FA0];
	_ =	sdelay $0x3  }
0x34: {  	[smem:$0x3FA0] =	sst s10  }
0x35: {  	s10 =	sld [smem:$0x3F9F];
	_ =	sdelay $0x3  }
0x36: {  	p1 =	seq.s32 s10, $0x1;
	s10 =	sld [smem:$0x3FA0];
	_ =	sdelay $0x3  }
0x37: {  	[smem:$0x3FA0] =	sst s10  }
0x38: {  	s10 =	sld [smem:$0x3FA1]  }
0x39: {  	_ = 	snop;
	(pc) =	sbr.ind lr, $3  }
0x3a: {  	_ = 	snop  }
0x3b: {  	_ = 	snop  }
0x3c: {  	p2 =	seq.s32 s10, $0x1;
	s10 =	sld [smem:$0x3FA0]  }
0x3d: {  	_ =	shalt  }
0x3e: {  	_ =	shalt  }
0x3f: {  	_ =	shalt  }
0x40: {  	_ =	shalt  }
0x41: {  	_ =	shalt  }
0x42: {  	_ =	shalt  }
0x43: {  	_ =	shalt  }
0x44: {  	_ =	shalt  }
0x45: {  	_ =	shalt  }
0x46: {  	_ =	shalt  }
0x47: {  	_ =	shalt  }
0x48: {  	_ =	shalt  }
0x49: {  	_ =	shalt  }
0x4a: {  	_ =	shalt  }
0x4b: {  	_ =	shalt  }
0x4c: {  	_ =	shalt  }
0x4d: {  	_ =	shalt  }
0x4e: {  	_ =	shalt  }
0x4f: {  	_ =	shalt  }
0x50: {  	_ =	shalt  }
0x51: {  	_ =	shalt  }
0x52: {  	_ =	shalt  }
0x53: {  	_ =	shalt  }
0x54: {  	_ =	shalt  }
0x55: {  	_ =	shalt  }
0x56: {  	_ =	shalt  }
0x57: {  	_ =	shalt  }
0x58: {  	_ =	shalt  }
0x59: {  	_ =	shalt  }
0x5a: {  	_ =	shalt  }
0x5b: {  	_ =	shalt  }
0x5c: {  	_ =	shalt  }
0x5d: {  	_ =	shalt  }
0x5e: {  	_ =	shalt  }
0x5f: {  	_ =	shalt  }
0x60: {  	_ =	shalt  }
0x61: {  	_ =	shalt  }
0x62: {  	_ =	shalt  }
0x63: {  	_ =	shalt  }
0x64: {  	_ =	shalt  }
0x65: {  	_ =	shalt  }
0x66: {  	_ =	shalt  }
0x67: {  	_ =	shalt  }
0x68: {  	_ =	shalt  }
0x69: {  	_ =	shalt  }
0x6a: {  	_ =	shalt  }
0x6b: {  	_ =	shalt  }
0x6c: {  	_ =	shalt  }
0x6d: {  	_ =	shalt  }
0x6e: {  	_ =	shalt  }
0x6f: {  	_ =	shalt  }
0x70: {  	_ =	shalt  }
0x71: {  	_ =	shalt  }
0x72: {  	_ =	shalt  }
0x73: {  	_ =	shalt  }
0x74: {  	_ =	shalt  }
0x75: {  	_ =	shalt  }
0x76: {  	_ =	shalt  }
0x77: {  	_ =	shalt  }
0x78: {  	_ =	shalt  }
0x79: {  	_ =	shalt  }
0x7a: {  	_ =	shalt  }
0x7b: {  	_ =	shalt  }
0x7c: {  	_ =	shalt  }
0x7d: {  	_ =	shalt  }
0x7e: {  	_ =	shalt  }
0x7f: {  	_ =	shalt  }
0x80: {  	_ =	shalt  }
0x81: {  	_ =	shalt  }
0x82: {  	_ =	shalt  }
0x83: {  	_ =	shalt  }
0x84: {  	_ =	shalt  }
0x85: {  	_ =	shalt  }
0x86: {  	_ =	shalt  }
0x87: {  	_ =	shalt  }
.Lfunc_end0:
.L_simem_size_0:
called_computation.4_lowered:
.L_overlay_start_0:
0x88: {  	s2 =	sld [smem:$0x3FD9]  }
0x89: {  	s3 =	sld [smem:$0x3FFE];
	_ =	sdelay $0x1  }
0x8a: {  	s1 =	srdreg.scid  }
0x8b: {  	s0 =	sand.u32 $0x1, s1  }
0x8c: {  	s16 =	sshll.u32 s0, $0xA;
	s2 =	sadd.s32 s3, s2  }
0x8d: {  	s2 =	sadd.s32 s2, s16  }
0x8e: {  	[smem:$0x3FAC] =	sst s2  }
0x8f: {  	_ = 	snop  }
0x90: {  	(tm) =	ssettm $0x1  }
0x91: {  	s17 =	sld [smem:$0x3FFB];
	_ =	sdelay $0x3  }
0x92: {  	_ =	strace s17  }
0x93: {  	s2 =	sld [smem:$0x3FFC];
	_ =	sdelay $0x3  }
0x94: {  	_ =	strace s2  }
0x95: {  	s2 =	sld [smem:$0x3FFD];
	_ =	sdelay $0x3  }
0x96: {  	_ =	strace s2  }
0x97: {  	_ =	strace $0x8FFFFFFF  }
0x98: {  	s18 =	sld [smem:$0x3FDB];
	_ =	sdelay $0x1  }
0x99: {  	s19 =	simm.s32 $_scs_section_size  }
0x9a: {  	s4 =	simm.s32 $_size__tile_overlayer_lowered;
	s5 =	simm.s32 $_tile_overlayer_lowered  }
0x9b: {  	s22 =	simm.s32 $0x1BFF;
	s21 =	sshll.u32 s5, $0x1;
	s2 =	sadd.s32 s19, s18  }
0x9c: {  	s6 =	simm.s32 $0x0;
	s20 =	sshll.u32 s4, $0x1;
	s4 =	sadd.s32 s21, s2  }
0x9d: {  	[timem:s6], [sflag:s22] =	dma.local [hbm:s4], s20  }
0x9e: {  	_ =	swait.ge [sflag:s22], s20  }
0x9f: {  	s3 =	ssub.s32 $0x0, s20;
	[sflag:s22] =	ssyncset.done $0x0  }
0xa0: {  	[sflag:s22] =	ssyncadd.s32 s3;
	_ =	sdelay $0x1  }
0xa1: {  	s23 =	simm.s32 $0x1B8B  }
0xa2: {  	_ =	swait.ge [sflag:s23], $0x1  }
0xa3: {  	[sflag:s23] =	ssyncset.done $0x0  }
0xa4: {  	s25 =	simm.s32 $0x1B8E;
	s24 =	sld [smem:$0x3FFE];
	[sflag:s23] =	ssyncadd.s32 $0xFFFFFFFF  }
0xa5: {  	s26 =	simm.s32 $execute0_lowered;
	[smem:$0x3FD2] =	sst s25  }
0xa6: {  	s4 =	sshll.u32 s26, $0x1;
	_ =	strace $0x80000052;
	[dreg:$0x1] =	wrdreg $0xFFFFFFFF  }
0xa7: {  	s28 =	simm.s32 $_size_execute0_lowered;
	s2 =	sadd.s32 s2, s4;
	[dreg:$0x0] =	wrdreg $0x0  }
0xa8: {  	s4 =	sshll.u32 s28, $0x1;
	[dreg:$0x2] =	wrdreg s2  }
0xa9: {  	[dreg:$0x3] =	wrdreg s4  }
0xaa: {  	[dreg:$0x4] =	wrdreg $0xC0  }
0xab: {  	_ =	task [dreg:s6], $0x5FFFF  }
0xac: {  	[dreg:$0x1] =	wrdreg $0xFFFFFFFF  }
0xad: {  	[dreg:$0x0] =	wrdreg $0x60  }
0xae: {  	[dreg:$0x2] =	wrdreg s24  }
0xaf: {  	[dreg:$0x3] =	wrdreg $0x9800  }
0xb0: {  	[dreg:$0x4] =	wrdreg $0x9  }
0xb1: {  	_ =	task.clear_ibuf [dreg:s6], $0x5FFFF;
	_ =	strace $0x90000052  }
0xb2: {  	s29 =	simm.s32 $0x9;
	_ =	strace $0x80000054  }
0xb3: {  	_ =	swait.ge [sflag:s29], $0x1  }
0xb4: {  	[sflag:s29] =	ssyncadd.s32 $0xFFFFFFFF  }
0xb5: {  	_ =	strace $0x90000054  }
0xb6: {  	_ =	sfence  }
0xb7: {  	s30 =	sld [smem:$0x0];
	_ =	sdelay $0x2  }
0xb8: {  	s31 =	sshll.u32 s1, $0xD;
	s1 =	sshrl.u32 s1, $0x2  }
0xb9: {  	s3 =	sand.u32 $0x4000, s31;
	s1 =	sadd.s32 s1, s30  }
0xba: {  	s0 =	sor.u32 s3, s0;
	s1 =	sshll.u32 s1, $0x11  }
0xbb: {  	s0 =	sor.u32 s1, s0  }
0xbc: {  	s0 =	sadd.s32 $0x8F2B, s0  }
0xbd: {  	[sflag:s0] =	ssyncadd.remote.s32 $0x1  }
0xbe: {  	_ =	sfence.sel $0xFFFF  }
0xbf: {  	[dreg:$0x0] =	wrdreg $0xFFFFFFFF;
	(pc) =	sbr.abs _section_cstart, $3  }
0xc0: {  	[dreg:$0x1] =	wrdreg $0xFFFFFFFF  }
0xc1: {  	_ =	task.clear_ibuf [dreg:s6], $0x2FFFF;
	_ =	strace $0x9FFFFFFF  }
0xc2: {  	(tm) =	ssettm $0x7FFFFFFF  }
0xc3: {  	_ =	shalt  }
tec
execute0_lowered:
.L_overlay_start_1:
0x0: {  	(tag) =	ssettag $0x1  }
0x1: {  	s8 =	rddreg [dreg:$0x0]  }
0x2: {  	s2 =	rddreg [dreg:$0x1]  }
0x3: {  	s0 =	rddreg [dreg:$0x2]  }
0x4: {  	s4 =	srdreg.scid;
	s1 =	stileid.u32  }
0x5: {  	s3 =	simm.s32 $0x0;
	s16 =	simm.s32 $0x180;
	s17 =	simm.s32 $0x2  }
0x6: {  	s18 =	simm.s32 $0x80;
	s19 =	simm.s32 $0x100;
	s20 =	simm.s32 $0x1  }
0x7: {  	s9 =	sand.u32 $0x1, s4;
	s10 =	smul.u32 $0x2800, s1;
	[smem:$0x7FF] =	sst s3  }
0x8: {  	s4 =	sadd.s32 $0x5200, s8;
	s5 =	sadd.s32 $0xAFC00, s8;
	s12 =	smul.u32 $0xA000, s1  }
0x9: {  	s21 =	sshll.u32 s1, $0x6;
	s6 =	smul.u32 $0x28000, s9;
	_ =	strace $0x80000053  }
0xa: {  	s30 =	ssub.s32 $0x2, s9;
	s9 =	sshll.u32 s9, $0x4;
	s21 =	sor.u32 $0x1C02, s21  }
0xb: {  	s31 =	sshrl.u32 s30, $0x1;
	s12 =	sshrl.u32 s12, $0x2;
	s13 =	sor.u32 s1, s9  }
0xc: {  	s7 =	sadd.s32 s10, s6;
	s6 =	sadd.s32 $0xA200, s8;
	s15 =	ssub.s32 s30, s31  }
0xd: {  	s12 =	sadd.s32 s12, s2;
	s13 =	smul.u32 $0x1400, s13;
	s11 =	sshrl.u32 s7, $0x3  }
0xe: {  	s7 =	sadd.s32 $0xF200, s8;
	s9 =	sadd.s32 $0x800, s12;
	s15 =	smax.u32 s15, $0x1  }
0xf: {  	s14 =	sadd.s32 s11, s8;
	s8 =	sadd.s32 s10, s2;
	s10 =	sadd.s32 $0x1000, s12  }
0x10: {  	v0 =	vimm.f32 $0.0e+00;
	s11 =	sadd.s32 $0x1800, s12;
	s12 =	sadd.s32 $0x2000, s12;
	s14 =	sadd.s32 $0x64200, s14  }
.LBB2_1:
0x11: {  	s22 =	simm.s32 $0x40;
	s23 =	simm.s32 $0x0  }
.LBB2_2:
0x12: {  	p0 =	sne.s32 s22, $0x1FC0;
	[tilespmem:s23+$0x180] =	vst v0;
	s23 =	smov.u32 s22;
	s22 =	sadd.s32 $0x40, s22  }
.Ltmp0:
0x13: {  	(pc) =	sbr.rel @p0 .LBB2_2-.Ltmp0, $2  }
0x14: {  	_ =	sdelay $0x2  }
0x15: {  	s23 =	sshra.s32 s23, $0x2  }
0x16: {  	[tilespmem:s23+$0x180] =	vst v0  }
0x17: {  	[spmem:s8] =	stream.linear.scatter [tilespmem:s16], [sflag:$0x2], $0x800, $0x38;
	[tilespmem:$0x3180] =	vst v63  }
0x18: {  	_ =	swait.ge [sflag:s17], $0x800  }
0x19: {  	[sflag:s17] =	ssyncset.done $0x0  }
0x1a: {  	[sflag:s17] =	ssyncadd.s32 $0xFFFFF800  }
0x1b: {  	[spmem:s9] =	stream.linear.scatter [tilespmem:s16], [sflag:$0x2], $0x800, $0x38;
	[tilespmem:$0x3180] =	vst v63  }
0x1c: {  	_ =	swait.ge [sflag:s17], $0x800  }
0x1d: {  	[sflag:s17] =	ssyncset.done $0x0  }
0x1e: {  	[sflag:s17] =	ssyncadd.s32 $0xFFFFF800  }
0x1f: {  	[spmem:s10] =	stream.linear.scatter [tilespmem:s16], [sflag:$0x2], $0x800, $0x38;
	[tilespmem:$0x3180] =	vst v63  }
0x20: {  	_ =	swait.ge [sflag:s17], $0x800  }
0x21: {  	[sflag:s17] =	ssyncset.done $0x0  }
0x22: {  	[sflag:s17] =	ssyncadd.s32 $0xFFFFF800  }
0x23: {  	[spmem:s11] =	stream.linear.scatter [tilespmem:s16], [sflag:$0x2], $0x800, $0x38;
	[tilespmem:$0x3180] =	vst v63  }
0x24: {  	_ =	swait.ge [sflag:s17], $0x800  }
0x25: {  	[sflag:s17] =	ssyncset.done $0x0  }
0x26: {  	[sflag:s17] =	ssyncadd.s32 $0xFFFFF800  }
0x27: {  	[spmem:s12] =	stream.linear.scatter [tilespmem:s16], [sflag:$0x2], $0x800, $0x38;
	[tilespmem:$0x3180] =	vst v63  }
0x28: {  	_ =	swait.ge [sflag:s17], $0x800  }
0x29: {  	[sflag:s17] =	ssyncset.done $0x0  }
0x2a: {  	[sflag:s17] =	ssyncadd.s32 $0xFFFFF800  }
0x2b: {  	s22 =	simm.s32 $0x0;
	s23 =	simm.s32 $0x0;
	[bflag:$0x0] =	sbarrier.arrive $0xFFFF  }
.LBB2_4:
0x2c: {  	s24 =	sshll.u32 s23, $0x7  }
0x2d: {  	s24 =	sadd.s32 s13, s24  }
0x2e: {  	s24 =	sshrl.u32 s24, $0x3  }
0x2f: {  	s25 =	sadd.s32 s5, s24  }
0x30: {  	[tilespmem:s22], [sflag:$0x2] =	stream.linear.gather [hbm4b:s25+s22], $0x80, $0x38;
	[tilespmem:$0x3180] =	vst v63  }
0x31: {  	_ =	swait.ge [sflag:s17], $0x80  }
0x32: {  	[sflag:s17] =	ssyncset.done $0x0  }
0x33: {  	s31 =	sadd.s32 s6, s24;
	[sflag:s17] =	ssyncadd.s32 $0xFFFFFF80  }
0x34: {  	[tilespmem:s18], [sflag:$0x2] =	stream.linear.gather [hbm4b:s31+s22], $0x80, $0x38;
	[tilespmem:$0x3180] =	vst v63  }
0x35: {  	_ =	swait.ge [sflag:s17], $0x80  }
0x36: {  	[sflag:s17] =	ssyncset.done $0x0  }
0x37: {  	s24 =	sadd.s32 s7, s24;
	[sflag:s17] =	ssyncadd.s32 $0xFFFFFF80  }
0x38: {  	[tilespmem:s19], [sflag:$0x2] =	stream.linear.gather [hbm4b:s24+s22], $0x80, $0x38;
	[tilespmem:$0x3180] =	vst v63  }
0x39: {  	_ =	swait.ge [sflag:s17], $0x80  }
0x3a: {  	[sflag:s17] =	ssyncset.done $0x0  }
0x3b: {  	[sflag:s17] =	ssyncadd.s32 $0xFFFFFF80  }
0x3c: {  	[tilespmem:s16], [sflag:$0x1] =	stream.indirect.gather [hbm4b:s4+s18], $0x10, s22, s18, $0xb8;
	[tilespmem:$0x3180] =	vst v63  }
0x3d: {  	_ =	swait.ge [sflag:s20], $0x800  }
0x3e: {  	[sflag:s20] =	ssyncset.done $0x0  }
0x3f: {  	s24 =	simm.s32 $0x200;
	[sflag:s20] =	ssyncadd.s32 $0xFFFFF800  }
0x40: {  	s28 =	simm.s32 $0x0;
	s26 =	simm.s32 $0x40;
	s25 =	simm.s32 $0x200;
	v1 =	vld [tilespmem:s24+$0xFFFFFFB0]  }
.LBB2_5:
0x41: {  	p0 =	sne.s32 s26, $0x1C0;
	v2 =	vld [tilespmem:s28+$0x100]  }
0x42: {  	v3 =	vld [tilespmem:s24+$0xFFFFFF90]  }
0x43: {  	v4 =	vld [tilespmem:s24+$0xFFFFFF80]  }
0x44: {  	v5 =	vld [tilespmem:s24+$0xFFFFFFA0]  }
0x45: {  	v6 =	vld [tilespmem:s24+$0xFFFFFFF0]  }
0x46: {  	v7 =	vbroadcast v2, $0x0;
	v8 =	vbroadcast v2, $0x1;
	v9 =	vld [tilespmem:s24+$0xFFFFFFD0]  }
0x47: {  	v10 =	vbroadcast v2, $0x2;
	v11 =	vbroadcast v2, $0x3;
	v12 =	vld [tilespmem:s24+$0xFFFFFFC0]  }
0x48: {  	v4 =	vmul.f32 v7, v4;
	v3 =	vmul.f32 v3, v8;
	v7 =	vld [tilespmem:s24+$0xFFFFFFE0]  }
0x49: {  	v1 =	vmul.f32 v1, v11;
	v5 =	vmul.f32 v5, v10;
	v8 =	vld [tilespmem:s24+$0x30]  }
0x4a: {  	v10 =	vbroadcast v2, $0x5;
	[tilespmem:s24+$0xFFFFFF80] =	vst v4;
	v4 =	vbroadcast v2, $0x4;
	v11 =	vld [tilespmem:s24+$0x10]  }
0x4b: {  	v13 =	vbroadcast v2, $0x7;
	[tilespmem:s24+$0xFFFFFF90] =	vst v3;
	v3 =	vbroadcast v2, $0x6;
	v14 =	vld [tilespmem:s24+$0x0]  }
0x4c: {  	[tilespmem:s24+$0xFFFFFFA0] =	vst v5;
	v4 =	vmul.f32 v12, v4;
	v5 =	vmul.f32 v9, v10;
	v9 =	vld [tilespmem:s24+$0x20]  }
0x4d: {  	[tilespmem:s24+$0xFFFFFFB0] =	vst v1;
	v1 =	vmul.f32 v7, v3;
	v3 =	vmul.f32 v6, v13;
	v6 =	vld [tilespmem:s24+$0x70]  }
0x4e: {  	v7 =	vbroadcast v2, $0x9;
	[tilespmem:s24+$0xFFFFFFC0] =	vst v4;
	v4 =	vbroadcast v2, $0x8;
	v10 =	vld [tilespmem:s24+$0x50]  }
0x4f: {  	v12 =	vbroadcast v2, $0xB;
	[tilespmem:s24+$0xFFFFFFD0] =	vst v5;
	v5 =	vbroadcast v2, $0xA;
	v13 =	vld [tilespmem:s24+$0x40]  }
0x50: {  	[tilespmem:s24+$0xFFFFFFE0] =	vst v1;
	v1 =	vmul.f32 v14, v4;
	v4 =	vmul.f32 v11, v7;
	v7 =	vld [tilespmem:s24+$0x60]  }
0x51: {  	[tilespmem:s24+$0xFFFFFFF0] =	vst v3;
	v3 =	vmul.f32 v9, v5;
	v5 =	vmul.f32 v8, v12  }
0x52: {  	v8 =	vbroadcast v2, $0xD;
	[tilespmem:s24+$0x0] =	vst v1;
	v1 =	vbroadcast v2, $0xC  }
0x53: {  	[tilespmem:s24+$0x10] =	vst v4;
	v4 =	vbroadcast v2, $0xE;
	v2 =	vbroadcast v2, $0xF  }
0x54: {  	[tilespmem:s24+$0x20] =	vst v3;
	v1 =	vmul.f32 v13, v1;
	v3 =	vmul.f32 v10, v8  }
.Ltmp1:
0x55: {  	[tilespmem:s24+$0x30] =	vst v5;
	v4 =	vmul.f32 v7, v4;
	v2 =	vmul.f32 v6, v2;
	(pc) =	sbr.rel @p0 .LBB2_5-.Ltmp1, $4  }
0x56: {  	[tilespmem:s24+$0x40] =	vst v1  }
0x57: {  	[tilespmem:s24+$0x50] =	vst v3  }
0x58: {  	s24 =	sadd.s32 $0x100, s24;
	[tilespmem:s25+$0x60] =	vst v4  }
0x59: {  	s28 =	sshra.s32 s26, $0x2;
	s26 =	sadd.s32 $0x40, s26;
	v1 =	vld [tilespmem:s24+$0xFFFFFFB0];
	[tilespmem:s25+$0x70] =	vst v2;
	s25 =	smov.u32 s24  }
0x5a: {  	v2 =	vld [tilespmem:s28+$0x100];
	_ =	sdelay $0x1  }
0x5b: {  	v3 =	vld [tilespmem:s24+$0xFFFFFF80]  }
0x5c: {  	v4 =	vld [tilespmem:s24+$0xFFFFFF90]  }
0x5d: {  	v5 =	vld [tilespmem:s24+$0xFFFFFFA0]  }
0x5e: {  	v6 =	vbroadcast v2, $0x0  }
0x5f: {  	v9 =	vld [tilespmem:s24+$0xFFFFFFD0];
	v7 =	vbroadcast v2, $0x1  }
0x60: {  	v8 =	vld [tilespmem:s24+$0xFFFFFFC0];
	v10 =	vbroadcast v2, $0x2;
	v3 =	vmul.f32 v6, v3  }
0x61: {  	v48 =	vld [tilespmem:s24+$0xFFFFFFE0];
	v47 =	vbroadcast v2, $0x3;
	v4 =	vmul.f32 v4, v7  }
0x62: {  	v51 =	vld [tilespmem:s24+$0x10];
	v49 =	vbroadcast v2, $0x5;
	v5 =	vmul.f32 v5, v10;
	[tilespmem:s24+$0xFFFFFF80] =	vst v3  }
0x63: {  	v11 =	vld [tilespmem:s24+$0xFFFFFFF0];
	v1 =	vmul.f32 v1, v47;
	v3 =	vbroadcast v2, $0x4;
	[tilespmem:s24+$0xFFFFFF90] =	vst v4  }
0x64: {  	v50 =	vld [tilespmem:s24+$0x0];
	v12 =	vbroadcast v2, $0x6;
	v6 =	vmul.f32 v9, v49;
	[tilespmem:s24+$0xFFFFFFA0] =	vst v5  }
0x65: {  	v56 =	vld [tilespmem:s24+$0x50];
	v54 =	vbroadcast v2, $0x9;
	[tilespmem:s24+$0xFFFFFFB0] =	vst v1;
	v3 =	vmul.f32 v8, v3  }
0x66: {  	v53 =	vld [tilespmem:s24+$0x20];
	v52 =	vbroadcast v2, $0x7;
	v7 =	vmul.f32 v48, v12;
	[tilespmem:s24+$0xFFFFFFD0] =	vst v6  }
0x67: {  	v59 =	vmul.f32 v51, v54;
	v1 =	vld [tilespmem:s24+$0x30];
	[tilespmem:s24+$0xFFFFFFC0] =	vst v3;
	v3 =	vbroadcast v2, $0x8  }
0x68: {  	v55 =	vld [tilespmem:s24+$0x40];
	v62 =	vbroadcast v2, $0xD;
	v5 =	vmul.f32 v11, v52;
	[tilespmem:s24+$0xFFFFFFE0] =	vst v7  }
0x69: {  	v60 =	vld [tilespmem:s24+$0x60];
	v57 =	vbroadcast v2, $0xA;
	[tilespmem:s24+$0x10] =	vst v59;
	v3 =	vmul.f32 v50, v3  }
0x6a: {  	v61 =	vld [tilespmem:s24+$0x70];
	v58 =	vbroadcast v2, $0xB;
	v4 =	vmul.f32 v56, v62;
	[tilespmem:s24+$0xFFFFFFF0] =	vst v5  }
0x6b: {  	v8 =	vmul.f32 v53, v57;
	[tilespmem:s24+$0x0] =	vst v3;
	v3 =	vbroadcast v2, $0xC  }
0x6c: {  	v63 =	vbroadcast v2, $0xE;
	[tilespmem:s24+$0x50] =	vst v4;
	v1 =	vmul.f32 v1, v58  }
0x6d: {  	[tilespmem:s24+$0x20] =	vst v8;
	v2 =	vbroadcast v2, $0xF;
	v3 =	vmul.f32 v55, v3  }
0x6e: {  	[tilespmem:s24+$0x30] =	vst v1;
	v1 =	vmul.f32 v60, v63  }
0x6f: {  	s23 =	sadd.s32 $0x1, s23;
	v2 =	vmul.f32 v61, v2;
	[tilespmem:s24+$0x40] =	vst v3  }
0x70: {  	p0 =	sne.s32 s23, $0x28;
	[tilespmem:s25+$0x60] =	vst v1  }
.Ltmp2:
0x71: {  	[tilespmem:s25+$0x70] =	vst v2;
	(pc) =	sbr.rel @p0 .LBB2_4-.Ltmp2, $4  }
0x72: {  	[spmem:s2] =	stream.indirect.scatter.add.f32 [tilespmem:s16], [sflag:$0x2], $0x10, s18, s18, $0xb8;
	[tilespmem:$0x3180] =	vst v63  }
0x73: {  	_ =	swait.ge [sflag:s17], $0x800  }
0x74: {  	[sflag:s17] =	ssyncset.done $0x0  }
0x75: {  	[sflag:s17] =	ssyncadd.s32 $0xFFFFF800  }
0x76: {  	s3 =	sadd.s32 $0x1, s3  }
0x77: {  	p0 =	sne.s32 s3, s15  }
.Ltmp3:
0x78: {  	[bflag:$0x0] =	sbarrier.arrive $0xFFFF;
	s22 =	sshrl.u32 s8, $0x3;
	(pc) =	sbr.rel @p0 .LBB2_1-.Ltmp3, $4  }
0x79: {  	[hbm:s14], [sflag:s21] =	dma.local [spmem:s22], $0x500  }
0x7a: {  	_ =	swait.ge [sflag:s17], $0x500  }
0x7b: {  	[sflag:s17] =	ssyncset.done $0x0  }
0x7c: {  	[sflag:s17] =	ssyncadd.s32 $0xFFFFFB00  }
0x7d: {  	_ =	sfence.sel $0x180000  }
0x7e: {  	[bflag:$0x0] =	sbarrier.arrive $0xFFFF  }
0x7f: {  	p0 =	sne.s32 s1, $0x0;
	_ =	strace $0x90000053  }
0x80: {  	s0 =	sadd.s32 @!p0 $0x100000, s0;
	[bflag:$0x2] =	sbarrier.arrive $0xFFFF  }
0x81: {  	[sflag:s0] =	ssyncadd.tile.s32 @!p0 $0x1;
	_ =	shalt  }
.Lfunc_end2:
_tile_overlayer_lowered:
.L_overlay_start_2:
0x82: {  	(tag) =	ssettag $0x2  }
0x83: {  	s0 =	rddreg [dreg:$0x0];
	s2 =	stileid.u32  }
0x84: {  	s1 =	rddreg [dreg:$0x1];
	p0 =	sne.s32 s2, $0x0  }
0x85: {  	s3 =	rddreg [dreg:$0x2];
	[bflag:$0x3] =	sbarrier.arrive $0xFFFF;
	s2 =	simm.s32 @!p0 $0x1C02  }
0x86: {  	[timem:s3], [sflag:s2] =	dma.local @!p0 [hbm:s0], s1  }
0x87: {  	s0 =	simm.s32 @!p0 $0x2  }
0x88: {  	_ =	swait.ge @!p0 [sflag:s0], s1  }
0x89: {  	s1 =	ssub.s32 @!p0 $0x0, s1;
	[sflag:s0] =	ssyncset.done @!p0 $0x0  }
0x8a: {  	[sflag:s0] =	ssyncadd.s32 @!p0 s1  }
0x8b: {  	[bflag:$0x3] =	sbarrier.arrive $0xFFFF  }
0x8c: {  	_ =	shalt  }

// kernel: kernel.30.cloned.1.call-start
scs
__scs_entry_jumppad:
0x0: {  	(pc) =	sbr.rel $0x88, $3  }
0x1: {  	(tag) =	ssettag $0x0;
	lr =	simm.s32 $0x1  }
0x2: {  	[smem:$0x3F85] =	sst lr;
	_ =	strace $0xD0000000  }
0x3: {  	_ = 	snop  }
0x4: {  	_ = 	snop  }
0x5: {  	_ = 	snop  }
0x6: {  	_ = 	snop  }
0x7: {  	_ = 	snop  }
__scs_overlays_trampoline_lowered:
0x8: {  	[smem:$0x3F94] =	sst s0  }
0x9: {  	[smem:$0x3F95] =	sst s1  }
0xa: {  	[smem:$0x3F96] =	sst s2  }
0xb: {  	[smem:$0x3F97] =	sst s3  }
0xc: {  	[smem:$0x3F98] =	sst s4  }
0xd: {  	[smem:$0x3F99] =	sst s5  }
0xe: {  	[smem:$0x3F9A] =	sst s6  }
0xf: {  	[smem:$0x3F9B] =	sst s7  }
0x10: {  	[smem:$0x3F9C] =	sst s8  }
0x11: {  	[smem:$0x3F9D] =	sst s9;
	s0 =	simm.s32 @!p0 $0x0  }
0x12: {  	s1 =	sld [smem:$0x3F83];
	s0 =	simm.s32 @p0 $0x1  }
0x13: {  	[smem:$0x3F9E] =	sst s0;
	s0 =	simm.s32 @!p1 $0x0  }
0x14: {  	s2 =	sld [smem:$0x3F82];
	s0 =	simm.s32 @p1 $0x1  }
0x15: {  	[smem:$0x3F9F] =	sst s0;
	s0 =	simm.s32 @!p2 $0x0  }
0x16: {  	s3 =	sld [smem:$0x3FDB];
	s0 =	simm.s32 @p2 $0x1  }
0x17: {  	s4 =	simm.s32 $0x1BF5;
	[smem:$0x3FA1] =	sst s0  }
0x18: {  	s0 =	sld [smem:$0x3F84];
	_ =	swait.ge [sflag:s4], $0x0  }
0x19: {  	s7 =	sld [smem:$0x3F85]  }
0x1a: {  	s8 =	sadd.s32 $0xFFFFE003, lr  }
0x1b: {  	s9 =	sadd.s32 $0xFFFFFEF7, lr;
	s5 =	simm.s32 $0xFFFFFFFF;
	p2 =	slt.u32 s8, $0xFFFFF086  }
0x1c: {  	p1 =	slt.u32 s9, $0xF7A;
	s5 =	simm.s32 @!p2 $0x0  }
0x1d: {  	s5 =	simm.s32 @p1 $0x1;
	p0 =	seq.s32 s7, s2  }
0x1e: {  	s7 =	smul.u32 @!p0 $0xF7A, s2;
	p2 =	seq.s32 @!p0 s5, $0x0  }
0x1f: {  	s9 =	smul.u32 $0xF7A, s1;
	s8 =	simm.s32 @!p0 $0x1BF5;
	p2 =	por !p2, p0  }
0x20: {  	[sflag:s8] =	ssyncset.s32 @!p0 $0xFFFFF086;
	s6 =	sadd.s32 @!p0 s3, s7;
	s7 =	simm.s32 @!p0 $0x108  }
0x21: {  	s3 =	sadd.s32 s3, s9;
	s6 =	sadd.s32 @!p0 $0x88, s6;
	s7 =	simm.s32 @p2 $0x1082  }
0x22: {  	[simem:s7], [sflag:s8] =	dma.local @!p0 [hbm:s6], $0xF7A  }
0x23: {  	s9 =	sor.u32 $0xD0000000, s2;
	s6 =	simm.s32 $0x108;
	_ =	swait.ge @!p0 [sflag:s8], $0x0  }
0x24: {  	s3 =	sadd.s32 $0x88, s3;
	s6 =	simm.s32 @!p1 $0x1082;
	[sflag:s4] =	ssyncset.s32 $0xFFFFF086  }
0x25: {  	[simem:s6], [sflag:s4] =	dma.local [hbm:s3], $0xF7A  }
0x26: {  	[smem:$0x3F85] =	sst s1;
	(tag) =	ssettag s2;
	_ =	strace s9  }
0x27: {  	s1 =	sld [smem:$0x3F95]  }
0x28: {  	s2 =	sld [smem:$0x3F96]  }
0x29: {  	s4 =	sld [smem:$0x3F98]  }
0x2a: {  	p0 =	seq.s32 s5, $0x0;
	s5 =	sld [smem:$0x3F99]  }
0x2b: {  	s6 =	sld [smem:$0x3F9A]  }
0x2c: {  	s7 =	sld [smem:$0x3F9B]  }
0x2d: {  	s3 =	simm.s32 $0x108;
	s8 =	sld [smem:$0x3F9C]  }
0x2e: {  	s3 =	simm.s32 @!p0 $0x1082;
	s9 =	sld [smem:$0x3F9D]  }
0x2f: {  	lr =	sadd.s32 s0, s3;
	s0 =	sld [smem:$0x3F94]  }
0x30: {  	s3 =	sld [smem:$0x3F97]  }
0x31: {  	[smem:$0x3FA0] =	sst s10  }
0x32: {  	s10 =	sld [smem:$0x3F9E];
	_ =	sdelay $0x3  }
0x33: {  	p0 =	seq.s32 s10, $0x1;
	s10 =	sld [smem:$0x3FA0];
	_ =	sdelay $0x3  }
0x34: {  	[smem:$0x3FA0] =	sst s10  }
0x35: {  	s10 =	sld [smem:$0x3F9F];
	_ =	sdelay $0x3  }
0x36: {  	p1 =	seq.s32 s10, $0x1;
	s10 =	sld [smem:$0x3FA0];
	_ =	sdelay $0x3  }
0x37: {  	[smem:$0x3FA0] =	sst s10  }
0x38: {  	s10 =	sld [smem:$0x3FA1]  }
0x39: {  	_ = 	snop;
	(pc) =	sbr.ind lr, $3  }
0x3a: {  	_ = 	snop  }
0x3b: {  	_ = 	snop  }
0x3c: {  	p2 =	seq.s32 s10, $0x1;
	s10 =	sld [smem:$0x3FA0]  }
0x3d: {  	_ =	shalt  }
0x3e: {  	_ =	shalt  }
0x3f: {  	_ =	shalt  }
0x40: {  	_ =	shalt  }
0x41: {  	_ =	shalt  }
0x42: {  	_ =	shalt  }
0x43: {  	_ =	shalt  }
0x44: {  	_ =	shalt  }
0x45: {  	_ =	shalt  }
0x46: {  	_ =	shalt  }
0x47: {  	_ =	shalt  }
0x48: {  	_ =	shalt  }
0x49: {  	_ =	shalt  }
0x4a: {  	_ =	shalt  }
0x4b: {  	_ =	shalt  }
0x4c: {  	_ =	shalt  }
0x4d: {  	_ =	shalt  }
0x4e: {  	_ =	shalt  }
0x4f: {  	_ =	shalt  }
0x50: {  	_ =	shalt  }
0x51: {  	_ =	shalt  }
0x52: {  	_ =	shalt  }
0x53: {  	_ =	shalt  }
0x54: {  	_ =	shalt  }
0x55: {  	_ =	shalt  }
0x56: {  	_ =	shalt  }
0x57: {  	_ =	shalt  }
0x58: {  	_ =	shalt  }
0x59: {  	_ =	shalt  }
0x5a: {  	_ =	shalt  }
0x5b: {  	_ =	shalt  }
0x5c: {  	_ =	shalt  }
0x5d: {  	_ =	shalt  }
0x5e: {  	_ =	shalt  }
0x5f: {  	_ =	shalt  }
0x60: {  	_ =	shalt  }
0x61: {  	_ =	shalt  }
0x62: {  	_ =	shalt  }
0x63: {  	_ =	shalt  }
0x64: {  	_ =	shalt  }
0x65: {  	_ =	shalt  }
0x66: {  	_ =	shalt  }
0x67: {  	_ =	shalt  }
0x68: {  	_ =	shalt  }
0x69: {  	_ =	shalt  }
0x6a: {  	_ =	shalt  }
0x6b: {  	_ =	shalt  }
0x6c: {  	_ =	shalt  }
0x6d: {  	_ =	shalt  }
0x6e: {  	_ =	shalt  }
0x6f: {  	_ =	shalt  }
0x70: {  	_ =	shalt  }
0x71: {  	_ =	shalt  }
0x72: {  	_ =	shalt  }
0x73: {  	_ =	shalt  }
0x74: {  	_ =	shalt  }
0x75: {  	_ =	shalt  }
0x76: {  	_ =	shalt  }
0x77: {  	_ =	shalt  }
0x78: {  	_ =	shalt  }
0x79: {  	_ =	shalt  }
0x7a: {  	_ =	shalt  }
0x7b: {  	_ =	shalt  }
0x7c: {  	_ =	shalt  }
0x7d: {  	_ =	shalt  }
0x7e: {  	_ =	shalt  }
0x7f: {  	_ =	shalt  }
0x80: {  	_ =	shalt  }
0x81: {  	_ =	shalt  }
0x82: {  	_ =	shalt  }
0x83: {  	_ =	shalt  }
0x84: {  	_ =	shalt  }
0x85: {  	_ =	shalt  }
0x86: {  	_ =	shalt  }
0x87: {  	_ =	shalt  }
.Lfunc_end0:
.L_simem_size_0:
called_computation.5_lowered:
.L_overlay_start_0:
0x88: {  	s2 =	sld [smem:$0x3FD9]  }
0x89: {  	s3 =	sld [smem:$0x3FFE];
	_ =	sdelay $0x1  }
0x8a: {  	s1 =	srdreg.scid  }
0x8b: {  	s0 =	sand.u32 $0x1, s1  }
0x8c: {  	s16 =	sshll.u32 s0, $0xA;
	s2 =	sadd.s32 s3, s2  }
0x8d: {  	s2 =	sadd.s32 s2, s16  }
0x8e: {  	[smem:$0x3FAC] =	sst s2  }
0x8f: {  	_ = 	snop  }
0x90: {  	(tm) =	ssettm $0x1  }
0x91: {  	s17 =	sld [smem:$0x3FFB];
	_ =	sdelay $0x3  }
0x92: {  	_ =	strace s17  }
0x93: {  	s2 =	sld [smem:$0x3FFC];
	_ =	sdelay $0x3  }
0x94: {  	_ =	strace s2  }
0x95: {  	s2 =	sld [smem:$0x3FFD];
	_ =	sdelay $0x3  }
0x96: {  	_ =	strace s2  }
0x97: {  	_ =	strace $0x8FFFFFFF  }
0x98: {  	s18 =	sld [smem:$0x3FDB];
	_ =	sdelay $0x1  }
0x99: {  	s19 =	simm.s32 $_scs_section_size  }
0x9a: {  	s4 =	simm.s32 $_size__tile_overlayer_lowered;
	s5 =	simm.s32 $_tile_overlayer_lowered  }
0x9b: {  	s22 =	simm.s32 $0x1BFF;
	s21 =	sshll.u32 s5, $0x1;
	s2 =	sadd.s32 s19, s18  }
0x9c: {  	s6 =	simm.s32 $0x0;
	s20 =	sshll.u32 s4, $0x1;
	s4 =	sadd.s32 s21, s2  }
0x9d: {  	[timem:s6], [sflag:s22] =	dma.local [hbm:s4], s20  }
0x9e: {  	_ =	swait.ge [sflag:s22], s20  }
0x9f: {  	s3 =	ssub.s32 $0x0, s20;
	[sflag:s22] =	ssyncset.done $0x0  }
0xa0: {  	[sflag:s22] =	ssyncadd.s32 s3;
	_ =	sdelay $0x1  }
0xa1: {  	s23 =	simm.s32 $0x1B8B  }
0xa2: {  	_ =	swait.ge [sflag:s23], $0x1  }
0xa3: {  	[sflag:s23] =	ssyncset.done $0x0  }
0xa4: {  	s25 =	simm.s32 $0x1B8E;
	s24 =	sld [smem:$0x3FFE];
	[sflag:s23] =	ssyncadd.s32 $0xFFFFFFFF  }
0xa5: {  	s26 =	simm.s32 $execute0_lowered;
	[smem:$0x3FD2] =	sst s25  }
0xa6: {  	s4 =	sshll.u32 s26, $0x1;
	_ =	strace $0x80000055;
	[dreg:$0x1] =	wrdreg $0xFFFFFFFF  }
0xa7: {  	s28 =	simm.s32 $_size_execute0_lowered;
	s2 =	sadd.s32 s2, s4;
	[dreg:$0x0] =	wrdreg $0x0  }
0xa8: {  	s4 =	sshll.u32 s28, $0x1;
	[dreg:$0x2] =	wrdreg s2  }
0xa9: {  	[dreg:$0x3] =	wrdreg s4  }
0xaa: {  	[dreg:$0x4] =	wrdreg $0xC0  }
0xab: {  	_ =	task [dreg:s6], $0x5FFFF  }
0xac: {  	[dreg:$0x1] =	wrdreg $0xFFFFFFFF  }
0xad: {  	[dreg:$0x0] =	wrdreg $0x60  }
0xae: {  	[dreg:$0x2] =	wrdreg s24  }
0xaf: {  	[dreg:$0x3] =	wrdreg $0x9800  }
0xb0: {  	[dreg:$0x4] =	wrdreg $0x9  }
0xb1: {  	_ =	task.clear_ibuf [dreg:s6], $0x5FFFF;
	_ =	strace $0x90000055  }
0xb2: {  	s29 =	simm.s32 $0x9;
	_ =	strace $0x80000057  }
0xb3: {  	_ =	swait.ge [sflag:s29], $0x1  }
0xb4: {  	[sflag:s29] =	ssyncadd.s32 $0xFFFFFFFF  }
0xb5: {  	_ =	strace $0x90000057  }
0xb6: {  	_ =	sfence  }
0xb7: {  	s30 =	sld [smem:$0x0];
	_ =	sdelay $0x2  }
0xb8: {  	s31 =	sshll.u32 s1, $0xD;
	s1 =	sshrl.u32 s1, $0x2  }
0xb9: {  	s3 =	sand.u32 $0x4000, s31;
	s1 =	sadd.s32 s1, s30  }
0xba: {  	s0 =	sor.u32 s3, s0;
	s1 =	sshll.u32 s1, $0x11  }
0xbb: {  	s0 =	sor.u32 s1, s0  }
0xbc: {  	s0 =	sadd.s32 $0x8F2B, s0  }
0xbd: {  	[sflag:s0] =	ssyncadd.remote.s32 $0x1  }
0xbe: {  	_ =	sfence.sel $0xFFFF  }
0xbf: {  	[dreg:$0x0] =	wrdreg $0xFFFFFFFF;
	(pc) =	sbr.abs _section_cstart, $3  }
0xc0: {  	[dreg:$0x1] =	wrdreg $0xFFFFFFFF  }
0xc1: {  	_ =	task.clear_ibuf [dreg:s6], $0x2FFFF;
	_ =	strace $0x9FFFFFFF  }
0xc2: {  	(tm) =	ssettm $0x7FFFFFFF  }
0xc3: {  	_ =	shalt  }
tec
execute0_lowered:
.L_overlay_start_1:
0x0: {  	(tag) =	ssettag $0x1  }
0x1: {  	s8 =	rddreg [dreg:$0x0]  }
0x2: {  	s2 =	rddreg [dreg:$0x1]  }
0x3: {  	s0 =	rddreg [dreg:$0x2]  }
0x4: {  	s4 =	srdreg.scid;
	s1 =	stileid.u32  }
0x5: {  	s3 =	simm.s32 $0x0;
	s16 =	simm.s32 $0x180;
	s17 =	simm.s32 $0x2  }
0x6: {  	s18 =	simm.s32 $0x80;
	s19 =	simm.s32 $0x100;
	s20 =	simm.s32 $0x1  }
0x7: {  	s9 =	sand.u32 $0x1, s4;
	s10 =	smul.u32 $0x2800, s1;
	[smem:$0x7FF] =	sst s3  }
0x8: {  	s4 =	sadd.s32 $0x5200, s8;
	s5 =	sadd.s32 $0xAFC00, s8;
	s12 =	smul.u32 $0xA000, s1  }
0x9: {  	s21 =	sshll.u32 s1, $0x6;
	s6 =	smul.u32 $0x28000, s9;
	_ =	strace $0x80000056  }
0xa: {  	s30 =	ssub.s32 $0x2, s9;
	s9 =	sshll.u32 s9, $0x4;
	s21 =	sor.u32 $0x1C02, s21  }
0xb: {  	s31 =	sshrl.u32 s30, $0x1;
	s12 =	sshrl.u32 s12, $0x2;
	s13 =	sor.u32 s1, s9  }
0xc: {  	s7 =	sadd.s32 s10, s6;
	s6 =	sadd.s32 $0xA200, s8;
	s15 =	ssub.s32 s30, s31  }
0xd: {  	s12 =	sadd.s32 s12, s2;
	s13 =	smul.u32 $0x1400, s13;
	s11 =	sshrl.u32 s7, $0x3  }
0xe: {  	s7 =	sadd.s32 $0xF200, s8;
	s9 =	sadd.s32 $0x800, s12;
	s15 =	smax.u32 s15, $0x1  }
0xf: {  	s14 =	sadd.s32 s11, s8;
	s8 =	sadd.s32 s10, s2;
	s10 =	sadd.s32 $0x1000, s12  }
0x10: {  	v0 =	vimm.f32 $0.0e+00;
	s11 =	sadd.s32 $0x1800, s12;
	s12 =	sadd.s32 $0x2000, s12;
	s14 =	sadd.s32 $0x8C200, s14  }
.LBB2_1:
0x11: {  	s22 =	simm.s32 $0x40;
	s23 =	simm.s32 $0x0  }
.LBB2_2:
0x12: {  	p0 =	sne.s32 s22, $0x1FC0;
	[tilespmem:s23+$0x180] =	vst v0;
	s23 =	smov.u32 s22;
	s22 =	sadd.s32 $0x40, s22  }
.Ltmp0:
0x13: {  	(pc) =	sbr.rel @p0 .LBB2_2-.Ltmp0, $2  }
0x14: {  	_ =	sdelay $0x2  }
0x15: {  	s23 =	sshra.s32 s23, $0x2  }
0x16: {  	[tilespmem:s23+$0x180] =	vst v0  }
0x17: {  	[spmem:s8] =	stream.linear.scatter [tilespmem:s16], [sflag:$0x2], $0x800, $0x38;
	[tilespmem:$0x3180] =	vst v63  }
0x18: {  	_ =	swait.ge [sflag:s17], $0x800  }
0x19: {  	[sflag:s17] =	ssyncset.done $0x0  }
0x1a: {  	[sflag:s17] =	ssyncadd.s32 $0xFFFFF800  }
0x1b: {  	[spmem:s9] =	stream.linear.scatter [tilespmem:s16], [sflag:$0x2], $0x800, $0x38;
	[tilespmem:$0x3180] =	vst v63  }
0x1c: {  	_ =	swait.ge [sflag:s17], $0x800  }
0x1d: {  	[sflag:s17] =	ssyncset.done $0x0  }
0x1e: {  	[sflag:s17] =	ssyncadd.s32 $0xFFFFF800  }
0x1f: {  	[spmem:s10] =	stream.linear.scatter [tilespmem:s16], [sflag:$0x2], $0x800, $0x38;
	[tilespmem:$0x3180] =	vst v63  }
0x20: {  	_ =	swait.ge [sflag:s17], $0x800  }
0x21: {  	[sflag:s17] =	ssyncset.done $0x0  }
0x22: {  	[sflag:s17] =	ssyncadd.s32 $0xFFFFF800  }
0x23: {  	[spmem:s11] =	stream.linear.scatter [tilespmem:s16], [sflag:$0x2], $0x800, $0x38;
	[tilespmem:$0x3180] =	vst v63  }
0x24: {  	_ =	swait.ge [sflag:s17], $0x800  }
0x25: {  	[sflag:s17] =	ssyncset.done $0x0  }
0x26: {  	[sflag:s17] =	ssyncadd.s32 $0xFFFFF800  }
0x27: {  	[spmem:s12] =	stream.linear.scatter [tilespmem:s16], [sflag:$0x2], $0x800, $0x38;
	[tilespmem:$0x3180] =	vst v63  }
0x28: {  	_ =	swait.ge [sflag:s17], $0x800  }
0x29: {  	[sflag:s17] =	ssyncset.done $0x0  }
0x2a: {  	[sflag:s17] =	ssyncadd.s32 $0xFFFFF800  }
0x2b: {  	s22 =	simm.s32 $0x0;
	s23 =	simm.s32 $0x0;
	[bflag:$0x0] =	sbarrier.arrive $0xFFFF  }
.LBB2_4:
0x2c: {  	s24 =	sshll.u32 s23, $0x7  }
0x2d: {  	s24 =	sadd.s32 s13, s24  }
0x2e: {  	s24 =	sshrl.u32 s24, $0x3  }
0x2f: {  	s25 =	sadd.s32 s5, s24  }
0x30: {  	[tilespmem:s22], [sflag:$0x2] =	stream.linear.gather [hbm4b:s25+s22], $0x80, $0x38;
	[tilespmem:$0x3180] =	vst v63  }
0x31: {  	_ =	swait.ge [sflag:s17], $0x80  }
0x32: {  	[sflag:s17] =	ssyncset.done $0x0  }
0x33: {  	s31 =	sadd.s32 s6, s24;
	[sflag:s17] =	ssyncadd.s32 $0xFFFFFF80  }
0x34: {  	[tilespmem:s18], [sflag:$0x2] =	stream.linear.gather [hbm4b:s31+s22], $0x80, $0x38;
	[tilespmem:$0x3180] =	vst v63  }
0x35: {  	_ =	swait.ge [sflag:s17], $0x80  }
0x36: {  	[sflag:s17] =	ssyncset.done $0x0  }
0x37: {  	s24 =	sadd.s32 s7, s24;
	[sflag:s17] =	ssyncadd.s32 $0xFFFFFF80  }
0x38: {  	[tilespmem:s19], [sflag:$0x2] =	stream.linear.gather [hbm4b:s24+s22], $0x80, $0x38;
	[tilespmem:$0x3180] =	vst v63  }
0x39: {  	_ =	swait.ge [sflag:s17], $0x80  }
0x3a: {  	[sflag:s17] =	ssyncset.done $0x0  }
0x3b: {  	[sflag:s17] =	ssyncadd.s32 $0xFFFFFF80  }
0x3c: {  	[tilespmem:s16], [sflag:$0x1] =	stream.indirect.gather [hbm4b:s4+s18], $0x10, s22, s18, $0xb8;
	[tilespmem:$0x3180] =	vst v63  }
0x3d: {  	_ =	swait.ge [sflag:s20], $0x800  }
0x3e: {  	[sflag:s20] =	ssyncset.done $0x0  }
0x3f: {  	s24 =	simm.s32 $0x200;
	[sflag:s20] =	ssyncadd.s32 $0xFFFFF800  }
0x40: {  	s28 =	simm.s32 $0x0;
	s26 =	simm.s32 $0x40;
	s25 =	simm.s32 $0x200;
	v1 =	vld [tilespmem:s24+$0xFFFFFFB0]  }
.LBB2_5:
0x41: {  	p0 =	sne.s32 s26, $0x1C0;
	v2 =	vld [tilespmem:s28+$0x100]  }
0x42: {  	v3 =	vld [tilespmem:s24+$0xFFFFFF90]  }
0x43: {  	v4 =	vld [tilespmem:s24+$0xFFFFFF80]  }
0x44: {  	v5 =	vld [tilespmem:s24+$0xFFFFFFA0]  }
0x45: {  	v6 =	vld [tilespmem:s24+$0xFFFFFFF0]  }
0x46: {  	v7 =	vbroadcast v2, $0x0;
	v8 =	vbroadcast v2, $0x1;
	v9 =	vld [tilespmem:s24+$0xFFFFFFD0]  }
0x47: {  	v10 =	vbroadcast v2, $0x2;
	v11 =	vbroadcast v2, $0x3;
	v12 =	vld [tilespmem:s24+$0xFFFFFFC0]  }
0x48: {  	v4 =	vmul.f32 v7, v4;
	v3 =	vmul.f32 v3, v8;
	v7 =	vld [tilespmem:s24+$0xFFFFFFE0]  }
0x49: {  	v1 =	vmul.f32 v1, v11;
	v5 =	vmul.f32 v5, v10;
	v8 =	vld [tilespmem:s24+$0x30]  }
0x4a: {  	v10 =	vbroadcast v2, $0x5;
	[tilespmem:s24+$0xFFFFFF80] =	vst v4;
	v4 =	vbroadcast v2, $0x4;
	v11 =	vld [tilespmem:s24+$0x10]  }
0x4b: {  	v13 =	vbroadcast v2, $0x7;
	[tilespmem:s24+$0xFFFFFF90] =	vst v3;
	v3 =	vbroadcast v2, $0x6;
	v14 =	vld [tilespmem:s24+$0x0]  }
0x4c: {  	[tilespmem:s24+$0xFFFFFFA0] =	vst v5;
	v4 =	vmul.f32 v12, v4;
	v5 =	vmul.f32 v9, v10;
	v9 =	vld [tilespmem:s24+$0x20]  }
0x4d: {  	[tilespmem:s24+$0xFFFFFFB0] =	vst v1;
	v1 =	vmul.f32 v7, v3;
	v3 =	vmul.f32 v6, v13;
	v6 =	vld [tilespmem:s24+$0x70]  }
0x4e: {  	v7 =	vbroadcast v2, $0x9;
	[tilespmem:s24+$0xFFFFFFC0] =	vst v4;
	v4 =	vbroadcast v2, $0x8;
	v10 =	vld [tilespmem:s24+$0x50]  }
0x4f: {  	v12 =	vbroadcast v2, $0xB;
	[tilespmem:s24+$0xFFFFFFD0] =	vst v5;
	v5 =	vbroadcast v2, $0xA;
	v13 =	vld [tilespmem:s24+$0x40]  }
0x50: {  	[tilespmem:s24+$0xFFFFFFE0] =	vst v1;
	v1 =	vmul.f32 v14, v4;
	v4 =	vmul.f32 v11, v7;
	v7 =	vld [tilespmem:s24+$0x60]  }
0x51: {  	[tilespmem:s24+$0xFFFFFFF0] =	vst v3;
	v3 =	vmul.f32 v9, v5;
	v5 =	vmul.f32 v8, v12  }
0x52: {  	v8 =	vbroadcast v2, $0xD;
	[tilespmem:s24+$0x0] =	vst v1;
	v1 =	vbroadcast v2, $0xC  }
0x53: {  	[tilespmem:s24+$0x10] =	vst v4;
	v4 =	vbroadcast v2, $0xE;
	v2 =	vbroadcast v2, $0xF  }
0x54: {  	[tilespmem:s24+$0x20] =	vst v3;
	v1 =	vmul.f32 v13, v1;
	v3 =	vmul.f32 v10, v8  }
.Ltmp1:
0x55: {  	[tilespmem:s24+$0x30] =	vst v5;
	v4 =	vmul.f32 v7, v4;
	v2 =	vmul.f32 v6, v2;
	(pc) =	sbr.rel @p0 .LBB2_5-.Ltmp1, $4  }
0x56: {  	[tilespmem:s24+$0x40] =	vst v1  }
0x57: {  	[tilespmem:s24+$0x50] =	vst v3  }
0x58: {  	s24 =	sadd.s32 $0x100, s24;
	[tilespmem:s25+$0x60] =	vst v4  }
0x59: {  	s28 =	sshra.s32 s26, $0x2;
	s26 =	sadd.s32 $0x40, s26;
	v1 =	vld [tilespmem:s24+$0xFFFFFFB0];
	[tilespmem:s25+$0x70] =	vst v2;
	s25 =	smov.u32 s24  }
0x5a: {  	v2 =	vld [tilespmem:s28+$0x100];
	_ =	sdelay $0x1  }
0x5b: {  	v3 =	vld [tilespmem:s24+$0xFFFFFF80]  }
0x5c: {  	v4 =	vld [tilespmem:s24+$0xFFFFFF90]  }
0x5d: {  	v5 =	vld [tilespmem:s24+$0xFFFFFFA0]  }
0x5e: {  	v6 =	vbroadcast v2, $0x0  }
0x5f: {  	v9 =	vld [tilespmem:s24+$0xFFFFFFD0];
	v7 =	vbroadcast v2, $0x1  }
0x60: {  	v8 =	vld [tilespmem:s24+$0xFFFFFFC0];
	v10 =	vbroadcast v2, $0x2;
	v3 =	vmul.f32 v6, v3  }
0x61: {  	v48 =	vld [tilespmem:s24+$0xFFFFFFE0];
	v47 =	vbroadcast v2, $0x3;
	v4 =	vmul.f32 v4, v7  }
0x62: {  	v51 =	vld [tilespmem:s24+$0x10];
	v49 =	vbroadcast v2, $0x5;
	v5 =	vmul.f32 v5, v10;
	[tilespmem:s24+$0xFFFFFF80] =	vst v3  }
0x63: {  	v11 =	vld [tilespmem:s24+$0xFFFFFFF0];
	v1 =	vmul.f32 v1, v47;
	v3 =	vbroadcast v2, $0x4;
	[tilespmem:s24+$0xFFFFFF90] =	vst v4  }
0x64: {  	v50 =	vld [tilespmem:s24+$0x0];
	v12 =	vbroadcast v2, $0x6;
	v6 =	vmul.f32 v9, v49;
	[tilespmem:s24+$0xFFFFFFA0] =	vst v5  }
0x65: {  	v56 =	vld [tilespmem:s24+$0x50];
	v54 =	vbroadcast v2, $0x9;
	[tilespmem:s24+$0xFFFFFFB0] =	vst v1;
	v3 =	vmul.f32 v8, v3  }
0x66: {  	v53 =	vld [tilespmem:s24+$0x20];
	v52 =	vbroadcast v2, $0x7;
	v7 =	vmul.f32 v48, v12;
	[tilespmem:s24+$0xFFFFFFD0] =	vst v6  }
0x67: {  	v59 =	vmul.f32 v51, v54;
	v1 =	vld [tilespmem:s24+$0x30];
	[tilespmem:s24+$0xFFFFFFC0] =	vst v3;
	v3 =	vbroadcast v2, $0x8  }
0x68: {  	v55 =	vld [tilespmem:s24+$0x40];
	v62 =	vbroadcast v2, $0xD;
	v5 =	vmul.f32 v11, v52;
	[tilespmem:s24+$0xFFFFFFE0] =	vst v7  }
0x69: {  	v60 =	vld [tilespmem:s24+$0x60];
	v57 =	vbroadcast v2, $0xA;
	[tilespmem:s24+$0x10] =	vst v59;
	v3 =	vmul.f32 v50, v3  }
0x6a: {  	v61 =	vld [tilespmem:s24+$0x70];
	v58 =	vbroadcast v2, $0xB;
	v4 =	vmul.f32 v56, v62;
	[tilespmem:s24+$0xFFFFFFF0] =	vst v5  }
0x6b: {  	v8 =	vmul.f32 v53, v57;
	[tilespmem:s24+$0x0] =	vst v3;
	v3 =	vbroadcast v2, $0xC  }
0x6c: {  	v63 =	vbroadcast v2, $0xE;
	[tilespmem:s24+$0x50] =	vst v4;
	v1 =	vmul.f32 v1, v58  }
0x6d: {  	[tilespmem:s24+$0x20] =	vst v8;
	v2 =	vbroadcast v2, $0xF;
	v3 =	vmul.f32 v55, v3  }
0x6e: {  	[tilespmem:s24+$0x30] =	vst v1;
	v1 =	vmul.f32 v60, v63  }
0x6f: {  	s23 =	sadd.s32 $0x1, s23;
	v2 =	vmul.f32 v61, v2;
	[tilespmem:s24+$0x40] =	vst v3  }
0x70: {  	p0 =	sne.s32 s23, $0x28;
	[tilespmem:s25+$0x60] =	vst v1  }
.Ltmp2:
0x71: {  	[tilespmem:s25+$0x70] =	vst v2;
	(pc) =	sbr.rel @p0 .LBB2_4-.Ltmp2, $4  }
0x72: {  	[spmem:s2] =	stream.indirect.scatter.add.f32 [tilespmem:s16], [sflag:$0x2], $0x10, s18, s18, $0xb8;
	[tilespmem:$0x3180] =	vst v63  }
0x73: {  	_ =	swait.ge [sflag:s17], $0x800  }
0x74: {  	[sflag:s17] =	ssyncset.done $0x0  }
0x75: {  	[sflag:s17] =	ssyncadd.s32 $0xFFFFF800  }
0x76: {  	s3 =	sadd.s32 $0x1, s3  }
0x77: {  	p0 =	sne.s32 s3, s15  }
.Ltmp3:
0x78: {  	[bflag:$0x0] =	sbarrier.arrive $0xFFFF;
	s22 =	sshrl.u32 s8, $0x3;
	(pc) =	sbr.rel @p0 .LBB2_1-.Ltmp3, $4  }
0x79: {  	[hbm:s14], [sflag:s21] =	dma.local [spmem:s22], $0x500  }
0x7a: {  	_ =	swait.ge [sflag:s17], $0x500  }
0x7b: {  	[sflag:s17] =	ssyncset.done $0x0  }
0x7c: {  	[sflag:s17] =	ssyncadd.s32 $0xFFFFFB00  }
0x7d: {  	_ =	sfence.sel $0x180000  }
0x7e: {  	[bflag:$0x0] =	sbarrier.arrive $0xFFFF  }
0x7f: {  	p0 =	sne.s32 s1, $0x0;
	_ =	strace $0x90000056  }
0x80: {  	s0 =	sadd.s32 @!p0 $0x100000, s0;
	[bflag:$0x2] =	sbarrier.arrive $0xFFFF  }
0x81: {  	[sflag:s0] =	ssyncadd.tile.s32 @!p0 $0x1;
	_ =	shalt  }
.Lfunc_end2:
_tile_overlayer_lowered:
.L_overlay_start_2:
0x82: {  	(tag) =	ssettag $0x2  }
0x83: {  	s0 =	rddreg [dreg:$0x0];
	s2 =	stileid.u32  }
0x84: {  	s1 =	rddreg [dreg:$0x1];
	p0 =	sne.s32 s2, $0x0  }
0x85: {  	s3 =	rddreg [dreg:$0x2];
	[bflag:$0x3] =	sbarrier.arrive $0xFFFF;
	s2 =	simm.s32 @!p0 $0x1C02  }
0x86: {  	[timem:s3], [sflag:s2] =	dma.local @!p0 [hbm:s0], s1  }
0x87: {  	s0 =	simm.s32 @!p0 $0x2  }
0x88: {  	_ =	swait.ge @!p0 [sflag:s0], s1  }
0x89: {  	s1 =	ssub.s32 @!p0 $0x0, s1;
	[sflag:s0] =	ssyncset.done @!p0 $0x0  }
0x8a: {  	[sflag:s0] =	ssyncadd.s32 @!p0 s1  }
0x8b: {  	[bflag:$0x3] =	sbarrier.arrive $0xFFFF  }
0x8c: {  	_ =	shalt  }

</sc_bundles>
